<compile_context>
chip_gen: v7x
topology: tpu7x:2x2x1
jax: 0.10.2.dev20260603
libtpu: 0.0.44.dev20260713+nightly
codegen_flags: <defaults>
</compile_context>

<pallas_src>
import functools

import jax
import jax.numpy as jnp
from jax import lax
from jax.experimental import pallas as pl
from jax.experimental.pallas import tpu as pltpu
from jax.experimental.pallas import tpu_sc as plsc

N = 10000
N_PAD = 10240
E = 320000
D = 128

NC = 2
NS = 16
NW = NC * NS
EPW = E // NW
CHUNK = 80
NCHUNK = EPW // CHUNK
RPT = N_PAD // NS

_mesh = plsc.VectorSubcoreMesh(core_axis_name="c", subcore_axis_name="s")
_sc_params = pltpu.CompilerParams(needs_layout_passes=False)


@functools.partial(
    pl.kernel,
    mesh=_mesh,
    out_type=jax.ShapeDtypeStruct((NC, N_PAD), jnp.float32),
    compiler_params=_sc_params,
    scratch_types=[
        pltpu.VMEM((EPW,), jnp.int32),
        pltpu.VMEM((N_PAD,), jnp.float32),
        pltpu.VMEM((NS, RPT), jnp.float32),
        pltpu.VMEM_SHARED((NS, N_PAD), jnp.float32),
        pltpu.SemaphoreType.DMA,
    ],
)
def _deg_kernel(dst_hbm, out_hbm, dst_v, acc_v, red_v, stage_sh, sem):
    c = lax.axis_index("c")
    s = lax.axis_index("s")
    w = c * NS + s

    icp = pltpu.async_copy(dst_hbm.at[pl.ds(w * EPW, EPW)], dst_v, sem)

    zeros16 = jnp.zeros((16,), jnp.float32)
    ones16 = jnp.ones((16,), jnp.float32)

    def zero_body(i, _):
        acc_v[pl.ds(i * 16, 16)] = zeros16
        return 0

    lax.fori_loop(0, N_PAD // 16, zero_body, 0)
    icp.wait()

    def count_body(j, _):
        idx = dst_v[pl.ds(j * 16, 16)]
        plsc.addupdate_scatter(acc_v, [idx], ones16)
        return 0

    lax.fori_loop(0, EPW // 16, count_body, 0)

    pltpu.sync_copy(acc_v, stage_sh.at[s])
    plsc.subcore_barrier()
    pltpu.sync_copy(stage_sh.at[:, pl.ds(s * RPT, RPT)], red_v)

    def red_body(g, _):
        v = zeros16
        for r in range(NS):
            v = v + red_v[r, pl.ds(g * 16, 16)]
        acc_v[pl.ds(g * 16, 16)] = v
        return 0

    lax.fori_loop(0, RPT // 16, red_body, 0)
    pltpu.sync_copy(acc_v.at[pl.ds(0, RPT)], out_hbm.at[c, pl.ds(s * RPT, RPT)])


@functools.partial(
    pl.kernel,
    mesh=_mesh,
    out_type=jax.ShapeDtypeStruct((NC, N_PAD, D), jnp.float32),
    scratch_types=[
        pltpu.VMEM((EPW,), jnp.int32),
        [pltpu.VMEM((CHUNK,), jnp.int32) for _ in range(2)],
        [pltpu.VMEM((CHUNK, D), jnp.float32) for _ in range(2)],
        pltpu.VMEM((128, D), jnp.float32),
        pltpu.VMEM_SHARED((N_PAD, D), jnp.float32),
        pltpu.SemaphoreType.DMA,
        pltpu.SemaphoreType.DMA,
        [pltpu.SemaphoreType.DMA for _ in range(2)],
        [pltpu.SemaphoreType.DMA for _ in range(2)],
    ],
)
def _agg_kernel(u_hbm, src_hbm, dst_hbm, out_hbm,
                src_v, dstb, rows, buf_v, acc_sh, isem, zsem, gsems, ssems):
    c = lax.axis_index("c")
    s = lax.axis_index("s")
    w = c * NS + s

    icp = pltpu.async_copy(src_hbm.at[pl.ds(w * EPW, EPW)], src_v, isem)

    zeros16 = jnp.zeros((16,), jnp.float32)

    def zbuf_body(i, _):
        for j in range(D // 16):
            buf_v[i, pl.ds(j * 16, 16)] = zeros16
        return 0

    lax.fori_loop(0, 128, zbuf_body, 0)

    zcps = [
        pltpu.async_copy(buf_v, acc_sh.at[pl.ds(s * RPT + i * 128, 128)], zsem)
        for i in range(RPT // 128)
    ]
    for zcp in zcps:
        zcp.wait()
    icp.wait()
    plsc.subcore_barrier()

    def gather_start(j, b):
        base = pl.multiple_of(w * EPW + j * CHUNK, 8)
        off = pl.multiple_of(j * CHUNK, 8)
        pltpu.async_copy(dst_hbm.at[pl.ds(base, CHUNK)], dstb[b], gsems[b])
        pltpu.async_copy(
            u_hbm.at[src_v.at[pl.ds(off, CHUNK)]], rows[b], gsems[b])

    def gather_wait(b):
        pltpu.make_async_copy(
            dst_hbm.at[pl.ds(0, CHUNK)], dstb[b], gsems[b]).wait()
        pltpu.make_async_copy(
            u_hbm.at[src_v.at[pl.ds(0, CHUNK)]], rows[b], gsems[b]).wait()

    def scatter_start(b):
        pltpu.async_copy(rows[b], acc_sh.at[dstb[b]], ssems[b], add=True)

    def scatter_wait(b):
        pltpu.make_async_copy(rows[b], acc_sh.at[dstb[b]], ssems[b]).wait()

    gather_start(0, 0)
    gather_wait(0)
    scatter_start(0)
    gather_start(1, 1)
    gather_wait(1)
    scatter_start(1)
    scatter_wait(0)
    gather_start(2, 0)

    def edge_body(g, _):
        j = 2 * g
        gather_wait(0)
        scatter_start(0)
        scatter_wait(1)
        gather_start(j + 1, 1)
        gather_wait(1)
        scatter_start(1)
        scatter_wait(0)
        gather_start(j + 2, 0)
        return 0

    lax.fori_loop(1, (NCHUNK - 1) // 2, edge_body, 0)
    gather_wait(0)
    scatter_start(0)
    scatter_wait(1)
    scatter_wait(0)
    plsc.subcore_barrier()

    wcps = [None, None]
    for i in range(RPT // CHUNK):
        b = i % 2
        if wcps[b] is not None:
            wcps[b].wait()
        pltpu.sync_copy(acc_sh.at[pl.ds(s * RPT + i * CHUNK, CHUNK)], rows[b])
        wcps[b] = pltpu.async_copy(
            rows[b], out_hbm.at[c, pl.ds(s * RPT + i * CHUNK, CHUNK)], gsems[b])
    wcps[0].wait()
    wcps[1].wait()


_BLK = 2048
_GRID = N_PAD // _BLK


def _dinv(degp_ref):
    deg = jnp.sum(degp_ref[...], axis=0) + 1.0
    return lax.rsqrt(deg)


def _first_body(x_ref, w_ref, degp_ref, out_ref):
    dinv = _dinv(degp_ref)
    out_ref[...] = jnp.dot(x_ref[...], w_ref[...],
                           preferred_element_type=jnp.float32) * dinv


def _mid_body(agg_ref, u_ref, b_ref, w_ref, degp_ref, out_ref):
    dinv = _dinv(degp_ref)
    t = agg_ref[0] + agg_ref[1] + u_ref[...]
    h = jnp.maximum(t * dinv + b_ref[...], 0.0)
    out_ref[...] = jnp.dot(h, w_ref[...],
                           preferred_element_type=jnp.float32) * dinv


def _last_body(agg_ref, u_ref, b_ref, degp_ref, out_ref):
    i = pl.program_id(0)
    dinv = _dinv(degp_ref)
    t = agg_ref[0] + agg_ref[1] + u_ref[...]
    h = jnp.maximum(t * dinv + b_ref[...], 0.0)
    row = lax.broadcasted_iota(jnp.int32, (_BLK, 1), 0) + i * _BLK
    h = jnp.where(row < N, h, 0.0)
    part = jnp.sum(h, axis=0, keepdims=True) * (1.0 / N)

    @pl.when(i == 0)
    def _():
        out_ref[...] = jnp.zeros_like(out_ref)

    out_ref[...] += part


_rows_spec = pl.BlockSpec((_BLK, D), lambda i: (i, 0))
_w_spec = pl.BlockSpec((D, D), lambda i: (0, 0))
_b_spec = pl.BlockSpec((1, D), lambda i: (0, 0))
_degp_spec = pl.BlockSpec((NC, _BLK, 1), lambda i: (0, i, 0))
_agg_spec = pl.BlockSpec((NC, _BLK, D), lambda i: (0, i, 0))

_first_tc = pl.pallas_call(
    _first_body,
    grid=(_GRID,),
    in_specs=[_rows_spec, _w_spec, _degp_spec],
    out_specs=_rows_spec,
    out_shape=jax.ShapeDtypeStruct((N_PAD, D), jnp.float32),
)

_mid_tc = pl.pallas_call(
    _mid_body,
    grid=(_GRID,),
    in_specs=[_agg_spec, _rows_spec, _b_spec, _w_spec, _degp_spec],
    out_specs=_rows_spec,
    out_shape=jax.ShapeDtypeStruct((N_PAD, D), jnp.float32),
)

_last_tc = pl.pallas_call(
    _last_body,
    grid=(_GRID,),
    in_specs=[_agg_spec, _rows_spec, _b_spec, _degp_spec],
    out_specs=pl.BlockSpec((1, D), lambda i: (0, 0)),
    out_shape=jax.ShapeDtypeStruct((1, D), jnp.float32),
)


def kernel(x, edge_index, W1, b1, W2, b2, W3, b3):
    src = edge_index[0]
    dst = edge_index[1]
    x_pad = jnp.pad(x, ((0, N_PAD - N), (0, 0)))
    b1r = b1.reshape(1, D)
    b2r = b2.reshape(1, D)
    b3r = b3.reshape(1, D)

    degp = _deg_kernel(dst)
    degp3 = degp.reshape(NC, N_PAD, 1)

    u1 = _first_tc(x_pad, W1, degp3)
    agg1 = _agg_kernel(u1, src, dst)
    u2 = _mid_tc(agg1, u1, b1r, W2, degp3)
    agg2 = _agg_kernel(u2, src, dst)
    u3 = _mid_tc(agg2, u2, b2r, W3, degp3)
    agg3 = _agg_kernel(u3, src, dst)
    out = _last_tc(agg3, u3, b3r, degp3)
    return out.reshape(D)

# --- scband reference (transcript-rebuilt; emitter-appended) ---
"""Pipeline reference for scband-graph-encoder-67259187855555 (READ-ONLY COPY).

The authoritative reference and input builder live on the scoring server;
editing this copy changes nothing except your own understanding.
"""

import jax, jax.numpy as jnp
import numpy as np

N = 10000
E = 320000
D_IN = 128
D_HID = 128
D_OUT = 128


def setup_inputs(seed: int = 0) -> dict:
    key = jax.random.key(seed)
    ks = jax.random.split(key, 8)
    x = jax.random.normal(ks[0], (N, D_IN), dtype=jnp.float32)
    edge_index = jax.random.randint(ks[1], (2, E), 0, N, dtype=jnp.int32)
    W1 = jax.random.normal(ks[2], (D_IN, D_HID), dtype=jnp.float32) * (1.0 / np.sqrt(D_IN))
    b1 = jnp.zeros((D_HID,), dtype=jnp.float32)
    W2 = jax.random.normal(ks[3], (D_HID, D_HID), dtype=jnp.float32) * (1.0 / np.sqrt(D_HID))
    b2 = jnp.zeros((D_HID,), dtype=jnp.float32)
    W3 = jax.random.normal(ks[4], (D_HID, D_OUT), dtype=jnp.float32) * (1.0 / np.sqrt(D_HID))
    b3 = jnp.zeros((D_OUT,), dtype=jnp.float32)
    return {"x": x, "edge_index": edge_index, "W1": W1, "b1": b1, "W2": W2, "b2": b2, "W3": W3, "b3": b3}


def _gcn_conv(h, src, dst, dinv, W, b):
    # GCNConv: D^{-1/2} (A + I) D^{-1/2} X W + b
    h = h @ W
    norm = dinv[src] * dinv[dst]
    msg = jnp.take(h, src, axis=0) * norm[:, None]
    out = jnp.zeros((N, h.shape[1]), dtype=h.dtype).at[dst].add(msg)
    return out + b


def reference(x, edge_index, W1, b1, W2, b2, W3, b3):
    loop = jnp.arange(N, dtype=edge_index.dtype)
    src = jnp.concatenate([edge_index[0], loop])
    dst = jnp.concatenate([edge_index[1], loop])
    deg = jnp.zeros((N,), dtype=jnp.float32).at[dst].add(1.0)
    dinv = jax.lax.rsqrt(jnp.maximum(deg, 1.0))
    h = x
    for W, b in ((W1, b1), (W2, b2), (W3, b3)):
        h = jax.nn.relu(_gcn_conv(h, src, dst, dinv, W, b))
    return h.mean(axis=0)

if __name__ == "__main__":
    import jax
    _d = setup_inputs()
    print(jax.jit(kernel)(*tuple(_d.values())))

</pallas_src>

<mosaic_0001>
#map = affine_map<(d0, d1) -> (0, 0)>
#map1 = affine_map<(d0, d1) -> (0)>
#map2 = affine_map<(d0, d1) -> (0, 0, 0)>
module attributes {stable_mosaic.version = 14 : i64} {
  func.func @_agg_kernel(%arg0: i32, %arg1: i32, %arg2: memref<10240x128xf32, #tpu.memory_space<hbm>>, %arg3: memref<320000xi32, #tpu.memory_space<hbm>>, %arg4: memref<320000xi32, #tpu.memory_space<hbm>>, %arg5: memref<2x10240x128xf32, #tpu.memory_space<hbm>>, %arg6: memref<10000xi32, #tpu.memory_space<vmem>>, %arg7: memref<80xi32, #tpu.memory_space<vmem>>, %arg8: memref<80xi32, #tpu.memory_space<vmem>>, %arg9: memref<80x128xf32, #tpu.memory_space<vmem>>, %arg10: memref<80x128xf32, #tpu.memory_space<vmem>>, %arg11: memref<128x128xf32, #tpu.memory_space<vmem>>, %arg12: memref<10240x128xf32, #tpu.memory_space<vmem_shared>>, %arg13: memref<!tpu.dma_semaphore, #tpu.memory_space<semaphore_mem>>, %arg14: memref<!tpu.dma_semaphore, #tpu.memory_space<semaphore_mem>>, %arg15: memref<!tpu.dma_semaphore, #tpu.memory_space<semaphore_mem>>, %arg16: memref<!tpu.dma_semaphore, #tpu.memory_space<semaphore_mem>>, %arg17: memref<!tpu.dma_semaphore, #tpu.memory_space<semaphore_mem>>, %arg18: memref<!tpu.dma_semaphore, #tpu.memory_space<semaphore_mem>>) attributes {dimension_semantics = [#tpu.dimension_semantics<core_parallel>, #tpu.dimension_semantics<subcore_parallel>], iteration_bounds = array<i64: 2, 16>, scalar_prefetch = 0 : i64, scratch_operands = 13 : i64, tpu.core_type = #tpu.core_type<sc_vector_subcore>, window_params = [{transform_indices = #map}, {transform_indices = #map1}, {transform_indices = #map1}, {transform_indices = #map2}]} {
    %mul3A = arith.constant 16 : i32
    %mul3A_0 = arith.muli %arg0, %mul3A : i32
    %add3A = arith.addi %mul3A_0, %arg1 : i32
    %mul3A_1 = arith.constant 10000 : i32
    %mul3A_2 = arith.muli %add3A, %mul3A_1 : i32
    %dma_start3A = tpu.memref_slice %arg3[%mul3A_2] : memref<320000xi32, #tpu.memory_space<hbm>> -> memref<10000xi32, #tpu.memory_space<hbm>>
    %dma_start3A_3 = tpu.memref_slice %arg3[%mul3A_2] : memref<320000xi32, #tpu.memory_space<hbm>> -> memref<10000xi32, #tpu.memory_space<hbm>>
    tpu.enqueue_dma source(%dma_start3A_3 : memref<10000xi32, #tpu.memory_space<hbm>>) target(%arg6 : memref<10000xi32, #tpu.memory_space<vmem>>) target_semaphore(%arg13 : memref<!tpu.dma_semaphore, #tpu.memory_space<semaphore_mem>>)
    %broadcast_in_dim3A = arith.constant 0.000000e+00 : f32
    %broadcast_in_dim3A_4 = vector.broadcast %broadcast_in_dim3A : f32 to vector<16xf32>
    %scan3A = arith.constant 0 : i32
    %scan3A_5 = arith.constant 0 : i32
    %scan3A_6 = arith.constant 128 : i32
    %scan3A_7 = arith.addi %scan3A_5, %scan3A_6 : i32
    %scan3A_8 = arith.constant 1 : i32
    %scan3A_9 = scf.for %scan3A_323 = %scan3A_5 to %scan3A_7 step %scan3A_8 iter_args(%scan3A_324 = %scan3A) -> (i32)  : i32 {
      %swap3A = arith.index_cast %scan3A_323 : i32 to index
      %swap3A_325 = arith.constant 0 : index
      %swap3A_326 = tpu.vector_load %arg11[%swap3A, %swap3A_325] {strides = array<i32>} : memref<128x128xf32, #tpu.memory_space<vmem>>, vector<1x16xf32>,
      %swap3A_327 = vector.shape_cast %swap3A_326 : vector<1x16xf32> to vector<16xf32>
      %swap3A_328 = vector.shape_cast %broadcast_in_dim3A_4 : vector<16xf32> to vector<1x16xf32>
      tpu.vector_store %arg11[%swap3A, %swap3A_325], %swap3A_328 {strides = array<i32>} : memref<128x128xf32, #tpu.memory_space<vmem>>, vector<1x16xf32>,
      %swap3A_329 = arith.index_cast %scan3A_323 : i32 to index
      %swap3A_330 = arith.constant 16 : index
      %swap3A_331 = tpu.vector_load %arg11[%swap3A_329, %swap3A_330] {strides = array<i32>} : memref<128x128xf32, #tpu.memory_space<vmem>>, vector<1x16xf32>,
      %swap3A_332 = vector.shape_cast %swap3A_331 : vector<1x16xf32> to vector<16xf32>
      %swap3A_333 = vector.shape_cast %broadcast_in_dim3A_4 : vector<16xf32> to vector<1x16xf32>
      tpu.vector_store %arg11[%swap3A_329, %swap3A_330], %swap3A_333 {strides = array<i32>} : memref<128x128xf32, #tpu.memory_space<vmem>>, vector<1x16xf32>,
      %swap3A_334 = arith.index_cast %scan3A_323 : i32 to index
      %swap3A_335 = arith.constant 32 : index
      %swap3A_336 = tpu.vector_load %arg11[%swap3A_334, %swap3A_335] {strides = array<i32>} : memref<128x128xf32, #tpu.memory_space<vmem>>, vector<1x16xf32>,
      %swap3A_337 = vector.shape_cast %swap3A_336 : vector<1x16xf32> to vector<16xf32>
      %swap3A_338 = vector.shape_cast %broadcast_in_dim3A_4 : vector<16xf32> to vector<1x16xf32>
      tpu.vector_store %arg11[%swap3A_334, %swap3A_335], %swap3A_338 {strides = array<i32>} : memref<128x128xf32, #tpu.memory_space<vmem>>, vector<1x16xf32>,
      %swap3A_339 = arith.index_cast %scan3A_323 : i32 to index
      %swap3A_340 = arith.constant 48 : index
      %swap3A_341 = tpu.vector_load %arg11[%swap3A_339, %swap3A_340] {strides = array<i32>} : memref<128x128xf32, #tpu.memory_space<vmem>>, vector<1x16xf32>,
      %swap3A_342 = vector.shape_cast %swap3A_341 : vector<1x16xf32> to vector<16xf32>
      %swap3A_343 = vector.shape_cast %broadcast_in_dim3A_4 : vector<16xf32> to vector<1x16xf32>
      tpu.vector_store %arg11[%swap3A_339, %swap3A_340], %swap3A_343 {strides = array<i32>} : memref<128x128xf32, #tpu.memory_space<vmem>>, vector<1x16xf32>,
      %swap3A_344 = arith.index_cast %scan3A_323 : i32 to index
      %swap3A_345 = arith.constant 64 : index
      %swap3A_346 = tpu.vector_load %arg11[%swap3A_344, %swap3A_345] {strides = array<i32>} : memref<128x128xf32, #tpu.memory_space<vmem>>, vector<1x16xf32>,
      %swap3A_347 = vector.shape_cast %swap3A_346 : vector<1x16xf32> to vector<16xf32>
      %swap3A_348 = vector.shape_cast %broadcast_in_dim3A_4 : vector<16xf32> to vector<1x16xf32>
      tpu.vector_store %arg11[%swap3A_344, %swap3A_345], %swap3A_348 {strides = array<i32>} : memref<128x128xf32, #tpu.memory_space<vmem>>, vector<1x16xf32>,
      %swap3A_349 = arith.index_cast %scan3A_323 : i32 to index
      %swap3A_350 = arith.constant 80 : index
      %swap3A_351 = tpu.vector_load %arg11[%swap3A_349, %swap3A_350] {strides = array<i32>} : memref<128x128xf32, #tpu.memory_space<vmem>>, vector<1x16xf32>,
      %swap3A_352 = vector.shape_cast %swap3A_351 : vector<1x16xf32> to vector<16xf32>
      %swap3A_353 = vector.shape_cast %broadcast_in_dim3A_4 : vector<16xf32> to vector<1x16xf32>
      tpu.vector_store %arg11[%swap3A_349, %swap3A_350], %swap3A_353 {strides = array<i32>} : memref<128x128xf32, #tpu.memory_space<vmem>>, vector<1x16xf32>,
      %swap3A_354 = arith.index_cast %scan3A_323 : i32 to index
      %swap3A_355 = arith.constant 96 : index
      %swap3A_356 = tpu.vector_load %arg11[%swap3A_354, %swap3A_355] {strides = array<i32>} : memref<128x128xf32, #tpu.memory_space<vmem>>, vector<1x16xf32>,
      %swap3A_357 = vector.shape_cast %swap3A_356 : vector<1x16xf32> to vector<16xf32>
      %swap3A_358 = vector.shape_cast %broadcast_in_dim3A_4 : vector<16xf32> to vector<1x16xf32>
      tpu.vector_store %arg11[%swap3A_354, %swap3A_355], %swap3A_358 {strides = array<i32>} : memref<128x128xf32, #tpu.memory_space<vmem>>, vector<1x16xf32>,
      %swap3A_359 = arith.index_cast %scan3A_323 : i32 to index
      %swap3A_360 = arith.constant 112 : index
      %swap3A_361 = tpu.vector_load %arg11[%swap3A_359, %swap3A_360] {strides = array<i32>} : memref<128x128xf32, #tpu.memory_space<vmem>>, vector<1x16xf32>,
      %swap3A_362 = vector.shape_cast %swap3A_361 : vector<1x16xf32> to vector<16xf32>
      %swap3A_363 = vector.shape_cast %broadcast_in_dim3A_4 : vector<16xf32> to vector<1x16xf32>
      tpu.vector_store %arg11[%swap3A_359, %swap3A_360], %swap3A_363 {strides = array<i32>} : memref<128x128xf32, #tpu.memory_space<vmem>>, vector<1x16xf32>,
      %scan3A_364 = arith.constant 0 : i32
      scf.yield %scan3A_364 : i32
    }
    %scan3A_10 = arith.constant 128 : i32
    %mul3A_11 = arith.constant 640 : i32
    %mul3A_12 = arith.muli %arg1, %mul3A_11 : i32
    %add3A_13 = arith.constant 0 : i32
    %add3A_14 = arith.addi %mul3A_12, %add3A_13 : i32
    %dma_start3A_15 = arith.constant 0 : i32
    %dma_start3A_16 = tpu.memref_slice %arg12[%add3A_14, %dma_start3A_15] : memref<10240x128xf32, #tpu.memory_space<vmem_shared>> -> memref<128x128xf32, #tpu.memory_space<vmem_shared>>
    %dma_start3A_17 = arith.constant 0 : i32
    %dma_start3A_18 = tpu.memref_slice %arg12[%add3A_14, %dma_start3A_17] : memref<10240x128xf32, #tpu.memory_space<vmem_shared>> -> memref<128x128xf32, #tpu.memory_space<vmem_shared>>
    tpu.enqueue_dma source(%arg11 : memref<128x128xf32, #tpu.memory_space<vmem>>) target(%dma_start3A_18 : memref<128x128xf32, #tpu.memory_space<vmem_shared>>) target_semaphore(%arg14 : memref<!tpu.dma_semaphore, #tpu.memory_space<semaphore_mem>>)
    %mul3A_19 = arith.constant 640 : i32
    %mul3A_20 = arith.muli %arg1, %mul3A_19 : i32
    %add3A_21 = arith.constant 128 : i32
    %add3A_22 = arith.addi %mul3A_20, %add3A_21 : i32
    %dma_start3A_23 = arith.constant 0 : i32
    %dma_start3A_24 = tpu.memref_slice %arg12[%add3A_22, %dma_start3A_23] : memref<10240x128xf32, #tpu.memory_space<vmem_shared>> -> memref<128x128xf32, #tpu.memory_space<vmem_shared>>
    %dma_start3A_25 = arith.constant 0 : i32
    %dma_start3A_26 = tpu.memref_slice %arg12[%add3A_22, %dma_start3A_25] : memref<10240x128xf32, #tpu.memory_space<vmem_shared>> -> memref<128x128xf32, #tpu.memory_space<vmem_shared>>
    tpu.enqueue_dma source(%arg11 : memref<128x128xf32, #tpu.memory_space<vmem>>) target(%dma_start3A_26 : memref<128x128xf32, #tpu.memory_space<vmem_shared>>) target_semaphore(%arg14 : memref<!tpu.dma_semaphore, #tpu.memory_space<semaphore_mem>>)
    %mul3A_27 = arith.constant 640 : i32
    %mul3A_28 = arith.muli %arg1, %mul3A_27 : i32
    %add3A_29 = arith.constant 256 : i32
    %add3A_30 = arith.addi %mul3A_28, %add3A_29 : i32
    %dma_start3A_31 = arith.constant 0 : i32
    %dma_start3A_32 = tpu.memref_slice %arg12[%add3A_30, %dma_start3A_31] : memref<10240x128xf32, #tpu.memory_space<vmem_shared>> -> memref<128x128xf32, #tpu.memory_space<vmem_shared>>
    %dma_start3A_33 = arith.constant 0 : i32
    %dma_start3A_34 = tpu.memref_slice %arg12[%add3A_30, %dma_start3A_33] : memref<10240x128xf32, #tpu.memory_space<vmem_shared>> -> memref<128x128xf32, #tpu.memory_space<vmem_shared>>
    tpu.enqueue_dma source(%arg11 : memref<128x128xf32, #tpu.memory_space<vmem>>) target(%dma_start3A_34 : memref<128x128xf32, #tpu.memory_space<vmem_shared>>) target_semaphore(%arg14 : memref<!tpu.dma_semaphore, #tpu.memory_space<semaphore_mem>>)
    %mul3A_35 = arith.constant 640 : i32
    %mul3A_36 = arith.muli %arg1, %mul3A_35 : i32
    %add3A_37 = arith.constant 384 : i32
    %add3A_38 = arith.addi %mul3A_36, %add3A_37 : i32
    %dma_start3A_39 = arith.constant 0 : i32
    %dma_start3A_40 = tpu.memref_slice %arg12[%add3A_38, %dma_start3A_39] : memref<10240x128xf32, #tpu.memory_space<vmem_shared>> -> memref<128x128xf32, #tpu.memory_space<vmem_shared>>
    %dma_start3A_41 = arith.constant 0 : i32
    %dma_start3A_42 = tpu.memref_slice %arg12[%add3A_38, %dma_start3A_41] : memref<10240x128xf32, #tpu.memory_space<vmem_shared>> -> memref<128x128xf32, #tpu.memory_space<vmem_shared>>
    tpu.enqueue_dma source(%arg11 : memref<128x128xf32, #tpu.memory_space<vmem>>) target(%dma_start3A_42 : memref<128x128xf32, #tpu.memory_space<vmem_shared>>) target_semaphore(%arg14 : memref<!tpu.dma_semaphore, #tpu.memory_space<semaphore_mem>>)
    %mul3A_43 = arith.constant 640 : i32
    %mul3A_44 = arith.muli %arg1, %mul3A_43 : i32
    %add3A_45 = arith.constant 512 : i32
    %add3A_46 = arith.addi %mul3A_44, %add3A_45 : i32
    %dma_start3A_47 = arith.constant 0 : i32
    %dma_start3A_48 = tpu.memref_slice %arg12[%add3A_46, %dma_start3A_47] : memref<10240x128xf32, #tpu.memory_space<vmem_shared>> -> memref<128x128xf32, #tpu.memory_space<vmem_shared>>
    %dma_start3A_49 = arith.constant 0 : i32
    %dma_start3A_50 = tpu.memref_slice %arg12[%add3A_46, %dma_start3A_49] : memref<10240x128xf32, #tpu.memory_space<vmem_shared>> -> memref<128x128xf32, #tpu.memory_space<vmem_shared>>
    tpu.enqueue_dma source(%arg11 : memref<128x128xf32, #tpu.memory_space<vmem>>) target(%dma_start3A_50 : memref<128x128xf32, #tpu.memory_space<vmem_shared>>) target_semaphore(%arg14 : memref<!tpu.dma_semaphore, #tpu.memory_space<semaphore_mem>>)
    %dma_wait3A = arith.constant 0 : i32
    %dma_wait3A_51 = tpu.memref_slice %arg12[%add3A_14, %dma_wait3A] : memref<10240x128xf32, #tpu.memory_space<vmem_shared>> -> memref<128x128xf32, #tpu.memory_space<vmem_shared>>
    %dma_wait3A_52 = arith.constant 0 : i32
    %dma_wait3A_53 = tpu.memref_slice %arg12[%add3A_14, %dma_wait3A_52] : memref<10240x128xf32, #tpu.memory_space<vmem_shared>> -> memref<128x128xf32, #tpu.memory_space<vmem_shared>>
    tpu.wait_dma2 semaphore(%arg14 : memref<!tpu.dma_semaphore, #tpu.memory_space<semaphore_mem>>) src(%arg11 : memref<128x128xf32, #tpu.memory_space<vmem>>) dst(%dma_wait3A_53 : memref<128x128xf32, #tpu.memory_space<vmem_shared>>)
    %dma_wait3A_54 = arith.constant 0 : i32
    %dma_wait3A_55 = tpu.memref_slice %arg12[%add3A_22, %dma_wait3A_54] : memref<10240x128xf32, #tpu.memory_space<vmem_shared>> -> memref<128x128xf32, #tpu.memory_space<vmem_shared>>
    %dma_wait3A_56 = arith.constant 0 : i32
    %dma_wait3A_57 = tpu.memref_slice %arg12[%add3A_22, %dma_wait3A_56] : memref<10240x128xf32, #tpu.memory_space<vmem_shared>> -> memref<128x128xf32, #tpu.memory_space<vmem_shared>>
    tpu.wait_dma2 semaphore(%arg14 : memref<!tpu.dma_semaphore, #tpu.memory_space<semaphore_mem>>) src(%arg11 : memref<128x128xf32, #tpu.memory_space<vmem>>) dst(%dma_wait3A_57 : memref<128x128xf32, #tpu.memory_space<vmem_shared>>)
    %dma_wait3A_58 = arith.constant 0 : i32
    %dma_wait3A_59 = tpu.memref_slice %arg12[%add3A_30, %dma_wait3A_58] : memref<10240x128xf32, #tpu.memory_space<vmem_shared>> -> memref<128x128xf32, #tpu.memory_space<vmem_shared>>
    %dma_wait3A_60 = arith.constant 0 : i32
    %dma_wait3A_61 = tpu.memref_slice %arg12[%add3A_30, %dma_wait3A_60] : memref<10240x128xf32, #tpu.memory_space<vmem_shared>> -> memref<128x128xf32, #tpu.memory_space<vmem_shared>>
    tpu.wait_dma2 semaphore(%arg14 : memref<!tpu.dma_semaphore, #tpu.memory_space<semaphore_mem>>) src(%arg11 : memref<128x128xf32, #tpu.memory_space<vmem>>) dst(%dma_wait3A_61 : memref<128x128xf32, #tpu.memory_space<vmem_shared>>)
    %dma_wait3A_62 = arith.constant 0 : i32
    %dma_wait3A_63 = tpu.memref_slice %arg12[%add3A_38, %dma_wait3A_62] : memref<10240x128xf32, #tpu.memory_space<vmem_shared>> -> memref<128x128xf32, #tpu.memory_space<vmem_shared>>
    %dma_wait3A_64 = arith.constant 0 : i32
    %dma_wait3A_65 = tpu.memref_slice %arg12[%add3A_38, %dma_wait3A_64] : memref<10240x128xf32, #tpu.memory_space<vmem_shared>> -> memref<128x128xf32, #tpu.memory_space<vmem_shared>>
    tpu.wait_dma2 semaphore(%arg14 : memref<!tpu.dma_semaphore, #tpu.memory_space<semaphore_mem>>) src(%arg11 : memref<128x128xf32, #tpu.memory_space<vmem>>) dst(%dma_wait3A_65 : memref<128x128xf32, #tpu.memory_space<vmem_shared>>)
    %dma_wait3A_66 = arith.constant 0 : i32
    %dma_wait3A_67 = tpu.memref_slice %arg12[%add3A_46, %dma_wait3A_66] : memref<10240x128xf32, #tpu.memory_space<vmem_shared>> -> memref<128x128xf32, #tpu.memory_space<vmem_shared>>
    %dma_wait3A_68 = arith.constant 0 : i32
    %dma_wait3A_69 = tpu.memref_slice %arg12[%add3A_46, %dma_wait3A_68] : memref<10240x128xf32, #tpu.memory_space<vmem_shared>> -> memref<128x128xf32, #tpu.memory_space<vmem_shared>>
    tpu.wait_dma2 semaphore(%arg14 : memref<!tpu.dma_semaphore, #tpu.memory_space<semaphore_mem>>) src(%arg11 : memref<128x128xf32, #tpu.memory_space<vmem>>) dst(%dma_wait3A_69 : memref<128x128xf32, #tpu.memory_space<vmem_shared>>)
    %dma_wait3A_70 = tpu.memref_slice %arg3[%mul3A_2] : memref<320000xi32, #tpu.memory_space<hbm>> -> memref<10000xi32, #tpu.memory_space<hbm>>
    %dma_wait3A_71 = tpu.memref_slice %arg3[%mul3A_2] : memref<320000xi32, #tpu.memory_space<hbm>> -> memref<10000xi32, #tpu.memory_space<hbm>>
    tpu.wait_dma2 semaphore(%arg13 : memref<!tpu.dma_semaphore, #tpu.memory_space<semaphore_mem>>) src(%dma_wait3A_71 : memref<10000xi32, #tpu.memory_space<hbm>>) dst(%arg6 : memref<10000xi32, #tpu.memory_space<vmem>>)
    %barrier3A = arith.constant 0 : index
    tpu.barrier barrier_id(%barrier3A)
    %mul3A_72 = arith.constant 10000 : i32
    %mul3A_73 = arith.muli %add3A, %mul3A_72 : i32
    %add3A_74 = arith.constant 0 : i32
    %add3A_75 = arith.addi %mul3A_73, %add3A_74 : i32
    %multiple_of3A = tpu.assume_multiple %add3A_75, 8 : i32
    %multiple_of3A_76 = arith.constant 0 : i32
    %multiple_of3A_77 = tpu.assume_multiple %multiple_of3A_76, 8 : i32
    %dma_start3A_78 = tpu.memref_slice %arg4[%multiple_of3A] : memref<320000xi32, #tpu.memory_space<hbm>> -> memref<80xi32, #tpu.memory_space<hbm>>
    %dma_start3A_79 = tpu.memref_slice %arg4[%multiple_of3A] : memref<320000xi32, #tpu.memory_space<hbm>> -> memref<80xi32, #tpu.memory_space<hbm>>
    tpu.enqueue_dma source(%dma_start3A_79 : memref<80xi32, #tpu.memory_space<hbm>>) target(%arg7 : memref<80xi32, #tpu.memory_space<vmem>>) target_semaphore(%arg15 : memref<!tpu.dma_semaphore, #tpu.memory_space<semaphore_mem>>)
    %dma_start3A_80 = tpu.memref_slice %arg6[%multiple_of3A_77] : memref<10000xi32, #tpu.memory_space<vmem>> -> memref<80xi32, #tpu.memory_space<vmem>>
    %dma_start3A_81 = arith.constant 0 : i32
    %dma_start3A_82 = arith.constant 0 : i32
    %dma_start3A_83 = tpu.memref_slice %arg2[%dma_start3A_81, %dma_start3A_82] : memref<10240x128xf32, #tpu.memory_space<hbm>> -> memref<10240x128xf32, #tpu.memory_space<hbm>>
    tpu.enqueue_indirect_dma source(%dma_start3A_83 : memref<10240x128xf32, #tpu.memory_space<hbm>>) target(%arg9 : memref<80x128xf32, #tpu.memory_space<vmem>>) offsets(%dma_start3A_80 : memref<80xi32, #tpu.memory_space<vmem>>) semaphore(%arg15 : memref<!tpu.dma_semaphore, #tpu.memory_space<semaphore_mem>>)
    %dma_wait3A_84 = arith.constant 0 : i32
    %dma_wait3A_85 = tpu.memref_slice %arg4[%dma_wait3A_84] : memref<320000xi32, #tpu.memory_space<hbm>> -> memref<80xi32, #tpu.memory_space<hbm>>
    %dma_wait3A_86 = arith.constant 0 : i32
    %dma_wait3A_87 = tpu.memref_slice %arg4[%dma_wait3A_86] : memref<320000xi32, #tpu.memory_space<hbm>> -> memref<80xi32, #tpu.memory_space<hbm>>
    tpu.wait_dma2 semaphore(%arg15 : memref<!tpu.dma_semaphore, #tpu.memory_space<semaphore_mem>>) src(%dma_wait3A_87 : memref<80xi32, #tpu.memory_space<hbm>>) dst(%arg7 : memref<80xi32, #tpu.memory_space<vmem>>)
    %dma_wait3A_88 = arith.constant 0 : i32
    %dma_wait3A_89 = tpu.memref_slice %arg6[%dma_wait3A_88] : memref<10000xi32, #tpu.memory_space<vmem>> -> memref<80xi32, #tpu.memory_space<vmem>>
    %dma_wait3A_90 = arith.constant 0 : i32
    %dma_wait3A_91 = arith.constant 0 : i32
    %dma_wait3A_92 = tpu.memref_slice %arg2[%dma_wait3A_90, %dma_wait3A_91] : memref<10240x128xf32, #tpu.memory_space<hbm>> -> memref<10240x128xf32, #tpu.memory_space<hbm>>
    tpu.wait_indirect_dma semaphore(%arg15 : memref<!tpu.dma_semaphore, #tpu.memory_space<semaphore_mem>>) src(%dma_wait3A_92 : memref<10240x128xf32, #tpu.memory_space<hbm>>) dst(%arg9 : memref<80x128xf32, #tpu.memory_space<vmem>>)
    %dma_start3A_93 = arith.constant 0 : i32
    %dma_start3A_94 = arith.constant 0 : i32
    %dma_start3A_95 = tpu.memref_slice %arg12[%dma_start3A_93, %dma_start3A_94] : memref<10240x128xf32, #tpu.memory_space<vmem_shared>> -> memref<10240x128xf32, #tpu.memory_space<vmem_shared>>
    tpu.enqueue_indirect_dma source(%arg9 : memref<80x128xf32, #tpu.memory_space<vmem>>) target(%dma_start3A_95 : memref<10240x128xf32, #tpu.memory_space<vmem_shared>>) offsets(%arg7 : memref<80xi32, #tpu.memory_space<vmem>>) semaphore(%arg17 : memref<!tpu.dma_semaphore, #tpu.memory_space<semaphore_mem>>) {add = true}
    %mul3A_96 = arith.constant 10000 : i32
    %mul3A_97 = arith.muli %add3A, %mul3A_96 : i32
    %add3A_98 = arith.constant 80 : i32
    %add3A_99 = arith.addi %mul3A_97, %add3A_98 : i32
    %multiple_of3A_100 = tpu.assume_multiple %add3A_99, 8 : i32
    %multiple_of3A_101 = arith.constant 80 : i32
    %multiple_of3A_102 = tpu.assume_multiple %multiple_of3A_101, 8 : i32
    %dma_start3A_103 = tpu.memref_slice %arg4[%multiple_of3A_100] : memref<320000xi32, #tpu.memory_space<hbm>> -> memref<80xi32, #tpu.memory_space<hbm>>
    %dma_start3A_104 = tpu.memref_slice %arg4[%multiple_of3A_100] : memref<320000xi32, #tpu.memory_space<hbm>> -> memref<80xi32, #tpu.memory_space<hbm>>
    tpu.enqueue_dma source(%dma_start3A_104 : memref<80xi32, #tpu.memory_space<hbm>>) target(%arg8 : memref<80xi32, #tpu.memory_space<vmem>>) target_semaphore(%arg16 : memref<!tpu.dma_semaphore, #tpu.memory_space<semaphore_mem>>)
    %dma_start3A_105 = tpu.memref_slice %arg6[%multiple_of3A_102] : memref<10000xi32, #tpu.memory_space<vmem>> -> memref<80xi32, #tpu.memory_space<vmem>>
    %dma_start3A_106 = arith.constant 0 : i32
    %dma_start3A_107 = arith.constant 0 : i32
    %dma_start3A_108 = tpu.memref_slice %arg2[%dma_start3A_106, %dma_start3A_107] : memref<10240x128xf32, #tpu.memory_space<hbm>> -> memref<10240x128xf32, #tpu.memory_space<hbm>>
    tpu.enqueue_indirect_dma source(%dma_start3A_108 : memref<10240x128xf32, #tpu.memory_space<hbm>>) target(%arg10 : memref<80x128xf32, #tpu.memory_space<vmem>>) offsets(%dma_start3A_105 : memref<80xi32, #tpu.memory_space<vmem>>) semaphore(%arg16 : memref<!tpu.dma_semaphore, #tpu.memory_space<semaphore_mem>>)
    %dma_wait3A_109 = arith.constant 0 : i32
    %dma_wait3A_110 = tpu.memref_slice %arg4[%dma_wait3A_109] : memref<320000xi32, #tpu.memory_space<hbm>> -> memref<80xi32, #tpu.memory_space<hbm>>
    %dma_wait3A_111 = arith.constant 0 : i32
    %dma_wait3A_112 = tpu.memref_slice %arg4[%dma_wait3A_111] : memref<320000xi32, #tpu.memory_space<hbm>> -> memref<80xi32, #tpu.memory_space<hbm>>
    tpu.wait_dma2 semaphore(%arg16 : memref<!tpu.dma_semaphore, #tpu.memory_space<semaphore_mem>>) src(%dma_wait3A_112 : memref<80xi32, #tpu.memory_space<hbm>>) dst(%arg8 : memref<80xi32, #tpu.memory_space<vmem>>)
    %dma_wait3A_113 = arith.constant 0 : i32
    %dma_wait3A_114 = tpu.memref_slice %arg6[%dma_wait3A_113] : memref<10000xi32, #tpu.memory_space<vmem>> -> memref<80xi32, #tpu.memory_space<vmem>>
    %dma_wait3A_115 = arith.constant 0 : i32
    %dma_wait3A_116 = arith.constant 0 : i32
    %dma_wait3A_117 = tpu.memref_slice %arg2[%dma_wait3A_115, %dma_wait3A_116] : memref<10240x128xf32, #tpu.memory_space<hbm>> -> memref<10240x128xf32, #tpu.memory_space<hbm>>
    tpu.wait_indirect_dma semaphore(%arg16 : memref<!tpu.dma_semaphore, #tpu.memory_space<semaphore_mem>>) src(%dma_wait3A_117 : memref<10240x128xf32, #tpu.memory_space<hbm>>) dst(%arg10 : memref<80x128xf32, #tpu.memory_space<vmem>>)
    %dma_start3A_118 = arith.constant 0 : i32
    %dma_start3A_119 = arith.constant 0 : i32
    %dma_start3A_120 = tpu.memref_slice %arg12[%dma_start3A_118, %dma_start3A_119] : memref<10240x128xf32, #tpu.memory_space<vmem_shared>> -> memref<10240x128xf32, #tpu.memory_space<vmem_shared>>
    tpu.enqueue_indirect_dma source(%arg10 : memref<80x128xf32, #tpu.memory_space<vmem>>) target(%dma_start3A_120 : memref<10240x128xf32, #tpu.memory_space<vmem_shared>>) offsets(%arg8 : memref<80xi32, #tpu.memory_space<vmem>>) semaphore(%arg18 : memref<!tpu.dma_semaphore, #tpu.memory_space<semaphore_mem>>) {add = true}
    %dma_wait3A_121 = arith.constant 0 : i32
    %dma_wait3A_122 = arith.constant 0 : i32
    %dma_wait3A_123 = tpu.memref_slice %arg12[%dma_wait3A_121, %dma_wait3A_122] : memref<10240x128xf32, #tpu.memory_space<vmem_shared>> -> memref<10240x128xf32, #tpu.memory_space<vmem_shared>>
    tpu.wait_indirect_dma semaphore(%arg17 : memref<!tpu.dma_semaphore, #tpu.memory_space<semaphore_mem>>) src(%arg9 : memref<80x128xf32, #tpu.memory_space<vmem>>) dst(%dma_wait3A_123 : memref<10240x128xf32, #tpu.memory_space<vmem_shared>>)
    %mul3A_124 = arith.constant 10000 : i32
    %mul3A_125 = arith.muli %add3A, %mul3A_124 : i32
    %add3A_126 = arith.constant 160 : i32
    %add3A_127 = arith.addi %mul3A_125, %add3A_126 : i32
    %multiple_of3A_128 = tpu.assume_multiple %add3A_127, 8 : i32
    %multiple_of3A_129 = arith.constant 160 : i32
    %multiple_of3A_130 = tpu.assume_multiple %multiple_of3A_129, 8 : i32
    %dma_start3A_131 = tpu.memref_slice %arg4[%multiple_of3A_128] : memref<320000xi32, #tpu.memory_space<hbm>> -> memref<80xi32, #tpu.memory_space<hbm>>
    %dma_start3A_132 = tpu.memref_slice %arg4[%multiple_of3A_128] : memref<320000xi32, #tpu.memory_space<hbm>> -> memref<80xi32, #tpu.memory_space<hbm>>
    tpu.enqueue_dma source(%dma_start3A_132 : memref<80xi32, #tpu.memory_space<hbm>>) target(%arg7 : memref<80xi32, #tpu.memory_space<vmem>>) target_semaphore(%arg15 : memref<!tpu.dma_semaphore, #tpu.memory_space<semaphore_mem>>)
    %dma_start3A_133 = tpu.memref_slice %arg6[%multiple_of3A_130] : memref<10000xi32, #tpu.memory_space<vmem>> -> memref<80xi32, #tpu.memory_space<vmem>>
    %dma_start3A_134 = arith.constant 0 : i32
    %dma_start3A_135 = arith.constant 0 : i32
    %dma_start3A_136 = tpu.memref_slice %arg2[%dma_start3A_134, %dma_start3A_135] : memref<10240x128xf32, #tpu.memory_space<hbm>> -> memref<10240x128xf32, #tpu.memory_space<hbm>>
    tpu.enqueue_indirect_dma source(%dma_start3A_136 : memref<10240x128xf32, #tpu.memory_space<hbm>>) target(%arg9 : memref<80x128xf32, #tpu.memory_space<vmem>>) offsets(%dma_start3A_133 : memref<80xi32, #tpu.memory_space<vmem>>) semaphore(%arg15 : memref<!tpu.dma_semaphore, #tpu.memory_space<semaphore_mem>>)
    %scan3A_137 = arith.constant 0 : i32
    %scan3A_138 = arith.constant 1 : i32
    %scan3A_139 = arith.constant 61 : i32
    %scan3A_140 = arith.addi %scan3A_138, %scan3A_139 : i32
    %scan3A_141 = arith.constant 1 : i32
    %scan3A_142 = scf.for %scan3A_323 = %scan3A_138 to %scan3A_140 step %scan3A_141 iter_args(%scan3A_324 = %scan3A_137) -> (i32)  : i32 {
      %mul3A_325 = arith.constant 2 : i32
      %mul3A_326 = arith.muli %mul3A_325, %scan3A_323 : i32
      %dma_wait3A_327 = arith.constant 0 : i32
      %dma_wait3A_328 = tpu.memref_slice %arg4[%dma_wait3A_327] : memref<320000xi32, #tpu.memory_space<hbm>> -> memref<80xi32, #tpu.memory_space<hbm>>
      %dma_wait3A_329 = arith.constant 0 : i32
      %dma_wait3A_330 = tpu.memref_slice %arg4[%dma_wait3A_329] : memref<320000xi32, #tpu.memory_space<hbm>> -> memref<80xi32, #tpu.memory_space<hbm>>
      tpu.wait_dma2 semaphore(%arg15 : memref<!tpu.dma_semaphore, #tpu.memory_space<semaphore_mem>>) src(%dma_wait3A_330 : memref<80xi32, #tpu.memory_space<hbm>>) dst(%arg7 : memref<80xi32, #tpu.memory_space<vmem>>)
      %dma_wait3A_331 = arith.constant 0 : i32
      %dma_wait3A_332 = tpu.memref_slice %arg6[%dma_wait3A_331] : memref<10000xi32, #tpu.memory_space<vmem>> -> memref<80xi32, #tpu.memory_space<vmem>>
      %dma_wait3A_333 = arith.constant 0 : i32
      %dma_wait3A_334 = arith.constant 0 : i32
      %dma_wait3A_335 = tpu.memref_slice %arg2[%dma_wait3A_333, %dma_wait3A_334] : memref<10240x128xf32, #tpu.memory_space<hbm>> -> memref<10240x128xf32, #tpu.memory_space<hbm>>
      tpu.wait_indirect_dma semaphore(%arg15 : memref<!tpu.dma_semaphore, #tpu.memory_space<semaphore_mem>>) src(%dma_wait3A_335 : memref<10240x128xf32, #tpu.memory_space<hbm>>) dst(%arg9 : memref<80x128xf32, #tpu.memory_space<vmem>>)
      %dma_start3A_336 = arith.constant 0 : i32
      %dma_start3A_337 = arith.constant 0 : i32
      %dma_start3A_338 = tpu.memref_slice %arg12[%dma_start3A_336, %dma_start3A_337] : memref<10240x128xf32, #tpu.memory_space<vmem_shared>> -> memref<10240x128xf32, #tpu.memory_space<vmem_shared>>
      tpu.enqueue_indirect_dma source(%arg9 : memref<80x128xf32, #tpu.memory_space<vmem>>) target(%dma_start3A_338 : memref<10240x128xf32, #tpu.memory_space<vmem_shared>>) offsets(%arg7 : memref<80xi32, #tpu.memory_space<vmem>>) semaphore(%arg17 : memref<!tpu.dma_semaphore, #tpu.memory_space<semaphore_mem>>) {add = true}
      %dma_wait3A_339 = arith.constant 0 : i32
      %dma_wait3A_340 = arith.constant 0 : i32
      %dma_wait3A_341 = tpu.memref_slice %arg12[%dma_wait3A_339, %dma_wait3A_340] : memref<10240x128xf32, #tpu.memory_space<vmem_shared>> -> memref<10240x128xf32, #tpu.memory_space<vmem_shared>>
      tpu.wait_indirect_dma semaphore(%arg18 : memref<!tpu.dma_semaphore, #tpu.memory_space<semaphore_mem>>) src(%arg10 : memref<80x128xf32, #tpu.memory_space<vmem>>) dst(%dma_wait3A_341 : memref<10240x128xf32, #tpu.memory_space<vmem_shared>>)
      %add3A_342 = arith.constant 1 : i32
      %add3A_343 = arith.addi %mul3A_326, %add3A_342 : i32
      %mul3A_344 = arith.constant 10000 : i32
      %mul3A_345 = arith.muli %add3A, %mul3A_344 : i32
      %mul3A_346 = arith.constant 80 : i32
      %mul3A_347 = arith.muli %add3A_343, %mul3A_346 : i32
      %add3A_348 = arith.addi %mul3A_345, %mul3A_347 : i32
      %multiple_of3A_349 = tpu.assume_multiple %add3A_348, 8 : i32
      %mul3A_350 = arith.constant 80 : i32
      %mul3A_351 = arith.muli %add3A_343, %mul3A_350 : i32
      %multiple_of3A_352 = tpu.assume_multiple %mul3A_351, 8 : i32
      %dma_start3A_353 = tpu.memref_slice %arg4[%multiple_of3A_349] : memref<320000xi32, #tpu.memory_space<hbm>> -> memref<80xi32, #tpu.memory_space<hbm>>
      %dma_start3A_354 = tpu.memref_slice %arg4[%multiple_of3A_349] : memref<320000xi32, #tpu.memory_space<hbm>> -> memref<80xi32, #tpu.memory_space<hbm>>
      tpu.enqueue_dma source(%dma_start3A_354 : memref<80xi32, #tpu.memory_space<hbm>>) target(%arg8 : memref<80xi32, #tpu.memory_space<vmem>>) target_semaphore(%arg16 : memref<!tpu.dma_semaphore, #tpu.memory_space<semaphore_mem>>)
      %dma_start3A_355 = tpu.memref_slice %arg6[%multiple_of3A_352] : memref<10000xi32, #tpu.memory_space<vmem>> -> memref<80xi32, #tpu.memory_space<vmem>>
      %dma_start3A_356 = arith.constant 0 : i32
      %dma_start3A_357 = arith.constant 0 : i32
      %dma_start3A_358 = tpu.memref_slice %arg2[%dma_start3A_356, %dma_start3A_357] : memref<10240x128xf32, #tpu.memory_space<hbm>> -> memref<10240x128xf32, #tpu.memory_space<hbm>>
      tpu.enqueue_indirect_dma source(%dma_start3A_358 : memref<10240x128xf32, #tpu.memory_space<hbm>>) target(%arg10 : memref<80x128xf32, #tpu.memory_space<vmem>>) offsets(%dma_start3A_355 : memref<80xi32, #tpu.memory_space<vmem>>) semaphore(%arg16 : memref<!tpu.dma_semaphore, #tpu.memory_space<semaphore_mem>>)
      %dma_wait3A_359 = arith.constant 0 : i32
      %dma_wait3A_360 = tpu.memref_slice %arg4[%dma_wait3A_359] : memref<320000xi32, #tpu.memory_space<hbm>> -> memref<80xi32, #tpu.memory_space<hbm>>
      %dma_wait3A_361 = arith.constant 0 : i32
      %dma_wait3A_362 = tpu.memref_slice %arg4[%dma_wait3A_361] : memref<320000xi32, #tpu.memory_space<hbm>> -> memref<80xi32, #tpu.memory_space<hbm>>
      tpu.wait_dma2 semaphore(%arg16 : memref<!tpu.dma_semaphore, #tpu.memory_space<semaphore_mem>>) src(%dma_wait3A_362 : memref<80xi32, #tpu.memory_space<hbm>>) dst(%arg8 : memref<80xi32, #tpu.memory_space<vmem>>)
      %dma_wait3A_363 = arith.constant 0 : i32
      %dma_wait3A_364 = tpu.memref_slice %arg6[%dma_wait3A_363] : memref<10000xi32, #tpu.memory_space<vmem>> -> memref<80xi32, #tpu.memory_space<vmem>>
      %dma_wait3A_365 = arith.constant 0 : i32
      %dma_wait3A_366 = arith.constant 0 : i32
      %dma_wait3A_367 = tpu.memref_slice %arg2[%dma_wait3A_365, %dma_wait3A_366] : memref<10240x128xf32, #tpu.memory_space<hbm>> -> memref<10240x128xf32, #tpu.memory_space<hbm>>
      tpu.wait_indirect_dma semaphore(%arg16 : memref<!tpu.dma_semaphore, #tpu.memory_space<semaphore_mem>>) src(%dma_wait3A_367 : memref<10240x128xf32, #tpu.memory_space<hbm>>) dst(%arg10 : memref<80x128xf32, #tpu.memory_space<vmem>>)
      %dma_start3A_368 = arith.constant 0 : i32
      %dma_start3A_369 = arith.constant 0 : i32
      %dma_start3A_370 = tpu.memref_slice %arg12[%dma_start3A_368, %dma_start3A_369] : memref<10240x128xf32, #tpu.memory_space<vmem_shared>> -> memref<10240x128xf32, #tpu.memory_space<vmem_shared>>
      tpu.enqueue_indirect_dma source(%arg10 : memref<80x128xf32, #tpu.memory_space<vmem>>) target(%dma_start3A_370 : memref<10240x128xf32, #tpu.memory_space<vmem_shared>>) offsets(%arg8 : memref<80xi32, #tpu.memory_space<vmem>>) semaphore(%arg18 : memref<!tpu.dma_semaphore, #tpu.memory_space<semaphore_mem>>) {add = true}
      %dma_wait3A_371 = arith.constant 0 : i32
      %dma_wait3A_372 = arith.constant 0 : i32
      %dma_wait3A_373 = tpu.memref_slice %arg12[%dma_wait3A_371, %dma_wait3A_372] : memref<10240x128xf32, #tpu.memory_space<vmem_shared>> -> memref<10240x128xf32, #tpu.memory_space<vmem_shared>>
      tpu.wait_indirect_dma semaphore(%arg17 : memref<!tpu.dma_semaphore, #tpu.memory_space<semaphore_mem>>) src(%arg9 : memref<80x128xf32, #tpu.memory_space<vmem>>) dst(%dma_wait3A_373 : memref<10240x128xf32, #tpu.memory_space<vmem_shared>>)
      %add3A_374 = arith.constant 2 : i32
      %add3A_375 = arith.addi %mul3A_326, %add3A_374 : i32
      %mul3A_376 = arith.constant 10000 : i32
      %mul3A_377 = arith.muli %add3A, %mul3A_376 : i32
      %mul3A_378 = arith.constant 80 : i32
      %mul3A_379 = arith.muli %add3A_375, %mul3A_378 : i32
      %add3A_380 = arith.addi %mul3A_377, %mul3A_379 : i32
      %multiple_of3A_381 = tpu.assume_multiple %add3A_380, 8 : i32
      %mul3A_382 = arith.constant 80 : i32
      %mul3A_383 = arith.muli %add3A_375, %mul3A_382 : i32
      %multiple_of3A_384 = tpu.assume_multiple %mul3A_383, 8 : i32
      %dma_start3A_385 = tpu.memref_slice %arg4[%multiple_of3A_381] : memref<320000xi32, #tpu.memory_space<hbm>> -> memref<80xi32, #tpu.memory_space<hbm>>
      %dma_start3A_386 = tpu.memref_slice %arg4[%multiple_of3A_381] : memref<320000xi32, #tpu.memory_space<hbm>> -> memref<80xi32, #tpu.memory_space<hbm>>
      tpu.enqueue_dma source(%dma_start3A_386 : memref<80xi32, #tpu.memory_space<hbm>>) target(%arg7 : memref<80xi32, #tpu.memory_space<vmem>>) target_semaphore(%arg15 : memref<!tpu.dma_semaphore, #tpu.memory_space<semaphore_mem>>)
      %dma_start3A_387 = tpu.memref_slice %arg6[%multiple_of3A_384] : memref<10000xi32, #tpu.memory_space<vmem>> -> memref<80xi32, #tpu.memory_space<vmem>>
      %dma_start3A_388 = arith.constant 0 : i32
      %dma_start3A_389 = arith.constant 0 : i32
      %dma_start3A_390 = tpu.memref_slice %arg2[%dma_start3A_388, %dma_start3A_389] : memref<10240x128xf32, #tpu.memory_space<hbm>> -> memref<10240x128xf32, #tpu.memory_space<hbm>>
      tpu.enqueue_indirect_dma source(%dma_start3A_390 : memref<10240x128xf32, #tpu.memory_space<hbm>>) target(%arg9 : memref<80x128xf32, #tpu.memory_space<vmem>>) offsets(%dma_start3A_387 : memref<80xi32, #tpu.memory_space<vmem>>) semaphore(%arg15 : memref<!tpu.dma_semaphore, #tpu.memory_space<semaphore_mem>>)
      %scan3A_391 = arith.constant 0 : i32
      scf.yield %scan3A_391 : i32
    }
    %scan3A_143 = arith.constant 61 : i32
    %dma_wait3A_144 = arith.constant 0 : i32
    %dma_wait3A_145 = tpu.memref_slice %arg4[%dma_wait3A_144] : memref<320000xi32, #tpu.memory_space<hbm>> -> memref<80xi32, #tpu.memory_space<hbm>>
    %dma_wait3A_146 = arith.constant 0 : i32
    %dma_wait3A_147 = tpu.memref_slice %arg4[%dma_wait3A_146] : memref<320000xi32, #tpu.memory_space<hbm>> -> memref<80xi32, #tpu.memory_space<hbm>>
    tpu.wait_dma2 semaphore(%arg15 : memref<!tpu.dma_semaphore, #tpu.memory_space<semaphore_mem>>) src(%dma_wait3A_147 : memref<80xi32, #tpu.memory_space<hbm>>) dst(%arg7 : memref<80xi32, #tpu.memory_space<vmem>>)
    %dma_wait3A_148 = arith.constant 0 : i32
    %dma_wait3A_149 = tpu.memref_slice %arg6[%dma_wait3A_148] : memref<10000xi32, #tpu.memory_space<vmem>> -> memref<80xi32, #tpu.memory_space<vmem>>
    %dma_wait3A_150 = arith.constant 0 : i32
    %dma_wait3A_151 = arith.constant 0 : i32
    %dma_wait3A_152 = tpu.memref_slice %arg2[%dma_wait3A_150, %dma_wait3A_151] : memref<10240x128xf32, #tpu.memory_space<hbm>> -> memref<10240x128xf32, #tpu.memory_space<hbm>>
    tpu.wait_indirect_dma semaphore(%arg15 : memref<!tpu.dma_semaphore, #tpu.memory_space<semaphore_mem>>) src(%dma_wait3A_152 : memref<10240x128xf32, #tpu.memory_space<hbm>>) dst(%arg9 : memref<80x128xf32, #tpu.memory_space<vmem>>)
    %dma_start3A_153 = arith.constant 0 : i32
    %dma_start3A_154 = arith.constant 0 : i32
    %dma_start3A_155 = tpu.memref_slice %arg12[%dma_start3A_153, %dma_start3A_154] : memref<10240x128xf32, #tpu.memory_space<vmem_shared>> -> memref<10240x128xf32, #tpu.memory_space<vmem_shared>>
    tpu.enqueue_indirect_dma source(%arg9 : memref<80x128xf32, #tpu.memory_space<vmem>>) target(%dma_start3A_155 : memref<10240x128xf32, #tpu.memory_space<vmem_shared>>) offsets(%arg7 : memref<80xi32, #tpu.memory_space<vmem>>) semaphore(%arg17 : memref<!tpu.dma_semaphore, #tpu.memory_space<semaphore_mem>>) {add = true}
    %dma_wait3A_156 = arith.constant 0 : i32
    %dma_wait3A_157 = arith.constant 0 : i32
    %dma_wait3A_158 = tpu.memref_slice %arg12[%dma_wait3A_156, %dma_wait3A_157] : memref<10240x128xf32, #tpu.memory_space<vmem_shared>> -> memref<10240x128xf32, #tpu.memory_space<vmem_shared>>
    tpu.wait_indirect_dma semaphore(%arg18 : memref<!tpu.dma_semaphore, #tpu.memory_space<semaphore_mem>>) src(%arg10 : memref<80x128xf32, #tpu.memory_space<vmem>>) dst(%dma_wait3A_158 : memref<10240x128xf32, #tpu.memory_space<vmem_shared>>)
    %dma_wait3A_159 = arith.constant 0 : i32
    %dma_wait3A_160 = arith.constant 0 : i32
    %dma_wait3A_161 = tpu.memref_slice %arg12[%dma_wait3A_159, %dma_wait3A_160] : memref<10240x128xf32, #tpu.memory_space<vmem_shared>> -> memref<10240x128xf32, #tpu.memory_space<vmem_shared>>
    tpu.wait_indirect_dma semaphore(%arg17 : memref<!tpu.dma_semaphore, #tpu.memory_space<semaphore_mem>>) src(%arg9 : memref<80x128xf32, #tpu.memory_space<vmem>>) dst(%dma_wait3A_161 : memref<10240x128xf32, #tpu.memory_space<vmem_shared>>)
    %barrier3A_162 = arith.constant 0 : index
    tpu.barrier barrier_id(%barrier3A_162)
    %mul3A_163 = arith.constant 640 : i32
    %mul3A_164 = arith.muli %arg1, %mul3A_163 : i32
    %add3A_165 = arith.constant 0 : i32
    %add3A_166 = arith.addi %mul3A_164, %add3A_165 : i32
    "tpu.region"() ({
      %run_scoped3A = tpu.sem_alloc : memref<!tpu.dma_semaphore, #tpu.memory_space<semaphore_mem>>
      %dma_start3A_323 = arith.constant 0 : i32
      %dma_start3A_324 = tpu.memref_slice %arg12[%add3A_166, %dma_start3A_323] : memref<10240x128xf32, #tpu.memory_space<vmem_shared>> -> memref<80x128xf32, #tpu.memory_space<vmem_shared>>
      %dma_start3A_325 = arith.constant 0 : i32
      %dma_start3A_326 = tpu.memref_slice %arg12[%add3A_166, %dma_start3A_325] : memref<10240x128xf32, #tpu.memory_space<vmem_shared>> -> memref<80x128xf32, #tpu.memory_space<vmem_shared>>
      tpu.enqueue_dma source(%dma_start3A_326 : memref<80x128xf32, #tpu.memory_space<vmem_shared>>) target(%arg9 : memref<80x128xf32, #tpu.memory_space<vmem>>) target_semaphore(%run_scoped3A : memref<!tpu.dma_semaphore, #tpu.memory_space<semaphore_mem>>)
      %dma_wait3A_327 = arith.constant 0 : i32
      %dma_wait3A_328 = tpu.memref_slice %arg12[%add3A_166, %dma_wait3A_327] : memref<10240x128xf32, #tpu.memory_space<vmem_shared>> -> memref<80x128xf32, #tpu.memory_space<vmem_shared>>
      %dma_wait3A_329 = arith.constant 0 : i32
      %dma_wait3A_330 = tpu.memref_slice %arg12[%add3A_166, %dma_wait3A_329] : memref<10240x128xf32, #tpu.memory_space<vmem_shared>> -> memref<80x128xf32, #tpu.memory_space<vmem_shared>>
      tpu.wait_dma2 semaphore(%run_scoped3A : memref<!tpu.dma_semaphore, #tpu.memory_space<semaphore_mem>>) src(%dma_wait3A_330 : memref<80x128xf32, #tpu.memory_space<vmem_shared>>) dst(%arg9 : memref<80x128xf32, #tpu.memory_space<vmem>>)
      tpu.yield
    }) : () -> ()
    %mul3A_167 = arith.constant 640 : i32
    %mul3A_168 = arith.muli %arg1, %mul3A_167 : i32
    %add3A_169 = arith.constant 0 : i32
    %add3A_170 = arith.addi %mul3A_168, %add3A_169 : i32
    %dma_start3A_171 = arith.constant 0 : i32
    %dma_start3A_172 = tpu.memref_slice %arg5[%arg0, %add3A_170, %dma_start3A_171] : memref<2x10240x128xf32, #tpu.memory_space<hbm>> -> memref<1x80x128xf32, #tpu.memory_space<hbm>>
    %dma_start3A_173 = tpu.memref_squeeze %dma_start3A_172 : memref<1x80x128xf32, #tpu.memory_space<hbm>> -> memref<80x128xf32, #tpu.memory_space<hbm>>
    %dma_start3A_174 = arith.constant 0 : i32
    %dma_start3A_175 = tpu.memref_slice %arg5[%arg0, %add3A_170, %dma_start3A_174] : memref<2x10240x128xf32, #tpu.memory_space<hbm>> -> memref<1x80x128xf32, #tpu.memory_space<hbm>>
    %dma_start3A_176 = tpu.memref_squeeze %dma_start3A_175 : memref<1x80x128xf32, #tpu.memory_space<hbm>> -> memref<80x128xf32, #tpu.memory_space<hbm>>
    tpu.enqueue_dma source(%arg9 : memref<80x128xf32, #tpu.memory_space<vmem>>) target(%dma_start3A_176 : memref<80x128xf32, #tpu.memory_space<hbm>>) target_semaphore(%arg15 : memref<!tpu.dma_semaphore, #tpu.memory_space<semaphore_mem>>)
    %mul3A_177 = arith.constant 640 : i32
    %mul3A_178 = arith.muli %arg1, %mul3A_177 : i32
    %add3A_179 = arith.constant 80 : i32
    %add3A_180 = arith.addi %mul3A_178, %add3A_179 : i32
    "tpu.region"() ({
      %run_scoped3A = tpu.sem_alloc : memref<!tpu.dma_semaphore, #tpu.memory_space<semaphore_mem>>
      %dma_start3A_323 = arith.constant 0 : i32
      %dma_start3A_324 = tpu.memref_slice %arg12[%add3A_180, %dma_start3A_323] : memref<10240x128xf32, #tpu.memory_space<vmem_shared>> -> memref<80x128xf32, #tpu.memory_space<vmem_shared>>
      %dma_start3A_325 = arith.constant 0 : i32
      %dma_start3A_326 = tpu.memref_slice %arg12[%add3A_180, %dma_start3A_325] : memref<10240x128xf32, #tpu.memory_space<vmem_shared>> -> memref<80x128xf32, #tpu.memory_space<vmem_shared>>
      tpu.enqueue_dma source(%dma_start3A_326 : memref<80x128xf32, #tpu.memory_space<vmem_shared>>) target(%arg10 : memref<80x128xf32, #tpu.memory_space<vmem>>) target_semaphore(%run_scoped3A : memref<!tpu.dma_semaphore, #tpu.memory_space<semaphore_mem>>)
      %dma_wait3A_327 = arith.constant 0 : i32
      %dma_wait3A_328 = tpu.memref_slice %arg12[%add3A_180, %dma_wait3A_327] : memref<10240x128xf32, #tpu.memory_space<vmem_shared>> -> memref<80x128xf32, #tpu.memory_space<vmem_shared>>
      %dma_wait3A_329 = arith.constant 0 : i32
      %dma_wait3A_330 = tpu.memref_slice %arg12[%add3A_180, %dma_wait3A_329] : memref<10240x128xf32, #tpu.memory_space<vmem_shared>> -> memref<80x128xf32, #tpu.memory_space<vmem_shared>>
      tpu.wait_dma2 semaphore(%run_scoped3A : memref<!tpu.dma_semaphore, #tpu.memory_space<semaphore_mem>>) src(%dma_wait3A_330 : memref<80x128xf32, #tpu.memory_space<vmem_shared>>) dst(%arg10 : memref<80x128xf32, #tpu.memory_space<vmem>>)
      tpu.yield
    }) : () -> ()
    %mul3A_181 = arith.constant 640 : i32
    %mul3A_182 = arith.muli %arg1, %mul3A_181 : i32
    %add3A_183 = arith.constant 80 : i32
    %add3A_184 = arith.addi %mul3A_182, %add3A_183 : i32
    %dma_start3A_185 = arith.constant 0 : i32
    %dma_start3A_186 = tpu.memref_slice %arg5[%arg0, %add3A_184, %dma_start3A_185] : memref<2x10240x128xf32, #tpu.memory_space<hbm>> -> memref<1x80x128xf32, #tpu.memory_space<hbm>>
    %dma_start3A_187 = tpu.memref_squeeze %dma_start3A_186 : memref<1x80x128xf32, #tpu.memory_space<hbm>> -> memref<80x128xf32, #tpu.memory_space<hbm>>
    %dma_start3A_188 = arith.constant 0 : i32
    %dma_start3A_189 = tpu.memref_slice %arg5[%arg0, %add3A_184, %dma_start3A_188] : memref<2x10240x128xf32, #tpu.memory_space<hbm>> -> memref<1x80x128xf32, #tpu.memory_space<hbm>>
    %dma_start3A_190 = tpu.memref_squeeze %dma_start3A_189 : memref<1x80x128xf32, #tpu.memory_space<hbm>> -> memref<80x128xf32, #tpu.memory_space<hbm>>
    tpu.enqueue_dma source(%arg10 : memref<80x128xf32, #tpu.memory_space<vmem>>) target(%dma_start3A_190 : memref<80x128xf32, #tpu.memory_space<hbm>>) target_semaphore(%arg16 : memref<!tpu.dma_semaphore, #tpu.memory_space<semaphore_mem>>)
    %dma_wait3A_191 = arith.constant 0 : i32
    %dma_wait3A_192 = tpu.memref_slice %arg5[%arg0, %add3A_170, %dma_wait3A_191] : memref<2x10240x128xf32, #tpu.memory_space<hbm>> -> memref<1x80x128xf32, #tpu.memory_space<hbm>>
    %dma_wait3A_193 = tpu.memref_squeeze %dma_wait3A_192 : memref<1x80x128xf32, #tpu.memory_space<hbm>> -> memref<80x128xf32, #tpu.memory_space<hbm>>
    %dma_wait3A_194 = arith.constant 0 : i32
    %dma_wait3A_195 = tpu.memref_slice %arg5[%arg0, %add3A_170, %dma_wait3A_194] : memref<2x10240x128xf32, #tpu.memory_space<hbm>> -> memref<1x80x128xf32, #tpu.memory_space<hbm>>
    %dma_wait3A_196 = tpu.memref_squeeze %dma_wait3A_195 : memref<1x80x128xf32, #tpu.memory_space<hbm>> -> memref<80x128xf32, #tpu.memory_space<hbm>>
    tpu.wait_dma2 semaphore(%arg15 : memref<!tpu.dma_semaphore, #tpu.memory_space<semaphore_mem>>) src(%arg9 : memref<80x128xf32, #tpu.memory_space<vmem>>) dst(%dma_wait3A_196 : memref<80x128xf32, #tpu.memory_space<hbm>>)
    %mul3A_197 = arith.constant 640 : i32
    %mul3A_198 = arith.muli %arg1, %mul3A_197 : i32
    %add3A_199 = arith.constant 160 : i32
    %add3A_200 = arith.addi %mul3A_198, %add3A_199 : i32
    "tpu.region"() ({
      %run_scoped3A = tpu.sem_alloc : memref<!tpu.dma_semaphore, #tpu.memory_space<semaphore_mem>>
      %dma_start3A_323 = arith.constant 0 : i32
      %dma_start3A_324 = tpu.memref_slice %arg12[%add3A_200, %dma_start3A_323] : memref<10240x128xf32, #tpu.memory_space<vmem_shared>> -> memref<80x128xf32, #tpu.memory_space<vmem_shared>>
      %dma_start3A_325 = arith.constant 0 : i32
      %dma_start3A_326 = tpu.memref_slice %arg12[%add3A_200, %dma_start3A_325] : memref<10240x128xf32, #tpu.memory_space<vmem_shared>> -> memref<80x128xf32, #tpu.memory_space<vmem_shared>>
      tpu.enqueue_dma source(%dma_start3A_326 : memref<80x128xf32, #tpu.memory_space<vmem_shared>>) target(%arg9 : memref<80x128xf32, #tpu.memory_space<vmem>>) target_semaphore(%run_scoped3A : memref<!tpu.dma_semaphore, #tpu.memory_space<semaphore_mem>>)
      %dma_wait3A_327 = arith.constant 0 : i32
      %dma_wait3A_328 = tpu.memref_slice %arg12[%add3A_200, %dma_wait3A_327] : memref<10240x128xf32, #tpu.memory_space<vmem_shared>> -> memref<80x128xf32, #tpu.memory_space<vmem_shared>>
      %dma_wait3A_329 = arith.constant 0 : i32
      %dma_wait3A_330 = tpu.memref_slice %arg12[%add3A_200, %dma_wait3A_329] : memref<10240x128xf32, #tpu.memory_space<vmem_shared>> -> memref<80x128xf32, #tpu.memory_space<vmem_shared>>
      tpu.wait_dma2 semaphore(%run_scoped3A : memref<!tpu.dma_semaphore, #tpu.memory_space<semaphore_mem>>) src(%dma_wait3A_330 : memref<80x128xf32, #tpu.memory_space<vmem_shared>>) dst(%arg9 : memref<80x128xf32, #tpu.memory_space<vmem>>)
      tpu.yield
    }) : () -> ()
    %mul3A_201 = arith.constant 640 : i32
    %mul3A_202 = arith.muli %arg1, %mul3A_201 : i32
    %add3A_203 = arith.constant 160 : i32
    %add3A_204 = arith.addi %mul3A_202, %add3A_203 : i32
    %dma_start3A_205 = arith.constant 0 : i32
    %dma_start3A_206 = tpu.memref_slice %arg5[%arg0, %add3A_204, %dma_start3A_205] : memref<2x10240x128xf32, #tpu.memory_space<hbm>> -> memref<1x80x128xf32, #tpu.memory_space<hbm>>
    %dma_start3A_207 = tpu.memref_squeeze %dma_start3A_206 : memref<1x80x128xf32, #tpu.memory_space<hbm>> -> memref<80x128xf32, #tpu.memory_space<hbm>>
    %dma_start3A_208 = arith.constant 0 : i32
    %dma_start3A_209 = tpu.memref_slice %arg5[%arg0, %add3A_204, %dma_start3A_208] : memref<2x10240x128xf32, #tpu.memory_space<hbm>> -> memref<1x80x128xf32, #tpu.memory_space<hbm>>
    %dma_start3A_210 = tpu.memref_squeeze %dma_start3A_209 : memref<1x80x128xf32, #tpu.memory_space<hbm>> -> memref<80x128xf32, #tpu.memory_space<hbm>>
    tpu.enqueue_dma source(%arg9 : memref<80x128xf32, #tpu.memory_space<vmem>>) target(%dma_start3A_210 : memref<80x128xf32, #tpu.memory_space<hbm>>) target_semaphore(%arg15 : memref<!tpu.dma_semaphore, #tpu.memory_space<semaphore_mem>>)
    %dma_wait3A_211 = arith.constant 0 : i32
    %dma_wait3A_212 = tpu.memref_slice %arg5[%arg0, %add3A_184, %dma_wait3A_211] : memref<2x10240x128xf32, #tpu.memory_space<hbm>> -> memref<1x80x128xf32, #tpu.memory_space<hbm>>
    %dma_wait3A_213 = tpu.memref_squeeze %dma_wait3A_212 : memref<1x80x128xf32, #tpu.memory_space<hbm>> -> memref<80x128xf32, #tpu.memory_space<hbm>>
    %dma_wait3A_214 = arith.constant 0 : i32
    %dma_wait3A_215 = tpu.memref_slice %arg5[%arg0, %add3A_184, %dma_wait3A_214] : memref<2x10240x128xf32, #tpu.memory_space<hbm>> -> memref<1x80x128xf32, #tpu.memory_space<hbm>>
    %dma_wait3A_216 = tpu.memref_squeeze %dma_wait3A_215 : memref<1x80x128xf32, #tpu.memory_space<hbm>> -> memref<80x128xf32, #tpu.memory_space<hbm>>
    tpu.wait_dma2 semaphore(%arg16 : memref<!tpu.dma_semaphore, #tpu.memory_space<semaphore_mem>>) src(%arg10 : memref<80x128xf32, #tpu.memory_space<vmem>>) dst(%dma_wait3A_216 : memref<80x128xf32, #tpu.memory_space<hbm>>)
    %mul3A_217 = arith.constant 640 : i32
    %mul3A_218 = arith.muli %arg1, %mul3A_217 : i32
    %add3A_219 = arith.constant 240 : i32
    %add3A_220 = arith.addi %mul3A_218, %add3A_219 : i32
    "tpu.region"() ({
      %run_scoped3A = tpu.sem_alloc : memref<!tpu.dma_semaphore, #tpu.memory_space<semaphore_mem>>
      %dma_start3A_323 = arith.constant 0 : i32
      %dma_start3A_324 = tpu.memref_slice %arg12[%add3A_220, %dma_start3A_323] : memref<10240x128xf32, #tpu.memory_space<vmem_shared>> -> memref<80x128xf32, #tpu.memory_space<vmem_shared>>
      %dma_start3A_325 = arith.constant 0 : i32
      %dma_start3A_326 = tpu.memref_slice %arg12[%add3A_220, %dma_start3A_325] : memref<10240x128xf32, #tpu.memory_space<vmem_shared>> -> memref<80x128xf32, #tpu.memory_space<vmem_shared>>
      tpu.enqueue_dma source(%dma_start3A_326 : memref<80x128xf32, #tpu.memory_space<vmem_shared>>) target(%arg10 : memref<80x128xf32, #tpu.memory_space<vmem>>) target_semaphore(%run_scoped3A : memref<!tpu.dma_semaphore, #tpu.memory_space<semaphore_mem>>)
      %dma_wait3A_327 = arith.constant 0 : i32
      %dma_wait3A_328 = tpu.memref_slice %arg12[%add3A_220, %dma_wait3A_327] : memref<10240x128xf32, #tpu.memory_space<vmem_shared>> -> memref<80x128xf32, #tpu.memory_space<vmem_shared>>
      %dma_wait3A_329 = arith.constant 0 : i32
      %dma_wait3A_330 = tpu.memref_slice %arg12[%add3A_220, %dma_wait3A_329] : memref<10240x128xf32, #tpu.memory_space<vmem_shared>> -> memref<80x128xf32, #tpu.memory_space<vmem_shared>>
      tpu.wait_dma2 semaphore(%run_scoped3A : memref<!tpu.dma_semaphore, #tpu.memory_space<semaphore_mem>>) src(%dma_wait3A_330 : memref<80x128xf32, #tpu.memory_space<vmem_shared>>) dst(%arg10 : memref<80x128xf32, #tpu.memory_space<vmem>>)
      tpu.yield
    }) : () -> ()
    %mul3A_221 = arith.constant 640 : i32
    %mul3A_222 = arith.muli %arg1, %mul3A_221 : i32
    %add3A_223 = arith.constant 240 : i32
    %add3A_224 = arith.addi %mul3A_222, %add3A_223 : i32
    %dma_start3A_225 = arith.constant 0 : i32
    %dma_start3A_226 = tpu.memref_slice %arg5[%arg0, %add3A_224, %dma_start3A_225] : memref<2x10240x128xf32, #tpu.memory_space<hbm>> -> memref<1x80x128xf32, #tpu.memory_space<hbm>>
    %dma_start3A_227 = tpu.memref_squeeze %dma_start3A_226 : memref<1x80x128xf32, #tpu.memory_space<hbm>> -> memref<80x128xf32, #tpu.memory_space<hbm>>
    %dma_start3A_228 = arith.constant 0 : i32
    %dma_start3A_229 = tpu.memref_slice %arg5[%arg0, %add3A_224, %dma_start3A_228] : memref<2x10240x128xf32, #tpu.memory_space<hbm>> -> memref<1x80x128xf32, #tpu.memory_space<hbm>>
    %dma_start3A_230 = tpu.memref_squeeze %dma_start3A_229 : memref<1x80x128xf32, #tpu.memory_space<hbm>> -> memref<80x128xf32, #tpu.memory_space<hbm>>
    tpu.enqueue_dma source(%arg10 : memref<80x128xf32, #tpu.memory_space<vmem>>) target(%dma_start3A_230 : memref<80x128xf32, #tpu.memory_space<hbm>>) target_semaphore(%arg16 : memref<!tpu.dma_semaphore, #tpu.memory_space<semaphore_mem>>)
    %dma_wait3A_231 = arith.constant 0 : i32
    %dma_wait3A_232 = tpu.memref_slice %arg5[%arg0, %add3A_204, %dma_wait3A_231] : memref<2x10240x128xf32, #tpu.memory_space<hbm>> -> memref<1x80x128xf32, #tpu.memory_space<hbm>>
    %dma_wait3A_233 = tpu.memref_squeeze %dma_wait3A_232 : memref<1x80x128xf32, #tpu.memory_space<hbm>> -> memref<80x128xf32, #tpu.memory_space<hbm>>
    %dma_wait3A_234 = arith.constant 0 : i32
    %dma_wait3A_235 = tpu.memref_slice %arg5[%arg0, %add3A_204, %dma_wait3A_234] : memref<2x10240x128xf32, #tpu.memory_space<hbm>> -> memref<1x80x128xf32, #tpu.memory_space<hbm>>
    %dma_wait3A_236 = tpu.memref_squeeze %dma_wait3A_235 : memref<1x80x128xf32, #tpu.memory_space<hbm>> -> memref<80x128xf32, #tpu.memory_space<hbm>>
    tpu.wait_dma2 semaphore(%arg15 : memref<!tpu.dma_semaphore, #tpu.memory_space<semaphore_mem>>) src(%arg9 : memref<80x128xf32, #tpu.memory_space<vmem>>) dst(%dma_wait3A_236 : memref<80x128xf32, #tpu.memory_space<hbm>>)
    %mul3A_237 = arith.constant 640 : i32
    %mul3A_238 = arith.muli %arg1, %mul3A_237 : i32
    %add3A_239 = arith.constant 320 : i32
    %add3A_240 = arith.addi %mul3A_238, %add3A_239 : i32
    "tpu.region"() ({
      %run_scoped3A = tpu.sem_alloc : memref<!tpu.dma_semaphore, #tpu.memory_space<semaphore_mem>>
      %dma_start3A_323 = arith.constant 0 : i32
      %dma_start3A_324 = tpu.memref_slice %arg12[%add3A_240, %dma_start3A_323] : memref<10240x128xf32, #tpu.memory_space<vmem_shared>> -> memref<80x128xf32, #tpu.memory_space<vmem_shared>>
      %dma_start3A_325 = arith.constant 0 : i32
      %dma_start3A_326 = tpu.memref_slice %arg12[%add3A_240, %dma_start3A_325] : memref<10240x128xf32, #tpu.memory_space<vmem_shared>> -> memref<80x128xf32, #tpu.memory_space<vmem_shared>>
      tpu.enqueue_dma source(%dma_start3A_326 : memref<80x128xf32, #tpu.memory_space<vmem_shared>>) target(%arg9 : memref<80x128xf32, #tpu.memory_space<vmem>>) target_semaphore(%run_scoped3A : memref<!tpu.dma_semaphore, #tpu.memory_space<semaphore_mem>>)
      %dma_wait3A_327 = arith.constant 0 : i32
      %dma_wait3A_328 = tpu.memref_slice %arg12[%add3A_240, %dma_wait3A_327] : memref<10240x128xf32, #tpu.memory_space<vmem_shared>> -> memref<80x128xf32, #tpu.memory_space<vmem_shared>>
      %dma_wait3A_329 = arith.constant 0 : i32
      %dma_wait3A_330 = tpu.memref_slice %arg12[%add3A_240, %dma_wait3A_329] : memref<10240x128xf32, #tpu.memory_space<vmem_shared>> -> memref<80x128xf32, #tpu.memory_space<vmem_shared>>
      tpu.wait_dma2 semaphore(%run_scoped3A : memref<!tpu.dma_semaphore, #tpu.memory_space<semaphore_mem>>) src(%dma_wait3A_330 : memref<80x128xf32, #tpu.memory_space<vmem_shared>>) dst(%arg9 : memref<80x128xf32, #tpu.memory_space<vmem>>)
      tpu.yield
    }) : () -> ()
    %mul3A_241 = arith.constant 640 : i32
    %mul3A_242 = arith.muli %arg1, %mul3A_241 : i32
    %add3A_243 = arith.constant 320 : i32
    %add3A_244 = arith.addi %mul3A_242, %add3A_243 : i32
    %dma_start3A_245 = arith.constant 0 : i32
    %dma_start3A_246 = tpu.memref_slice %arg5[%arg0, %add3A_244, %dma_start3A_245] : memref<2x10240x128xf32, #tpu.memory_space<hbm>> -> memref<1x80x128xf32, #tpu.memory_space<hbm>>
    %dma_start3A_247 = tpu.memref_squeeze %dma_start3A_246 : memref<1x80x128xf32, #tpu.memory_space<hbm>> -> memref<80x128xf32, #tpu.memory_space<hbm>>
    %dma_start3A_248 = arith.constant 0 : i32
    %dma_start3A_249 = tpu.memref_slice %arg5[%arg0, %add3A_244, %dma_start3A_248] : memref<2x10240x128xf32, #tpu.memory_space<hbm>> -> memref<1x80x128xf32, #tpu.memory_space<hbm>>
    %dma_start3A_250 = tpu.memref_squeeze %dma_start3A_249 : memref<1x80x128xf32, #tpu.memory_space<hbm>> -> memref<80x128xf32, #tpu.memory_space<hbm>>
    tpu.enqueue_dma source(%arg9 : memref<80x128xf32, #tpu.memory_space<vmem>>) target(%dma_start3A_250 : memref<80x128xf32, #tpu.memory_space<hbm>>) target_semaphore(%arg15 : memref<!tpu.dma_semaphore, #tpu.memory_space<semaphore_mem>>)
    %dma_wait3A_251 = arith.constant 0 : i32
    %dma_wait3A_252 = tpu.memref_slice %arg5[%arg0, %add3A_224, %dma_wait3A_251] : memref<2x10240x128xf32, #tpu.memory_space<hbm>> -> memref<1x80x128xf32, #tpu.memory_space<hbm>>
    %dma_wait3A_253 = tpu.memref_squeeze %dma_wait3A_252 : memref<1x80x128xf32, #tpu.memory_space<hbm>> -> memref<80x128xf32, #tpu.memory_space<hbm>>
    %dma_wait3A_254 = arith.constant 0 : i32
    %dma_wait3A_255 = tpu.memref_slice %arg5[%arg0, %add3A_224, %dma_wait3A_254] : memref<2x10240x128xf32, #tpu.memory_space<hbm>> -> memref<1x80x128xf32, #tpu.memory_space<hbm>>
    %dma_wait3A_256 = tpu.memref_squeeze %dma_wait3A_255 : memref<1x80x128xf32, #tpu.memory_space<hbm>> -> memref<80x128xf32, #tpu.memory_space<hbm>>
    tpu.wait_dma2 semaphore(%arg16 : memref<!tpu.dma_semaphore, #tpu.memory_space<semaphore_mem>>) src(%arg10 : memref<80x128xf32, #tpu.memory_space<vmem>>) dst(%dma_wait3A_256 : memref<80x128xf32, #tpu.memory_space<hbm>>)
    %mul3A_257 = arith.constant 640 : i32
    %mul3A_258 = arith.muli %arg1, %mul3A_257 : i32
    %add3A_259 = arith.constant 400 : i32
    %add3A_260 = arith.addi %mul3A_258, %add3A_259 : i32
    "tpu.region"() ({
      %run_scoped3A = tpu.sem_alloc : memref<!tpu.dma_semaphore, #tpu.memory_space<semaphore_mem>>
      %dma_start3A_323 = arith.constant 0 : i32
      %dma_start3A_324 = tpu.memref_slice %arg12[%add3A_260, %dma_start3A_323] : memref<10240x128xf32, #tpu.memory_space<vmem_shared>> -> memref<80x128xf32, #tpu.memory_space<vmem_shared>>
      %dma_start3A_325 = arith.constant 0 : i32
      %dma_start3A_326 = tpu.memref_slice %arg12[%add3A_260, %dma_start3A_325] : memref<10240x128xf32, #tpu.memory_space<vmem_shared>> -> memref<80x128xf32, #tpu.memory_space<vmem_shared>>
      tpu.enqueue_dma source(%dma_start3A_326 : memref<80x128xf32, #tpu.memory_space<vmem_shared>>) target(%arg10 : memref<80x128xf32, #tpu.memory_space<vmem>>) target_semaphore(%run_scoped3A : memref<!tpu.dma_semaphore, #tpu.memory_space<semaphore_mem>>)
      %dma_wait3A_327 = arith.constant 0 : i32
      %dma_wait3A_328 = tpu.memref_slice %arg12[%add3A_260, %dma_wait3A_327] : memref<10240x128xf32, #tpu.memory_space<vmem_shared>> -> memref<80x128xf32, #tpu.memory_space<vmem_shared>>
      %dma_wait3A_329 = arith.constant 0 : i32
      %dma_wait3A_330 = tpu.memref_slice %arg12[%add3A_260, %dma_wait3A_329] : memref<10240x128xf32, #tpu.memory_space<vmem_shared>> -> memref<80x128xf32, #tpu.memory_space<vmem_shared>>
      tpu.wait_dma2 semaphore(%run_scoped3A : memref<!tpu.dma_semaphore, #tpu.memory_space<semaphore_mem>>) src(%dma_wait3A_330 : memref<80x128xf32, #tpu.memory_space<vmem_shared>>) dst(%arg10 : memref<80x128xf32, #tpu.memory_space<vmem>>)
      tpu.yield
    }) : () -> ()
    %mul3A_261 = arith.constant 640 : i32
    %mul3A_262 = arith.muli %arg1, %mul3A_261 : i32
    %add3A_263 = arith.constant 400 : i32
    %add3A_264 = arith.addi %mul3A_262, %add3A_263 : i32
    %dma_start3A_265 = arith.constant 0 : i32
    %dma_start3A_266 = tpu.memref_slice %arg5[%arg0, %add3A_264, %dma_start3A_265] : memref<2x10240x128xf32, #tpu.memory_space<hbm>> -> memref<1x80x128xf32, #tpu.memory_space<hbm>>
    %dma_start3A_267 = tpu.memref_squeeze %dma_start3A_266 : memref<1x80x128xf32, #tpu.memory_space<hbm>> -> memref<80x128xf32, #tpu.memory_space<hbm>>
    %dma_start3A_268 = arith.constant 0 : i32
    %dma_start3A_269 = tpu.memref_slice %arg5[%arg0, %add3A_264, %dma_start3A_268] : memref<2x10240x128xf32, #tpu.memory_space<hbm>> -> memref<1x80x128xf32, #tpu.memory_space<hbm>>
    %dma_start3A_270 = tpu.memref_squeeze %dma_start3A_269 : memref<1x80x128xf32, #tpu.memory_space<hbm>> -> memref<80x128xf32, #tpu.memory_space<hbm>>
    tpu.enqueue_dma source(%arg10 : memref<80x128xf32, #tpu.memory_space<vmem>>) target(%dma_start3A_270 : memref<80x128xf32, #tpu.memory_space<hbm>>) target_semaphore(%arg16 : memref<!tpu.dma_semaphore, #tpu.memory_space<semaphore_mem>>)
    %dma_wait3A_271 = arith.constant 0 : i32
    %dma_wait3A_272 = tpu.memref_slice %arg5[%arg0, %add3A_244, %dma_wait3A_271] : memref<2x10240x128xf32, #tpu.memory_space<hbm>> -> memref<1x80x128xf32, #tpu.memory_space<hbm>>
    %dma_wait3A_273 = tpu.memref_squeeze %dma_wait3A_272 : memref<1x80x128xf32, #tpu.memory_space<hbm>> -> memref<80x128xf32, #tpu.memory_space<hbm>>
    %dma_wait3A_274 = arith.constant 0 : i32
    %dma_wait3A_275 = tpu.memref_slice %arg5[%arg0, %add3A_244, %dma_wait3A_274] : memref<2x10240x128xf32, #tpu.memory_space<hbm>> -> memref<1x80x128xf32, #tpu.memory_space<hbm>>
    %dma_wait3A_276 = tpu.memref_squeeze %dma_wait3A_275 : memref<1x80x128xf32, #tpu.memory_space<hbm>> -> memref<80x128xf32, #tpu.memory_space<hbm>>
    tpu.wait_dma2 semaphore(%arg15 : memref<!tpu.dma_semaphore, #tpu.memory_space<semaphore_mem>>) src(%arg9 : memref<80x128xf32, #tpu.memory_space<vmem>>) dst(%dma_wait3A_276 : memref<80x128xf32, #tpu.memory_space<hbm>>)
    %mul3A_277 = arith.constant 640 : i32
    %mul3A_278 = arith.muli %arg1, %mul3A_277 : i32
    %add3A_279 = arith.constant 480 : i32
    %add3A_280 = arith.addi %mul3A_278, %add3A_279 : i32
    "tpu.region"() ({
      %run_scoped3A = tpu.sem_alloc : memref<!tpu.dma_semaphore, #tpu.memory_space<semaphore_mem>>
      %dma_start3A_323 = arith.constant 0 : i32
      %dma_start3A_324 = tpu.memref_slice %arg12[%add3A_280, %dma_start3A_323] : memref<10240x128xf32, #tpu.memory_space<vmem_shared>> -> memref<80x128xf32, #tpu.memory_space<vmem_shared>>
      %dma_start3A_325 = arith.constant 0 : i32
      %dma_start3A_326 = tpu.memref_slice %arg12[%add3A_280, %dma_start3A_325] : memref<10240x128xf32, #tpu.memory_space<vmem_shared>> -> memref<80x128xf32, #tpu.memory_space<vmem_shared>>
      tpu.enqueue_dma source(%dma_start3A_326 : memref<80x128xf32, #tpu.memory_space<vmem_shared>>) target(%arg9 : memref<80x128xf32, #tpu.memory_space<vmem>>) target_semaphore(%run_scoped3A : memref<!tpu.dma_semaphore, #tpu.memory_space<semaphore_mem>>)
      %dma_wait3A_327 = arith.constant 0 : i32
      %dma_wait3A_328 = tpu.memref_slice %arg12[%add3A_280, %dma_wait3A_327] : memref<10240x128xf32, #tpu.memory_space<vmem_shared>> -> memref<80x128xf32, #tpu.memory_space<vmem_shared>>
      %dma_wait3A_329 = arith.constant 0 : i32
      %dma_wait3A_330 = tpu.memref_slice %arg12[%add3A_280, %dma_wait3A_329] : memref<10240x128xf32, #tpu.memory_space<vmem_shared>> -> memref<80x128xf32, #tpu.memory_space<vmem_shared>>
      tpu.wait_dma2 semaphore(%run_scoped3A : memref<!tpu.dma_semaphore, #tpu.memory_space<semaphore_mem>>) src(%dma_wait3A_330 : memref<80x128xf32, #tpu.memory_space<vmem_shared>>) dst(%arg9 : memref<80x128xf32, #tpu.memory_space<vmem>>)
      tpu.yield
    }) : () -> ()
    %mul3A_281 = arith.constant 640 : i32
    %mul3A_282 = arith.muli %arg1, %mul3A_281 : i32
    %add3A_283 = arith.constant 480 : i32
    %add3A_284 = arith.addi %mul3A_282, %add3A_283 : i32
    %dma_start3A_285 = arith.constant 0 : i32
    %dma_start3A_286 = tpu.memref_slice %arg5[%arg0, %add3A_284, %dma_start3A_285] : memref<2x10240x128xf32, #tpu.memory_space<hbm>> -> memref<1x80x128xf32, #tpu.memory_space<hbm>>
    %dma_start3A_287 = tpu.memref_squeeze %dma_start3A_286 : memref<1x80x128xf32, #tpu.memory_space<hbm>> -> memref<80x128xf32, #tpu.memory_space<hbm>>
    %dma_start3A_288 = arith.constant 0 : i32
    %dma_start3A_289 = tpu.memref_slice %arg5[%arg0, %add3A_284, %dma_start3A_288] : memref<2x10240x128xf32, #tpu.memory_space<hbm>> -> memref<1x80x128xf32, #tpu.memory_space<hbm>>
    %dma_start3A_290 = tpu.memref_squeeze %dma_start3A_289 : memref<1x80x128xf32, #tpu.memory_space<hbm>> -> memref<80x128xf32, #tpu.memory_space<hbm>>
    tpu.enqueue_dma source(%arg9 : memref<80x128xf32, #tpu.memory_space<vmem>>) target(%dma_start3A_290 : memref<80x128xf32, #tpu.memory_space<hbm>>) target_semaphore(%arg15 : memref<!tpu.dma_semaphore, #tpu.memory_space<semaphore_mem>>)
    %dma_wait3A_291 = arith.constant 0 : i32
    %dma_wait3A_292 = tpu.memref_slice %arg5[%arg0, %add3A_264, %dma_wait3A_291] : memref<2x10240x128xf32, #tpu.memory_space<hbm>> -> memref<1x80x128xf32, #tpu.memory_space<hbm>>
    %dma_wait3A_293 = tpu.memref_squeeze %dma_wait3A_292 : memref<1x80x128xf32, #tpu.memory_space<hbm>> -> memref<80x128xf32, #tpu.memory_space<hbm>>
    %dma_wait3A_294 = arith.constant 0 : i32
    %dma_wait3A_295 = tpu.memref_slice %arg5[%arg0, %add3A_264, %dma_wait3A_294] : memref<2x10240x128xf32, #tpu.memory_space<hbm>> -> memref<1x80x128xf32, #tpu.memory_space<hbm>>
    %dma_wait3A_296 = tpu.memref_squeeze %dma_wait3A_295 : memref<1x80x128xf32, #tpu.memory_space<hbm>> -> memref<80x128xf32, #tpu.memory_space<hbm>>
    tpu.wait_dma2 semaphore(%arg16 : memref<!tpu.dma_semaphore, #tpu.memory_space<semaphore_mem>>) src(%arg10 : memref<80x128xf32, #tpu.memory_space<vmem>>) dst(%dma_wait3A_296 : memref<80x128xf32, #tpu.memory_space<hbm>>)
    %mul3A_297 = arith.constant 640 : i32
    %mul3A_298 = arith.muli %arg1, %mul3A_297 : i32
    %add3A_299 = arith.constant 560 : i32
    %add3A_300 = arith.addi %mul3A_298, %add3A_299 : i32
    "tpu.region"() ({
      %run_scoped3A = tpu.sem_alloc : memref<!tpu.dma_semaphore, #tpu.memory_space<semaphore_mem>>
      %dma_start3A_323 = arith.constant 0 : i32
      %dma_start3A_324 = tpu.memref_slice %arg12[%add3A_300, %dma_start3A_323] : memref<10240x128xf32, #tpu.memory_space<vmem_shared>> -> memref<80x128xf32, #tpu.memory_space<vmem_shared>>
      %dma_start3A_325 = arith.constant 0 : i32
      %dma_start3A_326 = tpu.memref_slice %arg12[%add3A_300, %dma_start3A_325] : memref<10240x128xf32, #tpu.memory_space<vmem_shared>> -> memref<80x128xf32, #tpu.memory_space<vmem_shared>>
      tpu.enqueue_dma source(%dma_start3A_326 : memref<80x128xf32, #tpu.memory_space<vmem_shared>>) target(%arg10 : memref<80x128xf32, #tpu.memory_space<vmem>>) target_semaphore(%run_scoped3A : memref<!tpu.dma_semaphore, #tpu.memory_space<semaphore_mem>>)
      %dma_wait3A_327 = arith.constant 0 : i32
      %dma_wait3A_328 = tpu.memref_slice %arg12[%add3A_300, %dma_wait3A_327] : memref<10240x128xf32, #tpu.memory_space<vmem_shared>> -> memref<80x128xf32, #tpu.memory_space<vmem_shared>>
      %dma_wait3A_329 = arith.constant 0 : i32
      %dma_wait3A_330 = tpu.memref_slice %arg12[%add3A_300, %dma_wait3A_329] : memref<10240x128xf32, #tpu.memory_space<vmem_shared>> -> memref<80x128xf32, #tpu.memory_space<vmem_shared>>
      tpu.wait_dma2 semaphore(%run_scoped3A : memref<!tpu.dma_semaphore, #tpu.memory_space<semaphore_mem>>) src(%dma_wait3A_330 : memref<80x128xf32, #tpu.memory_space<vmem_shared>>) dst(%arg10 : memref<80x128xf32, #tpu.memory_space<vmem>>)
      tpu.yield
    }) : () -> ()
    %mul3A_301 = arith.constant 640 : i32
    %mul3A_302 = arith.muli %arg1, %mul3A_301 : i32
    %add3A_303 = arith.constant 560 : i32
    %add3A_304 = arith.addi %mul3A_302, %add3A_303 : i32
    %dma_start3A_305 = arith.constant 0 : i32
    %dma_start3A_306 = tpu.memref_slice %arg5[%arg0, %add3A_304, %dma_start3A_305] : memref<2x10240x128xf32, #tpu.memory_space<hbm>> -> memref<1x80x128xf32, #tpu.memory_space<hbm>>
    %dma_start3A_307 = tpu.memref_squeeze %dma_start3A_306 : memref<1x80x128xf32, #tpu.memory_space<hbm>> -> memref<80x128xf32, #tpu.memory_space<hbm>>
    %dma_start3A_308 = arith.constant 0 : i32
    %dma_start3A_309 = tpu.memref_slice %arg5[%arg0, %add3A_304, %dma_start3A_308] : memref<2x10240x128xf32, #tpu.memory_space<hbm>> -> memref<1x80x128xf32, #tpu.memory_space<hbm>>
    %dma_start3A_310 = tpu.memref_squeeze %dma_start3A_309 : memref<1x80x128xf32, #tpu.memory_space<hbm>> -> memref<80x128xf32, #tpu.memory_space<hbm>>
    tpu.enqueue_dma source(%arg10 : memref<80x128xf32, #tpu.memory_space<vmem>>) target(%dma_start3A_310 : memref<80x128xf32, #tpu.memory_space<hbm>>) target_semaphore(%arg16 : memref<!tpu.dma_semaphore, #tpu.memory_space<semaphore_mem>>)
    %dma_wait3A_311 = arith.constant 0 : i32
    %dma_wait3A_312 = tpu.memref_slice %arg5[%arg0, %add3A_284, %dma_wait3A_311] : memref<2x10240x128xf32, #tpu.memory_space<hbm>> -> memref<1x80x128xf32, #tpu.memory_space<hbm>>
    %dma_wait3A_313 = tpu.memref_squeeze %dma_wait3A_312 : memref<1x80x128xf32, #tpu.memory_space<hbm>> -> memref<80x128xf32, #tpu.memory_space<hbm>>
    %dma_wait3A_314 = arith.constant 0 : i32
    %dma_wait3A_315 = tpu.memref_slice %arg5[%arg0, %add3A_284, %dma_wait3A_314] : memref<2x10240x128xf32, #tpu.memory_space<hbm>> -> memref<1x80x128xf32, #tpu.memory_space<hbm>>
    %dma_wait3A_316 = tpu.memref_squeeze %dma_wait3A_315 : memref<1x80x128xf32, #tpu.memory_space<hbm>> -> memref<80x128xf32, #tpu.memory_space<hbm>>
    tpu.wait_dma2 semaphore(%arg15 : memref<!tpu.dma_semaphore, #tpu.memory_space<semaphore_mem>>) src(%arg9 : memref<80x128xf32, #tpu.memory_space<vmem>>) dst(%dma_wait3A_316 : memref<80x128xf32, #tpu.memory_space<hbm>>)
    %dma_wait3A_317 = arith.constant 0 : i32
    %dma_wait3A_318 = tpu.memref_slice %arg5[%arg0, %add3A_304, %dma_wait3A_317] : memref<2x10240x128xf32, #tpu.memory_space<hbm>> -> memref<1x80x128xf32, #tpu.memory_space<hbm>>
    %dma_wait3A_319 = tpu.memref_squeeze %dma_wait3A_318 : memref<1x80x128xf32, #tpu.memory_space<hbm>> -> memref<80x128xf32, #tpu.memory_space<hbm>>
    %dma_wait3A_320 = arith.constant 0 : i32
    %dma_wait3A_321 = tpu.memref_slice %arg5[%arg0, %add3A_304, %dma_wait3A_320] : memref<2x10240x128xf32, #tpu.memory_space<hbm>> -> memref<1x80x128xf32, #tpu.memory_space<hbm>>
    %dma_wait3A_322 = tpu.memref_squeeze %dma_wait3A_321 : memref<1x80x128xf32, #tpu.memory_space<hbm>> -> memref<80x128xf32, #tpu.memory_space<hbm>>
    tpu.wait_dma2 semaphore(%arg16 : memref<!tpu.dma_semaphore, #tpu.memory_space<semaphore_mem>>) src(%arg10 : memref<80x128xf32, #tpu.memory_space<vmem>>) dst(%dma_wait3A_322 : memref<80x128xf32, #tpu.memory_space<hbm>>)
    return
  }
}

#map = affine_map<(d0, d1) -> (0)>
#map1 = affine_map<(d0, d1) -> (0, 0)>
module attributes {stable_mosaic.version = 14 : i64} {
  func.func @_deg_kernel(%arg0: i32, %arg1: i32, %arg2: memref<320000xi32, #tpu.memory_space<hbm>>, %arg3: memref<2x10240xf32, #tpu.memory_space<hbm>>, %arg4: memref<10000xi32, #tpu.memory_space<vmem>>, %arg5: memref<10240xf32, #tpu.memory_space<vmem>>, %arg6: memref<16x640xf32, #tpu.memory_space<vmem>>, %arg7: memref<16x10240xf32, #tpu.memory_space<vmem_shared>>, %arg8: memref<!tpu.dma_semaphore, #tpu.memory_space<semaphore_mem>>) attributes {dimension_semantics = [#tpu.dimension_semantics<core_parallel>, #tpu.dimension_semantics<subcore_parallel>], iteration_bounds = array<i64: 2, 16>, scalar_prefetch = 0 : i64, scratch_operands = 5 : i64, tpu.core_type = #tpu.core_type<sc_vector_subcore>, window_params = [{transform_indices = #map}, {transform_indices = #map1}]} {
    %mul3A = arith.constant 16 : i32
    %mul3A_0 = arith.muli %arg0, %mul3A : i32
    %add3A = arith.addi %mul3A_0, %arg1 : i32
    %mul3A_1 = arith.constant 10000 : i32
    %mul3A_2 = arith.muli %add3A, %mul3A_1 : i32
    %dma_start3A = tpu.memref_slice %arg2[%mul3A_2] : memref<320000xi32, #tpu.memory_space<hbm>> -> memref<10000xi32, #tpu.memory_space<hbm>>
    %dma_start3A_3 = tpu.memref_slice %arg2[%mul3A_2] : memref<320000xi32, #tpu.memory_space<hbm>> -> memref<10000xi32, #tpu.memory_space<hbm>>
    tpu.enqueue_dma source(%dma_start3A_3 : memref<10000xi32, #tpu.memory_space<hbm>>) target(%arg4 : memref<10000xi32, #tpu.memory_space<vmem>>) target_semaphore(%arg8 : memref<!tpu.dma_semaphore, #tpu.memory_space<semaphore_mem>>)
    %broadcast_in_dim3A = arith.constant 0.000000e+00 : f32
    %broadcast_in_dim3A_4 = vector.broadcast %broadcast_in_dim3A : f32 to vector<16xf32>
    %broadcast_in_dim3A_5 = arith.constant 1.000000e+00 : f32
    %broadcast_in_dim3A_6 = vector.broadcast %broadcast_in_dim3A_5 : f32 to vector<16xf32>
    %scan3A = arith.constant 0 : i32
    %scan3A_7 = arith.constant 0 : i32
    %scan3A_8 = arith.constant 640 : i32
    %scan3A_9 = arith.addi %scan3A_7, %scan3A_8 : i32
    %scan3A_10 = arith.constant 1 : i32
    %scan3A_11 = scf.for %scan3A_32 = %scan3A_7 to %scan3A_9 step %scan3A_10 iter_args(%scan3A_33 = %scan3A) -> (i32)  : i32 {
      %mul3A_34 = arith.constant 16 : i32
      %mul3A_35 = arith.muli %scan3A_32, %mul3A_34 : i32
      %swap3A = arith.index_cast %mul3A_35 : i32 to index
      %swap3A_36 = tpu.vector_load %arg5[%swap3A] {strides = array<i32>} : memref<10240xf32, #tpu.memory_space<vmem>>, vector<16xf32>,
      tpu.vector_store %arg5[%swap3A], %broadcast_in_dim3A_4 {strides = array<i32>} : memref<10240xf32, #tpu.memory_space<vmem>>, vector<16xf32>,
      %scan3A_37 = arith.constant 0 : i32
      scf.yield %scan3A_37 : i32
    }
    %scan3A_12 = arith.constant 640 : i32
    %dma_wait3A = tpu.memref_slice %arg2[%mul3A_2] : memref<320000xi32, #tpu.memory_space<hbm>> -> memref<10000xi32, #tpu.memory_space<hbm>>
    %dma_wait3A_13 = tpu.memref_slice %arg2[%mul3A_2] : memref<320000xi32, #tpu.memory_space<hbm>> -> memref<10000xi32, #tpu.memory_space<hbm>>
    tpu.wait_dma2 semaphore(%arg8 : memref<!tpu.dma_semaphore, #tpu.memory_space<semaphore_mem>>) src(%dma_wait3A_13 : memref<10000xi32, #tpu.memory_space<hbm>>) dst(%arg4 : memref<10000xi32, #tpu.memory_space<vmem>>)
    %scan3A_14 = arith.constant 0 : i32
    %scan3A_15 = arith.constant 0 : i32
    %scan3A_16 = arith.constant 625 : i32
    %scan3A_17 = arith.addi %scan3A_15, %scan3A_16 : i32
    %scan3A_18 = arith.constant 1 : i32
    %scan3A_19 = scf.for %scan3A_32 = %scan3A_15 to %scan3A_17 step %scan3A_18 iter_args(%scan3A_33 = %scan3A_14) -> (i32)  : i32 {
      %mul3A_34 = arith.constant 16 : i32
      %mul3A_35 = arith.muli %scan3A_32, %mul3A_34 : i32
      %get3A = arith.index_cast %mul3A_35 : i32 to index
      %get3A_36 = tpu.vector_load %arg4[%get3A] {strides = array<i32>} : memref<10000xi32, #tpu.memory_space<vmem>>, vector<16xi32>,
      tpu.vector_store_idx %arg5[%get3A_36], %broadcast_in_dim3A_6 {add = true} : memref<10240xf32, #tpu.memory_space<vmem>>[vector<16xi32>], vector<16xf32>,
      %scan3A_37 = arith.constant 0 : i32
      scf.yield %scan3A_37 : i32
    }
    %scan3A_20 = arith.constant 625 : i32
    "tpu.region"() ({
      %run_scoped3A = tpu.sem_alloc : memref<!tpu.dma_semaphore, #tpu.memory_space<semaphore_mem>>
      %dma_start3A_32 = arith.constant 0 : i32
      %dma_start3A_33 = tpu.memref_slice %arg7[%arg1, %dma_start3A_32] : memref<16x10240xf32, #tpu.memory_space<vmem_shared>> -> memref<1x10240xf32, #tpu.memory_space<vmem_shared>>
      %dma_start3A_34 = tpu.memref_squeeze %dma_start3A_33 : memref<1x10240xf32, #tpu.memory_space<vmem_shared>> -> memref<10240xf32, #tpu.memory_space<vmem_shared>>
      %dma_start3A_35 = arith.constant 0 : i32
      %dma_start3A_36 = tpu.memref_slice %arg7[%arg1, %dma_start3A_35] : memref<16x10240xf32, #tpu.memory_space<vmem_shared>> -> memref<1x10240xf32, #tpu.memory_space<vmem_shared>>
      %dma_start3A_37 = tpu.memref_squeeze %dma_start3A_36 : memref<1x10240xf32, #tpu.memory_space<vmem_shared>> -> memref<10240xf32, #tpu.memory_space<vmem_shared>>
      tpu.enqueue_dma source(%arg5 : memref<10240xf32, #tpu.memory_space<vmem>>) target(%dma_start3A_37 : memref<10240xf32, #tpu.memory_space<vmem_shared>>) target_semaphore(%run_scoped3A : memref<!tpu.dma_semaphore, #tpu.memory_space<semaphore_mem>>)
      %dma_wait3A_38 = arith.constant 0 : i32
      %dma_wait3A_39 = tpu.memref_slice %arg7[%arg1, %dma_wait3A_38] : memref<16x10240xf32, #tpu.memory_space<vmem_shared>> -> memref<1x10240xf32, #tpu.memory_space<vmem_shared>>
      %dma_wait3A_40 = tpu.memref_squeeze %dma_wait3A_39 : memref<1x10240xf32, #tpu.memory_space<vmem_shared>> -> memref<10240xf32, #tpu.memory_space<vmem_shared>>
      %dma_wait3A_41 = arith.constant 0 : i32
      %dma_wait3A_42 = tpu.memref_slice %arg7[%arg1, %dma_wait3A_41] : memref<16x10240xf32, #tpu.memory_space<vmem_shared>> -> memref<1x10240xf32, #tpu.memory_space<vmem_shared>>
      %dma_wait3A_43 = tpu.memref_squeeze %dma_wait3A_42 : memref<1x10240xf32, #tpu.memory_space<vmem_shared>> -> memref<10240xf32, #tpu.memory_space<vmem_shared>>
      tpu.wait_dma2 semaphore(%run_scoped3A : memref<!tpu.dma_semaphore, #tpu.memory_space<semaphore_mem>>) src(%arg5 : memref<10240xf32, #tpu.memory_space<vmem>>) dst(%dma_wait3A_43 : memref<10240xf32, #tpu.memory_space<vmem_shared>>)
      tpu.yield
    }) : () -> ()
    %barrier3A = arith.constant 0 : index
    tpu.barrier barrier_id(%barrier3A)
    %mul3A_21 = arith.constant 640 : i32
    %mul3A_22 = arith.muli %arg1, %mul3A_21 : i32
    "tpu.region"() ({
      %run_scoped3A = tpu.sem_alloc : memref<!tpu.dma_semaphore, #tpu.memory_space<semaphore_mem>>
      %dma_start3A_32 = arith.constant 0 : i32
      %dma_start3A_33 = tpu.memref_slice %arg7[%dma_start3A_32, %mul3A_22] : memref<16x10240xf32, #tpu.memory_space<vmem_shared>> -> memref<16x640xf32, #tpu.memory_space<vmem_shared>>
      %dma_start3A_34 = arith.constant 0 : i32
      %dma_start3A_35 = tpu.memref_slice %arg7[%dma_start3A_34, %mul3A_22] : memref<16x10240xf32, #tpu.memory_space<vmem_shared>> -> memref<16x640xf32, #tpu.memory_space<vmem_shared>>
      tpu.enqueue_dma source(%dma_start3A_35 : memref<16x640xf32, #tpu.memory_space<vmem_shared>>) target(%arg6 : memref<16x640xf32, #tpu.memory_space<vmem>>) target_semaphore(%run_scoped3A : memref<!tpu.dma_semaphore, #tpu.memory_space<semaphore_mem>>)
      %dma_wait3A_36 = arith.constant 0 : i32
      %dma_wait3A_37 = tpu.memref_slice %arg7[%dma_wait3A_36, %mul3A_22] : memref<16x10240xf32, #tpu.memory_space<vmem_shared>> -> memref<16x640xf32, #tpu.memory_space<vmem_shared>>
      %dma_wait3A_38 = arith.constant 0 : i32
      %dma_wait3A_39 = tpu.memref_slice %arg7[%dma_wait3A_38, %mul3A_22] : memref<16x10240xf32, #tpu.memory_space<vmem_shared>> -> memref<16x640xf32, #tpu.memory_space<vmem_shared>>
      tpu.wait_dma2 semaphore(%run_scoped3A : memref<!tpu.dma_semaphore, #tpu.memory_space<semaphore_mem>>) src(%dma_wait3A_39 : memref<16x640xf32, #tpu.memory_space<vmem_shared>>) dst(%arg6 : memref<16x640xf32, #tpu.memory_space<vmem>>)
      tpu.yield
    }) : () -> ()
    %scan3A_23 = arith.constant 0 : i32
    %scan3A_24 = arith.constant 0 : i32
    %scan3A_25 = arith.constant 40 : i32
    %scan3A_26 = arith.addi %scan3A_24, %scan3A_25 : i32
    %scan3A_27 = arith.constant 1 : i32
    %scan3A_28 = scf.for %scan3A_32 = %scan3A_24 to %scan3A_26 step %scan3A_27 iter_args(%scan3A_33 = %scan3A_23) -> (i32)  : i32 {
      %mul3A_34 = arith.constant 16 : i32
      %mul3A_35 = arith.muli %scan3A_32, %mul3A_34 : i32
      %get3A = arith.constant 0 : i32
      %get3A_36 = arith.index_cast %get3A : i32 to index
      %get3A_37 = arith.index_cast %mul3A_35 : i32 to index
      %get3A_38 = tpu.vector_load %arg6[%get3A_36, %get3A_37] {strides = array<i32>} : memref<16x640xf32, #tpu.memory_space<vmem>>, vector<16xf32>,
      %add3A_39 = arith.addf %broadcast_in_dim3A_4, %get3A_38 : vector<16xf32>
      %mul3A_40 = arith.constant 16 : i32
      %mul3A_41 = arith.muli %scan3A_32, %mul3A_40 : i32
      %get3A_42 = arith.constant 1 : i32
      %get3A_43 = arith.index_cast %get3A_42 : i32 to index
      %get3A_44 = arith.index_cast %mul3A_41 : i32 to index
      %get3A_45 = tpu.vector_load %arg6[%get3A_43, %get3A_44] {strides = array<i32>} : memref<16x640xf32, #tpu.memory_space<vmem>>, vector<16xf32>,
      %add3A_46 = arith.addf %add3A_39, %get3A_45 : vector<16xf32>
      %mul3A_47 = arith.constant 16 : i32
      %mul3A_48 = arith.muli %scan3A_32, %mul3A_47 : i32
      %get3A_49 = arith.constant 2 : i32
      %get3A_50 = arith.index_cast %get3A_49 : i32 to index
      %get3A_51 = arith.index_cast %mul3A_48 : i32 to index
      %get3A_52 = tpu.vector_load %arg6[%get3A_50, %get3A_51] {strides = array<i32>} : memref<16x640xf32, #tpu.memory_space<vmem>>, vector<16xf32>,
      %add3A_53 = arith.addf %add3A_46, %get3A_52 : vector<16xf32>
      %mul3A_54 = arith.constant 16 : i32
      %mul3A_55 = arith.muli %scan3A_32, %mul3A_54 : i32
      %get3A_56 = arith.constant 3 : i32
      %get3A_57 = arith.index_cast %get3A_56 : i32 to index
      %get3A_58 = arith.index_cast %mul3A_55 : i32 to index
      %get3A_59 = tpu.vector_load %arg6[%get3A_57, %get3A_58] {strides = array<i32>} : memref<16x640xf32, #tpu.memory_space<vmem>>, vector<16xf32>,
      %add3A_60 = arith.addf %add3A_53, %get3A_59 : vector<16xf32>
      %mul3A_61 = arith.constant 16 : i32
      %mul3A_62 = arith.muli %scan3A_32, %mul3A_61 : i32
      %get3A_63 = arith.constant 4 : i32
      %get3A_64 = arith.index_cast %get3A_63 : i32 to index
      %get3A_65 = arith.index_cast %mul3A_62 : i32 to index
      %get3A_66 = tpu.vector_load %arg6[%get3A_64, %get3A_65] {strides = array<i32>} : memref<16x640xf32, #tpu.memory_space<vmem>>, vector<16xf32>,
      %add3A_67 = arith.addf %add3A_60, %get3A_66 : vector<16xf32>
      %mul3A_68 = arith.constant 16 : i32
      %mul3A_69 = arith.muli %scan3A_32, %mul3A_68 : i32
      %get3A_70 = arith.constant 5 : i32
      %get3A_71 = arith.index_cast %get3A_70 : i32 to index
      %get3A_72 = arith.index_cast %mul3A_69 : i32 to index
      %get3A_73 = tpu.vector_load %arg6[%get3A_71, %get3A_72] {strides = array<i32>} : memref<16x640xf32, #tpu.memory_space<vmem>>, vector<16xf32>,
      %add3A_74 = arith.addf %add3A_67, %get3A_73 : vector<16xf32>
      %mul3A_75 = arith.constant 16 : i32
      %mul3A_76 = arith.muli %scan3A_32, %mul3A_75 : i32
      %get3A_77 = arith.constant 6 : i32
      %get3A_78 = arith.index_cast %get3A_77 : i32 to index
      %get3A_79 = arith.index_cast %mul3A_76 : i32 to index
      %get3A_80 = tpu.vector_load %arg6[%get3A_78, %get3A_79] {strides = array<i32>} : memref<16x640xf32, #tpu.memory_space<vmem>>, vector<16xf32>,
      %add3A_81 = arith.addf %add3A_74, %get3A_80 : vector<16xf32>
      %mul3A_82 = arith.constant 16 : i32
      %mul3A_83 = arith.muli %scan3A_32, %mul3A_82 : i32
      %get3A_84 = arith.constant 7 : i32
      %get3A_85 = arith.index_cast %get3A_84 : i32 to index
      %get3A_86 = arith.index_cast %mul3A_83 : i32 to index
      %get3A_87 = tpu.vector_load %arg6[%get3A_85, %get3A_86] {strides = array<i32>} : memref<16x640xf32, #tpu.memory_space<vmem>>, vector<16xf32>,
      %add3A_88 = arith.addf %add3A_81, %get3A_87 : vector<16xf32>
      %mul3A_89 = arith.constant 16 : i32
      %mul3A_90 = arith.muli %scan3A_32, %mul3A_89 : i32
      %get3A_91 = arith.constant 8 : i32
      %get3A_92 = arith.index_cast %get3A_91 : i32 to index
      %get3A_93 = arith.index_cast %mul3A_90 : i32 to index
      %get3A_94 = tpu.vector_load %arg6[%get3A_92, %get3A_93] {strides = array<i32>} : memref<16x640xf32, #tpu.memory_space<vmem>>, vector<16xf32>,
      %add3A_95 = arith.addf %add3A_88, %get3A_94 : vector<16xf32>
      %mul3A_96 = arith.constant 16 : i32
      %mul3A_97 = arith.muli %scan3A_32, %mul3A_96 : i32
      %get3A_98 = arith.constant 9 : i32
      %get3A_99 = arith.index_cast %get3A_98 : i32 to index
      %get3A_100 = arith.index_cast %mul3A_97 : i32 to index
      %get3A_101 = tpu.vector_load %arg6[%get3A_99, %get3A_100] {strides = array<i32>} : memref<16x640xf32, #tpu.memory_space<vmem>>, vector<16xf32>,
      %add3A_102 = arith.addf %add3A_95, %get3A_101 : vector<16xf32>
      %mul3A_103 = arith.constant 16 : i32
      %mul3A_104 = arith.muli %scan3A_32, %mul3A_103 : i32
      %get3A_105 = arith.constant 10 : i32
      %get3A_106 = arith.index_cast %get3A_105 : i32 to index
      %get3A_107 = arith.index_cast %mul3A_104 : i32 to index
      %get3A_108 = tpu.vector_load %arg6[%get3A_106, %get3A_107] {strides = array<i32>} : memref<16x640xf32, #tpu.memory_space<vmem>>, vector<16xf32>,
      %add3A_109 = arith.addf %add3A_102, %get3A_108 : vector<16xf32>
      %mul3A_110 = arith.constant 16 : i32
      %mul3A_111 = arith.muli %scan3A_32, %mul3A_110 : i32
      %get3A_112 = arith.constant 11 : i32
      %get3A_113 = arith.index_cast %get3A_112 : i32 to index
      %get3A_114 = arith.index_cast %mul3A_111 : i32 to index
      %get3A_115 = tpu.vector_load %arg6[%get3A_113, %get3A_114] {strides = array<i32>} : memref<16x640xf32, #tpu.memory_space<vmem>>, vector<16xf32>,
      %add3A_116 = arith.addf %add3A_109, %get3A_115 : vector<16xf32>
      %mul3A_117 = arith.constant 16 : i32
      %mul3A_118 = arith.muli %scan3A_32, %mul3A_117 : i32
      %get3A_119 = arith.constant 12 : i32
      %get3A_120 = arith.index_cast %get3A_119 : i32 to index
      %get3A_121 = arith.index_cast %mul3A_118 : i32 to index
      %get3A_122 = tpu.vector_load %arg6[%get3A_120, %get3A_121] {strides = array<i32>} : memref<16x640xf32, #tpu.memory_space<vmem>>, vector<16xf32>,
      %add3A_123 = arith.addf %add3A_116, %get3A_122 : vector<16xf32>
      %mul3A_124 = arith.constant 16 : i32
      %mul3A_125 = arith.muli %scan3A_32, %mul3A_124 : i32
      %get3A_126 = arith.constant 13 : i32
      %get3A_127 = arith.index_cast %get3A_126 : i32 to index
      %get3A_128 = arith.index_cast %mul3A_125 : i32 to index
      %get3A_129 = tpu.vector_load %arg6[%get3A_127, %get3A_128] {strides = array<i32>} : memref<16x640xf32, #tpu.memory_space<vmem>>, vector<16xf32>,
      %add3A_130 = arith.addf %add3A_123, %get3A_129 : vector<16xf32>
      %mul3A_131 = arith.constant 16 : i32
      %mul3A_132 = arith.muli %scan3A_32, %mul3A_131 : i32
      %get3A_133 = arith.constant 14 : i32
      %get3A_134 = arith.index_cast %get3A_133 : i32 to index
      %get3A_135 = arith.index_cast %mul3A_132 : i32 to index
      %get3A_136 = tpu.vector_load %arg6[%get3A_134, %get3A_135] {strides = array<i32>} : memref<16x640xf32, #tpu.memory_space<vmem>>, vector<16xf32>,
      %add3A_137 = arith.addf %add3A_130, %get3A_136 : vector<16xf32>
      %mul3A_138 = arith.constant 16 : i32
      %mul3A_139 = arith.muli %scan3A_32, %mul3A_138 : i32
      %get3A_140 = arith.constant 15 : i32
      %get3A_141 = arith.index_cast %get3A_140 : i32 to index
      %get3A_142 = arith.index_cast %mul3A_139 : i32 to index
      %get3A_143 = tpu.vector_load %arg6[%get3A_141, %get3A_142] {strides = array<i32>} : memref<16x640xf32, #tpu.memory_space<vmem>>, vector<16xf32>,
      %add3A_144 = arith.addf %add3A_137, %get3A_143 : vector<16xf32>
      %mul3A_145 = arith.constant 16 : i32
      %mul3A_146 = arith.muli %scan3A_32, %mul3A_145 : i32
      %swap3A = arith.index_cast %mul3A_146 : i32 to index
      %swap3A_147 = tpu.vector_load %arg5[%swap3A] {strides = array<i32>} : memref<10240xf32, #tpu.memory_space<vmem>>, vector<16xf32>,
      tpu.vector_store %arg5[%swap3A], %add3A_144 {strides = array<i32>} : memref<10240xf32, #tpu.memory_space<vmem>>, vector<16xf32>,
      %scan3A_148 = arith.constant 0 : i32
      scf.yield %scan3A_148 : i32
    }
    %scan3A_29 = arith.constant 40 : i32
    %mul3A_30 = arith.constant 640 : i32
    %mul3A_31 = arith.muli %arg1, %mul3A_30 : i32
    "tpu.region"() ({
      %run_scoped3A = tpu.sem_alloc : memref<!tpu.dma_semaphore, #tpu.memory_space<semaphore_mem>>
      %dma_start3A_32 = arith.constant 0 : i32
      %dma_start3A_33 = tpu.memref_slice %arg5[%dma_start3A_32] : memref<10240xf32, #tpu.memory_space<vmem>> -> memref<640xf32, #tpu.memory_space<vmem>>
      %dma_start3A_34 = tpu.memref_slice %arg3[%arg0, %mul3A_31] : memref<2x10240xf32, #tpu.memory_space<hbm>> -> memref<1x640xf32, #tpu.memory_space<hbm>>
      %dma_start3A_35 = tpu.memref_squeeze %dma_start3A_34 : memref<1x640xf32, #tpu.memory_space<hbm>> -> memref<640xf32, #tpu.memory_space<hbm>>
      %dma_start3A_36 = tpu.memref_slice %arg3[%arg0, %mul3A_31] : memref<2x10240xf32, #tpu.memory_space<hbm>> -> memref<1x640xf32, #tpu.memory_space<hbm>>
      %dma_start3A_37 = tpu.memref_squeeze %dma_start3A_36 : memref<1x640xf32, #tpu.memory_space<hbm>> -> memref<640xf32, #tpu.memory_space<hbm>>
      %dma_start3A_38 = arith.constant 0 : i32
      %dma_start3A_39 = tpu.memref_slice %arg5[%dma_start3A_38] : memref<10240xf32, #tpu.memory_space<vmem>> -> memref<640xf32, #tpu.memory_space<vmem>>
      tpu.enqueue_dma source(%dma_start3A_39 : memref<640xf32, #tpu.memory_space<vmem>>) target(%dma_start3A_37 : memref<640xf32, #tpu.memory_space<hbm>>) target_semaphore(%run_scoped3A : memref<!tpu.dma_semaphore, #tpu.memory_space<semaphore_mem>>)
      %dma_wait3A_40 = arith.constant 0 : i32
      %dma_wait3A_41 = tpu.memref_slice %arg5[%dma_wait3A_40] : memref<10240xf32, #tpu.memory_space<vmem>> -> memref<640xf32, #tpu.memory_space<vmem>>
      %dma_wait3A_42 = tpu.memref_slice %arg3[%arg0, %mul3A_31] : memref<2x10240xf32, #tpu.memory_space<hbm>> -> memref<1x640xf32, #tpu.memory_space<hbm>>
      %dma_wait3A_43 = tpu.memref_squeeze %dma_wait3A_42 : memref<1x640xf32, #tpu.memory_space<hbm>> -> memref<640xf32, #tpu.memory_space<hbm>>
      %dma_wait3A_44 = tpu.memref_slice %arg3[%arg0, %mul3A_31] : memref<2x10240xf32, #tpu.memory_space<hbm>> -> memref<1x640xf32, #tpu.memory_space<hbm>>
      %dma_wait3A_45 = tpu.memref_squeeze %dma_wait3A_44 : memref<1x640xf32, #tpu.memory_space<hbm>> -> memref<640xf32, #tpu.memory_space<hbm>>
      %dma_wait3A_46 = arith.constant 0 : i32
      %dma_wait3A_47 = tpu.memref_slice %arg5[%dma_wait3A_46] : memref<10240xf32, #tpu.memory_space<vmem>> -> memref<640xf32, #tpu.memory_space<vmem>>
      tpu.wait_dma2 semaphore(%run_scoped3A : memref<!tpu.dma_semaphore, #tpu.memory_space<semaphore_mem>>) src(%dma_wait3A_47 : memref<640xf32, #tpu.memory_space<vmem>>) dst(%dma_wait3A_45 : memref<640xf32, #tpu.memory_space<hbm>>)
      tpu.yield
    }) : () -> ()
    return
  }
}

#map = affine_map<(d0, d1) -> (0, 0)>
#map1 = affine_map<(d0, d1) -> (0)>
#map2 = affine_map<(d0, d1) -> (0, 0, 0)>
module attributes {stable_mosaic.version = 14 : i64} {
  func.func @_agg_kernel(%arg0: i32, %arg1: i32, %arg2: memref<10240x128xf32, #tpu.memory_space<hbm>>, %arg3: memref<320000xi32, #tpu.memory_space<hbm>>, %arg4: memref<320000xi32, #tpu.memory_space<hbm>>, %arg5: memref<2x10240x128xf32, #tpu.memory_space<hbm>>, %arg6: memref<10000xi32, #tpu.memory_space<vmem>>, %arg7: memref<80xi32, #tpu.memory_space<vmem>>, %arg8: memref<80xi32, #tpu.memory_space<vmem>>, %arg9: memref<80x128xf32, #tpu.memory_space<vmem>>, %arg10: memref<80x128xf32, #tpu.memory_space<vmem>>, %arg11: memref<128x128xf32, #tpu.memory_space<vmem>>, %arg12: memref<10240x128xf32, #tpu.memory_space<vmem_shared>>, %arg13: memref<!tpu.dma_semaphore, #tpu.memory_space<semaphore_mem>>, %arg14: memref<!tpu.dma_semaphore, #tpu.memory_space<semaphore_mem>>, %arg15: memref<!tpu.dma_semaphore, #tpu.memory_space<semaphore_mem>>, %arg16: memref<!tpu.dma_semaphore, #tpu.memory_space<semaphore_mem>>, %arg17: memref<!tpu.dma_semaphore, #tpu.memory_space<semaphore_mem>>, %arg18: memref<!tpu.dma_semaphore, #tpu.memory_space<semaphore_mem>>) attributes {dimension_semantics = [#tpu.dimension_semantics<core_parallel>, #tpu.dimension_semantics<subcore_parallel>], iteration_bounds = array<i64: 2, 16>, scalar_prefetch = 0 : i64, scratch_operands = 13 : i64, tpu.core_type = #tpu.core_type<sc_vector_subcore>, window_params = [{transform_indices = #map}, {transform_indices = #map1}, {transform_indices = #map1}, {transform_indices = #map2}]} {
    %mul3A = arith.constant 16 : i32
    %mul3A_0 = arith.muli %arg0, %mul3A : i32
    %add3A = arith.addi %mul3A_0, %arg1 : i32
    %mul3A_1 = arith.constant 10000 : i32
    %mul3A_2 = arith.muli %add3A, %mul3A_1 : i32
    %dma_start3A = tpu.memref_slice %arg3[%mul3A_2] : memref<320000xi32, #tpu.memory_space<hbm>> -> memref<10000xi32, #tpu.memory_space<hbm>>
    %dma_start3A_3 = tpu.memref_slice %arg3[%mul3A_2] : memref<320000xi32, #tpu.memory_space<hbm>> -> memref<10000xi32, #tpu.memory_space<hbm>>
    tpu.enqueue_dma source(%dma_start3A_3 : memref<10000xi32, #tpu.memory_space<hbm>>) target(%arg6 : memref<10000xi32, #tpu.memory_space<vmem>>) target_semaphore(%arg13 : memref<!tpu.dma_semaphore, #tpu.memory_space<semaphore_mem>>)
    %broadcast_in_dim3A = arith.constant 0.000000e+00 : f32
    %broadcast_in_dim3A_4 = vector.broadcast %broadcast_in_dim3A : f32 to vector<16xf32>
    %scan3A = arith.constant 0 : i32
    %scan3A_5 = arith.constant 0 : i32
    %scan3A_6 = arith.constant 128 : i32
    %scan3A_7 = arith.addi %scan3A_5, %scan3A_6 : i32
    %scan3A_8 = arith.constant 1 : i32
    %scan3A_9 = scf.for %scan3A_323 = %scan3A_5 to %scan3A_7 step %scan3A_8 iter_args(%scan3A_324 = %scan3A) -> (i32)  : i32 {
      %swap3A = arith.index_cast %scan3A_323 : i32 to index
      %swap3A_325 = arith.constant 0 : index
      %swap3A_326 = tpu.vector_load %arg11[%swap3A, %swap3A_325] {strides = array<i32>} : memref<128x128xf32, #tpu.memory_space<vmem>>, vector<1x16xf32>,
      %swap3A_327 = vector.shape_cast %swap3A_326 : vector<1x16xf32> to vector<16xf32>
      %swap3A_328 = vector.shape_cast %broadcast_in_dim3A_4 : vector<16xf32> to vector<1x16xf32>
      tpu.vector_store %arg11[%swap3A, %swap3A_325], %swap3A_328 {strides = array<i32>} : memref<128x128xf32, #tpu.memory_space<vmem>>, vector<1x16xf32>,
      %swap3A_329 = arith.index_cast %scan3A_323 : i32 to index
      %swap3A_330 = arith.constant 16 : index
      %swap3A_331 = tpu.vector_load %arg11[%swap3A_329, %swap3A_330] {strides = array<i32>} : memref<128x128xf32, #tpu.memory_space<vmem>>, vector<1x16xf32>,
      %swap3A_332 = vector.shape_cast %swap3A_331 : vector<1x16xf32> to vector<16xf32>
      %swap3A_333 = vector.shape_cast %broadcast_in_dim3A_4 : vector<16xf32> to vector<1x16xf32>
      tpu.vector_store %arg11[%swap3A_329, %swap3A_330], %swap3A_333 {strides = array<i32>} : memref<128x128xf32, #tpu.memory_space<vmem>>, vector<1x16xf32>,
      %swap3A_334 = arith.index_cast %scan3A_323 : i32 to index
      %swap3A_335 = arith.constant 32 : index
      %swap3A_336 = tpu.vector_load %arg11[%swap3A_334, %swap3A_335] {strides = array<i32>} : memref<128x128xf32, #tpu.memory_space<vmem>>, vector<1x16xf32>,
      %swap3A_337 = vector.shape_cast %swap3A_336 : vector<1x16xf32> to vector<16xf32>
      %swap3A_338 = vector.shape_cast %broadcast_in_dim3A_4 : vector<16xf32> to vector<1x16xf32>
      tpu.vector_store %arg11[%swap3A_334, %swap3A_335], %swap3A_338 {strides = array<i32>} : memref<128x128xf32, #tpu.memory_space<vmem>>, vector<1x16xf32>,
      %swap3A_339 = arith.index_cast %scan3A_323 : i32 to index
      %swap3A_340 = arith.constant 48 : index
      %swap3A_341 = tpu.vector_load %arg11[%swap3A_339, %swap3A_340] {strides = array<i32>} : memref<128x128xf32, #tpu.memory_space<vmem>>, vector<1x16xf32>,
      %swap3A_342 = vector.shape_cast %swap3A_341 : vector<1x16xf32> to vector<16xf32>
      %swap3A_343 = vector.shape_cast %broadcast_in_dim3A_4 : vector<16xf32> to vector<1x16xf32>
      tpu.vector_store %arg11[%swap3A_339, %swap3A_340], %swap3A_343 {strides = array<i32>} : memref<128x128xf32, #tpu.memory_space<vmem>>, vector<1x16xf32>,
      %swap3A_344 = arith.index_cast %scan3A_323 : i32 to index
      %swap3A_345 = arith.constant 64 : index
      %swap3A_346 = tpu.vector_load %arg11[%swap3A_344, %swap3A_345] {strides = array<i32>} : memref<128x128xf32, #tpu.memory_space<vmem>>, vector<1x16xf32>,
      %swap3A_347 = vector.shape_cast %swap3A_346 : vector<1x16xf32> to vector<16xf32>
      %swap3A_348 = vector.shape_cast %broadcast_in_dim3A_4 : vector<16xf32> to vector<1x16xf32>
      tpu.vector_store %arg11[%swap3A_344, %swap3A_345], %swap3A_348 {strides = array<i32>} : memref<128x128xf32, #tpu.memory_space<vmem>>, vector<1x16xf32>,
      %swap3A_349 = arith.index_cast %scan3A_323 : i32 to index
      %swap3A_350 = arith.constant 80 : index
      %swap3A_351 = tpu.vector_load %arg11[%swap3A_349, %swap3A_350] {strides = array<i32>} : memref<128x128xf32, #tpu.memory_space<vmem>>, vector<1x16xf32>,
      %swap3A_352 = vector.shape_cast %swap3A_351 : vector<1x16xf32> to vector<16xf32>
      %swap3A_353 = vector.shape_cast %broadcast_in_dim3A_4 : vector<16xf32> to vector<1x16xf32>
      tpu.vector_store %arg11[%swap3A_349, %swap3A_350], %swap3A_353 {strides = array<i32>} : memref<128x128xf32, #tpu.memory_space<vmem>>, vector<1x16xf32>,
      %swap3A_354 = arith.index_cast %scan3A_323 : i32 to index
      %swap3A_355 = arith.constant 96 : index
      %swap3A_356 = tpu.vector_load %arg11[%swap3A_354, %swap3A_355] {strides = array<i32>} : memref<128x128xf32, #tpu.memory_space<vmem>>, vector<1x16xf32>,
      %swap3A_357 = vector.shape_cast %swap3A_356 : vector<1x16xf32> to vector<16xf32>
      %swap3A_358 = vector.shape_cast %broadcast_in_dim3A_4 : vector<16xf32> to vector<1x16xf32>
      tpu.vector_store %arg11[%swap3A_354, %swap3A_355], %swap3A_358 {strides = array<i32>} : memref<128x128xf32, #tpu.memory_space<vmem>>, vector<1x16xf32>,
      %swap3A_359 = arith.index_cast %scan3A_323 : i32 to index
      %swap3A_360 = arith.constant 112 : index
      %swap3A_361 = tpu.vector_load %arg11[%swap3A_359, %swap3A_360] {strides = array<i32>} : memref<128x128xf32, #tpu.memory_space<vmem>>, vector<1x16xf32>,
      %swap3A_362 = vector.shape_cast %swap3A_361 : vector<1x16xf32> to vector<16xf32>
      %swap3A_363 = vector.shape_cast %broadcast_in_dim3A_4 : vector<16xf32> to vector<1x16xf32>
      tpu.vector_store %arg11[%swap3A_359, %swap3A_360], %swap3A_363 {strides = array<i32>} : memref<128x128xf32, #tpu.memory_space<vmem>>, vector<1x16xf32>,
      %scan3A_364 = arith.constant 0 : i32
      scf.yield %scan3A_364 : i32
    }
    %scan3A_10 = arith.constant 128 : i32
    %mul3A_11 = arith.constant 640 : i32
    %mul3A_12 = arith.muli %arg1, %mul3A_11 : i32
    %add3A_13 = arith.constant 0 : i32
    %add3A_14 = arith.addi %mul3A_12, %add3A_13 : i32
    %dma_start3A_15 = arith.constant 0 : i32
    %dma_start3A_16 = tpu.memref_slice %arg12[%add3A_14, %dma_start3A_15] : memref<10240x128xf32, #tpu.memory_space<vmem_shared>> -> memref<128x128xf32, #tpu.memory_space<vmem_shared>>
    %dma_start3A_17 = arith.constant 0 : i32
    %dma_start3A_18 = tpu.memref_slice %arg12[%add3A_14, %dma_start3A_17] : memref<10240x128xf32, #tpu.memory_space<vmem_shared>> -> memref<128x128xf32, #tpu.memory_space<vmem_shared>>
    tpu.enqueue_dma source(%arg11 : memref<128x128xf32, #tpu.memory_space<vmem>>) target(%dma_start3A_18 : memref<128x128xf32, #tpu.memory_space<vmem_shared>>) target_semaphore(%arg14 : memref<!tpu.dma_semaphore, #tpu.memory_space<semaphore_mem>>)
    %mul3A_19 = arith.constant 640 : i32
    %mul3A_20 = arith.muli %arg1, %mul3A_19 : i32
    %add3A_21 = arith.constant 128 : i32
    %add3A_22 = arith.addi %mul3A_20, %add3A_21 : i32
    %dma_start3A_23 = arith.constant 0 : i32
    %dma_start3A_24 = tpu.memref_slice %arg12[%add3A_22, %dma_start3A_23] : memref<10240x128xf32, #tpu.memory_space<vmem_shared>> -> memref<128x128xf32, #tpu.memory_space<vmem_shared>>
    %dma_start3A_25 = arith.constant 0 : i32
    %dma_start3A_26 = tpu.memref_slice %arg12[%add3A_22, %dma_start3A_25] : memref<10240x128xf32, #tpu.memory_space<vmem_shared>> -> memref<128x128xf32, #tpu.memory_space<vmem_shared>>
    tpu.enqueue_dma source(%arg11 : memref<128x128xf32, #tpu.memory_space<vmem>>) target(%dma_start3A_26 : memref<128x128xf32, #tpu.memory_space<vmem_shared>>) target_semaphore(%arg14 : memref<!tpu.dma_semaphore, #tpu.memory_space<semaphore_mem>>)
    %mul3A_27 = arith.constant 640 : i32
    %mul3A_28 = arith.muli %arg1, %mul3A_27 : i32
    %add3A_29 = arith.constant 256 : i32
    %add3A_30 = arith.addi %mul3A_28, %add3A_29 : i32
    %dma_start3A_31 = arith.constant 0 : i32
    %dma_start3A_32 = tpu.memref_slice %arg12[%add3A_30, %dma_start3A_31] : memref<10240x128xf32, #tpu.memory_space<vmem_shared>> -> memref<128x128xf32, #tpu.memory_space<vmem_shared>>
    %dma_start3A_33 = arith.constant 0 : i32
    %dma_start3A_34 = tpu.memref_slice %arg12[%add3A_30, %dma_start3A_33] : memref<10240x128xf32, #tpu.memory_space<vmem_shared>> -> memref<128x128xf32, #tpu.memory_space<vmem_shared>>
    tpu.enqueue_dma source(%arg11 : memref<128x128xf32, #tpu.memory_space<vmem>>) target(%dma_start3A_34 : memref<128x128xf32, #tpu.memory_space<vmem_shared>>) target_semaphore(%arg14 : memref<!tpu.dma_semaphore, #tpu.memory_space<semaphore_mem>>)
    %mul3A_35 = arith.constant 640 : i32
    %mul3A_36 = arith.muli %arg1, %mul3A_35 : i32
    %add3A_37 = arith.constant 384 : i32
    %add3A_38 = arith.addi %mul3A_36, %add3A_37 : i32
    %dma_start3A_39 = arith.constant 0 : i32
    %dma_start3A_40 = tpu.memref_slice %arg12[%add3A_38, %dma_start3A_39] : memref<10240x128xf32, #tpu.memory_space<vmem_shared>> -> memref<128x128xf32, #tpu.memory_space<vmem_shared>>
    %dma_start3A_41 = arith.constant 0 : i32
    %dma_start3A_42 = tpu.memref_slice %arg12[%add3A_38, %dma_start3A_41] : memref<10240x128xf32, #tpu.memory_space<vmem_shared>> -> memref<128x128xf32, #tpu.memory_space<vmem_shared>>
    tpu.enqueue_dma source(%arg11 : memref<128x128xf32, #tpu.memory_space<vmem>>) target(%dma_start3A_42 : memref<128x128xf32, #tpu.memory_space<vmem_shared>>) target_semaphore(%arg14 : memref<!tpu.dma_semaphore, #tpu.memory_space<semaphore_mem>>)
    %mul3A_43 = arith.constant 640 : i32
    %mul3A_44 = arith.muli %arg1, %mul3A_43 : i32
    %add3A_45 = arith.constant 512 : i32
    %add3A_46 = arith.addi %mul3A_44, %add3A_45 : i32
    %dma_start3A_47 = arith.constant 0 : i32
    %dma_start3A_48 = tpu.memref_slice %arg12[%add3A_46, %dma_start3A_47] : memref<10240x128xf32, #tpu.memory_space<vmem_shared>> -> memref<128x128xf32, #tpu.memory_space<vmem_shared>>
    %dma_start3A_49 = arith.constant 0 : i32
    %dma_start3A_50 = tpu.memref_slice %arg12[%add3A_46, %dma_start3A_49] : memref<10240x128xf32, #tpu.memory_space<vmem_shared>> -> memref<128x128xf32, #tpu.memory_space<vmem_shared>>
    tpu.enqueue_dma source(%arg11 : memref<128x128xf32, #tpu.memory_space<vmem>>) target(%dma_start3A_50 : memref<128x128xf32, #tpu.memory_space<vmem_shared>>) target_semaphore(%arg14 : memref<!tpu.dma_semaphore, #tpu.memory_space<semaphore_mem>>)
    %dma_wait3A = arith.constant 0 : i32
    %dma_wait3A_51 = tpu.memref_slice %arg12[%add3A_14, %dma_wait3A] : memref<10240x128xf32, #tpu.memory_space<vmem_shared>> -> memref<128x128xf32, #tpu.memory_space<vmem_shared>>
    %dma_wait3A_52 = arith.constant 0 : i32
    %dma_wait3A_53 = tpu.memref_slice %arg12[%add3A_14, %dma_wait3A_52] : memref<10240x128xf32, #tpu.memory_space<vmem_shared>> -> memref<128x128xf32, #tpu.memory_space<vmem_shared>>
    tpu.wait_dma2 semaphore(%arg14 : memref<!tpu.dma_semaphore, #tpu.memory_space<semaphore_mem>>) src(%arg11 : memref<128x128xf32, #tpu.memory_space<vmem>>) dst(%dma_wait3A_53 : memref<128x128xf32, #tpu.memory_space<vmem_shared>>)
    %dma_wait3A_54 = arith.constant 0 : i32
    %dma_wait3A_55 = tpu.memref_slice %arg12[%add3A_22, %dma_wait3A_54] : memref<10240x128xf32, #tpu.memory_space<vmem_shared>> -> memref<128x128xf32, #tpu.memory_space<vmem_shared>>
    %dma_wait3A_56 = arith.constant 0 : i32
    %dma_wait3A_57 = tpu.memref_slice %arg12[%add3A_22, %dma_wait3A_56] : memref<10240x128xf32, #tpu.memory_space<vmem_shared>> -> memref<128x128xf32, #tpu.memory_space<vmem_shared>>
    tpu.wait_dma2 semaphore(%arg14 : memref<!tpu.dma_semaphore, #tpu.memory_space<semaphore_mem>>) src(%arg11 : memref<128x128xf32, #tpu.memory_space<vmem>>) dst(%dma_wait3A_57 : memref<128x128xf32, #tpu.memory_space<vmem_shared>>)
    %dma_wait3A_58 = arith.constant 0 : i32
    %dma_wait3A_59 = tpu.memref_slice %arg12[%add3A_30, %dma_wait3A_58] : memref<10240x128xf32, #tpu.memory_space<vmem_shared>> -> memref<128x128xf32, #tpu.memory_space<vmem_shared>>
    %dma_wait3A_60 = arith.constant 0 : i32
    %dma_wait3A_61 = tpu.memref_slice %arg12[%add3A_30, %dma_wait3A_60] : memref<10240x128xf32, #tpu.memory_space<vmem_shared>> -> memref<128x128xf32, #tpu.memory_space<vmem_shared>>
    tpu.wait_dma2 semaphore(%arg14 : memref<!tpu.dma_semaphore, #tpu.memory_space<semaphore_mem>>) src(%arg11 : memref<128x128xf32, #tpu.memory_space<vmem>>) dst(%dma_wait3A_61 : memref<128x128xf32, #tpu.memory_space<vmem_shared>>)
    %dma_wait3A_62 = arith.constant 0 : i32
    %dma_wait3A_63 = tpu.memref_slice %arg12[%add3A_38, %dma_wait3A_62] : memref<10240x128xf32, #tpu.memory_space<vmem_shared>> -> memref<128x128xf32, #tpu.memory_space<vmem_shared>>
    %dma_wait3A_64 = arith.constant 0 : i32
    %dma_wait3A_65 = tpu.memref_slice %arg12[%add3A_38, %dma_wait3A_64] : memref<10240x128xf32, #tpu.memory_space<vmem_shared>> -> memref<128x128xf32, #tpu.memory_space<vmem_shared>>
    tpu.wait_dma2 semaphore(%arg14 : memref<!tpu.dma_semaphore, #tpu.memory_space<semaphore_mem>>) src(%arg11 : memref<128x128xf32, #tpu.memory_space<vmem>>) dst(%dma_wait3A_65 : memref<128x128xf32, #tpu.memory_space<vmem_shared>>)
    %dma_wait3A_66 = arith.constant 0 : i32
    %dma_wait3A_67 = tpu.memref_slice %arg12[%add3A_46, %dma_wait3A_66] : memref<10240x128xf32, #tpu.memory_space<vmem_shared>> -> memref<128x128xf32, #tpu.memory_space<vmem_shared>>
    %dma_wait3A_68 = arith.constant 0 : i32
    %dma_wait3A_69 = tpu.memref_slice %arg12[%add3A_46, %dma_wait3A_68] : memref<10240x128xf32, #tpu.memory_space<vmem_shared>> -> memref<128x128xf32, #tpu.memory_space<vmem_shared>>
    tpu.wait_dma2 semaphore(%arg14 : memref<!tpu.dma_semaphore, #tpu.memory_space<semaphore_mem>>) src(%arg11 : memref<128x128xf32, #tpu.memory_space<vmem>>) dst(%dma_wait3A_69 : memref<128x128xf32, #tpu.memory_space<vmem_shared>>)
    %dma_wait3A_70 = tpu.memref_slice %arg3[%mul3A_2] : memref<320000xi32, #tpu.memory_space<hbm>> -> memref<10000xi32, #tpu.memory_space<hbm>>
    %dma_wait3A_71 = tpu.memref_slice %arg3[%mul3A_2] : memref<320000xi32, #tpu.memory_space<hbm>> -> memref<10000xi32, #tpu.memory_space<hbm>>
    tpu.wait_dma2 semaphore(%arg13 : memref<!tpu.dma_semaphore, #tpu.memory_space<semaphore_mem>>) src(%dma_wait3A_71 : memref<10000xi32, #tpu.memory_space<hbm>>) dst(%arg6 : memref<10000xi32, #tpu.memory_space<vmem>>)
    %barrier3A = arith.constant 0 : index
    tpu.barrier barrier_id(%barrier3A)
    %mul3A_72 = arith.constant 10000 : i32
    %mul3A_73 = arith.muli %add3A, %mul3A_72 : i32
    %add3A_74 = arith.constant 0 : i32
    %add3A_75 = arith.addi %mul3A_73, %add3A_74 : i32
    %multiple_of3A = tpu.assume_multiple %add3A_75, 8 : i32
    %multiple_of3A_76 = arith.constant 0 : i32
    %multiple_of3A_77 = tpu.assume_multiple %multiple_of3A_76, 8 : i32
    %dma_start3A_78 = tpu.memref_slice %arg4[%multiple_of3A] : memref<320000xi32, #tpu.memory_space<hbm>> -> memref<80xi32, #tpu.memory_space<hbm>>
    %dma_start3A_79 = tpu.memref_slice %arg4[%multiple_of3A] : memref<320000xi32, #tpu.memory_space<hbm>> -> memref<80xi32, #tpu.memory_space<hbm>>
    tpu.enqueue_dma source(%dma_start3A_79 : memref<80xi32, #tpu.memory_space<hbm>>) target(%arg7 : memref<80xi32, #tpu.memory_space<vmem>>) target_semaphore(%arg15 : memref<!tpu.dma_semaphore, #tpu.memory_space<semaphore_mem>>)
    %dma_start3A_80 = tpu.memref_slice %arg6[%multiple_of3A_77] : memref<10000xi32, #tpu.memory_space<vmem>> -> memref<80xi32, #tpu.memory_space<vmem>>
    %dma_start3A_81 = arith.constant 0 : i32
    %dma_start3A_82 = arith.constant 0 : i32
    %dma_start3A_83 = tpu.memref_slice %arg2[%dma_start3A_81, %dma_start3A_82] : memref<10240x128xf32, #tpu.memory_space<hbm>> -> memref<10240x128xf32, #tpu.memory_space<hbm>>
    tpu.enqueue_indirect_dma source(%dma_start3A_83 : memref<10240x128xf32, #tpu.memory_space<hbm>>) target(%arg9 : memref<80x128xf32, #tpu.memory_space<vmem>>) offsets(%dma_start3A_80 : memref<80xi32, #tpu.memory_space<vmem>>) semaphore(%arg15 : memref<!tpu.dma_semaphore, #tpu.memory_space<semaphore_mem>>)
    %dma_wait3A_84 = arith.constant 0 : i32
    %dma_wait3A_85 = tpu.memref_slice %arg4[%dma_wait3A_84] : memref<320000xi32, #tpu.memory_space<hbm>> -> memref<80xi32, #tpu.memory_space<hbm>>
    %dma_wait3A_86 = arith.constant 0 : i32
    %dma_wait3A_87 = tpu.memref_slice %arg4[%dma_wait3A_86] : memref<320000xi32, #tpu.memory_space<hbm>> -> memref<80xi32, #tpu.memory_space<hbm>>
    tpu.wait_dma2 semaphore(%arg15 : memref<!tpu.dma_semaphore, #tpu.memory_space<semaphore_mem>>) src(%dma_wait3A_87 : memref<80xi32, #tpu.memory_space<hbm>>) dst(%arg7 : memref<80xi32, #tpu.memory_space<vmem>>)
    %dma_wait3A_88 = arith.constant 0 : i32
    %dma_wait3A_89 = tpu.memref_slice %arg6[%dma_wait3A_88] : memref<10000xi32, #tpu.memory_space<vmem>> -> memref<80xi32, #tpu.memory_space<vmem>>
    %dma_wait3A_90 = arith.constant 0 : i32
    %dma_wait3A_91 = arith.constant 0 : i32
    %dma_wait3A_92 = tpu.memref_slice %arg2[%dma_wait3A_90, %dma_wait3A_91] : memref<10240x128xf32, #tpu.memory_space<hbm>> -> memref<10240x128xf32, #tpu.memory_space<hbm>>
    tpu.wait_indirect_dma semaphore(%arg15 : memref<!tpu.dma_semaphore, #tpu.memory_space<semaphore_mem>>) src(%dma_wait3A_92 : memref<10240x128xf32, #tpu.memory_space<hbm>>) dst(%arg9 : memref<80x128xf32, #tpu.memory_space<vmem>>)
    %dma_start3A_93 = arith.constant 0 : i32
    %dma_start3A_94 = arith.constant 0 : i32
    %dma_start3A_95 = tpu.memref_slice %arg12[%dma_start3A_93, %dma_start3A_94] : memref<10240x128xf32, #tpu.memory_space<vmem_shared>> -> memref<10240x128xf32, #tpu.memory_space<vmem_shared>>
    tpu.enqueue_indirect_dma source(%arg9 : memref<80x128xf32, #tpu.memory_space<vmem>>) target(%dma_start3A_95 : memref<10240x128xf32, #tpu.memory_space<vmem_shared>>) offsets(%arg7 : memref<80xi32, #tpu.memory_space<vmem>>) semaphore(%arg17 : memref<!tpu.dma_semaphore, #tpu.memory_space<semaphore_mem>>) {add = true}
    %mul3A_96 = arith.constant 10000 : i32
    %mul3A_97 = arith.muli %add3A, %mul3A_96 : i32
    %add3A_98 = arith.constant 80 : i32
    %add3A_99 = arith.addi %mul3A_97, %add3A_98 : i32
    %multiple_of3A_100 = tpu.assume_multiple %add3A_99, 8 : i32
    %multiple_of3A_101 = arith.constant 80 : i32
    %multiple_of3A_102 = tpu.assume_multiple %multiple_of3A_101, 8 : i32
    %dma_start3A_103 = tpu.memref_slice %arg4[%multiple_of3A_100] : memref<320000xi32, #tpu.memory_space<hbm>> -> memref<80xi32, #tpu.memory_space<hbm>>
    %dma_start3A_104 = tpu.memref_slice %arg4[%multiple_of3A_100] : memref<320000xi32, #tpu.memory_space<hbm>> -> memref<80xi32, #tpu.memory_space<hbm>>
    tpu.enqueue_dma source(%dma_start3A_104 : memref<80xi32, #tpu.memory_space<hbm>>) target(%arg8 : memref<80xi32, #tpu.memory_space<vmem>>) target_semaphore(%arg16 : memref<!tpu.dma_semaphore, #tpu.memory_space<semaphore_mem>>)
    %dma_start3A_105 = tpu.memref_slice %arg6[%multiple_of3A_102] : memref<10000xi32, #tpu.memory_space<vmem>> -> memref<80xi32, #tpu.memory_space<vmem>>
    %dma_start3A_106 = arith.constant 0 : i32
    %dma_start3A_107 = arith.constant 0 : i32
    %dma_start3A_108 = tpu.memref_slice %arg2[%dma_start3A_106, %dma_start3A_107] : memref<10240x128xf32, #tpu.memory_space<hbm>> -> memref<10240x128xf32, #tpu.memory_space<hbm>>
    tpu.enqueue_indirect_dma source(%dma_start3A_108 : memref<10240x128xf32, #tpu.memory_space<hbm>>) target(%arg10 : memref<80x128xf32, #tpu.memory_space<vmem>>) offsets(%dma_start3A_105 : memref<80xi32, #tpu.memory_space<vmem>>) semaphore(%arg16 : memref<!tpu.dma_semaphore, #tpu.memory_space<semaphore_mem>>)
    %dma_wait3A_109 = arith.constant 0 : i32
    %dma_wait3A_110 = tpu.memref_slice %arg4[%dma_wait3A_109] : memref<320000xi32, #tpu.memory_space<hbm>> -> memref<80xi32, #tpu.memory_space<hbm>>
    %dma_wait3A_111 = arith.constant 0 : i32
    %dma_wait3A_112 = tpu.memref_slice %arg4[%dma_wait3A_111] : memref<320000xi32, #tpu.memory_space<hbm>> -> memref<80xi32, #tpu.memory_space<hbm>>
    tpu.wait_dma2 semaphore(%arg16 : memref<!tpu.dma_semaphore, #tpu.memory_space<semaphore_mem>>) src(%dma_wait3A_112 : memref<80xi32, #tpu.memory_space<hbm>>) dst(%arg8 : memref<80xi32, #tpu.memory_space<vmem>>)
    %dma_wait3A_113 = arith.constant 0 : i32
    %dma_wait3A_114 = tpu.memref_slice %arg6[%dma_wait3A_113] : memref<10000xi32, #tpu.memory_space<vmem>> -> memref<80xi32, #tpu.memory_space<vmem>>
    %dma_wait3A_115 = arith.constant 0 : i32
    %dma_wait3A_116 = arith.constant 0 : i32
    %dma_wait3A_117 = tpu.memref_slice %arg2[%dma_wait3A_115, %dma_wait3A_116] : memref<10240x128xf32, #tpu.memory_space<hbm>> -> memref<10240x128xf32, #tpu.memory_space<hbm>>
    tpu.wait_indirect_dma semaphore(%arg16 : memref<!tpu.dma_semaphore, #tpu.memory_space<semaphore_mem>>) src(%dma_wait3A_117 : memref<10240x128xf32, #tpu.memory_space<hbm>>) dst(%arg10 : memref<80x128xf32, #tpu.memory_space<vmem>>)
    %dma_start3A_118 = arith.constant 0 : i32
    %dma_start3A_119 = arith.constant 0 : i32
    %dma_start3A_120 = tpu.memref_slice %arg12[%dma_start3A_118, %dma_start3A_119] : memref<10240x128xf32, #tpu.memory_space<vmem_shared>> -> memref<10240x128xf32, #tpu.memory_space<vmem_shared>>
    tpu.enqueue_indirect_dma source(%arg10 : memref<80x128xf32, #tpu.memory_space<vmem>>) target(%dma_start3A_120 : memref<10240x128xf32, #tpu.memory_space<vmem_shared>>) offsets(%arg8 : memref<80xi32, #tpu.memory_space<vmem>>) semaphore(%arg18 : memref<!tpu.dma_semaphore, #tpu.memory_space<semaphore_mem>>) {add = true}
    %dma_wait3A_121 = arith.constant 0 : i32
    %dma_wait3A_122 = arith.constant 0 : i32
    %dma_wait3A_123 = tpu.memref_slice %arg12[%dma_wait3A_121, %dma_wait3A_122] : memref<10240x128xf32, #tpu.memory_space<vmem_shared>> -> memref<10240x128xf32, #tpu.memory_space<vmem_shared>>
    tpu.wait_indirect_dma semaphore(%arg17 : memref<!tpu.dma_semaphore, #tpu.memory_space<semaphore_mem>>) src(%arg9 : memref<80x128xf32, #tpu.memory_space<vmem>>) dst(%dma_wait3A_123 : memref<10240x128xf32, #tpu.memory_space<vmem_shared>>)
    %mul3A_124 = arith.constant 10000 : i32
    %mul3A_125 = arith.muli %add3A, %mul3A_124 : i32
    %add3A_126 = arith.constant 160 : i32
    %add3A_127 = arith.addi %mul3A_125, %add3A_126 : i32
    %multiple_of3A_128 = tpu.assume_multiple %add3A_127, 8 : i32
    %multiple_of3A_129 = arith.constant 160 : i32
    %multiple_of3A_130 = tpu.assume_multiple %multiple_of3A_129, 8 : i32
    %dma_start3A_131 = tpu.memref_slice %arg4[%multiple_of3A_128] : memref<320000xi32, #tpu.memory_space<hbm>> -> memref<80xi32, #tpu.memory_space<hbm>>
    %dma_start3A_132 = tpu.memref_slice %arg4[%multiple_of3A_128] : memref<320000xi32, #tpu.memory_space<hbm>> -> memref<80xi32, #tpu.memory_space<hbm>>
    tpu.enqueue_dma source(%dma_start3A_132 : memref<80xi32, #tpu.memory_space<hbm>>) target(%arg7 : memref<80xi32, #tpu.memory_space<vmem>>) target_semaphore(%arg15 : memref<!tpu.dma_semaphore, #tpu.memory_space<semaphore_mem>>)
    %dma_start3A_133 = tpu.memref_slice %arg6[%multiple_of3A_130] : memref<10000xi32, #tpu.memory_space<vmem>> -> memref<80xi32, #tpu.memory_space<vmem>>
    %dma_start3A_134 = arith.constant 0 : i32
    %dma_start3A_135 = arith.constant 0 : i32
    %dma_start3A_136 = tpu.memref_slice %arg2[%dma_start3A_134, %dma_start3A_135] : memref<10240x128xf32, #tpu.memory_space<hbm>> -> memref<10240x128xf32, #tpu.memory_space<hbm>>
    tpu.enqueue_indirect_dma source(%dma_start3A_136 : memref<10240x128xf32, #tpu.memory_space<hbm>>) target(%arg9 : memref<80x128xf32, #tpu.memory_space<vmem>>) offsets(%dma_start3A_133 : memref<80xi32, #tpu.memory_space<vmem>>) semaphore(%arg15 : memref<!tpu.dma_semaphore, #tpu.memory_space<semaphore_mem>>)
    %scan3A_137 = arith.constant 0 : i32
    %scan3A_138 = arith.constant 1 : i32
    %scan3A_139 = arith.constant 61 : i32
    %scan3A_140 = arith.addi %scan3A_138, %scan3A_139 : i32
    %scan3A_141 = arith.constant 1 : i32
    %scan3A_142 = scf.for %scan3A_323 = %scan3A_138 to %scan3A_140 step %scan3A_141 iter_args(%scan3A_324 = %scan3A_137) -> (i32)  : i32 {
      %mul3A_325 = arith.constant 2 : i32
      %mul3A_326 = arith.muli %mul3A_325, %scan3A_323 : i32
      %dma_wait3A_327 = arith.constant 0 : i32
      %dma_wait3A_328 = tpu.memref_slice %arg4[%dma_wait3A_327] : memref<320000xi32, #tpu.memory_space<hbm>> -> memref<80xi32, #tpu.memory_space<hbm>>
      %dma_wait3A_329 = arith.constant 0 : i32
      %dma_wait3A_330 = tpu.memref_slice %arg4[%dma_wait3A_329] : memref<320000xi32, #tpu.memory_space<hbm>> -> memref<80xi32, #tpu.memory_space<hbm>>
      tpu.wait_dma2 semaphore(%arg15 : memref<!tpu.dma_semaphore, #tpu.memory_space<semaphore_mem>>) src(%dma_wait3A_330 : memref<80xi32, #tpu.memory_space<hbm>>) dst(%arg7 : memref<80xi32, #tpu.memory_space<vmem>>)
      %dma_wait3A_331 = arith.constant 0 : i32
      %dma_wait3A_332 = tpu.memref_slice %arg6[%dma_wait3A_331] : memref<10000xi32, #tpu.memory_space<vmem>> -> memref<80xi32, #tpu.memory_space<vmem>>
      %dma_wait3A_333 = arith.constant 0 : i32
      %dma_wait3A_334 = arith.constant 0 : i32
      %dma_wait3A_335 = tpu.memref_slice %arg2[%dma_wait3A_333, %dma_wait3A_334] : memref<10240x128xf32, #tpu.memory_space<hbm>> -> memref<10240x128xf32, #tpu.memory_space<hbm>>
      tpu.wait_indirect_dma semaphore(%arg15 : memref<!tpu.dma_semaphore, #tpu.memory_space<semaphore_mem>>) src(%dma_wait3A_335 : memref<10240x128xf32, #tpu.memory_space<hbm>>) dst(%arg9 : memref<80x128xf32, #tpu.memory_space<vmem>>)
      %dma_start3A_336 = arith.constant 0 : i32
      %dma_start3A_337 = arith.constant 0 : i32
      %dma_start3A_338 = tpu.memref_slice %arg12[%dma_start3A_336, %dma_start3A_337] : memref<10240x128xf32, #tpu.memory_space<vmem_shared>> -> memref<10240x128xf32, #tpu.memory_space<vmem_shared>>
      tpu.enqueue_indirect_dma source(%arg9 : memref<80x128xf32, #tpu.memory_space<vmem>>) target(%dma_start3A_338 : memref<10240x128xf32, #tpu.memory_space<vmem_shared>>) offsets(%arg7 : memref<80xi32, #tpu.memory_space<vmem>>) semaphore(%arg17 : memref<!tpu.dma_semaphore, #tpu.memory_space<semaphore_mem>>) {add = true}
      %dma_wait3A_339 = arith.constant 0 : i32
      %dma_wait3A_340 = arith.constant 0 : i32
      %dma_wait3A_341 = tpu.memref_slice %arg12[%dma_wait3A_339, %dma_wait3A_340] : memref<10240x128xf32, #tpu.memory_space<vmem_shared>> -> memref<10240x128xf32, #tpu.memory_space<vmem_shared>>
      tpu.wait_indirect_dma semaphore(%arg18 : memref<!tpu.dma_semaphore, #tpu.memory_space<semaphore_mem>>) src(%arg10 : memref<80x128xf32, #tpu.memory_space<vmem>>) dst(%dma_wait3A_341 : memref<10240x128xf32, #tpu.memory_space<vmem_shared>>)
      %add3A_342 = arith.constant 1 : i32
      %add3A_343 = arith.addi %mul3A_326, %add3A_342 : i32
      %mul3A_344 = arith.constant 10000 : i32
      %mul3A_345 = arith.muli %add3A, %mul3A_344 : i32
      %mul3A_346 = arith.constant 80 : i32
      %mul3A_347 = arith.muli %add3A_343, %mul3A_346 : i32
      %add3A_348 = arith.addi %mul3A_345, %mul3A_347 : i32
      %multiple_of3A_349 = tpu.assume_multiple %add3A_348, 8 : i32
      %mul3A_350 = arith.constant 80 : i32
      %mul3A_351 = arith.muli %add3A_343, %mul3A_350 : i32
      %multiple_of3A_352 = tpu.assume_multiple %mul3A_351, 8 : i32
      %dma_start3A_353 = tpu.memref_slice %arg4[%multiple_of3A_349] : memref<320000xi32, #tpu.memory_space<hbm>> -> memref<80xi32, #tpu.memory_space<hbm>>
      %dma_start3A_354 = tpu.memref_slice %arg4[%multiple_of3A_349] : memref<320000xi32, #tpu.memory_space<hbm>> -> memref<80xi32, #tpu.memory_space<hbm>>
      tpu.enqueue_dma source(%dma_start3A_354 : memref<80xi32, #tpu.memory_space<hbm>>) target(%arg8 : memref<80xi32, #tpu.memory_space<vmem>>) target_semaphore(%arg16 : memref<!tpu.dma_semaphore, #tpu.memory_space<semaphore_mem>>)
      %dma_start3A_355 = tpu.memref_slice %arg6[%multiple_of3A_352] : memref<10000xi32, #tpu.memory_space<vmem>> -> memref<80xi32, #tpu.memory_space<vmem>>
      %dma_start3A_356 = arith.constant 0 : i32
      %dma_start3A_357 = arith.constant 0 : i32
      %dma_start3A_358 = tpu.memref_slice %arg2[%dma_start3A_356, %dma_start3A_357] : memref<10240x128xf32, #tpu.memory_space<hbm>> -> memref<10240x128xf32, #tpu.memory_space<hbm>>
      tpu.enqueue_indirect_dma source(%dma_start3A_358 : memref<10240x128xf32, #tpu.memory_space<hbm>>) target(%arg10 : memref<80x128xf32, #tpu.memory_space<vmem>>) offsets(%dma_start3A_355 : memref<80xi32, #tpu.memory_space<vmem>>) semaphore(%arg16 : memref<!tpu.dma_semaphore, #tpu.memory_space<semaphore_mem>>)
      %dma_wait3A_359 = arith.constant 0 : i32
      %dma_wait3A_360 = tpu.memref_slice %arg4[%dma_wait3A_359] : memref<320000xi32, #tpu.memory_space<hbm>> -> memref<80xi32, #tpu.memory_space<hbm>>
      %dma_wait3A_361 = arith.constant 0 : i32
      %dma_wait3A_362 = tpu.memref_slice %arg4[%dma_wait3A_361] : memref<320000xi32, #tpu.memory_space<hbm>> -> memref<80xi32, #tpu.memory_space<hbm>>
      tpu.wait_dma2 semaphore(%arg16 : memref<!tpu.dma_semaphore, #tpu.memory_space<semaphore_mem>>) src(%dma_wait3A_362 : memref<80xi32, #tpu.memory_space<hbm>>) dst(%arg8 : memref<80xi32, #tpu.memory_space<vmem>>)
      %dma_wait3A_363 = arith.constant 0 : i32
      %dma_wait3A_364 = tpu.memref_slice %arg6[%dma_wait3A_363] : memref<10000xi32, #tpu.memory_space<vmem>> -> memref<80xi32, #tpu.memory_space<vmem>>
      %dma_wait3A_365 = arith.constant 0 : i32
      %dma_wait3A_366 = arith.constant 0 : i32
      %dma_wait3A_367 = tpu.memref_slice %arg2[%dma_wait3A_365, %dma_wait3A_366] : memref<10240x128xf32, #tpu.memory_space<hbm>> -> memref<10240x128xf32, #tpu.memory_space<hbm>>
      tpu.wait_indirect_dma semaphore(%arg16 : memref<!tpu.dma_semaphore, #tpu.memory_space<semaphore_mem>>) src(%dma_wait3A_367 : memref<10240x128xf32, #tpu.memory_space<hbm>>) dst(%arg10 : memref<80x128xf32, #tpu.memory_space<vmem>>)
      %dma_start3A_368 = arith.constant 0 : i32
      %dma_start3A_369 = arith.constant 0 : i32
      %dma_start3A_370 = tpu.memref_slice %arg12[%dma_start3A_368, %dma_start3A_369] : memref<10240x128xf32, #tpu.memory_space<vmem_shared>> -> memref<10240x128xf32, #tpu.memory_space<vmem_shared>>
      tpu.enqueue_indirect_dma source(%arg10 : memref<80x128xf32, #tpu.memory_space<vmem>>) target(%dma_start3A_370 : memref<10240x128xf32, #tpu.memory_space<vmem_shared>>) offsets(%arg8 : memref<80xi32, #tpu.memory_space<vmem>>) semaphore(%arg18 : memref<!tpu.dma_semaphore, #tpu.memory_space<semaphore_mem>>) {add = true}
      %dma_wait3A_371 = arith.constant 0 : i32
      %dma_wait3A_372 = arith.constant 0 : i32
      %dma_wait3A_373 = tpu.memref_slice %arg12[%dma_wait3A_371, %dma_wait3A_372] : memref<10240x128xf32, #tpu.memory_space<vmem_shared>> -> memref<10240x128xf32, #tpu.memory_space<vmem_shared>>
      tpu.wait_indirect_dma semaphore(%arg17 : memref<!tpu.dma_semaphore, #tpu.memory_space<semaphore_mem>>) src(%arg9 : memref<80x128xf32, #tpu.memory_space<vmem>>) dst(%dma_wait3A_373 : memref<10240x128xf32, #tpu.memory_space<vmem_shared>>)
      %add3A_374 = arith.constant 2 : i32
      %add3A_375 = arith.addi %mul3A_326, %add3A_374 : i32
      %mul3A_376 = arith.constant 10000 : i32
      %mul3A_377 = arith.muli %add3A, %mul3A_376 : i32
      %mul3A_378 = arith.constant 80 : i32
      %mul3A_379 = arith.muli %add3A_375, %mul3A_378 : i32
      %add3A_380 = arith.addi %mul3A_377, %mul3A_379 : i32
      %multiple_of3A_381 = tpu.assume_multiple %add3A_380, 8 : i32
      %mul3A_382 = arith.constant 80 : i32
      %mul3A_383 = arith.muli %add3A_375, %mul3A_382 : i32
      %multiple_of3A_384 = tpu.assume_multiple %mul3A_383, 8 : i32
      %dma_start3A_385 = tpu.memref_slice %arg4[%multiple_of3A_381] : memref<320000xi32, #tpu.memory_space<hbm>> -> memref<80xi32, #tpu.memory_space<hbm>>
      %dma_start3A_386 = tpu.memref_slice %arg4[%multiple_of3A_381] : memref<320000xi32, #tpu.memory_space<hbm>> -> memref<80xi32, #tpu.memory_space<hbm>>
      tpu.enqueue_dma source(%dma_start3A_386 : memref<80xi32, #tpu.memory_space<hbm>>) target(%arg7 : memref<80xi32, #tpu.memory_space<vmem>>) target_semaphore(%arg15 : memref<!tpu.dma_semaphore, #tpu.memory_space<semaphore_mem>>)
      %dma_start3A_387 = tpu.memref_slice %arg6[%multiple_of3A_384] : memref<10000xi32, #tpu.memory_space<vmem>> -> memref<80xi32, #tpu.memory_space<vmem>>
      %dma_start3A_388 = arith.constant 0 : i32
      %dma_start3A_389 = arith.constant 0 : i32
      %dma_start3A_390 = tpu.memref_slice %arg2[%dma_start3A_388, %dma_start3A_389] : memref<10240x128xf32, #tpu.memory_space<hbm>> -> memref<10240x128xf32, #tpu.memory_space<hbm>>
      tpu.enqueue_indirect_dma source(%dma_start3A_390 : memref<10240x128xf32, #tpu.memory_space<hbm>>) target(%arg9 : memref<80x128xf32, #tpu.memory_space<vmem>>) offsets(%dma_start3A_387 : memref<80xi32, #tpu.memory_space<vmem>>) semaphore(%arg15 : memref<!tpu.dma_semaphore, #tpu.memory_space<semaphore_mem>>)
      %scan3A_391 = arith.constant 0 : i32
      scf.yield %scan3A_391 : i32
    }
    %scan3A_143 = arith.constant 61 : i32
    %dma_wait3A_144 = arith.constant 0 : i32
    %dma_wait3A_145 = tpu.memref_slice %arg4[%dma_wait3A_144] : memref<320000xi32, #tpu.memory_space<hbm>> -> memref<80xi32, #tpu.memory_space<hbm>>
    %dma_wait3A_146 = arith.constant 0 : i32
    %dma_wait3A_147 = tpu.memref_slice %arg4[%dma_wait3A_146] : memref<320000xi32, #tpu.memory_space<hbm>> -> memref<80xi32, #tpu.memory_space<hbm>>
    tpu.wait_dma2 semaphore(%arg15 : memref<!tpu.dma_semaphore, #tpu.memory_space<semaphore_mem>>) src(%dma_wait3A_147 : memref<80xi32, #tpu.memory_space<hbm>>) dst(%arg7 : memref<80xi32, #tpu.memory_space<vmem>>)
    %dma_wait3A_148 = arith.constant 0 : i32
    %dma_wait3A_149 = tpu.memref_slice %arg6[%dma_wait3A_148] : memref<10000xi32, #tpu.memory_space<vmem>> -> memref<80xi32, #tpu.memory_space<vmem>>
    %dma_wait3A_150 = arith.constant 0 : i32
    %dma_wait3A_151 = arith.constant 0 : i32
    %dma_wait3A_152 = tpu.memref_slice %arg2[%dma_wait3A_150, %dma_wait3A_151] : memref<10240x128xf32, #tpu.memory_space<hbm>> -> memref<10240x128xf32, #tpu.memory_space<hbm>>
    tpu.wait_indirect_dma semaphore(%arg15 : memref<!tpu.dma_semaphore, #tpu.memory_space<semaphore_mem>>) src(%dma_wait3A_152 : memref<10240x128xf32, #tpu.memory_space<hbm>>) dst(%arg9 : memref<80x128xf32, #tpu.memory_space<vmem>>)
    %dma_start3A_153 = arith.constant 0 : i32
    %dma_start3A_154 = arith.constant 0 : i32
    %dma_start3A_155 = tpu.memref_slice %arg12[%dma_start3A_153, %dma_start3A_154] : memref<10240x128xf32, #tpu.memory_space<vmem_shared>> -> memref<10240x128xf32, #tpu.memory_space<vmem_shared>>
    tpu.enqueue_indirect_dma source(%arg9 : memref<80x128xf32, #tpu.memory_space<vmem>>) target(%dma_start3A_155 : memref<10240x128xf32, #tpu.memory_space<vmem_shared>>) offsets(%arg7 : memref<80xi32, #tpu.memory_space<vmem>>) semaphore(%arg17 : memref<!tpu.dma_semaphore, #tpu.memory_space<semaphore_mem>>) {add = true}
    %dma_wait3A_156 = arith.constant 0 : i32
    %dma_wait3A_157 = arith.constant 0 : i32
    %dma_wait3A_158 = tpu.memref_slice %arg12[%dma_wait3A_156, %dma_wait3A_157] : memref<10240x128xf32, #tpu.memory_space<vmem_shared>> -> memref<10240x128xf32, #tpu.memory_space<vmem_shared>>
    tpu.wait_indirect_dma semaphore(%arg18 : memref<!tpu.dma_semaphore, #tpu.memory_space<semaphore_mem>>) src(%arg10 : memref<80x128xf32, #tpu.memory_space<vmem>>) dst(%dma_wait3A_158 : memref<10240x128xf32, #tpu.memory_space<vmem_shared>>)
    %dma_wait3A_159 = arith.constant 0 : i32
    %dma_wait3A_160 = arith.constant 0 : i32
    %dma_wait3A_161 = tpu.memref_slice %arg12[%dma_wait3A_159, %dma_wait3A_160] : memref<10240x128xf32, #tpu.memory_space<vmem_shared>> -> memref<10240x128xf32, #tpu.memory_space<vmem_shared>>
    tpu.wait_indirect_dma semaphore(%arg17 : memref<!tpu.dma_semaphore, #tpu.memory_space<semaphore_mem>>) src(%arg9 : memref<80x128xf32, #tpu.memory_space<vmem>>) dst(%dma_wait3A_161 : memref<10240x128xf32, #tpu.memory_space<vmem_shared>>)
    %barrier3A_162 = arith.constant 0 : index
    tpu.barrier barrier_id(%barrier3A_162)
    %mul3A_163 = arith.constant 640 : i32
    %mul3A_164 = arith.muli %arg1, %mul3A_163 : i32
    %add3A_165 = arith.constant 0 : i32
    %add3A_166 = arith.addi %mul3A_164, %add3A_165 : i32
    "tpu.region"() ({
      %run_scoped3A = tpu.sem_alloc : memref<!tpu.dma_semaphore, #tpu.memory_space<semaphore_mem>>
      %dma_start3A_323 = arith.constant 0 : i32
      %dma_start3A_324 = tpu.memref_slice %arg12[%add3A_166, %dma_start3A_323] : memref<10240x128xf32, #tpu.memory_space<vmem_shared>> -> memref<80x128xf32, #tpu.memory_space<vmem_shared>>
      %dma_start3A_325 = arith.constant 0 : i32
      %dma_start3A_326 = tpu.memref_slice %arg12[%add3A_166, %dma_start3A_325] : memref<10240x128xf32, #tpu.memory_space<vmem_shared>> -> memref<80x128xf32, #tpu.memory_space<vmem_shared>>
      tpu.enqueue_dma source(%dma_start3A_326 : memref<80x128xf32, #tpu.memory_space<vmem_shared>>) target(%arg9 : memref<80x128xf32, #tpu.memory_space<vmem>>) target_semaphore(%run_scoped3A : memref<!tpu.dma_semaphore, #tpu.memory_space<semaphore_mem>>)
      %dma_wait3A_327 = arith.constant 0 : i32
      %dma_wait3A_328 = tpu.memref_slice %arg12[%add3A_166, %dma_wait3A_327] : memref<10240x128xf32, #tpu.memory_space<vmem_shared>> -> memref<80x128xf32, #tpu.memory_space<vmem_shared>>
      %dma_wait3A_329 = arith.constant 0 : i32
      %dma_wait3A_330 = tpu.memref_slice %arg12[%add3A_166, %dma_wait3A_329] : memref<10240x128xf32, #tpu.memory_space<vmem_shared>> -> memref<80x128xf32, #tpu.memory_space<vmem_shared>>
      tpu.wait_dma2 semaphore(%run_scoped3A : memref<!tpu.dma_semaphore, #tpu.memory_space<semaphore_mem>>) src(%dma_wait3A_330 : memref<80x128xf32, #tpu.memory_space<vmem_shared>>) dst(%arg9 : memref<80x128xf32, #tpu.memory_space<vmem>>)
      tpu.yield
    }) : () -> ()
    %mul3A_167 = arith.constant 640 : i32
    %mul3A_168 = arith.muli %arg1, %mul3A_167 : i32
    %add3A_169 = arith.constant 0 : i32
    %add3A_170 = arith.addi %mul3A_168, %add3A_169 : i32
    %dma_start3A_171 = arith.constant 0 : i32
    %dma_start3A_172 = tpu.memref_slice %arg5[%arg0, %add3A_170, %dma_start3A_171] : memref<2x10240x128xf32, #tpu.memory_space<hbm>> -> memref<1x80x128xf32, #tpu.memory_space<hbm>>
    %dma_start3A_173 = tpu.memref_squeeze %dma_start3A_172 : memref<1x80x128xf32, #tpu.memory_space<hbm>> -> memref<80x128xf32, #tpu.memory_space<hbm>>
    %dma_start3A_174 = arith.constant 0 : i32
    %dma_start3A_175 = tpu.memref_slice %arg5[%arg0, %add3A_170, %dma_start3A_174] : memref<2x10240x128xf32, #tpu.memory_space<hbm>> -> memref<1x80x128xf32, #tpu.memory_space<hbm>>
    %dma_start3A_176 = tpu.memref_squeeze %dma_start3A_175 : memref<1x80x128xf32, #tpu.memory_space<hbm>> -> memref<80x128xf32, #tpu.memory_space<hbm>>
    tpu.enqueue_dma source(%arg9 : memref<80x128xf32, #tpu.memory_space<vmem>>) target(%dma_start3A_176 : memref<80x128xf32, #tpu.memory_space<hbm>>) target_semaphore(%arg15 : memref<!tpu.dma_semaphore, #tpu.memory_space<semaphore_mem>>)
    %mul3A_177 = arith.constant 640 : i32
    %mul3A_178 = arith.muli %arg1, %mul3A_177 : i32
    %add3A_179 = arith.constant 80 : i32
    %add3A_180 = arith.addi %mul3A_178, %add3A_179 : i32
    "tpu.region"() ({
      %run_scoped3A = tpu.sem_alloc : memref<!tpu.dma_semaphore, #tpu.memory_space<semaphore_mem>>
      %dma_start3A_323 = arith.constant 0 : i32
      %dma_start3A_324 = tpu.memref_slice %arg12[%add3A_180, %dma_start3A_323] : memref<10240x128xf32, #tpu.memory_space<vmem_shared>> -> memref<80x128xf32, #tpu.memory_space<vmem_shared>>
      %dma_start3A_325 = arith.constant 0 : i32
      %dma_start3A_326 = tpu.memref_slice %arg12[%add3A_180, %dma_start3A_325] : memref<10240x128xf32, #tpu.memory_space<vmem_shared>> -> memref<80x128xf32, #tpu.memory_space<vmem_shared>>
      tpu.enqueue_dma source(%dma_start3A_326 : memref<80x128xf32, #tpu.memory_space<vmem_shared>>) target(%arg10 : memref<80x128xf32, #tpu.memory_space<vmem>>) target_semaphore(%run_scoped3A : memref<!tpu.dma_semaphore, #tpu.memory_space<semaphore_mem>>)
      %dma_wait3A_327 = arith.constant 0 : i32
      %dma_wait3A_328 = tpu.memref_slice %arg12[%add3A_180, %dma_wait3A_327] : memref<10240x128xf32, #tpu.memory_space<vmem_shared>> -> memref<80x128xf32, #tpu.memory_space<vmem_shared>>
      %dma_wait3A_329 = arith.constant 0 : i32
      %dma_wait3A_330 = tpu.memref_slice %arg12[%add3A_180, %dma_wait3A_329] : memref<10240x128xf32, #tpu.memory_space<vmem_shared>> -> memref<80x128xf32, #tpu.memory_space<vmem_shared>>
      tpu.wait_dma2 semaphore(%run_scoped3A : memref<!tpu.dma_semaphore, #tpu.memory_space<semaphore_mem>>) src(%dma_wait3A_330 : memref<80x128xf32, #tpu.memory_space<vmem_shared>>) dst(%arg10 : memref<80x128xf32, #tpu.memory_space<vmem>>)
      tpu.yield
    }) : () -> ()
    %mul3A_181 = arith.constant 640 : i32
    %mul3A_182 = arith.muli %arg1, %mul3A_181 : i32
    %add3A_183 = arith.constant 80 : i32
    %add3A_184 = arith.addi %mul3A_182, %add3A_183 : i32
    %dma_start3A_185 = arith.constant 0 : i32
    %dma_start3A_186 = tpu.memref_slice %arg5[%arg0, %add3A_184, %dma_start3A_185] : memref<2x10240x128xf32, #tpu.memory_space<hbm>> -> memref<1x80x128xf32, #tpu.memory_space<hbm>>
    %dma_start3A_187 = tpu.memref_squeeze %dma_start3A_186 : memref<1x80x128xf32, #tpu.memory_space<hbm>> -> memref<80x128xf32, #tpu.memory_space<hbm>>
    %dma_start3A_188 = arith.constant 0 : i32
    %dma_start3A_189 = tpu.memref_slice %arg5[%arg0, %add3A_184, %dma_start3A_188] : memref<2x10240x128xf32, #tpu.memory_space<hbm>> -> memref<1x80x128xf32, #tpu.memory_space<hbm>>
    %dma_start3A_190 = tpu.memref_squeeze %dma_start3A_189 : memref<1x80x128xf32, #tpu.memory_space<hbm>> -> memref<80x128xf32, #tpu.memory_space<hbm>>
    tpu.enqueue_dma source(%arg10 : memref<80x128xf32, #tpu.memory_space<vmem>>) target(%dma_start3A_190 : memref<80x128xf32, #tpu.memory_space<hbm>>) target_semaphore(%arg16 : memref<!tpu.dma_semaphore, #tpu.memory_space<semaphore_mem>>)
    %dma_wait3A_191 = arith.constant 0 : i32
    %dma_wait3A_192 = tpu.memref_slice %arg5[%arg0, %add3A_170, %dma_wait3A_191] : memref<2x10240x128xf32, #tpu.memory_space<hbm>> -> memref<1x80x128xf32, #tpu.memory_space<hbm>>
    %dma_wait3A_193 = tpu.memref_squeeze %dma_wait3A_192 : memref<1x80x128xf32, #tpu.memory_space<hbm>> -> memref<80x128xf32, #tpu.memory_space<hbm>>
    %dma_wait3A_194 = arith.constant 0 : i32
    %dma_wait3A_195 = tpu.memref_slice %arg5[%arg0, %add3A_170, %dma_wait3A_194] : memref<2x10240x128xf32, #tpu.memory_space<hbm>> -> memref<1x80x128xf32, #tpu.memory_space<hbm>>
    %dma_wait3A_196 = tpu.memref_squeeze %dma_wait3A_195 : memref<1x80x128xf32, #tpu.memory_space<hbm>> -> memref<80x128xf32, #tpu.memory_space<hbm>>
    tpu.wait_dma2 semaphore(%arg15 : memref<!tpu.dma_semaphore, #tpu.memory_space<semaphore_mem>>) src(%arg9 : memref<80x128xf32, #tpu.memory_space<vmem>>) dst(%dma_wait3A_196 : memref<80x128xf32, #tpu.memory_space<hbm>>)
    %mul3A_197 = arith.constant 640 : i32
    %mul3A_198 = arith.muli %arg1, %mul3A_197 : i32
    %add3A_199 = arith.constant 160 : i32
    %add3A_200 = arith.addi %mul3A_198, %add3A_199 : i32
    "tpu.region"() ({
      %run_scoped3A = tpu.sem_alloc : memref<!tpu.dma_semaphore, #tpu.memory_space<semaphore_mem>>
      %dma_start3A_323 = arith.constant 0 : i32
      %dma_start3A_324 = tpu.memref_slice %arg12[%add3A_200, %dma_start3A_323] : memref<10240x128xf32, #tpu.memory_space<vmem_shared>> -> memref<80x128xf32, #tpu.memory_space<vmem_shared>>
      %dma_start3A_325 = arith.constant 0 : i32
      %dma_start3A_326 = tpu.memref_slice %arg12[%add3A_200, %dma_start3A_325] : memref<10240x128xf32, #tpu.memory_space<vmem_shared>> -> memref<80x128xf32, #tpu.memory_space<vmem_shared>>
      tpu.enqueue_dma source(%dma_start3A_326 : memref<80x128xf32, #tpu.memory_space<vmem_shared>>) target(%arg9 : memref<80x128xf32, #tpu.memory_space<vmem>>) target_semaphore(%run_scoped3A : memref<!tpu.dma_semaphore, #tpu.memory_space<semaphore_mem>>)
      %dma_wait3A_327 = arith.constant 0 : i32
      %dma_wait3A_328 = tpu.memref_slice %arg12[%add3A_200, %dma_wait3A_327] : memref<10240x128xf32, #tpu.memory_space<vmem_shared>> -> memref<80x128xf32, #tpu.memory_space<vmem_shared>>
      %dma_wait3A_329 = arith.constant 0 : i32
      %dma_wait3A_330 = tpu.memref_slice %arg12[%add3A_200, %dma_wait3A_329] : memref<10240x128xf32, #tpu.memory_space<vmem_shared>> -> memref<80x128xf32, #tpu.memory_space<vmem_shared>>
      tpu.wait_dma2 semaphore(%run_scoped3A : memref<!tpu.dma_semaphore, #tpu.memory_space<semaphore_mem>>) src(%dma_wait3A_330 : memref<80x128xf32, #tpu.memory_space<vmem_shared>>) dst(%arg9 : memref<80x128xf32, #tpu.memory_space<vmem>>)
      tpu.yield
    }) : () -> ()
    %mul3A_201 = arith.constant 640 : i32
    %mul3A_202 = arith.muli %arg1, %mul3A_201 : i32
    %add3A_203 = arith.constant 160 : i32
    %add3A_204 = arith.addi %mul3A_202, %add3A_203 : i32
    %dma_start3A_205 = arith.constant 0 : i32
    %dma_start3A_206 = tpu.memref_slice %arg5[%arg0, %add3A_204, %dma_start3A_205] : memref<2x10240x128xf32, #tpu.memory_space<hbm>> -> memref<1x80x128xf32, #tpu.memory_space<hbm>>
    %dma_start3A_207 = tpu.memref_squeeze %dma_start3A_206 : memref<1x80x128xf32, #tpu.memory_space<hbm>> -> memref<80x128xf32, #tpu.memory_space<hbm>>
    %dma_start3A_208 = arith.constant 0 : i32
    %dma_start3A_209 = tpu.memref_slice %arg5[%arg0, %add3A_204, %dma_start3A_208] : memref<2x10240x128xf32, #tpu.memory_space<hbm>> -> memref<1x80x128xf32, #tpu.memory_space<hbm>>
    %dma_start3A_210 = tpu.memref_squeeze %dma_start3A_209 : memref<1x80x128xf32, #tpu.memory_space<hbm>> -> memref<80x128xf32, #tpu.memory_space<hbm>>
    tpu.enqueue_dma source(%arg9 : memref<80x128xf32, #tpu.memory_space<vmem>>) target(%dma_start3A_210 : memref<80x128xf32, #tpu.memory_space<hbm>>) target_semaphore(%arg15 : memref<!tpu.dma_semaphore, #tpu.memory_space<semaphore_mem>>)
    %dma_wait3A_211 = arith.constant 0 : i32
    %dma_wait3A_212 = tpu.memref_slice %arg5[%arg0, %add3A_184, %dma_wait3A_211] : memref<2x10240x128xf32, #tpu.memory_space<hbm>> -> memref<1x80x128xf32, #tpu.memory_space<hbm>>
    %dma_wait3A_213 = tpu.memref_squeeze %dma_wait3A_212 : memref<1x80x128xf32, #tpu.memory_space<hbm>> -> memref<80x128xf32, #tpu.memory_space<hbm>>
    %dma_wait3A_214 = arith.constant 0 : i32
    %dma_wait3A_215 = tpu.memref_slice %arg5[%arg0, %add3A_184, %dma_wait3A_214] : memref<2x10240x128xf32, #tpu.memory_space<hbm>> -> memref<1x80x128xf32, #tpu.memory_space<hbm>>
    %dma_wait3A_216 = tpu.memref_squeeze %dma_wait3A_215 : memref<1x80x128xf32, #tpu.memory_space<hbm>> -> memref<80x128xf32, #tpu.memory_space<hbm>>
    tpu.wait_dma2 semaphore(%arg16 : memref<!tpu.dma_semaphore, #tpu.memory_space<semaphore_mem>>) src(%arg10 : memref<80x128xf32, #tpu.memory_space<vmem>>) dst(%dma_wait3A_216 : memref<80x128xf32, #tpu.memory_space<hbm>>)
    %mul3A_217 = arith.constant 640 : i32
    %mul3A_218 = arith.muli %arg1, %mul3A_217 : i32
    %add3A_219 = arith.constant 240 : i32
    %add3A_220 = arith.addi %mul3A_218, %add3A_219 : i32
    "tpu.region"() ({
      %run_scoped3A = tpu.sem_alloc : memref<!tpu.dma_semaphore, #tpu.memory_space<semaphore_mem>>
      %dma_start3A_323 = arith.constant 0 : i32
      %dma_start3A_324 = tpu.memref_slice %arg12[%add3A_220, %dma_start3A_323] : memref<10240x128xf32, #tpu.memory_space<vmem_shared>> -> memref<80x128xf32, #tpu.memory_space<vmem_shared>>
      %dma_start3A_325 = arith.constant 0 : i32
      %dma_start3A_326 = tpu.memref_slice %arg12[%add3A_220, %dma_start3A_325] : memref<10240x128xf32, #tpu.memory_space<vmem_shared>> -> memref<80x128xf32, #tpu.memory_space<vmem_shared>>
      tpu.enqueue_dma source(%dma_start3A_326 : memref<80x128xf32, #tpu.memory_space<vmem_shared>>) target(%arg10 : memref<80x128xf32, #tpu.memory_space<vmem>>) target_semaphore(%run_scoped3A : memref<!tpu.dma_semaphore, #tpu.memory_space<semaphore_mem>>)
      %dma_wait3A_327 = arith.constant 0 : i32
      %dma_wait3A_328 = tpu.memref_slice %arg12[%add3A_220, %dma_wait3A_327] : memref<10240x128xf32, #tpu.memory_space<vmem_shared>> -> memref<80x128xf32, #tpu.memory_space<vmem_shared>>
      %dma_wait3A_329 = arith.constant 0 : i32
      %dma_wait3A_330 = tpu.memref_slice %arg12[%add3A_220, %dma_wait3A_329] : memref<10240x128xf32, #tpu.memory_space<vmem_shared>> -> memref<80x128xf32, #tpu.memory_space<vmem_shared>>
      tpu.wait_dma2 semaphore(%run_scoped3A : memref<!tpu.dma_semaphore, #tpu.memory_space<semaphore_mem>>) src(%dma_wait3A_330 : memref<80x128xf32, #tpu.memory_space<vmem_shared>>) dst(%arg10 : memref<80x128xf32, #tpu.memory_space<vmem>>)
      tpu.yield
    }) : () -> ()
    %mul3A_221 = arith.constant 640 : i32
    %mul3A_222 = arith.muli %arg1, %mul3A_221 : i32
    %add3A_223 = arith.constant 240 : i32
    %add3A_224 = arith.addi %mul3A_222, %add3A_223 : i32
    %dma_start3A_225 = arith.constant 0 : i32
    %dma_start3A_226 = tpu.memref_slice %arg5[%arg0, %add3A_224, %dma_start3A_225] : memref<2x10240x128xf32, #tpu.memory_space<hbm>> -> memref<1x80x128xf32, #tpu.memory_space<hbm>>
    %dma_start3A_227 = tpu.memref_squeeze %dma_start3A_226 : memref<1x80x128xf32, #tpu.memory_space<hbm>> -> memref<80x128xf32, #tpu.memory_space<hbm>>
    %dma_start3A_228 = arith.constant 0 : i32
    %dma_start3A_229 = tpu.memref_slice %arg5[%arg0, %add3A_224, %dma_start3A_228] : memref<2x10240x128xf32, #tpu.memory_space<hbm>> -> memref<1x80x128xf32, #tpu.memory_space<hbm>>
    %dma_start3A_230 = tpu.memref_squeeze %dma_start3A_229 : memref<1x80x128xf32, #tpu.memory_space<hbm>> -> memref<80x128xf32, #tpu.memory_space<hbm>>
    tpu.enqueue_dma source(%arg10 : memref<80x128xf32, #tpu.memory_space<vmem>>) target(%dma_start3A_230 : memref<80x128xf32, #tpu.memory_space<hbm>>) target_semaphore(%arg16 : memref<!tpu.dma_semaphore, #tpu.memory_space<semaphore_mem>>)
    %dma_wait3A_231 = arith.constant 0 : i32
    %dma_wait3A_232 = tpu.memref_slice %arg5[%arg0, %add3A_204, %dma_wait3A_231] : memref<2x10240x128xf32, #tpu.memory_space<hbm>> -> memref<1x80x128xf32, #tpu.memory_space<hbm>>
    %dma_wait3A_233 = tpu.memref_squeeze %dma_wait3A_232 : memref<1x80x128xf32, #tpu.memory_space<hbm>> -> memref<80x128xf32, #tpu.memory_space<hbm>>
    %dma_wait3A_234 = arith.constant 0 : i32
    %dma_wait3A_235 = tpu.memref_slice %arg5[%arg0, %add3A_204, %dma_wait3A_234] : memref<2x10240x128xf32, #tpu.memory_space<hbm>> -> memref<1x80x128xf32, #tpu.memory_space<hbm>>
    %dma_wait3A_236 = tpu.memref_squeeze %dma_wait3A_235 : memref<1x80x128xf32, #tpu.memory_space<hbm>> -> memref<80x128xf32, #tpu.memory_space<hbm>>
    tpu.wait_dma2 semaphore(%arg15 : memref<!tpu.dma_semaphore, #tpu.memory_space<semaphore_mem>>) src(%arg9 : memref<80x128xf32, #tpu.memory_space<vmem>>) dst(%dma_wait3A_236 : memref<80x128xf32, #tpu.memory_space<hbm>>)
    %mul3A_237 = arith.constant 640 : i32
    %mul3A_238 = arith.muli %arg1, %mul3A_237 : i32
    %add3A_239 = arith.constant 320 : i32
    %add3A_240 = arith.addi %mul3A_238, %add3A_239 : i32
    "tpu.region"() ({
      %run_scoped3A = tpu.sem_alloc : memref<!tpu.dma_semaphore, #tpu.memory_space<semaphore_mem>>
      %dma_start3A_323 = arith.constant 0 : i32
      %dma_start3A_324 = tpu.memref_slice %arg12[%add3A_240, %dma_start3A_323] : memref<10240x128xf32, #tpu.memory_space<vmem_shared>> -> memref<80x128xf32, #tpu.memory_space<vmem_shared>>
      %dma_start3A_325 = arith.constant 0 : i32
      %dma_start3A_326 = tpu.memref_slice %arg12[%add3A_240, %dma_start3A_325] : memref<10240x128xf32, #tpu.memory_space<vmem_shared>> -> memref<80x128xf32, #tpu.memory_space<vmem_shared>>
      tpu.enqueue_dma source(%dma_start3A_326 : memref<80x128xf32, #tpu.memory_space<vmem_shared>>) target(%arg9 : memref<80x128xf32, #tpu.memory_space<vmem>>) target_semaphore(%run_scoped3A : memref<!tpu.dma_semaphore, #tpu.memory_space<semaphore_mem>>)
      %dma_wait3A_327 = arith.constant 0 : i32
      %dma_wait3A_328 = tpu.memref_slice %arg12[%add3A_240, %dma_wait3A_327] : memref<10240x128xf32, #tpu.memory_space<vmem_shared>> -> memref<80x128xf32, #tpu.memory_space<vmem_shared>>
      %dma_wait3A_329 = arith.constant 0 : i32
      %dma_wait3A_330 = tpu.memref_slice %arg12[%add3A_240, %dma_wait3A_329] : memref<10240x128xf32, #tpu.memory_space<vmem_shared>> -> memref<80x128xf32, #tpu.memory_space<vmem_shared>>
      tpu.wait_dma2 semaphore(%run_scoped3A : memref<!tpu.dma_semaphore, #tpu.memory_space<semaphore_mem>>) src(%dma_wait3A_330 : memref<80x128xf32, #tpu.memory_space<vmem_shared>>) dst(%arg9 : memref<80x128xf32, #tpu.memory_space<vmem>>)
      tpu.yield
    }) : () -> ()
    %mul3A_241 = arith.constant 640 : i32
    %mul3A_242 = arith.muli %arg1, %mul3A_241 : i32
    %add3A_243 = arith.constant 320 : i32
    %add3A_244 = arith.addi %mul3A_242, %add3A_243 : i32
    %dma_start3A_245 = arith.constant 0 : i32
    %dma_start3A_246 = tpu.memref_slice %arg5[%arg0, %add3A_244, %dma_start3A_245] : memref<2x10240x128xf32, #tpu.memory_space<hbm>> -> memref<1x80x128xf32, #tpu.memory_space<hbm>>
    %dma_start3A_247 = tpu.memref_squeeze %dma_start3A_246 : memref<1x80x128xf32, #tpu.memory_space<hbm>> -> memref<80x128xf32, #tpu.memory_space<hbm>>
    %dma_start3A_248 = arith.constant 0 : i32
    %dma_start3A_249 = tpu.memref_slice %arg5[%arg0, %add3A_244, %dma_start3A_248] : memref<2x10240x128xf32, #tpu.memory_space<hbm>> -> memref<1x80x128xf32, #tpu.memory_space<hbm>>
    %dma_start3A_250 = tpu.memref_squeeze %dma_start3A_249 : memref<1x80x128xf32, #tpu.memory_space<hbm>> -> memref<80x128xf32, #tpu.memory_space<hbm>>
    tpu.enqueue_dma source(%arg9 : memref<80x128xf32, #tpu.memory_space<vmem>>) target(%dma_start3A_250 : memref<80x128xf32, #tpu.memory_space<hbm>>) target_semaphore(%arg15 : memref<!tpu.dma_semaphore, #tpu.memory_space<semaphore_mem>>)
    %dma_wait3A_251 = arith.constant 0 : i32
    %dma_wait3A_252 = tpu.memref_slice %arg5[%arg0, %add3A_224, %dma_wait3A_251] : memref<2x10240x128xf32, #tpu.memory_space<hbm>> -> memref<1x80x128xf32, #tpu.memory_space<hbm>>
    %dma_wait3A_253 = tpu.memref_squeeze %dma_wait3A_252 : memref<1x80x128xf32, #tpu.memory_space<hbm>> -> memref<80x128xf32, #tpu.memory_space<hbm>>
    %dma_wait3A_254 = arith.constant 0 : i32
    %dma_wait3A_255 = tpu.memref_slice %arg5[%arg0, %add3A_224, %dma_wait3A_254] : memref<2x10240x128xf32, #tpu.memory_space<hbm>> -> memref<1x80x128xf32, #tpu.memory_space<hbm>>
    %dma_wait3A_256 = tpu.memref_squeeze %dma_wait3A_255 : memref<1x80x128xf32, #tpu.memory_space<hbm>> -> memref<80x128xf32, #tpu.memory_space<hbm>>
    tpu.wait_dma2 semaphore(%arg16 : memref<!tpu.dma_semaphore, #tpu.memory_space<semaphore_mem>>) src(%arg10 : memref<80x128xf32, #tpu.memory_space<vmem>>) dst(%dma_wait3A_256 : memref<80x128xf32, #tpu.memory_space<hbm>>)
    %mul3A_257 = arith.constant 640 : i32
    %mul3A_258 = arith.muli %arg1, %mul3A_257 : i32
    %add3A_259 = arith.constant 400 : i32
    %add3A_260 = arith.addi %mul3A_258, %add3A_259 : i32
    "tpu.region"() ({
      %run_scoped3A = tpu.sem_alloc : memref<!tpu.dma_semaphore, #tpu.memory_space<semaphore_mem>>
      %dma_start3A_323 = arith.constant 0 : i32
      %dma_start3A_324 = tpu.memref_slice %arg12[%add3A_260, %dma_start3A_323] : memref<10240x128xf32, #tpu.memory_space<vmem_shared>> -> memref<80x128xf32, #tpu.memory_space<vmem_shared>>
      %dma_start3A_325 = arith.constant 0 : i32
      %dma_start3A_326 = tpu.memref_slice %arg12[%add3A_260, %dma_start3A_325] : memref<10240x128xf32, #tpu.memory_space<vmem_shared>> -> memref<80x128xf32, #tpu.memory_space<vmem_shared>>
      tpu.enqueue_dma source(%dma_start3A_326 : memref<80x128xf32, #tpu.memory_space<vmem_shared>>) target(%arg10 : memref<80x128xf32, #tpu.memory_space<vmem>>) target_semaphore(%run_scoped3A : memref<!tpu.dma_semaphore, #tpu.memory_space<semaphore_mem>>)
      %dma_wait3A_327 = arith.constant 0 : i32
      %dma_wait3A_328 = tpu.memref_slice %arg12[%add3A_260, %dma_wait3A_327] : memref<10240x128xf32, #tpu.memory_space<vmem_shared>> -> memref<80x128xf32, #tpu.memory_space<vmem_shared>>
      %dma_wait3A_329 = arith.constant 0 : i32
      %dma_wait3A_330 = tpu.memref_slice %arg12[%add3A_260, %dma_wait3A_329] : memref<10240x128xf32, #tpu.memory_space<vmem_shared>> -> memref<80x128xf32, #tpu.memory_space<vmem_shared>>
      tpu.wait_dma2 semaphore(%run_scoped3A : memref<!tpu.dma_semaphore, #tpu.memory_space<semaphore_mem>>) src(%dma_wait3A_330 : memref<80x128xf32, #tpu.memory_space<vmem_shared>>) dst(%arg10 : memref<80x128xf32, #tpu.memory_space<vmem>>)
      tpu.yield
    }) : () -> ()
    %mul3A_261 = arith.constant 640 : i32
    %mul3A_262 = arith.muli %arg1, %mul3A_261 : i32
    %add3A_263 = arith.constant 400 : i32
    %add3A_264 = arith.addi %mul3A_262, %add3A_263 : i32
    %dma_start3A_265 = arith.constant 0 : i32
    %dma_start3A_266 = tpu.memref_slice %arg5[%arg0, %add3A_264, %dma_start3A_265] : memref<2x10240x128xf32, #tpu.memory_space<hbm>> -> memref<1x80x128xf32, #tpu.memory_space<hbm>>
    %dma_start3A_267 = tpu.memref_squeeze %dma_start3A_266 : memref<1x80x128xf32, #tpu.memory_space<hbm>> -> memref<80x128xf32, #tpu.memory_space<hbm>>
    %dma_start3A_268 = arith.constant 0 : i32
    %dma_start3A_269 = tpu.memref_slice %arg5[%arg0, %add3A_264, %dma_start3A_268] : memref<2x10240x128xf32, #tpu.memory_space<hbm>> -> memref<1x80x128xf32, #tpu.memory_space<hbm>>
    %dma_start3A_270 = tpu.memref_squeeze %dma_start3A_269 : memref<1x80x128xf32, #tpu.memory_space<hbm>> -> memref<80x128xf32, #tpu.memory_space<hbm>>
    tpu.enqueue_dma source(%arg10 : memref<80x128xf32, #tpu.memory_space<vmem>>) target(%dma_start3A_270 : memref<80x128xf32, #tpu.memory_space<hbm>>) target_semaphore(%arg16 : memref<!tpu.dma_semaphore, #tpu.memory_space<semaphore_mem>>)
    %dma_wait3A_271 = arith.constant 0 : i32
    %dma_wait3A_272 = tpu.memref_slice %arg5[%arg0, %add3A_244, %dma_wait3A_271] : memref<2x10240x128xf32, #tpu.memory_space<hbm>> -> memref<1x80x128xf32, #tpu.memory_space<hbm>>
    %dma_wait3A_273 = tpu.memref_squeeze %dma_wait3A_272 : memref<1x80x128xf32, #tpu.memory_space<hbm>> -> memref<80x128xf32, #tpu.memory_space<hbm>>
    %dma_wait3A_274 = arith.constant 0 : i32
    %dma_wait3A_275 = tpu.memref_slice %arg5[%arg0, %add3A_244, %dma_wait3A_274] : memref<2x10240x128xf32, #tpu.memory_space<hbm>> -> memref<1x80x128xf32, #tpu.memory_space<hbm>>
    %dma_wait3A_276 = tpu.memref_squeeze %dma_wait3A_275 : memref<1x80x128xf32, #tpu.memory_space<hbm>> -> memref<80x128xf32, #tpu.memory_space<hbm>>
    tpu.wait_dma2 semaphore(%arg15 : memref<!tpu.dma_semaphore, #tpu.memory_space<semaphore_mem>>) src(%arg9 : memref<80x128xf32, #tpu.memory_space<vmem>>) dst(%dma_wait3A_276 : memref<80x128xf32, #tpu.memory_space<hbm>>)
    %mul3A_277 = arith.constant 640 : i32
    %mul3A_278 = arith.muli %arg1, %mul3A_277 : i32
    %add3A_279 = arith.constant 480 : i32
    %add3A_280 = arith.addi %mul3A_278, %add3A_279 : i32
    "tpu.region"() ({
      %run_scoped3A = tpu.sem_alloc : memref<!tpu.dma_semaphore, #tpu.memory_space<semaphore_mem>>
      %dma_start3A_323 = arith.constant 0 : i32
      %dma_start3A_324 = tpu.memref_slice %arg12[%add3A_280, %dma_start3A_323] : memref<10240x128xf32, #tpu.memory_space<vmem_shared>> -> memref<80x128xf32, #tpu.memory_space<vmem_shared>>
      %dma_start3A_325 = arith.constant 0 : i32
      %dma_start3A_326 = tpu.memref_slice %arg12[%add3A_280, %dma_start3A_325] : memref<10240x128xf32, #tpu.memory_space<vmem_shared>> -> memref<80x128xf32, #tpu.memory_space<vmem_shared>>
      tpu.enqueue_dma source(%dma_start3A_326 : memref<80x128xf32, #tpu.memory_space<vmem_shared>>) target(%arg9 : memref<80x128xf32, #tpu.memory_space<vmem>>) target_semaphore(%run_scoped3A : memref<!tpu.dma_semaphore, #tpu.memory_space<semaphore_mem>>)
      %dma_wait3A_327 = arith.constant 0 : i32
      %dma_wait3A_328 = tpu.memref_slice %arg12[%add3A_280, %dma_wait3A_327] : memref<10240x128xf32, #tpu.memory_space<vmem_shared>> -> memref<80x128xf32, #tpu.memory_space<vmem_shared>>
      %dma_wait3A_329 = arith.constant 0 : i32
      %dma_wait3A_330 = tpu.memref_slice %arg12[%add3A_280, %dma_wait3A_329] : memref<10240x128xf32, #tpu.memory_space<vmem_shared>> -> memref<80x128xf32, #tpu.memory_space<vmem_shared>>
      tpu.wait_dma2 semaphore(%run_scoped3A : memref<!tpu.dma_semaphore, #tpu.memory_space<semaphore_mem>>) src(%dma_wait3A_330 : memref<80x128xf32, #tpu.memory_space<vmem_shared>>) dst(%arg9 : memref<80x128xf32, #tpu.memory_space<vmem>>)
      tpu.yield
    }) : () -> ()
    %mul3A_281 = arith.constant 640 : i32
    %mul3A_282 = arith.muli %arg1, %mul3A_281 : i32
    %add3A_283 = arith.constant 480 : i32
    %add3A_284 = arith.addi %mul3A_282, %add3A_283 : i32
    %dma_start3A_285 = arith.constant 0 : i32
    %dma_start3A_286 = tpu.memref_slice %arg5[%arg0, %add3A_284, %dma_start3A_285] : memref<2x10240x128xf32, #tpu.memory_space<hbm>> -> memref<1x80x128xf32, #tpu.memory_space<hbm>>
    %dma_start3A_287 = tpu.memref_squeeze %dma_start3A_286 : memref<1x80x128xf32, #tpu.memory_space<hbm>> -> memref<80x128xf32, #tpu.memory_space<hbm>>
    %dma_start3A_288 = arith.constant 0 : i32
    %dma_start3A_289 = tpu.memref_slice %arg5[%arg0, %add3A_284, %dma_start3A_288] : memref<2x10240x128xf32, #tpu.memory_space<hbm>> -> memref<1x80x128xf32, #tpu.memory_space<hbm>>
    %dma_start3A_290 = tpu.memref_squeeze %dma_start3A_289 : memref<1x80x128xf32, #tpu.memory_space<hbm>> -> memref<80x128xf32, #tpu.memory_space<hbm>>
    tpu.enqueue_dma source(%arg9 : memref<80x128xf32, #tpu.memory_space<vmem>>) target(%dma_start3A_290 : memref<80x128xf32, #tpu.memory_space<hbm>>) target_semaphore(%arg15 : memref<!tpu.dma_semaphore, #tpu.memory_space<semaphore_mem>>)
    %dma_wait3A_291 = arith.constant 0 : i32
    %dma_wait3A_292 = tpu.memref_slice %arg5[%arg0, %add3A_264, %dma_wait3A_291] : memref<2x10240x128xf32, #tpu.memory_space<hbm>> -> memref<1x80x128xf32, #tpu.memory_space<hbm>>
    %dma_wait3A_293 = tpu.memref_squeeze %dma_wait3A_292 : memref<1x80x128xf32, #tpu.memory_space<hbm>> -> memref<80x128xf32, #tpu.memory_space<hbm>>
    %dma_wait3A_294 = arith.constant 0 : i32
    %dma_wait3A_295 = tpu.memref_slice %arg5[%arg0, %add3A_264, %dma_wait3A_294] : memref<2x10240x128xf32, #tpu.memory_space<hbm>> -> memref<1x80x128xf32, #tpu.memory_space<hbm>>
    %dma_wait3A_296 = tpu.memref_squeeze %dma_wait3A_295 : memref<1x80x128xf32, #tpu.memory_space<hbm>> -> memref<80x128xf32, #tpu.memory_space<hbm>>
    tpu.wait_dma2 semaphore(%arg16 : memref<!tpu.dma_semaphore, #tpu.memory_space<semaphore_mem>>) src(%arg10 : memref<80x128xf32, #tpu.memory_space<vmem>>) dst(%dma_wait3A_296 : memref<80x128xf32, #tpu.memory_space<hbm>>)
    %mul3A_297 = arith.constant 640 : i32
    %mul3A_298 = arith.muli %arg1, %mul3A_297 : i32
    %add3A_299 = arith.constant 560 : i32
    %add3A_300 = arith.addi %mul3A_298, %add3A_299 : i32
    "tpu.region"() ({
      %run_scoped3A = tpu.sem_alloc : memref<!tpu.dma_semaphore, #tpu.memory_space<semaphore_mem>>
      %dma_start3A_323 = arith.constant 0 : i32
      %dma_start3A_324 = tpu.memref_slice %arg12[%add3A_300, %dma_start3A_323] : memref<10240x128xf32, #tpu.memory_space<vmem_shared>> -> memref<80x128xf32, #tpu.memory_space<vmem_shared>>
      %dma_start3A_325 = arith.constant 0 : i32
      %dma_start3A_326 = tpu.memref_slice %arg12[%add3A_300, %dma_start3A_325] : memref<10240x128xf32, #tpu.memory_space<vmem_shared>> -> memref<80x128xf32, #tpu.memory_space<vmem_shared>>
      tpu.enqueue_dma source(%dma_start3A_326 : memref<80x128xf32, #tpu.memory_space<vmem_shared>>) target(%arg10 : memref<80x128xf32, #tpu.memory_space<vmem>>) target_semaphore(%run_scoped3A : memref<!tpu.dma_semaphore, #tpu.memory_space<semaphore_mem>>)
      %dma_wait3A_327 = arith.constant 0 : i32
      %dma_wait3A_328 = tpu.memref_slice %arg12[%add3A_300, %dma_wait3A_327] : memref<10240x128xf32, #tpu.memory_space<vmem_shared>> -> memref<80x128xf32, #tpu.memory_space<vmem_shared>>
      %dma_wait3A_329 = arith.constant 0 : i32
      %dma_wait3A_330 = tpu.memref_slice %arg12[%add3A_300, %dma_wait3A_329] : memref<10240x128xf32, #tpu.memory_space<vmem_shared>> -> memref<80x128xf32, #tpu.memory_space<vmem_shared>>
      tpu.wait_dma2 semaphore(%run_scoped3A : memref<!tpu.dma_semaphore, #tpu.memory_space<semaphore_mem>>) src(%dma_wait3A_330 : memref<80x128xf32, #tpu.memory_space<vmem_shared>>) dst(%arg10 : memref<80x128xf32, #tpu.memory_space<vmem>>)
      tpu.yield
    }) : () -> ()
    %mul3A_301 = arith.constant 640 : i32
    %mul3A_302 = arith.muli %arg1, %mul3A_301 : i32
    %add3A_303 = arith.constant 560 : i32
    %add3A_304 = arith.addi %mul3A_302, %add3A_303 : i32
    %dma_start3A_305 = arith.constant 0 : i32
    %dma_start3A_306 = tpu.memref_slice %arg5[%arg0, %add3A_304, %dma_start3A_305] : memref<2x10240x128xf32, #tpu.memory_space<hbm>> -> memref<1x80x128xf32, #tpu.memory_space<hbm>>
    %dma_start3A_307 = tpu.memref_squeeze %dma_start3A_306 : memref<1x80x128xf32, #tpu.memory_space<hbm>> -> memref<80x128xf32, #tpu.memory_space<hbm>>
    %dma_start3A_308 = arith.constant 0 : i32
    %dma_start3A_309 = tpu.memref_slice %arg5[%arg0, %add3A_304, %dma_start3A_308] : memref<2x10240x128xf32, #tpu.memory_space<hbm>> -> memref<1x80x128xf32, #tpu.memory_space<hbm>>
    %dma_start3A_310 = tpu.memref_squeeze %dma_start3A_309 : memref<1x80x128xf32, #tpu.memory_space<hbm>> -> memref<80x128xf32, #tpu.memory_space<hbm>>
    tpu.enqueue_dma source(%arg10 : memref<80x128xf32, #tpu.memory_space<vmem>>) target(%dma_start3A_310 : memref<80x128xf32, #tpu.memory_space<hbm>>) target_semaphore(%arg16 : memref<!tpu.dma_semaphore, #tpu.memory_space<semaphore_mem>>)
    %dma_wait3A_311 = arith.constant 0 : i32
    %dma_wait3A_312 = tpu.memref_slice %arg5[%arg0, %add3A_284, %dma_wait3A_311] : memref<2x10240x128xf32, #tpu.memory_space<hbm>> -> memref<1x80x128xf32, #tpu.memory_space<hbm>>
    %dma_wait3A_313 = tpu.memref_squeeze %dma_wait3A_312 : memref<1x80x128xf32, #tpu.memory_space<hbm>> -> memref<80x128xf32, #tpu.memory_space<hbm>>
    %dma_wait3A_314 = arith.constant 0 : i32
    %dma_wait3A_315 = tpu.memref_slice %arg5[%arg0, %add3A_284, %dma_wait3A_314] : memref<2x10240x128xf32, #tpu.memory_space<hbm>> -> memref<1x80x128xf32, #tpu.memory_space<hbm>>
    %dma_wait3A_316 = tpu.memref_squeeze %dma_wait3A_315 : memref<1x80x128xf32, #tpu.memory_space<hbm>> -> memref<80x128xf32, #tpu.memory_space<hbm>>
    tpu.wait_dma2 semaphore(%arg15 : memref<!tpu.dma_semaphore, #tpu.memory_space<semaphore_mem>>) src(%arg9 : memref<80x128xf32, #tpu.memory_space<vmem>>) dst(%dma_wait3A_316 : memref<80x128xf32, #tpu.memory_space<hbm>>)
    %dma_wait3A_317 = arith.constant 0 : i32
    %dma_wait3A_318 = tpu.memref_slice %arg5[%arg0, %add3A_304, %dma_wait3A_317] : memref<2x10240x128xf32, #tpu.memory_space<hbm>> -> memref<1x80x128xf32, #tpu.memory_space<hbm>>
    %dma_wait3A_319 = tpu.memref_squeeze %dma_wait3A_318 : memref<1x80x128xf32, #tpu.memory_space<hbm>> -> memref<80x128xf32, #tpu.memory_space<hbm>>
    %dma_wait3A_320 = arith.constant 0 : i32
    %dma_wait3A_321 = tpu.memref_slice %arg5[%arg0, %add3A_304, %dma_wait3A_320] : memref<2x10240x128xf32, #tpu.memory_space<hbm>> -> memref<1x80x128xf32, #tpu.memory_space<hbm>>
    %dma_wait3A_322 = tpu.memref_squeeze %dma_wait3A_321 : memref<1x80x128xf32, #tpu.memory_space<hbm>> -> memref<80x128xf32, #tpu.memory_space<hbm>>
    tpu.wait_dma2 semaphore(%arg16 : memref<!tpu.dma_semaphore, #tpu.memory_space<semaphore_mem>>) src(%arg10 : memref<80x128xf32, #tpu.memory_space<vmem>>) dst(%dma_wait3A_322 : memref<80x128xf32, #tpu.memory_space<hbm>>)
    return
  }
}

#map = affine_map<(d0, d1) -> (0, 0)>
#map1 = affine_map<(d0, d1) -> (0)>
#map2 = affine_map<(d0, d1) -> (0, 0, 0)>
module attributes {stable_mosaic.version = 14 : i64} {
  func.func @_agg_kernel(%arg0: i32, %arg1: i32, %arg2: memref<10240x128xf32, #tpu.memory_space<hbm>>, %arg3: memref<320000xi32, #tpu.memory_space<hbm>>, %arg4: memref<320000xi32, #tpu.memory_space<hbm>>, %arg5: memref<2x10240x128xf32, #tpu.memory_space<hbm>>, %arg6: memref<10000xi32, #tpu.memory_space<vmem>>, %arg7: memref<80xi32, #tpu.memory_space<vmem>>, %arg8: memref<80xi32, #tpu.memory_space<vmem>>, %arg9: memref<80x128xf32, #tpu.memory_space<vmem>>, %arg10: memref<80x128xf32, #tpu.memory_space<vmem>>, %arg11: memref<128x128xf32, #tpu.memory_space<vmem>>, %arg12: memref<10240x128xf32, #tpu.memory_space<vmem_shared>>, %arg13: memref<!tpu.dma_semaphore, #tpu.memory_space<semaphore_mem>>, %arg14: memref<!tpu.dma_semaphore, #tpu.memory_space<semaphore_mem>>, %arg15: memref<!tpu.dma_semaphore, #tpu.memory_space<semaphore_mem>>, %arg16: memref<!tpu.dma_semaphore, #tpu.memory_space<semaphore_mem>>, %arg17: memref<!tpu.dma_semaphore, #tpu.memory_space<semaphore_mem>>, %arg18: memref<!tpu.dma_semaphore, #tpu.memory_space<semaphore_mem>>) attributes {dimension_semantics = [#tpu.dimension_semantics<core_parallel>, #tpu.dimension_semantics<subcore_parallel>], iteration_bounds = array<i64: 2, 16>, scalar_prefetch = 0 : i64, scratch_operands = 13 : i64, tpu.core_type = #tpu.core_type<sc_vector_subcore>, window_params = [{transform_indices = #map}, {transform_indices = #map1}, {transform_indices = #map1}, {transform_indices = #map2}]} {
    %mul3A = arith.constant 16 : i32
    %mul3A_0 = arith.muli %arg0, %mul3A : i32
    %add3A = arith.addi %mul3A_0, %arg1 : i32
    %mul3A_1 = arith.constant 10000 : i32
    %mul3A_2 = arith.muli %add3A, %mul3A_1 : i32
    %dma_start3A = tpu.memref_slice %arg3[%mul3A_2] : memref<320000xi32, #tpu.memory_space<hbm>> -> memref<10000xi32, #tpu.memory_space<hbm>>
    %dma_start3A_3 = tpu.memref_slice %arg3[%mul3A_2] : memref<320000xi32, #tpu.memory_space<hbm>> -> memref<10000xi32, #tpu.memory_space<hbm>>
    tpu.enqueue_dma source(%dma_start3A_3 : memref<10000xi32, #tpu.memory_space<hbm>>) target(%arg6 : memref<10000xi32, #tpu.memory_space<vmem>>) target_semaphore(%arg13 : memref<!tpu.dma_semaphore, #tpu.memory_space<semaphore_mem>>)
    %broadcast_in_dim3A = arith.constant 0.000000e+00 : f32
    %broadcast_in_dim3A_4 = vector.broadcast %broadcast_in_dim3A : f32 to vector<16xf32>
    %scan3A = arith.constant 0 : i32
    %scan3A_5 = arith.constant 0 : i32
    %scan3A_6 = arith.constant 128 : i32
    %scan3A_7 = arith.addi %scan3A_5, %scan3A_6 : i32
    %scan3A_8 = arith.constant 1 : i32
    %scan3A_9 = scf.for %scan3A_323 = %scan3A_5 to %scan3A_7 step %scan3A_8 iter_args(%scan3A_324 = %scan3A) -> (i32)  : i32 {
      %swap3A = arith.index_cast %scan3A_323 : i32 to index
      %swap3A_325 = arith.constant 0 : index
      %swap3A_326 = tpu.vector_load %arg11[%swap3A, %swap3A_325] {strides = array<i32>} : memref<128x128xf32, #tpu.memory_space<vmem>>, vector<1x16xf32>,
      %swap3A_327 = vector.shape_cast %swap3A_326 : vector<1x16xf32> to vector<16xf32>
      %swap3A_328 = vector.shape_cast %broadcast_in_dim3A_4 : vector<16xf32> to vector<1x16xf32>
      tpu.vector_store %arg11[%swap3A, %swap3A_325], %swap3A_328 {strides = array<i32>} : memref<128x128xf32, #tpu.memory_space<vmem>>, vector<1x16xf32>,
      %swap3A_329 = arith.index_cast %scan3A_323 : i32 to index
      %swap3A_330 = arith.constant 16 : index
      %swap3A_331 = tpu.vector_load %arg11[%swap3A_329, %swap3A_330] {strides = array<i32>} : memref<128x128xf32, #tpu.memory_space<vmem>>, vector<1x16xf32>,
      %swap3A_332 = vector.shape_cast %swap3A_331 : vector<1x16xf32> to vector<16xf32>
      %swap3A_333 = vector.shape_cast %broadcast_in_dim3A_4 : vector<16xf32> to vector<1x16xf32>
      tpu.vector_store %arg11[%swap3A_329, %swap3A_330], %swap3A_333 {strides = array<i32>} : memref<128x128xf32, #tpu.memory_space<vmem>>, vector<1x16xf32>,
      %swap3A_334 = arith.index_cast %scan3A_323 : i32 to index
      %swap3A_335 = arith.constant 32 : index
      %swap3A_336 = tpu.vector_load %arg11[%swap3A_334, %swap3A_335] {strides = array<i32>} : memref<128x128xf32, #tpu.memory_space<vmem>>, vector<1x16xf32>,
      %swap3A_337 = vector.shape_cast %swap3A_336 : vector<1x16xf32> to vector<16xf32>
      %swap3A_338 = vector.shape_cast %broadcast_in_dim3A_4 : vector<16xf32> to vector<1x16xf32>
      tpu.vector_store %arg11[%swap3A_334, %swap3A_335], %swap3A_338 {strides = array<i32>} : memref<128x128xf32, #tpu.memory_space<vmem>>, vector<1x16xf32>,
      %swap3A_339 = arith.index_cast %scan3A_323 : i32 to index
      %swap3A_340 = arith.constant 48 : index
      %swap3A_341 = tpu.vector_load %arg11[%swap3A_339, %swap3A_340] {strides = array<i32>} : memref<128x128xf32, #tpu.memory_space<vmem>>, vector<1x16xf32>,
      %swap3A_342 = vector.shape_cast %swap3A_341 : vector<1x16xf32> to vector<16xf32>
      %swap3A_343 = vector.shape_cast %broadcast_in_dim3A_4 : vector<16xf32> to vector<1x16xf32>
      tpu.vector_store %arg11[%swap3A_339, %swap3A_340], %swap3A_343 {strides = array<i32>} : memref<128x128xf32, #tpu.memory_space<vmem>>, vector<1x16xf32>,
      %swap3A_344 = arith.index_cast %scan3A_323 : i32 to index
      %swap3A_345 = arith.constant 64 : index
      %swap3A_346 = tpu.vector_load %arg11[%swap3A_344, %swap3A_345] {strides = array<i32>} : memref<128x128xf32, #tpu.memory_space<vmem>>, vector<1x16xf32>,
      %swap3A_347 = vector.shape_cast %swap3A_346 : vector<1x16xf32> to vector<16xf32>
      %swap3A_348 = vector.shape_cast %broadcast_in_dim3A_4 : vector<16xf32> to vector<1x16xf32>
      tpu.vector_store %arg11[%swap3A_344, %swap3A_345], %swap3A_348 {strides = array<i32>} : memref<128x128xf32, #tpu.memory_space<vmem>>, vector<1x16xf32>,
      %swap3A_349 = arith.index_cast %scan3A_323 : i32 to index
      %swap3A_350 = arith.constant 80 : index
      %swap3A_351 = tpu.vector_load %arg11[%swap3A_349, %swap3A_350] {strides = array<i32>} : memref<128x128xf32, #tpu.memory_space<vmem>>, vector<1x16xf32>,
      %swap3A_352 = vector.shape_cast %swap3A_351 : vector<1x16xf32> to vector<16xf32>
      %swap3A_353 = vector.shape_cast %broadcast_in_dim3A_4 : vector<16xf32> to vector<1x16xf32>
      tpu.vector_store %arg11[%swap3A_349, %swap3A_350], %swap3A_353 {strides = array<i32>} : memref<128x128xf32, #tpu.memory_space<vmem>>, vector<1x16xf32>,
      %swap3A_354 = arith.index_cast %scan3A_323 : i32 to index
      %swap3A_355 = arith.constant 96 : index
      %swap3A_356 = tpu.vector_load %arg11[%swap3A_354, %swap3A_355] {strides = array<i32>} : memref<128x128xf32, #tpu.memory_space<vmem>>, vector<1x16xf32>,
      %swap3A_357 = vector.shape_cast %swap3A_356 : vector<1x16xf32> to vector<16xf32>
      %swap3A_358 = vector.shape_cast %broadcast_in_dim3A_4 : vector<16xf32> to vector<1x16xf32>
      tpu.vector_store %arg11[%swap3A_354, %swap3A_355], %swap3A_358 {strides = array<i32>} : memref<128x128xf32, #tpu.memory_space<vmem>>, vector<1x16xf32>,
      %swap3A_359 = arith.index_cast %scan3A_323 : i32 to index
      %swap3A_360 = arith.constant 112 : index
      %swap3A_361 = tpu.vector_load %arg11[%swap3A_359, %swap3A_360] {strides = array<i32>} : memref<128x128xf32, #tpu.memory_space<vmem>>, vector<1x16xf32>,
      %swap3A_362 = vector.shape_cast %swap3A_361 : vector<1x16xf32> to vector<16xf32>
      %swap3A_363 = vector.shape_cast %broadcast_in_dim3A_4 : vector<16xf32> to vector<1x16xf32>
      tpu.vector_store %arg11[%swap3A_359, %swap3A_360], %swap3A_363 {strides = array<i32>} : memref<128x128xf32, #tpu.memory_space<vmem>>, vector<1x16xf32>,
      %scan3A_364 = arith.constant 0 : i32
      scf.yield %scan3A_364 : i32
    }
    %scan3A_10 = arith.constant 128 : i32
    %mul3A_11 = arith.constant 640 : i32
    %mul3A_12 = arith.muli %arg1, %mul3A_11 : i32
    %add3A_13 = arith.constant 0 : i32
    %add3A_14 = arith.addi %mul3A_12, %add3A_13 : i32
    %dma_start3A_15 = arith.constant 0 : i32
    %dma_start3A_16 = tpu.memref_slice %arg12[%add3A_14, %dma_start3A_15] : memref<10240x128xf32, #tpu.memory_space<vmem_shared>> -> memref<128x128xf32, #tpu.memory_space<vmem_shared>>
    %dma_start3A_17 = arith.constant 0 : i32
    %dma_start3A_18 = tpu.memref_slice %arg12[%add3A_14, %dma_start3A_17] : memref<10240x128xf32, #tpu.memory_space<vmem_shared>> -> memref<128x128xf32, #tpu.memory_space<vmem_shared>>
    tpu.enqueue_dma source(%arg11 : memref<128x128xf32, #tpu.memory_space<vmem>>) target(%dma_start3A_18 : memref<128x128xf32, #tpu.memory_space<vmem_shared>>) target_semaphore(%arg14 : memref<!tpu.dma_semaphore, #tpu.memory_space<semaphore_mem>>)
    %mul3A_19 = arith.constant 640 : i32
    %mul3A_20 = arith.muli %arg1, %mul3A_19 : i32
    %add3A_21 = arith.constant 128 : i32
    %add3A_22 = arith.addi %mul3A_20, %add3A_21 : i32
    %dma_start3A_23 = arith.constant 0 : i32
    %dma_start3A_24 = tpu.memref_slice %arg12[%add3A_22, %dma_start3A_23] : memref<10240x128xf32, #tpu.memory_space<vmem_shared>> -> memref<128x128xf32, #tpu.memory_space<vmem_shared>>
    %dma_start3A_25 = arith.constant 0 : i32
    %dma_start3A_26 = tpu.memref_slice %arg12[%add3A_22, %dma_start3A_25] : memref<10240x128xf32, #tpu.memory_space<vmem_shared>> -> memref<128x128xf32, #tpu.memory_space<vmem_shared>>
    tpu.enqueue_dma source(%arg11 : memref<128x128xf32, #tpu.memory_space<vmem>>) target(%dma_start3A_26 : memref<128x128xf32, #tpu.memory_space<vmem_shared>>) target_semaphore(%arg14 : memref<!tpu.dma_semaphore, #tpu.memory_space<semaphore_mem>>)
    %mul3A_27 = arith.constant 640 : i32
    %mul3A_28 = arith.muli %arg1, %mul3A_27 : i32
    %add3A_29 = arith.constant 256 : i32
    %add3A_30 = arith.addi %mul3A_28, %add3A_29 : i32
    %dma_start3A_31 = arith.constant 0 : i32
    %dma_start3A_32 = tpu.memref_slice %arg12[%add3A_30, %dma_start3A_31] : memref<10240x128xf32, #tpu.memory_space<vmem_shared>> -> memref<128x128xf32, #tpu.memory_space<vmem_shared>>
    %dma_start3A_33 = arith.constant 0 : i32
    %dma_start3A_34 = tpu.memref_slice %arg12[%add3A_30, %dma_start3A_33] : memref<10240x128xf32, #tpu.memory_space<vmem_shared>> -> memref<128x128xf32, #tpu.memory_space<vmem_shared>>
    tpu.enqueue_dma source(%arg11 : memref<128x128xf32, #tpu.memory_space<vmem>>) target(%dma_start3A_34 : memref<128x128xf32, #tpu.memory_space<vmem_shared>>) target_semaphore(%arg14 : memref<!tpu.dma_semaphore, #tpu.memory_space<semaphore_mem>>)
    %mul3A_35 = arith.constant 640 : i32
    %mul3A_36 = arith.muli %arg1, %mul3A_35 : i32
    %add3A_37 = arith.constant 384 : i32
    %add3A_38 = arith.addi %mul3A_36, %add3A_37 : i32
    %dma_start3A_39 = arith.constant 0 : i32
    %dma_start3A_40 = tpu.memref_slice %arg12[%add3A_38, %dma_start3A_39] : memref<10240x128xf32, #tpu.memory_space<vmem_shared>> -> memref<128x128xf32, #tpu.memory_space<vmem_shared>>
    %dma_start3A_41 = arith.constant 0 : i32
    %dma_start3A_42 = tpu.memref_slice %arg12[%add3A_38, %dma_start3A_41] : memref<10240x128xf32, #tpu.memory_space<vmem_shared>> -> memref<128x128xf32, #tpu.memory_space<vmem_shared>>
    tpu.enqueue_dma source(%arg11 : memref<128x128xf32, #tpu.memory_space<vmem>>) target(%dma_start3A_42 : memref<128x128xf32, #tpu.memory_space<vmem_shared>>) target_semaphore(%arg14 : memref<!tpu.dma_semaphore, #tpu.memory_space<semaphore_mem>>)
    %mul3A_43 = arith.constant 640 : i32
    %mul3A_44 = arith.muli %arg1, %mul3A_43 : i32
    %add3A_45 = arith.constant 512 : i32
    %add3A_46 = arith.addi %mul3A_44, %add3A_45 : i32
    %dma_start3A_47 = arith.constant 0 : i32
    %dma_start3A_48 = tpu.memref_slice %arg12[%add3A_46, %dma_start3A_47] : memref<10240x128xf32, #tpu.memory_space<vmem_shared>> -> memref<128x128xf32, #tpu.memory_space<vmem_shared>>
    %dma_start3A_49 = arith.constant 0 : i32
    %dma_start3A_50 = tpu.memref_slice %arg12[%add3A_46, %dma_start3A_49] : memref<10240x128xf32, #tpu.memory_space<vmem_shared>> -> memref<128x128xf32, #tpu.memory_space<vmem_shared>>
    tpu.enqueue_dma source(%arg11 : memref<128x128xf32, #tpu.memory_space<vmem>>) target(%dma_start3A_50 : memref<128x128xf32, #tpu.memory_space<vmem_shared>>) target_semaphore(%arg14 : memref<!tpu.dma_semaphore, #tpu.memory_space<semaphore_mem>>)
    %dma_wait3A = arith.constant 0 : i32
    %dma_wait3A_51 = tpu.memref_slice %arg12[%add3A_14, %dma_wait3A] : memref<10240x128xf32, #tpu.memory_space<vmem_shared>> -> memref<128x128xf32, #tpu.memory_space<vmem_shared>>
    %dma_wait3A_52 = arith.constant 0 : i32
    %dma_wait3A_53 = tpu.memref_slice %arg12[%add3A_14, %dma_wait3A_52] : memref<10240x128xf32, #tpu.memory_space<vmem_shared>> -> memref<128x128xf32, #tpu.memory_space<vmem_shared>>
    tpu.wait_dma2 semaphore(%arg14 : memref<!tpu.dma_semaphore, #tpu.memory_space<semaphore_mem>>) src(%arg11 : memref<128x128xf32, #tpu.memory_space<vmem>>) dst(%dma_wait3A_53 : memref<128x128xf32, #tpu.memory_space<vmem_shared>>)
    %dma_wait3A_54 = arith.constant 0 : i32
    %dma_wait3A_55 = tpu.memref_slice %arg12[%add3A_22, %dma_wait3A_54] : memref<10240x128xf32, #tpu.memory_space<vmem_shared>> -> memref<128x128xf32, #tpu.memory_space<vmem_shared>>
    %dma_wait3A_56 = arith.constant 0 : i32
    %dma_wait3A_57 = tpu.memref_slice %arg12[%add3A_22, %dma_wait3A_56] : memref<10240x128xf32, #tpu.memory_space<vmem_shared>> -> memref<128x128xf32, #tpu.memory_space<vmem_shared>>
    tpu.wait_dma2 semaphore(%arg14 : memref<!tpu.dma_semaphore, #tpu.memory_space<semaphore_mem>>) src(%arg11 : memref<128x128xf32, #tpu.memory_space<vmem>>) dst(%dma_wait3A_57 : memref<128x128xf32, #tpu.memory_space<vmem_shared>>)
    %dma_wait3A_58 = arith.constant 0 : i32
    %dma_wait3A_59 = tpu.memref_slice %arg12[%add3A_30, %dma_wait3A_58] : memref<10240x128xf32, #tpu.memory_space<vmem_shared>> -> memref<128x128xf32, #tpu.memory_space<vmem_shared>>
    %dma_wait3A_60 = arith.constant 0 : i32
    %dma_wait3A_61 = tpu.memref_slice %arg12[%add3A_30, %dma_wait3A_60] : memref<10240x128xf32, #tpu.memory_space<vmem_shared>> -> memref<128x128xf32, #tpu.memory_space<vmem_shared>>
    tpu.wait_dma2 semaphore(%arg14 : memref<!tpu.dma_semaphore, #tpu.memory_space<semaphore_mem>>) src(%arg11 : memref<128x128xf32, #tpu.memory_space<vmem>>) dst(%dma_wait3A_61 : memref<128x128xf32, #tpu.memory_space<vmem_shared>>)
    %dma_wait3A_62 = arith.constant 0 : i32
    %dma_wait3A_63 = tpu.memref_slice %arg12[%add3A_38, %dma_wait3A_62] : memref<10240x128xf32, #tpu.memory_space<vmem_shared>> -> memref<128x128xf32, #tpu.memory_space<vmem_shared>>
    %dma_wait3A_64 = arith.constant 0 : i32
    %dma_wait3A_65 = tpu.memref_slice %arg12[%add3A_38, %dma_wait3A_64] : memref<10240x128xf32, #tpu.memory_space<vmem_shared>> -> memref<128x128xf32, #tpu.memory_space<vmem_shared>>
    tpu.wait_dma2 semaphore(%arg14 : memref<!tpu.dma_semaphore, #tpu.memory_space<semaphore_mem>>) src(%arg11 : memref<128x128xf32, #tpu.memory_space<vmem>>) dst(%dma_wait3A_65 : memref<128x128xf32, #tpu.memory_space<vmem_shared>>)
    %dma_wait3A_66 = arith.constant 0 : i32
    %dma_wait3A_67 = tpu.memref_slice %arg12[%add3A_46, %dma_wait3A_66] : memref<10240x128xf32, #tpu.memory_space<vmem_shared>> -> memref<128x128xf32, #tpu.memory_space<vmem_shared>>
    %dma_wait3A_68 = arith.constant 0 : i32
    %dma_wait3A_69 = tpu.memref_slice %arg12[%add3A_46, %dma_wait3A_68] : memref<10240x128xf32, #tpu.memory_space<vmem_shared>> -> memref<128x128xf32, #tpu.memory_space<vmem_shared>>
    tpu.wait_dma2 semaphore(%arg14 : memref<!tpu.dma_semaphore, #tpu.memory_space<semaphore_mem>>) src(%arg11 : memref<128x128xf32, #tpu.memory_space<vmem>>) dst(%dma_wait3A_69 : memref<128x128xf32, #tpu.memory_space<vmem_shared>>)
    %dma_wait3A_70 = tpu.memref_slice %arg3[%mul3A_2] : memref<320000xi32, #tpu.memory_space<hbm>> -> memref<10000xi32, #tpu.memory_space<hbm>>
    %dma_wait3A_71 = tpu.memref_slice %arg3[%mul3A_2] : memref<320000xi32, #tpu.memory_space<hbm>> -> memref<10000xi32, #tpu.memory_space<hbm>>
    tpu.wait_dma2 semaphore(%arg13 : memref<!tpu.dma_semaphore, #tpu.memory_space<semaphore_mem>>) src(%dma_wait3A_71 : memref<10000xi32, #tpu.memory_space<hbm>>) dst(%arg6 : memref<10000xi32, #tpu.memory_space<vmem>>)
    %barrier3A = arith.constant 0 : index
    tpu.barrier barrier_id(%barrier3A)
    %mul3A_72 = arith.constant 10000 : i32
    %mul3A_73 = arith.muli %add3A, %mul3A_72 : i32
    %add3A_74 = arith.constant 0 : i32
    %add3A_75 = arith.addi %mul3A_73, %add3A_74 : i32
    %multiple_of3A = tpu.assume_multiple %add3A_75, 8 : i32
    %multiple_of3A_76 = arith.constant 0 : i32
    %multiple_of3A_77 = tpu.assume_multiple %multiple_of3A_76, 8 : i32
    %dma_start3A_78 = tpu.memref_slice %arg4[%multiple_of3A] : memref<320000xi32, #tpu.memory_space<hbm>> -> memref<80xi32, #tpu.memory_space<hbm>>
    %dma_start3A_79 = tpu.memref_slice %arg4[%multiple_of3A] : memref<320000xi32, #tpu.memory_space<hbm>> -> memref<80xi32, #tpu.memory_space<hbm>>
    tpu.enqueue_dma source(%dma_start3A_79 : memref<80xi32, #tpu.memory_space<hbm>>) target(%arg7 : memref<80xi32, #tpu.memory_space<vmem>>) target_semaphore(%arg15 : memref<!tpu.dma_semaphore, #tpu.memory_space<semaphore_mem>>)
    %dma_start3A_80 = tpu.memref_slice %arg6[%multiple_of3A_77] : memref<10000xi32, #tpu.memory_space<vmem>> -> memref<80xi32, #tpu.memory_space<vmem>>
    %dma_start3A_81 = arith.constant 0 : i32
    %dma_start3A_82 = arith.constant 0 : i32
    %dma_start3A_83 = tpu.memref_slice %arg2[%dma_start3A_81, %dma_start3A_82] : memref<10240x128xf32, #tpu.memory_space<hbm>> -> memref<10240x128xf32, #tpu.memory_space<hbm>>
    tpu.enqueue_indirect_dma source(%dma_start3A_83 : memref<10240x128xf32, #tpu.memory_space<hbm>>) target(%arg9 : memref<80x128xf32, #tpu.memory_space<vmem>>) offsets(%dma_start3A_80 : memref<80xi32, #tpu.memory_space<vmem>>) semaphore(%arg15 : memref<!tpu.dma_semaphore, #tpu.memory_space<semaphore_mem>>)
    %dma_wait3A_84 = arith.constant 0 : i32
    %dma_wait3A_85 = tpu.memref_slice %arg4[%dma_wait3A_84] : memref<320000xi32, #tpu.memory_space<hbm>> -> memref<80xi32, #tpu.memory_space<hbm>>
    %dma_wait3A_86 = arith.constant 0 : i32
    %dma_wait3A_87 = tpu.memref_slice %arg4[%dma_wait3A_86] : memref<320000xi32, #tpu.memory_space<hbm>> -> memref<80xi32, #tpu.memory_space<hbm>>
    tpu.wait_dma2 semaphore(%arg15 : memref<!tpu.dma_semaphore, #tpu.memory_space<semaphore_mem>>) src(%dma_wait3A_87 : memref<80xi32, #tpu.memory_space<hbm>>) dst(%arg7 : memref<80xi32, #tpu.memory_space<vmem>>)
    %dma_wait3A_88 = arith.constant 0 : i32
    %dma_wait3A_89 = tpu.memref_slice %arg6[%dma_wait3A_88] : memref<10000xi32, #tpu.memory_space<vmem>> -> memref<80xi32, #tpu.memory_space<vmem>>
    %dma_wait3A_90 = arith.constant 0 : i32
    %dma_wait3A_91 = arith.constant 0 : i32
    %dma_wait3A_92 = tpu.memref_slice %arg2[%dma_wait3A_90, %dma_wait3A_91] : memref<10240x128xf32, #tpu.memory_space<hbm>> -> memref<10240x128xf32, #tpu.memory_space<hbm>>
    tpu.wait_indirect_dma semaphore(%arg15 : memref<!tpu.dma_semaphore, #tpu.memory_space<semaphore_mem>>) src(%dma_wait3A_92 : memref<10240x128xf32, #tpu.memory_space<hbm>>) dst(%arg9 : memref<80x128xf32, #tpu.memory_space<vmem>>)
    %dma_start3A_93 = arith.constant 0 : i32
    %dma_start3A_94 = arith.constant 0 : i32
    %dma_start3A_95 = tpu.memref_slice %arg12[%dma_start3A_93, %dma_start3A_94] : memref<10240x128xf32, #tpu.memory_space<vmem_shared>> -> memref<10240x128xf32, #tpu.memory_space<vmem_shared>>
    tpu.enqueue_indirect_dma source(%arg9 : memref<80x128xf32, #tpu.memory_space<vmem>>) target(%dma_start3A_95 : memref<10240x128xf32, #tpu.memory_space<vmem_shared>>) offsets(%arg7 : memref<80xi32, #tpu.memory_space<vmem>>) semaphore(%arg17 : memref<!tpu.dma_semaphore, #tpu.memory_space<semaphore_mem>>) {add = true}
    %mul3A_96 = arith.constant 10000 : i32
    %mul3A_97 = arith.muli %add3A, %mul3A_96 : i32
    %add3A_98 = arith.constant 80 : i32
    %add3A_99 = arith.addi %mul3A_97, %add3A_98 : i32
    %multiple_of3A_100 = tpu.assume_multiple %add3A_99, 8 : i32
    %multiple_of3A_101 = arith.constant 80 : i32
    %multiple_of3A_102 = tpu.assume_multiple %multiple_of3A_101, 8 : i32
    %dma_start3A_103 = tpu.memref_slice %arg4[%multiple_of3A_100] : memref<320000xi32, #tpu.memory_space<hbm>> -> memref<80xi32, #tpu.memory_space<hbm>>
    %dma_start3A_104 = tpu.memref_slice %arg4[%multiple_of3A_100] : memref<320000xi32, #tpu.memory_space<hbm>> -> memref<80xi32, #tpu.memory_space<hbm>>
    tpu.enqueue_dma source(%dma_start3A_104 : memref<80xi32, #tpu.memory_space<hbm>>) target(%arg8 : memref<80xi32, #tpu.memory_space<vmem>>) target_semaphore(%arg16 : memref<!tpu.dma_semaphore, #tpu.memory_space<semaphore_mem>>)
    %dma_start3A_105 = tpu.memref_slice %arg6[%multiple_of3A_102] : memref<10000xi32, #tpu.memory_space<vmem>> -> memref<80xi32, #tpu.memory_space<vmem>>
    %dma_start3A_106 = arith.constant 0 : i32
    %dma_start3A_107 = arith.constant 0 : i32
    %dma_start3A_108 = tpu.memref_slice %arg2[%dma_start3A_106, %dma_start3A_107] : memref<10240x128xf32, #tpu.memory_space<hbm>> -> memref<10240x128xf32, #tpu.memory_space<hbm>>
    tpu.enqueue_indirect_dma source(%dma_start3A_108 : memref<10240x128xf32, #tpu.memory_space<hbm>>) target(%arg10 : memref<80x128xf32, #tpu.memory_space<vmem>>) offsets(%dma_start3A_105 : memref<80xi32, #tpu.memory_space<vmem>>) semaphore(%arg16 : memref<!tpu.dma_semaphore, #tpu.memory_space<semaphore_mem>>)
    %dma_wait3A_109 = arith.constant 0 : i32
    %dma_wait3A_110 = tpu.memref_slice %arg4[%dma_wait3A_109] : memref<320000xi32, #tpu.memory_space<hbm>> -> memref<80xi32, #tpu.memory_space<hbm>>
    %dma_wait3A_111 = arith.constant 0 : i32
    %dma_wait3A_112 = tpu.memref_slice %arg4[%dma_wait3A_111] : memref<320000xi32, #tpu.memory_space<hbm>> -> memref<80xi32, #tpu.memory_space<hbm>>
    tpu.wait_dma2 semaphore(%arg16 : memref<!tpu.dma_semaphore, #tpu.memory_space<semaphore_mem>>) src(%dma_wait3A_112 : memref<80xi32, #tpu.memory_space<hbm>>) dst(%arg8 : memref<80xi32, #tpu.memory_space<vmem>>)
    %dma_wait3A_113 = arith.constant 0 : i32
    %dma_wait3A_114 = tpu.memref_slice %arg6[%dma_wait3A_113] : memref<10000xi32, #tpu.memory_space<vmem>> -> memref<80xi32, #tpu.memory_space<vmem>>
    %dma_wait3A_115 = arith.constant 0 : i32
    %dma_wait3A_116 = arith.constant 0 : i32
    %dma_wait3A_117 = tpu.memref_slice %arg2[%dma_wait3A_115, %dma_wait3A_116] : memref<10240x128xf32, #tpu.memory_space<hbm>> -> memref<10240x128xf32, #tpu.memory_space<hbm>>
    tpu.wait_indirect_dma semaphore(%arg16 : memref<!tpu.dma_semaphore, #tpu.memory_space<semaphore_mem>>) src(%dma_wait3A_117 : memref<10240x128xf32, #tpu.memory_space<hbm>>) dst(%arg10 : memref<80x128xf32, #tpu.memory_space<vmem>>)
    %dma_start3A_118 = arith.constant 0 : i32
    %dma_start3A_119 = arith.constant 0 : i32
    %dma_start3A_120 = tpu.memref_slice %arg12[%dma_start3A_118, %dma_start3A_119] : memref<10240x128xf32, #tpu.memory_space<vmem_shared>> -> memref<10240x128xf32, #tpu.memory_space<vmem_shared>>
    tpu.enqueue_indirect_dma source(%arg10 : memref<80x128xf32, #tpu.memory_space<vmem>>) target(%dma_start3A_120 : memref<10240x128xf32, #tpu.memory_space<vmem_shared>>) offsets(%arg8 : memref<80xi32, #tpu.memory_space<vmem>>) semaphore(%arg18 : memref<!tpu.dma_semaphore, #tpu.memory_space<semaphore_mem>>) {add = true}
    %dma_wait3A_121 = arith.constant 0 : i32
    %dma_wait3A_122 = arith.constant 0 : i32
    %dma_wait3A_123 = tpu.memref_slice %arg12[%dma_wait3A_121, %dma_wait3A_122] : memref<10240x128xf32, #tpu.memory_space<vmem_shared>> -> memref<10240x128xf32, #tpu.memory_space<vmem_shared>>
    tpu.wait_indirect_dma semaphore(%arg17 : memref<!tpu.dma_semaphore, #tpu.memory_space<semaphore_mem>>) src(%arg9 : memref<80x128xf32, #tpu.memory_space<vmem>>) dst(%dma_wait3A_123 : memref<10240x128xf32, #tpu.memory_space<vmem_shared>>)
    %mul3A_124 = arith.constant 10000 : i32
    %mul3A_125 = arith.muli %add3A, %mul3A_124 : i32
    %add3A_126 = arith.constant 160 : i32
    %add3A_127 = arith.addi %mul3A_125, %add3A_126 : i32
    %multiple_of3A_128 = tpu.assume_multiple %add3A_127, 8 : i32
    %multiple_of3A_129 = arith.constant 160 : i32
    %multiple_of3A_130 = tpu.assume_multiple %multiple_of3A_129, 8 : i32
    %dma_start3A_131 = tpu.memref_slice %arg4[%multiple_of3A_128] : memref<320000xi32, #tpu.memory_space<hbm>> -> memref<80xi32, #tpu.memory_space<hbm>>
    %dma_start3A_132 = tpu.memref_slice %arg4[%multiple_of3A_128] : memref<320000xi32, #tpu.memory_space<hbm>> -> memref<80xi32, #tpu.memory_space<hbm>>
    tpu.enqueue_dma source(%dma_start3A_132 : memref<80xi32, #tpu.memory_space<hbm>>) target(%arg7 : memref<80xi32, #tpu.memory_space<vmem>>) target_semaphore(%arg15 : memref<!tpu.dma_semaphore, #tpu.memory_space<semaphore_mem>>)
    %dma_start3A_133 = tpu.memref_slice %arg6[%multiple_of3A_130] : memref<10000xi32, #tpu.memory_space<vmem>> -> memref<80xi32, #tpu.memory_space<vmem>>
    %dma_start3A_134 = arith.constant 0 : i32
    %dma_start3A_135 = arith.constant 0 : i32
    %dma_start3A_136 = tpu.memref_slice %arg2[%dma_start3A_134, %dma_start3A_135] : memref<10240x128xf32, #tpu.memory_space<hbm>> -> memref<10240x128xf32, #tpu.memory_space<hbm>>
    tpu.enqueue_indirect_dma source(%dma_start3A_136 : memref<10240x128xf32, #tpu.memory_space<hbm>>) target(%arg9 : memref<80x128xf32, #tpu.memory_space<vmem>>) offsets(%dma_start3A_133 : memref<80xi32, #tpu.memory_space<vmem>>) semaphore(%arg15 : memref<!tpu.dma_semaphore, #tpu.memory_space<semaphore_mem>>)
    %scan3A_137 = arith.constant 0 : i32
    %scan3A_138 = arith.constant 1 : i32
    %scan3A_139 = arith.constant 61 : i32
    %scan3A_140 = arith.addi %scan3A_138, %scan3A_139 : i32
    %scan3A_141 = arith.constant 1 : i32
    %scan3A_142 = scf.for %scan3A_323 = %scan3A_138 to %scan3A_140 step %scan3A_141 iter_args(%scan3A_324 = %scan3A_137) -> (i32)  : i32 {
      %mul3A_325 = arith.constant 2 : i32
      %mul3A_326 = arith.muli %mul3A_325, %scan3A_323 : i32
      %dma_wait3A_327 = arith.constant 0 : i32
      %dma_wait3A_328 = tpu.memref_slice %arg4[%dma_wait3A_327] : memref<320000xi32, #tpu.memory_space<hbm>> -> memref<80xi32, #tpu.memory_space<hbm>>
      %dma_wait3A_329 = arith.constant 0 : i32
      %dma_wait3A_330 = tpu.memref_slice %arg4[%dma_wait3A_329] : memref<320000xi32, #tpu.memory_space<hbm>> -> memref<80xi32, #tpu.memory_space<hbm>>
      tpu.wait_dma2 semaphore(%arg15 : memref<!tpu.dma_semaphore, #tpu.memory_space<semaphore_mem>>) src(%dma_wait3A_330 : memref<80xi32, #tpu.memory_space<hbm>>) dst(%arg7 : memref<80xi32, #tpu.memory_space<vmem>>)
      %dma_wait3A_331 = arith.constant 0 : i32
      %dma_wait3A_332 = tpu.memref_slice %arg6[%dma_wait3A_331] : memref<10000xi32, #tpu.memory_space<vmem>> -> memref<80xi32, #tpu.memory_space<vmem>>
      %dma_wait3A_333 = arith.constant 0 : i32
      %dma_wait3A_334 = arith.constant 0 : i32
      %dma_wait3A_335 = tpu.memref_slice %arg2[%dma_wait3A_333, %dma_wait3A_334] : memref<10240x128xf32, #tpu.memory_space<hbm>> -> memref<10240x128xf32, #tpu.memory_space<hbm>>
      tpu.wait_indirect_dma semaphore(%arg15 : memref<!tpu.dma_semaphore, #tpu.memory_space<semaphore_mem>>) src(%dma_wait3A_335 : memref<10240x128xf32, #tpu.memory_space<hbm>>) dst(%arg9 : memref<80x128xf32, #tpu.memory_space<vmem>>)
      %dma_start3A_336 = arith.constant 0 : i32
      %dma_start3A_337 = arith.constant 0 : i32
      %dma_start3A_338 = tpu.memref_slice %arg12[%dma_start3A_336, %dma_start3A_337] : memref<10240x128xf32, #tpu.memory_space<vmem_shared>> -> memref<10240x128xf32, #tpu.memory_space<vmem_shared>>
      tpu.enqueue_indirect_dma source(%arg9 : memref<80x128xf32, #tpu.memory_space<vmem>>) target(%dma_start3A_338 : memref<10240x128xf32, #tpu.memory_space<vmem_shared>>) offsets(%arg7 : memref<80xi32, #tpu.memory_space<vmem>>) semaphore(%arg17 : memref<!tpu.dma_semaphore, #tpu.memory_space<semaphore_mem>>) {add = true}
      %dma_wait3A_339 = arith.constant 0 : i32
      %dma_wait3A_340 = arith.constant 0 : i32
      %dma_wait3A_341 = tpu.memref_slice %arg12[%dma_wait3A_339, %dma_wait3A_340] : memref<10240x128xf32, #tpu.memory_space<vmem_shared>> -> memref<10240x128xf32, #tpu.memory_space<vmem_shared>>
      tpu.wait_indirect_dma semaphore(%arg18 : memref<!tpu.dma_semaphore, #tpu.memory_space<semaphore_mem>>) src(%arg10 : memref<80x128xf32, #tpu.memory_space<vmem>>) dst(%dma_wait3A_341 : memref<10240x128xf32, #tpu.memory_space<vmem_shared>>)
      %add3A_342 = arith.constant 1 : i32
      %add3A_343 = arith.addi %mul3A_326, %add3A_342 : i32
      %mul3A_344 = arith.constant 10000 : i32
      %mul3A_345 = arith.muli %add3A, %mul3A_344 : i32
      %mul3A_346 = arith.constant 80 : i32
      %mul3A_347 = arith.muli %add3A_343, %mul3A_346 : i32
      %add3A_348 = arith.addi %mul3A_345, %mul3A_347 : i32
      %multiple_of3A_349 = tpu.assume_multiple %add3A_348, 8 : i32
      %mul3A_350 = arith.constant 80 : i32
      %mul3A_351 = arith.muli %add3A_343, %mul3A_350 : i32
      %multiple_of3A_352 = tpu.assume_multiple %mul3A_351, 8 : i32
      %dma_start3A_353 = tpu.memref_slice %arg4[%multiple_of3A_349] : memref<320000xi32, #tpu.memory_space<hbm>> -> memref<80xi32, #tpu.memory_space<hbm>>
      %dma_start3A_354 = tpu.memref_slice %arg4[%multiple_of3A_349] : memref<320000xi32, #tpu.memory_space<hbm>> -> memref<80xi32, #tpu.memory_space<hbm>>
      tpu.enqueue_dma source(%dma_start3A_354 : memref<80xi32, #tpu.memory_space<hbm>>) target(%arg8 : memref<80xi32, #tpu.memory_space<vmem>>) target_semaphore(%arg16 : memref<!tpu.dma_semaphore, #tpu.memory_space<semaphore_mem>>)
      %dma_start3A_355 = tpu.memref_slice %arg6[%multiple_of3A_352] : memref<10000xi32, #tpu.memory_space<vmem>> -> memref<80xi32, #tpu.memory_space<vmem>>
      %dma_start3A_356 = arith.constant 0 : i32
      %dma_start3A_357 = arith.constant 0 : i32
      %dma_start3A_358 = tpu.memref_slice %arg2[%dma_start3A_356, %dma_start3A_357] : memref<10240x128xf32, #tpu.memory_space<hbm>> -> memref<10240x128xf32, #tpu.memory_space<hbm>>
      tpu.enqueue_indirect_dma source(%dma_start3A_358 : memref<10240x128xf32, #tpu.memory_space<hbm>>) target(%arg10 : memref<80x128xf32, #tpu.memory_space<vmem>>) offsets(%dma_start3A_355 : memref<80xi32, #tpu.memory_space<vmem>>) semaphore(%arg16 : memref<!tpu.dma_semaphore, #tpu.memory_space<semaphore_mem>>)
      %dma_wait3A_359 = arith.constant 0 : i32
      %dma_wait3A_360 = tpu.memref_slice %arg4[%dma_wait3A_359] : memref<320000xi32, #tpu.memory_space<hbm>> -> memref<80xi32, #tpu.memory_space<hbm>>
      %dma_wait3A_361 = arith.constant 0 : i32
      %dma_wait3A_362 = tpu.memref_slice %arg4[%dma_wait3A_361] : memref<320000xi32, #tpu.memory_space<hbm>> -> memref<80xi32, #tpu.memory_space<hbm>>
      tpu.wait_dma2 semaphore(%arg16 : memref<!tpu.dma_semaphore, #tpu.memory_space<semaphore_mem>>) src(%dma_wait3A_362 : memref<80xi32, #tpu.memory_space<hbm>>) dst(%arg8 : memref<80xi32, #tpu.memory_space<vmem>>)
      %dma_wait3A_363 = arith.constant 0 : i32
      %dma_wait3A_364 = tpu.memref_slice %arg6[%dma_wait3A_363] : memref<10000xi32, #tpu.memory_space<vmem>> -> memref<80xi32, #tpu.memory_space<vmem>>
      %dma_wait3A_365 = arith.constant 0 : i32
      %dma_wait3A_366 = arith.constant 0 : i32
      %dma_wait3A_367 = tpu.memref_slice %arg2[%dma_wait3A_365, %dma_wait3A_366] : memref<10240x128xf32, #tpu.memory_space<hbm>> -> memref<10240x128xf32, #tpu.memory_space<hbm>>
      tpu.wait_indirect_dma semaphore(%arg16 : memref<!tpu.dma_semaphore, #tpu.memory_space<semaphore_mem>>) src(%dma_wait3A_367 : memref<10240x128xf32, #tpu.memory_space<hbm>>) dst(%arg10 : memref<80x128xf32, #tpu.memory_space<vmem>>)
      %dma_start3A_368 = arith.constant 0 : i32
      %dma_start3A_369 = arith.constant 0 : i32
      %dma_start3A_370 = tpu.memref_slice %arg12[%dma_start3A_368, %dma_start3A_369] : memref<10240x128xf32, #tpu.memory_space<vmem_shared>> -> memref<10240x128xf32, #tpu.memory_space<vmem_shared>>
      tpu.enqueue_indirect_dma source(%arg10 : memref<80x128xf32, #tpu.memory_space<vmem>>) target(%dma_start3A_370 : memref<10240x128xf32, #tpu.memory_space<vmem_shared>>) offsets(%arg8 : memref<80xi32, #tpu.memory_space<vmem>>) semaphore(%arg18 : memref<!tpu.dma_semaphore, #tpu.memory_space<semaphore_mem>>) {add = true}
      %dma_wait3A_371 = arith.constant 0 : i32
      %dma_wait3A_372 = arith.constant 0 : i32
      %dma_wait3A_373 = tpu.memref_slice %arg12[%dma_wait3A_371, %dma_wait3A_372] : memref<10240x128xf32, #tpu.memory_space<vmem_shared>> -> memref<10240x128xf32, #tpu.memory_space<vmem_shared>>
      tpu.wait_indirect_dma semaphore(%arg17 : memref<!tpu.dma_semaphore, #tpu.memory_space<semaphore_mem>>) src(%arg9 : memref<80x128xf32, #tpu.memory_space<vmem>>) dst(%dma_wait3A_373 : memref<10240x128xf32, #tpu.memory_space<vmem_shared>>)
      %add3A_374 = arith.constant 2 : i32
      %add3A_375 = arith.addi %mul3A_326, %add3A_374 : i32
      %mul3A_376 = arith.constant 10000 : i32
      %mul3A_377 = arith.muli %add3A, %mul3A_376 : i32
      %mul3A_378 = arith.constant 80 : i32
      %mul3A_379 = arith.muli %add3A_375, %mul3A_378 : i32
      %add3A_380 = arith.addi %mul3A_377, %mul3A_379 : i32
      %multiple_of3A_381 = tpu.assume_multiple %add3A_380, 8 : i32
      %mul3A_382 = arith.constant 80 : i32
      %mul3A_383 = arith.muli %add3A_375, %mul3A_382 : i32
      %multiple_of3A_384 = tpu.assume_multiple %mul3A_383, 8 : i32
      %dma_start3A_385 = tpu.memref_slice %arg4[%multiple_of3A_381] : memref<320000xi32, #tpu.memory_space<hbm>> -> memref<80xi32, #tpu.memory_space<hbm>>
      %dma_start3A_386 = tpu.memref_slice %arg4[%multiple_of3A_381] : memref<320000xi32, #tpu.memory_space<hbm>> -> memref<80xi32, #tpu.memory_space<hbm>>
      tpu.enqueue_dma source(%dma_start3A_386 : memref<80xi32, #tpu.memory_space<hbm>>) target(%arg7 : memref<80xi32, #tpu.memory_space<vmem>>) target_semaphore(%arg15 : memref<!tpu.dma_semaphore, #tpu.memory_space<semaphore_mem>>)
      %dma_start3A_387 = tpu.memref_slice %arg6[%multiple_of3A_384] : memref<10000xi32, #tpu.memory_space<vmem>> -> memref<80xi32, #tpu.memory_space<vmem>>
      %dma_start3A_388 = arith.constant 0 : i32
      %dma_start3A_389 = arith.constant 0 : i32
      %dma_start3A_390 = tpu.memref_slice %arg2[%dma_start3A_388, %dma_start3A_389] : memref<10240x128xf32, #tpu.memory_space<hbm>> -> memref<10240x128xf32, #tpu.memory_space<hbm>>
      tpu.enqueue_indirect_dma source(%dma_start3A_390 : memref<10240x128xf32, #tpu.memory_space<hbm>>) target(%arg9 : memref<80x128xf32, #tpu.memory_space<vmem>>) offsets(%dma_start3A_387 : memref<80xi32, #tpu.memory_space<vmem>>) semaphore(%arg15 : memref<!tpu.dma_semaphore, #tpu.memory_space<semaphore_mem>>)
      %scan3A_391 = arith.constant 0 : i32
      scf.yield %scan3A_391 : i32
    }
    %scan3A_143 = arith.constant 61 : i32
    %dma_wait3A_144 = arith.constant 0 : i32
    %dma_wait3A_145 = tpu.memref_slice %arg4[%dma_wait3A_144] : memref<320000xi32, #tpu.memory_space<hbm>> -> memref<80xi32, #tpu.memory_space<hbm>>
    %dma_wait3A_146 = arith.constant 0 : i32
    %dma_wait3A_147 = tpu.memref_slice %arg4[%dma_wait3A_146] : memref<320000xi32, #tpu.memory_space<hbm>> -> memref<80xi32, #tpu.memory_space<hbm>>
    tpu.wait_dma2 semaphore(%arg15 : memref<!tpu.dma_semaphore, #tpu.memory_space<semaphore_mem>>) src(%dma_wait3A_147 : memref<80xi32, #tpu.memory_space<hbm>>) dst(%arg7 : memref<80xi32, #tpu.memory_space<vmem>>)
    %dma_wait3A_148 = arith.constant 0 : i32
    %dma_wait3A_149 = tpu.memref_slice %arg6[%dma_wait3A_148] : memref<10000xi32, #tpu.memory_space<vmem>> -> memref<80xi32, #tpu.memory_space<vmem>>
    %dma_wait3A_150 = arith.constant 0 : i32
    %dma_wait3A_151 = arith.constant 0 : i32
    %dma_wait3A_152 = tpu.memref_slice %arg2[%dma_wait3A_150, %dma_wait3A_151] : memref<10240x128xf32, #tpu.memory_space<hbm>> -> memref<10240x128xf32, #tpu.memory_space<hbm>>
    tpu.wait_indirect_dma semaphore(%arg15 : memref<!tpu.dma_semaphore, #tpu.memory_space<semaphore_mem>>) src(%dma_wait3A_152 : memref<10240x128xf32, #tpu.memory_space<hbm>>) dst(%arg9 : memref<80x128xf32, #tpu.memory_space<vmem>>)
    %dma_start3A_153 = arith.constant 0 : i32
    %dma_start3A_154 = arith.constant 0 : i32
    %dma_start3A_155 = tpu.memref_slice %arg12[%dma_start3A_153, %dma_start3A_154] : memref<10240x128xf32, #tpu.memory_space<vmem_shared>> -> memref<10240x128xf32, #tpu.memory_space<vmem_shared>>
    tpu.enqueue_indirect_dma source(%arg9 : memref<80x128xf32, #tpu.memory_space<vmem>>) target(%dma_start3A_155 : memref<10240x128xf32, #tpu.memory_space<vmem_shared>>) offsets(%arg7 : memref<80xi32, #tpu.memory_space<vmem>>) semaphore(%arg17 : memref<!tpu.dma_semaphore, #tpu.memory_space<semaphore_mem>>) {add = true}
    %dma_wait3A_156 = arith.constant 0 : i32
    %dma_wait3A_157 = arith.constant 0 : i32
    %dma_wait3A_158 = tpu.memref_slice %arg12[%dma_wait3A_156, %dma_wait3A_157] : memref<10240x128xf32, #tpu.memory_space<vmem_shared>> -> memref<10240x128xf32, #tpu.memory_space<vmem_shared>>
    tpu.wait_indirect_dma semaphore(%arg18 : memref<!tpu.dma_semaphore, #tpu.memory_space<semaphore_mem>>) src(%arg10 : memref<80x128xf32, #tpu.memory_space<vmem>>) dst(%dma_wait3A_158 : memref<10240x128xf32, #tpu.memory_space<vmem_shared>>)
    %dma_wait3A_159 = arith.constant 0 : i32
    %dma_wait3A_160 = arith.constant 0 : i32
    %dma_wait3A_161 = tpu.memref_slice %arg12[%dma_wait3A_159, %dma_wait3A_160] : memref<10240x128xf32, #tpu.memory_space<vmem_shared>> -> memref<10240x128xf32, #tpu.memory_space<vmem_shared>>
    tpu.wait_indirect_dma semaphore(%arg17 : memref<!tpu.dma_semaphore, #tpu.memory_space<semaphore_mem>>) src(%arg9 : memref<80x128xf32, #tpu.memory_space<vmem>>) dst(%dma_wait3A_161 : memref<10240x128xf32, #tpu.memory_space<vmem_shared>>)
    %barrier3A_162 = arith.constant 0 : index
    tpu.barrier barrier_id(%barrier3A_162)
    %mul3A_163 = arith.constant 640 : i32
    %mul3A_164 = arith.muli %arg1, %mul3A_163 : i32
    %add3A_165 = arith.constant 0 : i32
    %add3A_166 = arith.addi %mul3A_164, %add3A_165 : i32
    "tpu.region"() ({
      %run_scoped3A = tpu.sem_alloc : memref<!tpu.dma_semaphore, #tpu.memory_space<semaphore_mem>>
      %dma_start3A_323 = arith.constant 0 : i32
      %dma_start3A_324 = tpu.memref_slice %arg12[%add3A_166, %dma_start3A_323] : memref<10240x128xf32, #tpu.memory_space<vmem_shared>> -> memref<80x128xf32, #tpu.memory_space<vmem_shared>>
      %dma_start3A_325 = arith.constant 0 : i32
      %dma_start3A_326 = tpu.memref_slice %arg12[%add3A_166, %dma_start3A_325] : memref<10240x128xf32, #tpu.memory_space<vmem_shared>> -> memref<80x128xf32, #tpu.memory_space<vmem_shared>>
      tpu.enqueue_dma source(%dma_start3A_326 : memref<80x128xf32, #tpu.memory_space<vmem_shared>>) target(%arg9 : memref<80x128xf32, #tpu.memory_space<vmem>>) target_semaphore(%run_scoped3A : memref<!tpu.dma_semaphore, #tpu.memory_space<semaphore_mem>>)
      %dma_wait3A_327 = arith.constant 0 : i32
      %dma_wait3A_328 = tpu.memref_slice %arg12[%add3A_166, %dma_wait3A_327] : memref<10240x128xf32, #tpu.memory_space<vmem_shared>> -> memref<80x128xf32, #tpu.memory_space<vmem_shared>>
      %dma_wait3A_329 = arith.constant 0 : i32
      %dma_wait3A_330 = tpu.memref_slice %arg12[%add3A_166, %dma_wait3A_329] : memref<10240x128xf32, #tpu.memory_space<vmem_shared>> -> memref<80x128xf32, #tpu.memory_space<vmem_shared>>
      tpu.wait_dma2 semaphore(%run_scoped3A : memref<!tpu.dma_semaphore, #tpu.memory_space<semaphore_mem>>) src(%dma_wait3A_330 : memref<80x128xf32, #tpu.memory_space<vmem_shared>>) dst(%arg9 : memref<80x128xf32, #tpu.memory_space<vmem>>)
      tpu.yield
    }) : () -> ()
    %mul3A_167 = arith.constant 640 : i32
    %mul3A_168 = arith.muli %arg1, %mul3A_167 : i32
    %add3A_169 = arith.constant 0 : i32
    %add3A_170 = arith.addi %mul3A_168, %add3A_169 : i32
    %dma_start3A_171 = arith.constant 0 : i32
    %dma_start3A_172 = tpu.memref_slice %arg5[%arg0, %add3A_170, %dma_start3A_171] : memref<2x10240x128xf32, #tpu.memory_space<hbm>> -> memref<1x80x128xf32, #tpu.memory_space<hbm>>
    %dma_start3A_173 = tpu.memref_squeeze %dma_start3A_172 : memref<1x80x128xf32, #tpu.memory_space<hbm>> -> memref<80x128xf32, #tpu.memory_space<hbm>>
    %dma_start3A_174 = arith.constant 0 : i32
    %dma_start3A_175 = tpu.memref_slice %arg5[%arg0, %add3A_170, %dma_start3A_174] : memref<2x10240x128xf32, #tpu.memory_space<hbm>> -> memref<1x80x128xf32, #tpu.memory_space<hbm>>
    %dma_start3A_176 = tpu.memref_squeeze %dma_start3A_175 : memref<1x80x128xf32, #tpu.memory_space<hbm>> -> memref<80x128xf32, #tpu.memory_space<hbm>>
    tpu.enqueue_dma source(%arg9 : memref<80x128xf32, #tpu.memory_space<vmem>>) target(%dma_start3A_176 : memref<80x128xf32, #tpu.memory_space<hbm>>) target_semaphore(%arg15 : memref<!tpu.dma_semaphore, #tpu.memory_space<semaphore_mem>>)
    %mul3A_177 = arith.constant 640 : i32
    %mul3A_178 = arith.muli %arg1, %mul3A_177 : i32
    %add3A_179 = arith.constant 80 : i32
    %add3A_180 = arith.addi %mul3A_178, %add3A_179 : i32
    "tpu.region"() ({
      %run_scoped3A = tpu.sem_alloc : memref<!tpu.dma_semaphore, #tpu.memory_space<semaphore_mem>>
      %dma_start3A_323 = arith.constant 0 : i32
      %dma_start3A_324 = tpu.memref_slice %arg12[%add3A_180, %dma_start3A_323] : memref<10240x128xf32, #tpu.memory_space<vmem_shared>> -> memref<80x128xf32, #tpu.memory_space<vmem_shared>>
      %dma_start3A_325 = arith.constant 0 : i32
      %dma_start3A_326 = tpu.memref_slice %arg12[%add3A_180, %dma_start3A_325] : memref<10240x128xf32, #tpu.memory_space<vmem_shared>> -> memref<80x128xf32, #tpu.memory_space<vmem_shared>>
      tpu.enqueue_dma source(%dma_start3A_326 : memref<80x128xf32, #tpu.memory_space<vmem_shared>>) target(%arg10 : memref<80x128xf32, #tpu.memory_space<vmem>>) target_semaphore(%run_scoped3A : memref<!tpu.dma_semaphore, #tpu.memory_space<semaphore_mem>>)
      %dma_wait3A_327 = arith.constant 0 : i32
      %dma_wait3A_328 = tpu.memref_slice %arg12[%add3A_180, %dma_wait3A_327] : memref<10240x128xf32, #tpu.memory_space<vmem_shared>> -> memref<80x128xf32, #tpu.memory_space<vmem_shared>>
      %dma_wait3A_329 = arith.constant 0 : i32
      %dma_wait3A_330 = tpu.memref_slice %arg12[%add3A_180, %dma_wait3A_329] : memref<10240x128xf32, #tpu.memory_space<vmem_shared>> -> memref<80x128xf32, #tpu.memory_space<vmem_shared>>
      tpu.wait_dma2 semaphore(%run_scoped3A : memref<!tpu.dma_semaphore, #tpu.memory_space<semaphore_mem>>) src(%dma_wait3A_330 : memref<80x128xf32, #tpu.memory_space<vmem_shared>>) dst(%arg10 : memref<80x128xf32, #tpu.memory_space<vmem>>)
      tpu.yield
    }) : () -> ()
    %mul3A_181 = arith.constant 640 : i32
    %mul3A_182 = arith.muli %arg1, %mul3A_181 : i32
    %add3A_183 = arith.constant 80 : i32
    %add3A_184 = arith.addi %mul3A_182, %add3A_183 : i32
    %dma_start3A_185 = arith.constant 0 : i32
    %dma_start3A_186 = tpu.memref_slice %arg5[%arg0, %add3A_184, %dma_start3A_185] : memref<2x10240x128xf32, #tpu.memory_space<hbm>> -> memref<1x80x128xf32, #tpu.memory_space<hbm>>
    %dma_start3A_187 = tpu.memref_squeeze %dma_start3A_186 : memref<1x80x128xf32, #tpu.memory_space<hbm>> -> memref<80x128xf32, #tpu.memory_space<hbm>>
    %dma_start3A_188 = arith.constant 0 : i32
    %dma_start3A_189 = tpu.memref_slice %arg5[%arg0, %add3A_184, %dma_start3A_188] : memref<2x10240x128xf32, #tpu.memory_space<hbm>> -> memref<1x80x128xf32, #tpu.memory_space<hbm>>
    %dma_start3A_190 = tpu.memref_squeeze %dma_start3A_189 : memref<1x80x128xf32, #tpu.memory_space<hbm>> -> memref<80x128xf32, #tpu.memory_space<hbm>>
    tpu.enqueue_dma source(%arg10 : memref<80x128xf32, #tpu.memory_space<vmem>>) target(%dma_start3A_190 : memref<80x128xf32, #tpu.memory_space<hbm>>) target_semaphore(%arg16 : memref<!tpu.dma_semaphore, #tpu.memory_space<semaphore_mem>>)
    %dma_wait3A_191 = arith.constant 0 : i32
    %dma_wait3A_192 = tpu.memref_slice %arg5[%arg0, %add3A_170, %dma_wait3A_191] : memref<2x10240x128xf32, #tpu.memory_space<hbm>> -> memref<1x80x128xf32, #tpu.memory_space<hbm>>
    %dma_wait3A_193 = tpu.memref_squeeze %dma_wait3A_192 : memref<1x80x128xf32, #tpu.memory_space<hbm>> -> memref<80x128xf32, #tpu.memory_space<hbm>>
    %dma_wait3A_194 = arith.constant 0 : i32
    %dma_wait3A_195 = tpu.memref_slice %arg5[%arg0, %add3A_170, %dma_wait3A_194] : memref<2x10240x128xf32, #tpu.memory_space<hbm>> -> memref<1x80x128xf32, #tpu.memory_space<hbm>>
    %dma_wait3A_196 = tpu.memref_squeeze %dma_wait3A_195 : memref<1x80x128xf32, #tpu.memory_space<hbm>> -> memref<80x128xf32, #tpu.memory_space<hbm>>
    tpu.wait_dma2 semaphore(%arg15 : memref<!tpu.dma_semaphore, #tpu.memory_space<semaphore_mem>>) src(%arg9 : memref<80x128xf32, #tpu.memory_space<vmem>>) dst(%dma_wait3A_196 : memref<80x128xf32, #tpu.memory_space<hbm>>)
    %mul3A_197 = arith.constant 640 : i32
    %mul3A_198 = arith.muli %arg1, %mul3A_197 : i32
    %add3A_199 = arith.constant 160 : i32
    %add3A_200 = arith.addi %mul3A_198, %add3A_199 : i32
    "tpu.region"() ({
      %run_scoped3A = tpu.sem_alloc : memref<!tpu.dma_semaphore, #tpu.memory_space<semaphore_mem>>
      %dma_start3A_323 = arith.constant 0 : i32
      %dma_start3A_324 = tpu.memref_slice %arg12[%add3A_200, %dma_start3A_323] : memref<10240x128xf32, #tpu.memory_space<vmem_shared>> -> memref<80x128xf32, #tpu.memory_space<vmem_shared>>
      %dma_start3A_325 = arith.constant 0 : i32
      %dma_start3A_326 = tpu.memref_slice %arg12[%add3A_200, %dma_start3A_325] : memref<10240x128xf32, #tpu.memory_space<vmem_shared>> -> memref<80x128xf32, #tpu.memory_space<vmem_shared>>
      tpu.enqueue_dma source(%dma_start3A_326 : memref<80x128xf32, #tpu.memory_space<vmem_shared>>) target(%arg9 : memref<80x128xf32, #tpu.memory_space<vmem>>) target_semaphore(%run_scoped3A : memref<!tpu.dma_semaphore, #tpu.memory_space<semaphore_mem>>)
      %dma_wait3A_327 = arith.constant 0 : i32
      %dma_wait3A_328 = tpu.memref_slice %arg12[%add3A_200, %dma_wait3A_327] : memref<10240x128xf32, #tpu.memory_space<vmem_shared>> -> memref<80x128xf32, #tpu.memory_space<vmem_shared>>
      %dma_wait3A_329 = arith.constant 0 : i32
      %dma_wait3A_330 = tpu.memref_slice %arg12[%add3A_200, %dma_wait3A_329] : memref<10240x128xf32, #tpu.memory_space<vmem_shared>> -> memref<80x128xf32, #tpu.memory_space<vmem_shared>>
      tpu.wait_dma2 semaphore(%run_scoped3A : memref<!tpu.dma_semaphore, #tpu.memory_space<semaphore_mem>>) src(%dma_wait3A_330 : memref<80x128xf32, #tpu.memory_space<vmem_shared>>) dst(%arg9 : memref<80x128xf32, #tpu.memory_space<vmem>>)
      tpu.yield
    }) : () -> ()
    %mul3A_201 = arith.constant 640 : i32
    %mul3A_202 = arith.muli %arg1, %mul3A_201 : i32
    %add3A_203 = arith.constant 160 : i32
    %add3A_204 = arith.addi %mul3A_202, %add3A_203 : i32
    %dma_start3A_205 = arith.constant 0 : i32
    %dma_start3A_206 = tpu.memref_slice %arg5[%arg0, %add3A_204, %dma_start3A_205] : memref<2x10240x128xf32, #tpu.memory_space<hbm>> -> memref<1x80x128xf32, #tpu.memory_space<hbm>>
    %dma_start3A_207 = tpu.memref_squeeze %dma_start3A_206 : memref<1x80x128xf32, #tpu.memory_space<hbm>> -> memref<80x128xf32, #tpu.memory_space<hbm>>
    %dma_start3A_208 = arith.constant 0 : i32
    %dma_start3A_209 = tpu.memref_slice %arg5[%arg0, %add3A_204, %dma_start3A_208] : memref<2x10240x128xf32, #tpu.memory_space<hbm>> -> memref<1x80x128xf32, #tpu.memory_space<hbm>>
    %dma_start3A_210 = tpu.memref_squeeze %dma_start3A_209 : memref<1x80x128xf32, #tpu.memory_space<hbm>> -> memref<80x128xf32, #tpu.memory_space<hbm>>
    tpu.enqueue_dma source(%arg9 : memref<80x128xf32, #tpu.memory_space<vmem>>) target(%dma_start3A_210 : memref<80x128xf32, #tpu.memory_space<hbm>>) target_semaphore(%arg15 : memref<!tpu.dma_semaphore, #tpu.memory_space<semaphore_mem>>)
    %dma_wait3A_211 = arith.constant 0 : i32
    %dma_wait3A_212 = tpu.memref_slice %arg5[%arg0, %add3A_184, %dma_wait3A_211] : memref<2x10240x128xf32, #tpu.memory_space<hbm>> -> memref<1x80x128xf32, #tpu.memory_space<hbm>>
    %dma_wait3A_213 = tpu.memref_squeeze %dma_wait3A_212 : memref<1x80x128xf32, #tpu.memory_space<hbm>> -> memref<80x128xf32, #tpu.memory_space<hbm>>
    %dma_wait3A_214 = arith.constant 0 : i32
    %dma_wait3A_215 = tpu.memref_slice %arg5[%arg0, %add3A_184, %dma_wait3A_214] : memref<2x10240x128xf32, #tpu.memory_space<hbm>> -> memref<1x80x128xf32, #tpu.memory_space<hbm>>
    %dma_wait3A_216 = tpu.memref_squeeze %dma_wait3A_215 : memref<1x80x128xf32, #tpu.memory_space<hbm>> -> memref<80x128xf32, #tpu.memory_space<hbm>>
    tpu.wait_dma2 semaphore(%arg16 : memref<!tpu.dma_semaphore, #tpu.memory_space<semaphore_mem>>) src(%arg10 : memref<80x128xf32, #tpu.memory_space<vmem>>) dst(%dma_wait3A_216 : memref<80x128xf32, #tpu.memory_space<hbm>>)
    %mul3A_217 = arith.constant 640 : i32
    %mul3A_218 = arith.muli %arg1, %mul3A_217 : i32
    %add3A_219 = arith.constant 240 : i32
    %add3A_220 = arith.addi %mul3A_218, %add3A_219 : i32
    "tpu.region"() ({
      %run_scoped3A = tpu.sem_alloc : memref<!tpu.dma_semaphore, #tpu.memory_space<semaphore_mem>>
      %dma_start3A_323 = arith.constant 0 : i32
      %dma_start3A_324 = tpu.memref_slice %arg12[%add3A_220, %dma_start3A_323] : memref<10240x128xf32, #tpu.memory_space<vmem_shared>> -> memref<80x128xf32, #tpu.memory_space<vmem_shared>>
      %dma_start3A_325 = arith.constant 0 : i32
      %dma_start3A_326 = tpu.memref_slice %arg12[%add3A_220, %dma_start3A_325] : memref<10240x128xf32, #tpu.memory_space<vmem_shared>> -> memref<80x128xf32, #tpu.memory_space<vmem_shared>>
      tpu.enqueue_dma source(%dma_start3A_326 : memref<80x128xf32, #tpu.memory_space<vmem_shared>>) target(%arg10 : memref<80x128xf32, #tpu.memory_space<vmem>>) target_semaphore(%run_scoped3A : memref<!tpu.dma_semaphore, #tpu.memory_space<semaphore_mem>>)
      %dma_wait3A_327 = arith.constant 0 : i32
      %dma_wait3A_328 = tpu.memref_slice %arg12[%add3A_220, %dma_wait3A_327] : memref<10240x128xf32, #tpu.memory_space<vmem_shared>> -> memref<80x128xf32, #tpu.memory_space<vmem_shared>>
      %dma_wait3A_329 = arith.constant 0 : i32
      %dma_wait3A_330 = tpu.memref_slice %arg12[%add3A_220, %dma_wait3A_329] : memref<10240x128xf32, #tpu.memory_space<vmem_shared>> -> memref<80x128xf32, #tpu.memory_space<vmem_shared>>
      tpu.wait_dma2 semaphore(%run_scoped3A : memref<!tpu.dma_semaphore, #tpu.memory_space<semaphore_mem>>) src(%dma_wait3A_330 : memref<80x128xf32, #tpu.memory_space<vmem_shared>>) dst(%arg10 : memref<80x128xf32, #tpu.memory_space<vmem>>)
      tpu.yield
    }) : () -> ()
    %mul3A_221 = arith.constant 640 : i32
    %mul3A_222 = arith.muli %arg1, %mul3A_221 : i32
    %add3A_223 = arith.constant 240 : i32
    %add3A_224 = arith.addi %mul3A_222, %add3A_223 : i32
    %dma_start3A_225 = arith.constant 0 : i32
    %dma_start3A_226 = tpu.memref_slice %arg5[%arg0, %add3A_224, %dma_start3A_225] : memref<2x10240x128xf32, #tpu.memory_space<hbm>> -> memref<1x80x128xf32, #tpu.memory_space<hbm>>
    %dma_start3A_227 = tpu.memref_squeeze %dma_start3A_226 : memref<1x80x128xf32, #tpu.memory_space<hbm>> -> memref<80x128xf32, #tpu.memory_space<hbm>>
    %dma_start3A_228 = arith.constant 0 : i32
    %dma_start3A_229 = tpu.memref_slice %arg5[%arg0, %add3A_224, %dma_start3A_228] : memref<2x10240x128xf32, #tpu.memory_space<hbm>> -> memref<1x80x128xf32, #tpu.memory_space<hbm>>
    %dma_start3A_230 = tpu.memref_squeeze %dma_start3A_229 : memref<1x80x128xf32, #tpu.memory_space<hbm>> -> memref<80x128xf32, #tpu.memory_space<hbm>>
    tpu.enqueue_dma source(%arg10 : memref<80x128xf32, #tpu.memory_space<vmem>>) target(%dma_start3A_230 : memref<80x128xf32, #tpu.memory_space<hbm>>) target_semaphore(%arg16 : memref<!tpu.dma_semaphore, #tpu.memory_space<semaphore_mem>>)
    %dma_wait3A_231 = arith.constant 0 : i32
    %dma_wait3A_232 = tpu.memref_slice %arg5[%arg0, %add3A_204, %dma_wait3A_231] : memref<2x10240x128xf32, #tpu.memory_space<hbm>> -> memref<1x80x128xf32, #tpu.memory_space<hbm>>
    %dma_wait3A_233 = tpu.memref_squeeze %dma_wait3A_232 : memref<1x80x128xf32, #tpu.memory_space<hbm>> -> memref<80x128xf32, #tpu.memory_space<hbm>>
    %dma_wait3A_234 = arith.constant 0 : i32
    %dma_wait3A_235 = tpu.memref_slice %arg5[%arg0, %add3A_204, %dma_wait3A_234] : memref<2x10240x128xf32, #tpu.memory_space<hbm>> -> memref<1x80x128xf32, #tpu.memory_space<hbm>>
    %dma_wait3A_236 = tpu.memref_squeeze %dma_wait3A_235 : memref<1x80x128xf32, #tpu.memory_space<hbm>> -> memref<80x128xf32, #tpu.memory_space<hbm>>
    tpu.wait_dma2 semaphore(%arg15 : memref<!tpu.dma_semaphore, #tpu.memory_space<semaphore_mem>>) src(%arg9 : memref<80x128xf32, #tpu.memory_space<vmem>>) dst(%dma_wait3A_236 : memref<80x128xf32, #tpu.memory_space<hbm>>)
    %mul3A_237 = arith.constant 640 : i32
    %mul3A_238 = arith.muli %arg1, %mul3A_237 : i32
    %add3A_239 = arith.constant 320 : i32
    %add3A_240 = arith.addi %mul3A_238, %add3A_239 : i32
    "tpu.region"() ({
      %run_scoped3A = tpu.sem_alloc : memref<!tpu.dma_semaphore, #tpu.memory_space<semaphore_mem>>
      %dma_start3A_323 = arith.constant 0 : i32
      %dma_start3A_324 = tpu.memref_slice %arg12[%add3A_240, %dma_start3A_323] : memref<10240x128xf32, #tpu.memory_space<vmem_shared>> -> memref<80x128xf32, #tpu.memory_space<vmem_shared>>
      %dma_start3A_325 = arith.constant 0 : i32
      %dma_start3A_326 = tpu.memref_slice %arg12[%add3A_240, %dma_start3A_325] : memref<10240x128xf32, #tpu.memory_space<vmem_shared>> -> memref<80x128xf32, #tpu.memory_space<vmem_shared>>
      tpu.enqueue_dma source(%dma_start3A_326 : memref<80x128xf32, #tpu.memory_space<vmem_shared>>) target(%arg9 : memref<80x128xf32, #tpu.memory_space<vmem>>) target_semaphore(%run_scoped3A : memref<!tpu.dma_semaphore, #tpu.memory_space<semaphore_mem>>)
      %dma_wait3A_327 = arith.constant 0 : i32
      %dma_wait3A_328 = tpu.memref_slice %arg12[%add3A_240, %dma_wait3A_327] : memref<10240x128xf32, #tpu.memory_space<vmem_shared>> -> memref<80x128xf32, #tpu.memory_space<vmem_shared>>
      %dma_wait3A_329 = arith.constant 0 : i32
      %dma_wait3A_330 = tpu.memref_slice %arg12[%add3A_240, %dma_wait3A_329] : memref<10240x128xf32, #tpu.memory_space<vmem_shared>> -> memref<80x128xf32, #tpu.memory_space<vmem_shared>>
      tpu.wait_dma2 semaphore(%run_scoped3A : memref<!tpu.dma_semaphore, #tpu.memory_space<semaphore_mem>>) src(%dma_wait3A_330 : memref<80x128xf32, #tpu.memory_space<vmem_shared>>) dst(%arg9 : memref<80x128xf32, #tpu.memory_space<vmem>>)
      tpu.yield
    }) : () -> ()
    %mul3A_241 = arith.constant 640 : i32
    %mul3A_242 = arith.muli %arg1, %mul3A_241 : i32
    %add3A_243 = arith.constant 320 : i32
    %add3A_244 = arith.addi %mul3A_242, %add3A_243 : i32
    %dma_start3A_245 = arith.constant 0 : i32
    %dma_start3A_246 = tpu.memref_slice %arg5[%arg0, %add3A_244, %dma_start3A_245] : memref<2x10240x128xf32, #tpu.memory_space<hbm>> -> memref<1x80x128xf32, #tpu.memory_space<hbm>>
    %dma_start3A_247 = tpu.memref_squeeze %dma_start3A_246 : memref<1x80x128xf32, #tpu.memory_space<hbm>> -> memref<80x128xf32, #tpu.memory_space<hbm>>
    %dma_start3A_248 = arith.constant 0 : i32
    %dma_start3A_249 = tpu.memref_slice %arg5[%arg0, %add3A_244, %dma_start3A_248] : memref<2x10240x128xf32, #tpu.memory_space<hbm>> -> memref<1x80x128xf32, #tpu.memory_space<hbm>>
    %dma_start3A_250 = tpu.memref_squeeze %dma_start3A_249 : memref<1x80x128xf32, #tpu.memory_space<hbm>> -> memref<80x128xf32, #tpu.memory_space<hbm>>
    tpu.enqueue_dma source(%arg9 : memref<80x128xf32, #tpu.memory_space<vmem>>) target(%dma_start3A_250 : memref<80x128xf32, #tpu.memory_space<hbm>>) target_semaphore(%arg15 : memref<!tpu.dma_semaphore, #tpu.memory_space<semaphore_mem>>)
    %dma_wait3A_251 = arith.constant 0 : i32
    %dma_wait3A_252 = tpu.memref_slice %arg5[%arg0, %add3A_224, %dma_wait3A_251] : memref<2x10240x128xf32, #tpu.memory_space<hbm>> -> memref<1x80x128xf32, #tpu.memory_space<hbm>>
    %dma_wait3A_253 = tpu.memref_squeeze %dma_wait3A_252 : memref<1x80x128xf32, #tpu.memory_space<hbm>> -> memref<80x128xf32, #tpu.memory_space<hbm>>
    %dma_wait3A_254 = arith.constant 0 : i32
    %dma_wait3A_255 = tpu.memref_slice %arg5[%arg0, %add3A_224, %dma_wait3A_254] : memref<2x10240x128xf32, #tpu.memory_space<hbm>> -> memref<1x80x128xf32, #tpu.memory_space<hbm>>
    %dma_wait3A_256 = tpu.memref_squeeze %dma_wait3A_255 : memref<1x80x128xf32, #tpu.memory_space<hbm>> -> memref<80x128xf32, #tpu.memory_space<hbm>>
    tpu.wait_dma2 semaphore(%arg16 : memref<!tpu.dma_semaphore, #tpu.memory_space<semaphore_mem>>) src(%arg10 : memref<80x128xf32, #tpu.memory_space<vmem>>) dst(%dma_wait3A_256 : memref<80x128xf32, #tpu.memory_space<hbm>>)
    %mul3A_257 = arith.constant 640 : i32
    %mul3A_258 = arith.muli %arg1, %mul3A_257 : i32
    %add3A_259 = arith.constant 400 : i32
    %add3A_260 = arith.addi %mul3A_258, %add3A_259 : i32
    "tpu.region"() ({
      %run_scoped3A = tpu.sem_alloc : memref<!tpu.dma_semaphore, #tpu.memory_space<semaphore_mem>>
      %dma_start3A_323 = arith.constant 0 : i32
      %dma_start3A_324 = tpu.memref_slice %arg12[%add3A_260, %dma_start3A_323] : memref<10240x128xf32, #tpu.memory_space<vmem_shared>> -> memref<80x128xf32, #tpu.memory_space<vmem_shared>>
      %dma_start3A_325 = arith.constant 0 : i32
      %dma_start3A_326 = tpu.memref_slice %arg12[%add3A_260, %dma_start3A_325] : memref<10240x128xf32, #tpu.memory_space<vmem_shared>> -> memref<80x128xf32, #tpu.memory_space<vmem_shared>>
      tpu.enqueue_dma source(%dma_start3A_326 : memref<80x128xf32, #tpu.memory_space<vmem_shared>>) target(%arg10 : memref<80x128xf32, #tpu.memory_space<vmem>>) target_semaphore(%run_scoped3A : memref<!tpu.dma_semaphore, #tpu.memory_space<semaphore_mem>>)
      %dma_wait3A_327 = arith.constant 0 : i32
      %dma_wait3A_328 = tpu.memref_slice %arg12[%add3A_260, %dma_wait3A_327] : memref<10240x128xf32, #tpu.memory_space<vmem_shared>> -> memref<80x128xf32, #tpu.memory_space<vmem_shared>>
      %dma_wait3A_329 = arith.constant 0 : i32
      %dma_wait3A_330 = tpu.memref_slice %arg12[%add3A_260, %dma_wait3A_329] : memref<10240x128xf32, #tpu.memory_space<vmem_shared>> -> memref<80x128xf32, #tpu.memory_space<vmem_shared>>
      tpu.wait_dma2 semaphore(%run_scoped3A : memref<!tpu.dma_semaphore, #tpu.memory_space<semaphore_mem>>) src(%dma_wait3A_330 : memref<80x128xf32, #tpu.memory_space<vmem_shared>>) dst(%arg10 : memref<80x128xf32, #tpu.memory_space<vmem>>)
      tpu.yield
    }) : () -> ()
    %mul3A_261 = arith.constant 640 : i32
    %mul3A_262 = arith.muli %arg1, %mul3A_261 : i32
    %add3A_263 = arith.constant 400 : i32
    %add3A_264 = arith.addi %mul3A_262, %add3A_263 : i32
    %dma_start3A_265 = arith.constant 0 : i32
    %dma_start3A_266 = tpu.memref_slice %arg5[%arg0, %add3A_264, %dma_start3A_265] : memref<2x10240x128xf32, #tpu.memory_space<hbm>> -> memref<1x80x128xf32, #tpu.memory_space<hbm>>
    %dma_start3A_267 = tpu.memref_squeeze %dma_start3A_266 : memref<1x80x128xf32, #tpu.memory_space<hbm>> -> memref<80x128xf32, #tpu.memory_space<hbm>>
    %dma_start3A_268 = arith.constant 0 : i32
    %dma_start3A_269 = tpu.memref_slice %arg5[%arg0, %add3A_264, %dma_start3A_268] : memref<2x10240x128xf32, #tpu.memory_space<hbm>> -> memref<1x80x128xf32, #tpu.memory_space<hbm>>
    %dma_start3A_270 = tpu.memref_squeeze %dma_start3A_269 : memref<1x80x128xf32, #tpu.memory_space<hbm>> -> memref<80x128xf32, #tpu.memory_space<hbm>>
    tpu.enqueue_dma source(%arg10 : memref<80x128xf32, #tpu.memory_space<vmem>>) target(%dma_start3A_270 : memref<80x128xf32, #tpu.memory_space<hbm>>) target_semaphore(%arg16 : memref<!tpu.dma_semaphore, #tpu.memory_space<semaphore_mem>>)
    %dma_wait3A_271 = arith.constant 0 : i32
    %dma_wait3A_272 = tpu.memref_slice %arg5[%arg0, %add3A_244, %dma_wait3A_271] : memref<2x10240x128xf32, #tpu.memory_space<hbm>> -> memref<1x80x128xf32, #tpu.memory_space<hbm>>
    %dma_wait3A_273 = tpu.memref_squeeze %dma_wait3A_272 : memref<1x80x128xf32, #tpu.memory_space<hbm>> -> memref<80x128xf32, #tpu.memory_space<hbm>>
    %dma_wait3A_274 = arith.constant 0 : i32
    %dma_wait3A_275 = tpu.memref_slice %arg5[%arg0, %add3A_244, %dma_wait3A_274] : memref<2x10240x128xf32, #tpu.memory_space<hbm>> -> memref<1x80x128xf32, #tpu.memory_space<hbm>>
    %dma_wait3A_276 = tpu.memref_squeeze %dma_wait3A_275 : memref<1x80x128xf32, #tpu.memory_space<hbm>> -> memref<80x128xf32, #tpu.memory_space<hbm>>
    tpu.wait_dma2 semaphore(%arg15 : memref<!tpu.dma_semaphore, #tpu.memory_space<semaphore_mem>>) src(%arg9 : memref<80x128xf32, #tpu.memory_space<vmem>>) dst(%dma_wait3A_276 : memref<80x128xf32, #tpu.memory_space<hbm>>)
    %mul3A_277 = arith.constant 640 : i32
    %mul3A_278 = arith.muli %arg1, %mul3A_277 : i32
    %add3A_279 = arith.constant 480 : i32
    %add3A_280 = arith.addi %mul3A_278, %add3A_279 : i32
    "tpu.region"() ({
      %run_scoped3A = tpu.sem_alloc : memref<!tpu.dma_semaphore, #tpu.memory_space<semaphore_mem>>
      %dma_start3A_323 = arith.constant 0 : i32
      %dma_start3A_324 = tpu.memref_slice %arg12[%add3A_280, %dma_start3A_323] : memref<10240x128xf32, #tpu.memory_space<vmem_shared>> -> memref<80x128xf32, #tpu.memory_space<vmem_shared>>
      %dma_start3A_325 = arith.constant 0 : i32
      %dma_start3A_326 = tpu.memref_slice %arg12[%add3A_280, %dma_start3A_325] : memref<10240x128xf32, #tpu.memory_space<vmem_shared>> -> memref<80x128xf32, #tpu.memory_space<vmem_shared>>
      tpu.enqueue_dma source(%dma_start3A_326 : memref<80x128xf32, #tpu.memory_space<vmem_shared>>) target(%arg9 : memref<80x128xf32, #tpu.memory_space<vmem>>) target_semaphore(%run_scoped3A : memref<!tpu.dma_semaphore, #tpu.memory_space<semaphore_mem>>)
      %dma_wait3A_327 = arith.constant 0 : i32
      %dma_wait3A_328 = tpu.memref_slice %arg12[%add3A_280, %dma_wait3A_327] : memref<10240x128xf32, #tpu.memory_space<vmem_shared>> -> memref<80x128xf32, #tpu.memory_space<vmem_shared>>
      %dma_wait3A_329 = arith.constant 0 : i32
      %dma_wait3A_330 = tpu.memref_slice %arg12[%add3A_280, %dma_wait3A_329] : memref<10240x128xf32, #tpu.memory_space<vmem_shared>> -> memref<80x128xf32, #tpu.memory_space<vmem_shared>>
      tpu.wait_dma2 semaphore(%run_scoped3A : memref<!tpu.dma_semaphore, #tpu.memory_space<semaphore_mem>>) src(%dma_wait3A_330 : memref<80x128xf32, #tpu.memory_space<vmem_shared>>) dst(%arg9 : memref<80x128xf32, #tpu.memory_space<vmem>>)
      tpu.yield
    }) : () -> ()
    %mul3A_281 = arith.constant 640 : i32
    %mul3A_282 = arith.muli %arg1, %mul3A_281 : i32
    %add3A_283 = arith.constant 480 : i32
    %add3A_284 = arith.addi %mul3A_282, %add3A_283 : i32
    %dma_start3A_285 = arith.constant 0 : i32
    %dma_start3A_286 = tpu.memref_slice %arg5[%arg0, %add3A_284, %dma_start3A_285] : memref<2x10240x128xf32, #tpu.memory_space<hbm>> -> memref<1x80x128xf32, #tpu.memory_space<hbm>>
    %dma_start3A_287 = tpu.memref_squeeze %dma_start3A_286 : memref<1x80x128xf32, #tpu.memory_space<hbm>> -> memref<80x128xf32, #tpu.memory_space<hbm>>
    %dma_start3A_288 = arith.constant 0 : i32
    %dma_start3A_289 = tpu.memref_slice %arg5[%arg0, %add3A_284, %dma_start3A_288] : memref<2x10240x128xf32, #tpu.memory_space<hbm>> -> memref<1x80x128xf32, #tpu.memory_space<hbm>>
    %dma_start3A_290 = tpu.memref_squeeze %dma_start3A_289 : memref<1x80x128xf32, #tpu.memory_space<hbm>> -> memref<80x128xf32, #tpu.memory_space<hbm>>
    tpu.enqueue_dma source(%arg9 : memref<80x128xf32, #tpu.memory_space<vmem>>) target(%dma_start3A_290 : memref<80x128xf32, #tpu.memory_space<hbm>>) target_semaphore(%arg15 : memref<!tpu.dma_semaphore, #tpu.memory_space<semaphore_mem>>)
    %dma_wait3A_291 = arith.constant 0 : i32
    %dma_wait3A_292 = tpu.memref_slice %arg5[%arg0, %add3A_264, %dma_wait3A_291] : memref<2x10240x128xf32, #tpu.memory_space<hbm>> -> memref<1x80x128xf32, #tpu.memory_space<hbm>>
    %dma_wait3A_293 = tpu.memref_squeeze %dma_wait3A_292 : memref<1x80x128xf32, #tpu.memory_space<hbm>> -> memref<80x128xf32, #tpu.memory_space<hbm>>
    %dma_wait3A_294 = arith.constant 0 : i32
    %dma_wait3A_295 = tpu.memref_slice %arg5[%arg0, %add3A_264, %dma_wait3A_294] : memref<2x10240x128xf32, #tpu.memory_space<hbm>> -> memref<1x80x128xf32, #tpu.memory_space<hbm>>
    %dma_wait3A_296 = tpu.memref_squeeze %dma_wait3A_295 : memref<1x80x128xf32, #tpu.memory_space<hbm>> -> memref<80x128xf32, #tpu.memory_space<hbm>>
    tpu.wait_dma2 semaphore(%arg16 : memref<!tpu.dma_semaphore, #tpu.memory_space<semaphore_mem>>) src(%arg10 : memref<80x128xf32, #tpu.memory_space<vmem>>) dst(%dma_wait3A_296 : memref<80x128xf32, #tpu.memory_space<hbm>>)
    %mul3A_297 = arith.constant 640 : i32
    %mul3A_298 = arith.muli %arg1, %mul3A_297 : i32
    %add3A_299 = arith.constant 560 : i32
    %add3A_300 = arith.addi %mul3A_298, %add3A_299 : i32
    "tpu.region"() ({
      %run_scoped3A = tpu.sem_alloc : memref<!tpu.dma_semaphore, #tpu.memory_space<semaphore_mem>>
      %dma_start3A_323 = arith.constant 0 : i32
      %dma_start3A_324 = tpu.memref_slice %arg12[%add3A_300, %dma_start3A_323] : memref<10240x128xf32, #tpu.memory_space<vmem_shared>> -> memref<80x128xf32, #tpu.memory_space<vmem_shared>>
      %dma_start3A_325 = arith.constant 0 : i32
      %dma_start3A_326 = tpu.memref_slice %arg12[%add3A_300, %dma_start3A_325] : memref<10240x128xf32, #tpu.memory_space<vmem_shared>> -> memref<80x128xf32, #tpu.memory_space<vmem_shared>>
      tpu.enqueue_dma source(%dma_start3A_326 : memref<80x128xf32, #tpu.memory_space<vmem_shared>>) target(%arg10 : memref<80x128xf32, #tpu.memory_space<vmem>>) target_semaphore(%run_scoped3A : memref<!tpu.dma_semaphore, #tpu.memory_space<semaphore_mem>>)
      %dma_wait3A_327 = arith.constant 0 : i32
      %dma_wait3A_328 = tpu.memref_slice %arg12[%add3A_300, %dma_wait3A_327] : memref<10240x128xf32, #tpu.memory_space<vmem_shared>> -> memref<80x128xf32, #tpu.memory_space<vmem_shared>>
      %dma_wait3A_329 = arith.constant 0 : i32
      %dma_wait3A_330 = tpu.memref_slice %arg12[%add3A_300, %dma_wait3A_329] : memref<10240x128xf32, #tpu.memory_space<vmem_shared>> -> memref<80x128xf32, #tpu.memory_space<vmem_shared>>
      tpu.wait_dma2 semaphore(%run_scoped3A : memref<!tpu.dma_semaphore, #tpu.memory_space<semaphore_mem>>) src(%dma_wait3A_330 : memref<80x128xf32, #tpu.memory_space<vmem_shared>>) dst(%arg10 : memref<80x128xf32, #tpu.memory_space<vmem>>)
      tpu.yield
    }) : () -> ()
    %mul3A_301 = arith.constant 640 : i32
    %mul3A_302 = arith.muli %arg1, %mul3A_301 : i32
    %add3A_303 = arith.constant 560 : i32
    %add3A_304 = arith.addi %mul3A_302, %add3A_303 : i32
    %dma_start3A_305 = arith.constant 0 : i32
    %dma_start3A_306 = tpu.memref_slice %arg5[%arg0, %add3A_304, %dma_start3A_305] : memref<2x10240x128xf32, #tpu.memory_space<hbm>> -> memref<1x80x128xf32, #tpu.memory_space<hbm>>
    %dma_start3A_307 = tpu.memref_squeeze %dma_start3A_306 : memref<1x80x128xf32, #tpu.memory_space<hbm>> -> memref<80x128xf32, #tpu.memory_space<hbm>>
    %dma_start3A_308 = arith.constant 0 : i32
    %dma_start3A_309 = tpu.memref_slice %arg5[%arg0, %add3A_304, %dma_start3A_308] : memref<2x10240x128xf32, #tpu.memory_space<hbm>> -> memref<1x80x128xf32, #tpu.memory_space<hbm>>
    %dma_start3A_310 = tpu.memref_squeeze %dma_start3A_309 : memref<1x80x128xf32, #tpu.memory_space<hbm>> -> memref<80x128xf32, #tpu.memory_space<hbm>>
    tpu.enqueue_dma source(%arg10 : memref<80x128xf32, #tpu.memory_space<vmem>>) target(%dma_start3A_310 : memref<80x128xf32, #tpu.memory_space<hbm>>) target_semaphore(%arg16 : memref<!tpu.dma_semaphore, #tpu.memory_space<semaphore_mem>>)
    %dma_wait3A_311 = arith.constant 0 : i32
    %dma_wait3A_312 = tpu.memref_slice %arg5[%arg0, %add3A_284, %dma_wait3A_311] : memref<2x10240x128xf32, #tpu.memory_space<hbm>> -> memref<1x80x128xf32, #tpu.memory_space<hbm>>
    %dma_wait3A_313 = tpu.memref_squeeze %dma_wait3A_312 : memref<1x80x128xf32, #tpu.memory_space<hbm>> -> memref<80x128xf32, #tpu.memory_space<hbm>>
    %dma_wait3A_314 = arith.constant 0 : i32
    %dma_wait3A_315 = tpu.memref_slice %arg5[%arg0, %add3A_284, %dma_wait3A_314] : memref<2x10240x128xf32, #tpu.memory_space<hbm>> -> memref<1x80x128xf32, #tpu.memory_space<hbm>>
    %dma_wait3A_316 = tpu.memref_squeeze %dma_wait3A_315 : memref<1x80x128xf32, #tpu.memory_space<hbm>> -> memref<80x128xf32, #tpu.memory_space<hbm>>
    tpu.wait_dma2 semaphore(%arg15 : memref<!tpu.dma_semaphore, #tpu.memory_space<semaphore_mem>>) src(%arg9 : memref<80x128xf32, #tpu.memory_space<vmem>>) dst(%dma_wait3A_316 : memref<80x128xf32, #tpu.memory_space<hbm>>)
    %dma_wait3A_317 = arith.constant 0 : i32
    %dma_wait3A_318 = tpu.memref_slice %arg5[%arg0, %add3A_304, %dma_wait3A_317] : memref<2x10240x128xf32, #tpu.memory_space<hbm>> -> memref<1x80x128xf32, #tpu.memory_space<hbm>>
    %dma_wait3A_319 = tpu.memref_squeeze %dma_wait3A_318 : memref<1x80x128xf32, #tpu.memory_space<hbm>> -> memref<80x128xf32, #tpu.memory_space<hbm>>
    %dma_wait3A_320 = arith.constant 0 : i32
    %dma_wait3A_321 = tpu.memref_slice %arg5[%arg0, %add3A_304, %dma_wait3A_320] : memref<2x10240x128xf32, #tpu.memory_space<hbm>> -> memref<1x80x128xf32, #tpu.memory_space<hbm>>
    %dma_wait3A_322 = tpu.memref_squeeze %dma_wait3A_321 : memref<1x80x128xf32, #tpu.memory_space<hbm>> -> memref<80x128xf32, #tpu.memory_space<hbm>>
    tpu.wait_dma2 semaphore(%arg16 : memref<!tpu.dma_semaphore, #tpu.memory_space<semaphore_mem>>) src(%arg10 : memref<80x128xf32, #tpu.memory_space<vmem>>) dst(%dma_wait3A_322 : memref<80x128xf32, #tpu.memory_space<hbm>>)
    return
  }
}

module attributes {stable_mosaic.version = 14 : i64} {
  func.func @_first_body(%arg0: i32, %arg1: memref<2048x128xf32, #tpu.memory_space<vmem>>, %arg2: memref<128x128xf32, #tpu.memory_space<vmem>>, %arg3: memref<2x2048x1xf32, #tpu.memory_space<vmem>>, %arg4: memref<2048x128xf32, #tpu.memory_space<vmem>>) attributes {dimension_semantics = [#tpu.dimension_semantics<arbitrary>], iteration_bounds = array<i64: 5>, scalar_prefetch = 0 : i64, scratch_operands = 0 : i64, tpu.core_type = #tpu.core_type<tc>, window_params = [{transform_indices = @transform_0, window_bounds = array<i64: 2048, 128>}, {pipeline_mode = #tpu.pipeline_mode<synchronous>, transform_indices = @transform_1, window_bounds = array<i64: 128, 128>}, {transform_indices = @transform_2, window_bounds = array<i64: 2, 2048, 1>}, {transform_indices = @transform_3, window_bounds = array<i64: 2048, 128>}]} {
    %get3A = arith.constant 0 : index
    %get3A_0 = arith.constant 0 : index
    %get3A_1 = arith.constant 0 : index
    %get3A_2 = vector.load %arg3[%get3A, %get3A_0, %get3A_1] : memref<2x2048x1xf32, #tpu.memory_space<vmem>>, vector<2x2048x1xf32>
    %reduce_sum3A = arith.constant dense<0.000000e+00> : vector<2048x1xf32>
    %reduce_sum3A_3 = vector.multi_reduction <add>, %get3A_2, %reduce_sum3A [0] : vector<2x2048x1xf32> to vector<2048x1xf32>
    %add3A = arith.constant 1.000000e+00 : f32
    %add3A_4 = vector.broadcast %add3A : f32 to vector<2048x1xf32>
    %add3A_5 = arith.addf %reduce_sum3A_3, %add3A_4 : vector<2048x1xf32>
    %rsqrt3A = math.rsqrt %add3A_5 : vector<2048x1xf32>
    %get3A_6 = arith.constant 0 : index
    %get3A_7 = arith.constant 0 : index
    %get3A_8 = vector.load %arg1[%get3A_6, %get3A_7] : memref<2048x128xf32, #tpu.memory_space<vmem>>, vector<2048x128xf32>
    %get3A_9 = arith.constant 0 : index
    %get3A_10 = arith.constant 0 : index
    %get3A_11 = vector.load %arg2[%get3A_9, %get3A_10] : memref<128x128xf32, #tpu.memory_space<vmem>>, vector<128x128xf32>
    %dot_general3A = arith.constant dense<0.000000e+00> : vector<2048x128xf32>
    %dot_general3A_12 = tpu.matmul %get3A_8, %get3A_11, %dot_general3A {dimension_numbers = #tpu.dot_dimension_numbers<[1], [0], [0], [1], [0, 0, 1, 1], [], []>, transpose_lhs_hint = false} : vector<2048x128xf32>, vector<128x128xf32>, vector<2048x128xf32> -> vector<2048x128xf32>
    %mul3A = vector.broadcast %rsqrt3A : vector<2048x1xf32> to vector<2048x128xf32>
    %mul3A_13 = arith.mulf %dot_general3A_12, %mul3A : vector<2048x128xf32>
    %swap3A = arith.constant 0 : index
    %swap3A_14 = arith.constant 0 : index
    %swap3A_15 = vector.load %arg4[%swap3A, %swap3A_14] : memref<2048x128xf32, #tpu.memory_space<vmem>>, vector<2048x128xf32>
    tpu.vector_store %arg4[%swap3A, %swap3A_14], %mul3A_13 {strides = array<i32>} : memref<2048x128xf32, #tpu.memory_space<vmem>>, vector<2048x128xf32>,
    return
  }
  func.func @transform_0(%arg0: i32) -> (i32, i32) {
    %c0_i32 = arith.constant 0 : i32
    %c0_i32_0 = arith.constant 0 : i32
    return %arg0, %c0_i32 : i32, i32
  }
  func.func @transform_1(%arg0: i32) -> (i32, i32) {
    %c0_i32 = arith.constant 0 : i32
    %c0_i32_0 = arith.constant 0 : i32
    %c0_i32_1 = arith.constant 0 : i32
    return %c0_i32, %c0_i32_0 : i32, i32
  }
  func.func @transform_2(%arg0: i32) -> (i32, i32, i32) {
    %c0_i32 = arith.constant 0 : i32
    %c0_i32_0 = arith.constant 0 : i32
    %c0_i32_1 = arith.constant 0 : i32
    return %c0_i32, %arg0, %c0_i32_0 : i32, i32, i32
  }
  func.func @transform_3(%arg0: i32) -> (i32, i32) {
    %c0_i32 = arith.constant 0 : i32
    %c0_i32_0 = arith.constant 0 : i32
    return %arg0, %c0_i32 : i32, i32
  }
}

module attributes {stable_mosaic.version = 14 : i64} {
  func.func @_mid_body(%arg0: i32, %arg1: memref<2x2048x128xf32, #tpu.memory_space<vmem>>, %arg2: memref<2048x128xf32, #tpu.memory_space<vmem>>, %arg3: memref<1x128xf32, #tpu.memory_space<vmem>>, %arg4: memref<128x128xf32, #tpu.memory_space<vmem>>, %arg5: memref<2x2048x1xf32, #tpu.memory_space<vmem>>, %arg6: memref<2048x128xf32, #tpu.memory_space<vmem>>) attributes {dimension_semantics = [#tpu.dimension_semantics<arbitrary>], iteration_bounds = array<i64: 5>, scalar_prefetch = 0 : i64, scratch_operands = 0 : i64, tpu.core_type = #tpu.core_type<tc>, window_params = [{transform_indices = @transform_0, window_bounds = array<i64: 2, 2048, 128>}, {transform_indices = @transform_1, window_bounds = array<i64: 2048, 128>}, {pipeline_mode = #tpu.pipeline_mode<synchronous>, transform_indices = @transform_2, window_bounds = array<i64: 1, 128>}, {pipeline_mode = #tpu.pipeline_mode<synchronous>, transform_indices = @transform_3, window_bounds = array<i64: 128, 128>}, {transform_indices = @transform_4, window_bounds = array<i64: 2, 2048, 1>}, {transform_indices = @transform_5, window_bounds = array<i64: 2048, 128>}]} {
    %get3A = arith.constant 0 : index
    %get3A_0 = arith.constant 0 : index
    %get3A_1 = arith.constant 0 : index
    %get3A_2 = vector.load %arg5[%get3A, %get3A_0, %get3A_1] : memref<2x2048x1xf32, #tpu.memory_space<vmem>>, vector<2x2048x1xf32>
    %reduce_sum3A = arith.constant dense<0.000000e+00> : vector<2048x1xf32>
    %reduce_sum3A_3 = vector.multi_reduction <add>, %get3A_2, %reduce_sum3A [0] : vector<2x2048x1xf32> to vector<2048x1xf32>
    %add3A = arith.constant 1.000000e+00 : f32
    %add3A_4 = vector.broadcast %add3A : f32 to vector<2048x1xf32>
    %add3A_5 = arith.addf %reduce_sum3A_3, %add3A_4 : vector<2048x1xf32>
    %rsqrt3A = math.rsqrt %add3A_5 : vector<2048x1xf32>
    %get3A_6 = arith.constant 0 : index
    %get3A_7 = arith.constant 0 : index
    %get3A_8 = arith.constant 0 : index
    %get3A_9 = vector.load %arg1[%get3A_6, %get3A_7, %get3A_8] : memref<2x2048x128xf32, #tpu.memory_space<vmem>>, vector<1x2048x128xf32>
    %get3A_10 = vector.shape_cast %get3A_9 : vector<1x2048x128xf32> to vector<2048x128xf32>
    %get3A_11 = arith.constant 1 : index
    %get3A_12 = arith.constant 0 : index
    %get3A_13 = arith.constant 0 : index
    %get3A_14 = vector.load %arg1[%get3A_11, %get3A_12, %get3A_13] : memref<2x2048x128xf32, #tpu.memory_space<vmem>>, vector<1x2048x128xf32>
    %get3A_15 = vector.shape_cast %get3A_14 : vector<1x2048x128xf32> to vector<2048x128xf32>
    %add3A_16 = arith.addf %get3A_10, %get3A_15 : vector<2048x128xf32>
    %get3A_17 = arith.constant 0 : index
    %get3A_18 = arith.constant 0 : index
    %get3A_19 = vector.load %arg2[%get3A_17, %get3A_18] : memref<2048x128xf32, #tpu.memory_space<vmem>>, vector<2048x128xf32>
    %add3A_20 = arith.addf %add3A_16, %get3A_19 : vector<2048x128xf32>
    %mul3A = vector.broadcast %rsqrt3A : vector<2048x1xf32> to vector<2048x128xf32>
    %mul3A_21 = arith.mulf %add3A_20, %mul3A : vector<2048x128xf32>
    %get3A_22 = arith.constant 0 : index
    %get3A_23 = arith.constant 0 : index
    %get3A_24 = vector.load %arg3[%get3A_22, %get3A_23] : memref<1x128xf32, #tpu.memory_space<vmem>>, vector<1x128xf32>
    %add3A_25 = vector.broadcast %get3A_24 : vector<1x128xf32> to vector<2048x128xf32>
    %add3A_26 = arith.addf %mul3A_21, %add3A_25 : vector<2048x128xf32>
    %max3A = arith.constant 0.000000e+00 : f32
    %max3A_27 = vector.broadcast %max3A : f32 to vector<2048x128xf32>
    %max3A_28 = arith.maximumf %add3A_26, %max3A_27 : vector<2048x128xf32>
    %get3A_29 = arith.constant 0 : index
    %get3A_30 = arith.constant 0 : index
    %get3A_31 = vector.load %arg4[%get3A_29, %get3A_30] : memref<128x128xf32, #tpu.memory_space<vmem>>, vector<128x128xf32>
    %dot_general3A = arith.constant dense<0.000000e+00> : vector<2048x128xf32>
    %dot_general3A_32 = tpu.matmul %max3A_28, %get3A_31, %dot_general3A {dimension_numbers = #tpu.dot_dimension_numbers<[1], [0], [0], [1], [0, 0, 1, 1], [], []>, transpose_lhs_hint = false} : vector<2048x128xf32>, vector<128x128xf32>, vector<2048x128xf32> -> vector<2048x128xf32>
    %mul3A_33 = vector.broadcast %rsqrt3A : vector<2048x1xf32> to vector<2048x128xf32>
    %mul3A_34 = arith.mulf %dot_general3A_32, %mul3A_33 : vector<2048x128xf32>
    %swap3A = arith.constant 0 : index
    %swap3A_35 = arith.constant 0 : index
    %swap3A_36 = vector.load %arg6[%swap3A, %swap3A_35] : memref<2048x128xf32, #tpu.memory_space<vmem>>, vector<2048x128xf32>
    tpu.vector_store %arg6[%swap3A, %swap3A_35], %mul3A_34 {strides = array<i32>} : memref<2048x128xf32, #tpu.memory_space<vmem>>, vector<2048x128xf32>,
    return
  }
  func.func @transform_0(%arg0: i32) -> (i32, i32, i32) {
    %c0_i32 = arith.constant 0 : i32
    %c0_i32_0 = arith.constant 0 : i32
    %c0_i32_1 = arith.constant 0 : i32
    return %c0_i32, %arg0, %c0_i32_0 : i32, i32, i32
  }
  func.func @transform_1(%arg0: i32) -> (i32, i32) {
    %c0_i32 = arith.constant 0 : i32
    %c0_i32_0 = arith.constant 0 : i32
    return %arg0, %c0_i32 : i32, i32
  }
  func.func @transform_2(%arg0: i32) -> (i32, i32) {
    %c0_i32 = arith.constant 0 : i32
    %c0_i32_0 = arith.constant 0 : i32
    %c0_i32_1 = arith.constant 0 : i32
    return %c0_i32, %c0_i32_0 : i32, i32
  }
  func.func @transform_3(%arg0: i32) -> (i32, i32) {
    %c0_i32 = arith.constant 0 : i32
    %c0_i32_0 = arith.constant 0 : i32
    %c0_i32_1 = arith.constant 0 : i32
    return %c0_i32, %c0_i32_0 : i32, i32
  }
  func.func @transform_4(%arg0: i32) -> (i32, i32, i32) {
    %c0_i32 = arith.constant 0 : i32
    %c0_i32_0 = arith.constant 0 : i32
    %c0_i32_1 = arith.constant 0 : i32
    return %c0_i32, %arg0, %c0_i32_0 : i32, i32, i32
  }
  func.func @transform_5(%arg0: i32) -> (i32, i32) {
    %c0_i32 = arith.constant 0 : i32
    %c0_i32_0 = arith.constant 0 : i32
    return %arg0, %c0_i32 : i32, i32
  }
}

module attributes {stable_mosaic.version = 14 : i64} {
  func.func @_last_body(%arg0: i32, %arg1: memref<2x2048x128xf32, #tpu.memory_space<vmem>>, %arg2: memref<2048x128xf32, #tpu.memory_space<vmem>>, %arg3: memref<1x128xf32, #tpu.memory_space<vmem>>, %arg4: memref<2x2048x1xf32, #tpu.memory_space<vmem>>, %arg5: memref<1x128xf32, #tpu.memory_space<vmem>>) attributes {dimension_semantics = [#tpu.dimension_semantics<arbitrary>], iteration_bounds = array<i64: 5>, scalar_prefetch = 0 : i64, scratch_operands = 0 : i64, tpu.core_type = #tpu.core_type<tc>, window_params = [{transform_indices = @transform_0, window_bounds = array<i64: 2, 2048, 128>}, {transform_indices = @transform_1, window_bounds = array<i64: 2048, 128>}, {pipeline_mode = #tpu.pipeline_mode<synchronous>, transform_indices = @transform_2, window_bounds = array<i64: 1, 128>}, {transform_indices = @transform_3, window_bounds = array<i64: 2, 2048, 1>}, {pipeline_mode = #tpu.pipeline_mode<synchronous>, transform_indices = @transform_4, window_bounds = array<i64: 1, 128>}]} {
    %get3A = arith.constant 0 : index
    %get3A_0 = arith.constant 0 : index
    %get3A_1 = arith.constant 0 : index
    %get3A_2 = vector.load %arg4[%get3A, %get3A_0, %get3A_1] : memref<2x2048x1xf32, #tpu.memory_space<vmem>>, vector<2x2048x1xf32>
    %reduce_sum3A = arith.constant dense<0.000000e+00> : vector<2048x1xf32>
    %reduce_sum3A_3 = vector.multi_reduction <add>, %get3A_2, %reduce_sum3A [0] : vector<2x2048x1xf32> to vector<2048x1xf32>
    %add3A = arith.constant 1.000000e+00 : f32
    %add3A_4 = vector.broadcast %add3A : f32 to vector<2048x1xf32>
    %add3A_5 = arith.addf %reduce_sum3A_3, %add3A_4 : vector<2048x1xf32>
    %rsqrt3A = math.rsqrt %add3A_5 : vector<2048x1xf32>
    %get3A_6 = arith.constant 0 : index
    %get3A_7 = arith.constant 0 : index
    %get3A_8 = arith.constant 0 : index
    %get3A_9 = vector.load %arg1[%get3A_6, %get3A_7, %get3A_8] : memref<2x2048x128xf32, #tpu.memory_space<vmem>>, vector<1x2048x128xf32>
    %get3A_10 = vector.shape_cast %get3A_9 : vector<1x2048x128xf32> to vector<2048x128xf32>
    %get3A_11 = arith.constant 1 : index
    %get3A_12 = arith.constant 0 : index
    %get3A_13 = arith.constant 0 : index
    %get3A_14 = vector.load %arg1[%get3A_11, %get3A_12, %get3A_13] : memref<2x2048x128xf32, #tpu.memory_space<vmem>>, vector<1x2048x128xf32>
    %get3A_15 = vector.shape_cast %get3A_14 : vector<1x2048x128xf32> to vector<2048x128xf32>
    %add3A_16 = arith.addf %get3A_10, %get3A_15 : vector<2048x128xf32>
    %get3A_17 = arith.constant 0 : index
    %get3A_18 = arith.constant 0 : index
    %get3A_19 = vector.load %arg2[%get3A_17, %get3A_18] : memref<2048x128xf32, #tpu.memory_space<vmem>>, vector<2048x128xf32>
    %add3A_20 = arith.addf %add3A_16, %get3A_19 : vector<2048x128xf32>
    %mul3A = vector.broadcast %rsqrt3A : vector<2048x1xf32> to vector<2048x128xf32>
    %mul3A_21 = arith.mulf %add3A_20, %mul3A : vector<2048x128xf32>
    %get3A_22 = arith.constant 0 : index
    %get3A_23 = arith.constant 0 : index
    %get3A_24 = vector.load %arg3[%get3A_22, %get3A_23] : memref<1x128xf32, #tpu.memory_space<vmem>>, vector<1x128xf32>
    %add3A_25 = vector.broadcast %get3A_24 : vector<1x128xf32> to vector<2048x128xf32>
    %add3A_26 = arith.addf %mul3A_21, %add3A_25 : vector<2048x128xf32>
    %max3A = arith.constant 0.000000e+00 : f32
    %max3A_27 = vector.broadcast %max3A : f32 to vector<2048x128xf32>
    %max3A_28 = arith.maximumf %add3A_26, %max3A_27 : vector<2048x128xf32>
    %iota3A = tpu.iota {dimensions = array<i32: 0>} : vector<2048x1xi32>
    %mul3A_29 = arith.constant 2048 : i32
    %mul3A_30 = arith.muli %arg0, %mul3A_29 : i32
    %add3A_31 = vector.broadcast %mul3A_30 : i32 to vector<2048x1xi32>
    %add3A_32 = arith.addi %iota3A, %add3A_31 : vector<2048x1xi32>
    %lt3A = arith.constant 10000 : i32
    %lt3A_33 = vector.broadcast %lt3A : i32 to vector<2048x1xi32>
    %lt3A_34 = arith.cmpi slt, %add3A_32, %lt3A_33 : vector<2048x1xi32>
    %jit3A = arith.constant 0.000000e+00 : f32
    %broadcast_in_dim3A = vector.shape_cast %lt3A_34 : vector<2048x1xi1> to vector<2048x1xi1>
    %broadcast_in_dim3A_35 = vector.broadcast %broadcast_in_dim3A : vector<2048x1xi1> to vector<2048x128xi1>
    %broadcast_in_dim3A_36 = vector.broadcast %jit3A : f32 to vector<2048x128xf32>
    %select_n3A = arith.select %broadcast_in_dim3A_35, %max3A_28, %broadcast_in_dim3A_36 : vector<2048x128xi1>, vector<2048x128xf32>
    %reduce_sum3A_37 = arith.constant dense<0.000000e+00> : vector<128xf32>
    %reduce_sum3A_38 = vector.multi_reduction <add>, %select_n3A, %reduce_sum3A_37 [0] : vector<2048x128xf32> to vector<128xf32>
    %broadcast_in_dim3A_39 = vector.shape_cast %reduce_sum3A_38 : vector<128xf32> to vector<1x128xf32>
    %mul3A_40 = arith.constant 9.99999974E-5 : f32
    %mul3A_41 = vector.broadcast %mul3A_40 : f32 to vector<1x128xf32>
    %mul3A_42 = arith.mulf %broadcast_in_dim3A_39, %mul3A_41 : vector<1x128xf32>
    %eq3A = arith.constant 0 : i32
    %eq3A_43 = arith.cmpi eq, %arg0, %eq3A : i32
    %convert_element_type3A = arith.extui %eq3A_43 : i1 to i32
    %cond3A = arith.constant 0 : i32
    %cond3A_44 = arith.cmpi ne, %convert_element_type3A, %cond3A : i32
    scf.if %cond3A_44 {
      %broadcast_in_dim3A_51 = arith.constant 0.000000e+00 : f32
      %broadcast_in_dim3A_52 = vector.broadcast %broadcast_in_dim3A_51 : f32 to vector<1x128xf32>
      %swap3A_53 = arith.constant 0 : index
      %swap3A_54 = arith.constant 0 : index
      %swap3A_55 = vector.load %arg5[%swap3A_53, %swap3A_54] : memref<1x128xf32, #tpu.memory_space<vmem>>, vector<1x128xf32>
      tpu.vector_store %arg5[%swap3A_53, %swap3A_54], %broadcast_in_dim3A_52 {strides = array<i32>} : memref<1x128xf32, #tpu.memory_space<vmem>>, vector<1x128xf32>,
    } else {
    }
    %get3A_45 = arith.constant 0 : index
    %get3A_46 = arith.constant 0 : index
    %get3A_47 = vector.load %arg5[%get3A_45, %get3A_46] : memref<1x128xf32, #tpu.memory_space<vmem>>, vector<1x128xf32>
    %add3A_48 = arith.addf %get3A_47, %mul3A_42 : vector<1x128xf32>
    %swap3A = arith.constant 0 : index
    %swap3A_49 = arith.constant 0 : index
    %swap3A_50 = vector.load %arg5[%swap3A, %swap3A_49] : memref<1x128xf32, #tpu.memory_space<vmem>>, vector<1x128xf32>
    tpu.vector_store %arg5[%swap3A, %swap3A_49], %add3A_48 {strides = array<i32>} : memref<1x128xf32, #tpu.memory_space<vmem>>, vector<1x128xf32>,
    return
  }
  func.func @transform_0(%arg0: i32) -> (i32, i32, i32) {
    %c0_i32 = arith.constant 0 : i32
    %c0_i32_0 = arith.constant 0 : i32
    %c0_i32_1 = arith.constant 0 : i32
    return %c0_i32, %arg0, %c0_i32_0 : i32, i32, i32
  }
  func.func @transform_1(%arg0: i32) -> (i32, i32) {
    %c0_i32 = arith.constant 0 : i32
    %c0_i32_0 = arith.constant 0 : i32
    return %arg0, %c0_i32 : i32, i32
  }
  func.func @transform_2(%arg0: i32) -> (i32, i32) {
    %c0_i32 = arith.constant 0 : i32
    %c0_i32_0 = arith.constant 0 : i32
    %c0_i32_1 = arith.constant 0 : i32
    return %c0_i32, %c0_i32_0 : i32, i32
  }
  func.func @transform_3(%arg0: i32) -> (i32, i32, i32) {
    %c0_i32 = arith.constant 0 : i32
    %c0_i32_0 = arith.constant 0 : i32
    %c0_i32_1 = arith.constant 0 : i32
    return %c0_i32, %arg0, %c0_i32_0 : i32, i32, i32
  }
  func.func @transform_4(%arg0: i32) -> (i32, i32) {
    %c0_i32 = arith.constant 0 : i32
    %c0_i32_0 = arith.constant 0 : i32
    %c0_i32_1 = arith.constant 0 : i32
    return %c0_i32, %c0_i32_0 : i32, i32
  }
}

</mosaic_0001>

<sc_bundles>
// kernel: kernel.10.cloned.1.call-start
scs
__scs_entry_jumppad:
0x0: {  	(pc) =	sbr.rel $0x88, $3  }
0x1: {  	(tag) =	ssettag $0x0;
	lr =	simm.s32 $0x1  }
0x2: {  	[smem:$0x3F99] =	sst lr;
	_ =	strace $0xD0000000  }
0x3: {  	_ = 	snop  }
0x4: {  	_ = 	snop  }
0x5: {  	_ = 	snop  }
0x6: {  	_ = 	snop  }
0x7: {  	_ = 	snop  }
__scs_overlays_trampoline_lowered:
0x8: {  	[smem:$0x3FA8] =	sst s0  }
0x9: {  	[smem:$0x3FA9] =	sst s1  }
0xa: {  	[smem:$0x3FAA] =	sst s2  }
0xb: {  	[smem:$0x3FAB] =	sst s3  }
0xc: {  	[smem:$0x3FAC] =	sst s4  }
0xd: {  	[smem:$0x3FAD] =	sst s5  }
0xe: {  	[smem:$0x3FAE] =	sst s6  }
0xf: {  	[smem:$0x3FAF] =	sst s7  }
0x10: {  	[smem:$0x3FB0] =	sst s8  }
0x11: {  	[smem:$0x3FB1] =	sst s9;
	s0 =	simm.s32 @!p0 $0x0  }
0x12: {  	s1 =	sld [smem:$0x3F97];
	s0 =	simm.s32 @p0 $0x1  }
0x13: {  	[smem:$0x3FB2] =	sst s0;
	s0 =	simm.s32 @!p1 $0x0  }
0x14: {  	s2 =	sld [smem:$0x3F96];
	s0 =	simm.s32 @p1 $0x1  }
0x15: {  	[smem:$0x3FB3] =	sst s0;
	s0 =	simm.s32 @!p2 $0x0  }
0x16: {  	s3 =	sld [smem:$0x3FDB];
	s0 =	simm.s32 @p2 $0x1  }
0x17: {  	s4 =	simm.s32 $0x1BF5;
	[smem:$0x3FB5] =	sst s0  }
0x18: {  	s0 =	sld [smem:$0x3F98];
	_ =	swait.ge [sflag:s4], $0x0  }
0x19: {  	s7 =	sld [smem:$0x3F99]  }
0x1a: {  	s8 =	sadd.s32 $0xFFFFE003, lr  }
0x1b: {  	s9 =	sadd.s32 $0xFFFFFEF7, lr;
	s5 =	simm.s32 $0xFFFFFFFF;
	p2 =	slt.u32 s8, $0xFFFFF086  }
0x1c: {  	p1 =	slt.u32 s9, $0xF7A;
	s5 =	simm.s32 @!p2 $0x0  }
0x1d: {  	s5 =	simm.s32 @p1 $0x1;
	p0 =	seq.s32 s7, s2  }
0x1e: {  	s7 =	smul.u32 @!p0 $0xF7A, s2;
	p2 =	seq.s32 @!p0 s5, $0x0  }
0x1f: {  	s9 =	smul.u32 $0xF7A, s1;
	s8 =	simm.s32 @!p0 $0x1BF5;
	p2 =	por !p2, p0  }
0x20: {  	[sflag:s8] =	ssyncset.s32 @!p0 $0xFFFFF086;
	s6 =	sadd.s32 @!p0 s3, s7;
	s7 =	simm.s32 @!p0 $0x108  }
0x21: {  	s3 =	sadd.s32 s3, s9;
	s6 =	sadd.s32 @!p0 $0x88, s6;
	s7 =	simm.s32 @p2 $0x1082  }
0x22: {  	[simem:s7], [sflag:s8] =	dma.local @!p0 [hbm:s6], $0xF7A  }
0x23: {  	s9 =	sor.u32 $0xD0000000, s2;
	s6 =	simm.s32 $0x108;
	_ =	swait.ge @!p0 [sflag:s8], $0x0  }
0x24: {  	s3 =	sadd.s32 $0x88, s3;
	s6 =	simm.s32 @!p1 $0x1082;
	[sflag:s4] =	ssyncset.s32 $0xFFFFF086  }
0x25: {  	[simem:s6], [sflag:s4] =	dma.local [hbm:s3], $0xF7A  }
0x26: {  	[smem:$0x3F99] =	sst s1;
	(tag) =	ssettag s2;
	_ =	strace s9  }
0x27: {  	s1 =	sld [smem:$0x3FA9]  }
0x28: {  	s2 =	sld [smem:$0x3FAA]  }
0x29: {  	s4 =	sld [smem:$0x3FAC]  }
0x2a: {  	p0 =	seq.s32 s5, $0x0;
	s5 =	sld [smem:$0x3FAD]  }
0x2b: {  	s6 =	sld [smem:$0x3FAE]  }
0x2c: {  	s7 =	sld [smem:$0x3FAF]  }
0x2d: {  	s3 =	simm.s32 $0x108;
	s8 =	sld [smem:$0x3FB0]  }
0x2e: {  	s3 =	simm.s32 @!p0 $0x1082;
	s9 =	sld [smem:$0x3FB1]  }
0x2f: {  	lr =	sadd.s32 s0, s3;
	s0 =	sld [smem:$0x3FA8]  }
0x30: {  	s3 =	sld [smem:$0x3FAB]  }
0x31: {  	[smem:$0x3FB4] =	sst s10  }
0x32: {  	s10 =	sld [smem:$0x3FB2];
	_ =	sdelay $0x3  }
0x33: {  	p0 =	seq.s32 s10, $0x1;
	s10 =	sld [smem:$0x3FB4];
	_ =	sdelay $0x3  }
0x34: {  	[smem:$0x3FB4] =	sst s10  }
0x35: {  	s10 =	sld [smem:$0x3FB3];
	_ =	sdelay $0x3  }
0x36: {  	p1 =	seq.s32 s10, $0x1;
	s10 =	sld [smem:$0x3FB4];
	_ =	sdelay $0x3  }
0x37: {  	[smem:$0x3FB4] =	sst s10  }
0x38: {  	s10 =	sld [smem:$0x3FB5]  }
0x39: {  	_ = 	snop;
	(pc) =	sbr.ind lr, $3  }
0x3a: {  	_ = 	snop  }
0x3b: {  	_ = 	snop  }
0x3c: {  	p2 =	seq.s32 s10, $0x1;
	s10 =	sld [smem:$0x3FB4]  }
0x3d: {  	_ =	shalt  }
0x3e: {  	_ =	shalt  }
0x3f: {  	_ =	shalt  }
0x40: {  	_ =	shalt  }
0x41: {  	_ =	shalt  }
0x42: {  	_ =	shalt  }
0x43: {  	_ =	shalt  }
0x44: {  	_ =	shalt  }
0x45: {  	_ =	shalt  }
0x46: {  	_ =	shalt  }
0x47: {  	_ =	shalt  }
0x48: {  	_ =	shalt  }
0x49: {  	_ =	shalt  }
0x4a: {  	_ =	shalt  }
0x4b: {  	_ =	shalt  }
0x4c: {  	_ =	shalt  }
0x4d: {  	_ =	shalt  }
0x4e: {  	_ =	shalt  }
0x4f: {  	_ =	shalt  }
0x50: {  	_ =	shalt  }
0x51: {  	_ =	shalt  }
0x52: {  	_ =	shalt  }
0x53: {  	_ =	shalt  }
0x54: {  	_ =	shalt  }
0x55: {  	_ =	shalt  }
0x56: {  	_ =	shalt  }
0x57: {  	_ =	shalt  }
0x58: {  	_ =	shalt  }
0x59: {  	_ =	shalt  }
0x5a: {  	_ =	shalt  }
0x5b: {  	_ =	shalt  }
0x5c: {  	_ =	shalt  }
0x5d: {  	_ =	shalt  }
0x5e: {  	_ =	shalt  }
0x5f: {  	_ =	shalt  }
0x60: {  	_ =	shalt  }
0x61: {  	_ =	shalt  }
0x62: {  	_ =	shalt  }
0x63: {  	_ =	shalt  }
0x64: {  	_ =	shalt  }
0x65: {  	_ =	shalt  }
0x66: {  	_ =	shalt  }
0x67: {  	_ =	shalt  }
0x68: {  	_ =	shalt  }
0x69: {  	_ =	shalt  }
0x6a: {  	_ =	shalt  }
0x6b: {  	_ =	shalt  }
0x6c: {  	_ =	shalt  }
0x6d: {  	_ =	shalt  }
0x6e: {  	_ =	shalt  }
0x6f: {  	_ =	shalt  }
0x70: {  	_ =	shalt  }
0x71: {  	_ =	shalt  }
0x72: {  	_ =	shalt  }
0x73: {  	_ =	shalt  }
0x74: {  	_ =	shalt  }
0x75: {  	_ =	shalt  }
0x76: {  	_ =	shalt  }
0x77: {  	_ =	shalt  }
0x78: {  	_ =	shalt  }
0x79: {  	_ =	shalt  }
0x7a: {  	_ =	shalt  }
0x7b: {  	_ =	shalt  }
0x7c: {  	_ =	shalt  }
0x7d: {  	_ =	shalt  }
0x7e: {  	_ =	shalt  }
0x7f: {  	_ =	shalt  }
0x80: {  	_ =	shalt  }
0x81: {  	_ =	shalt  }
0x82: {  	_ =	shalt  }
0x83: {  	_ =	shalt  }
0x84: {  	_ =	shalt  }
0x85: {  	_ =	shalt  }
0x86: {  	_ =	shalt  }
0x87: {  	_ =	shalt  }
.Lfunc_end0:
.L_simem_size_0:
called_computation_lowered:
.L_overlay_start_0:
0x88: {  	s2 =	sld [smem:$0x3FD9]  }
0x89: {  	s3 =	sld [smem:$0x3FFE];
	_ =	sdelay $0x1  }
0x8a: {  	s1 =	srdreg.scid  }
0x8b: {  	s0 =	sand.u32 $0x1, s1  }
0x8c: {  	s16 =	sshll.u32 s0, $0xA;
	s2 =	sadd.s32 s3, s2  }
0x8d: {  	s2 =	sadd.s32 s2, s16  }
0x8e: {  	[smem:$0x3FC0] =	sst s2  }
0x8f: {  	_ = 	snop  }
0x90: {  	(tm) =	ssettm $0x1  }
0x91: {  	s17 =	sld [smem:$0x3FFB];
	_ =	sdelay $0x3  }
0x92: {  	_ =	strace s17  }
0x93: {  	s2 =	sld [smem:$0x3FFC];
	_ =	sdelay $0x3  }
0x94: {  	_ =	strace s2  }
0x95: {  	s2 =	sld [smem:$0x3FFD];
	_ =	sdelay $0x3  }
0x96: {  	_ =	strace s2  }
0x97: {  	_ =	strace $0x8FFFFFFF  }
0x98: {  	s18 =	sld [smem:$0x3FDB];
	_ =	sdelay $0x1  }
0x99: {  	s19 =	simm.s32 $_scs_section_size  }
0x9a: {  	s4 =	simm.s32 $_size__tile_overlayer_lowered;
	s5 =	simm.s32 $_tile_overlayer_lowered  }
0x9b: {  	s22 =	simm.s32 $0x1BFF;
	s21 =	sshll.u32 s5, $0x1;
	s2 =	sadd.s32 s19, s18  }
0x9c: {  	s6 =	simm.s32 $0x0;
	s20 =	sshll.u32 s4, $0x1;
	s4 =	sadd.s32 s21, s2  }
0x9d: {  	[timem:s6], [sflag:s22] =	dma.local [hbm:s4], s20  }
0x9e: {  	_ =	swait.ge [sflag:s22], s20  }
0x9f: {  	s3 =	ssub.s32 $0x0, s20;
	[sflag:s22] =	ssyncset.done $0x0  }
0xa0: {  	[sflag:s22] =	ssyncadd.s32 s3;
	_ =	sdelay $0x1  }
0xa1: {  	s23 =	simm.s32 $0x1B8B  }
0xa2: {  	_ =	swait.ge [sflag:s23], $0x1  }
0xa3: {  	[sflag:s23] =	ssyncset.done $0x0  }
0xa4: {  	s25 =	simm.s32 $0x1B8E;
	s24 =	sld [smem:$0x3FFE];
	[sflag:s23] =	ssyncadd.s32 $0xFFFFFFFF  }
0xa5: {  	s26 =	simm.s32 $execute0_lowered;
	[smem:$0x3FD2] =	sst s25  }
0xa6: {  	s4 =	sshll.u32 s26, $0x1;
	_ =	strace $0x80000046;
	[dreg:$0x1] =	wrdreg $0xFFFFFFFF  }
0xa7: {  	s28 =	simm.s32 $_size_execute0_lowered;
	s2 =	sadd.s32 s2, s4;
	[dreg:$0x0] =	wrdreg $0x0  }
0xa8: {  	s4 =	sshll.u32 s28, $0x1;
	[dreg:$0x2] =	wrdreg s2  }
0xa9: {  	[dreg:$0x3] =	wrdreg s4  }
0xaa: {  	[dreg:$0x4] =	wrdreg $0xC0  }
0xab: {  	_ =	task [dreg:s6], $0x5FFFF  }
0xac: {  	[dreg:$0x1] =	wrdreg $0xFFFFFFFF  }
0xad: {  	[dreg:$0x0] =	wrdreg $0x60  }
0xae: {  	[dreg:$0x2] =	wrdreg s24  }
0xaf: {  	[dreg:$0x3] =	wrdreg $0x77800  }
0xb0: {  	[dreg:$0x4] =	wrdreg $0x9  }
0xb1: {  	_ =	task.clear_ibuf [dreg:s6], $0x5FFFF;
	_ =	strace $0x90000046  }
0xb2: {  	s29 =	simm.s32 $0x9;
	_ =	strace $0x80000048  }
0xb3: {  	_ =	swait.ge [sflag:s29], $0x1  }
0xb4: {  	[sflag:s29] =	ssyncadd.s32 $0xFFFFFFFF  }
0xb5: {  	_ =	strace $0x90000048  }
0xb6: {  	_ =	sfence  }
0xb7: {  	s30 =	sld [smem:$0x0];
	_ =	sdelay $0x2  }
0xb8: {  	s31 =	sshll.u32 s1, $0xD;
	s1 =	sshrl.u32 s1, $0x2  }
0xb9: {  	s3 =	sand.u32 $0x4000, s31;
	s1 =	sadd.s32 s1, s30  }
0xba: {  	s0 =	sor.u32 s3, s0;
	s1 =	sshll.u32 s1, $0x11  }
0xbb: {  	s0 =	sor.u32 s1, s0  }
0xbc: {  	s0 =	sadd.s32 $0x8F2B, s0  }
0xbd: {  	[sflag:s0] =	ssyncadd.remote.s32 $0x1  }
0xbe: {  	_ =	sfence.sel $0xFFFF  }
0xbf: {  	[dreg:$0x0] =	wrdreg $0xFFFFFFFF;
	(pc) =	sbr.abs _section_cstart, $3  }
0xc0: {  	[dreg:$0x1] =	wrdreg $0xFFFFFFFF  }
0xc1: {  	_ =	task.clear_ibuf [dreg:s6], $0x2FFFF;
	_ =	strace $0x9FFFFFFF  }
0xc2: {  	(tm) =	ssettm $0x7FFFFFFF  }
0xc3: {  	_ =	shalt  }
tec
execute0_lowered:
.L_overlay_start_1:
0x0: {  	(tag) =	ssettag $0x1  }
0x1: {  	s0 =	srdreg.scid;
	s4 =	rddreg [dreg:$0x0]  }
0x2: {  	s5 =	rddreg [dreg:$0x1];
	s2 =	simm.s32 $0x0;
	s11 =	simm.s32 $0x400  }
0x3: {  	s12 =	simm.s32 $0x2;
	s13 =	simm.s32 $0x1400;
	s14 =	simm.s32 $0x14000  }
0x4: {  	s15 =	simm.s32 $0x4F80;
	s16 =	simm.s32 $0x100;
	s17 =	simm.s32 $0x0  }
0x5: {  	s3 =	sand.u32 $0x1, s0;
	s0 =	stileid.u32;
	[smem:$0x7FF] =	sst s2  }
0x6: {  	s1 =	sshll.u32 s3, $0x4;
	s7 =	smul.u32 $0x500, s0;
	s8 =	sshll.u32 s3, $0x7  }
0x7: {  	s26 =	sshrl.u32 s0, $0x3;
	s3 =	ssub.s32 $0x2, s3;
	s9 =	smul.u32 $0x5000, s0  }
0x8: {  	s29 =	sshll.u32 s0, $0x7;
	s6 =	sor.u32 s0, s1;
	s1 =	rddreg [dreg:$0x2]  }
0x9: {  	_ =	strace $0x80000047;
	s28 =	sshrl.u32 s3, $0x1;
	s6 =	smul.u32 $0x4E2, s6  }
0xa: {  	s31 =	sand.u32 $0x380, s29;
	s7 =	sor.u32 s8, s7;
	s8 =	smul.u32 $0x50000, s26  }
0xb: {  	s10 =	ssub.s32 s3, s28;
	s9 =	sshrl.u32 s9, $0x2;
	s7 =	sshrl.u32 s7, $0x3  }
0xc: {  	s6 =	sadd.s32 s6, s4;
	s7 =	sadd.s32 s7, s4;
	s30 =	sshrl.u32 s8, $0x2  }
0xd: {  	s8 =	simm.s32 $0x1;
	s4 =	sadd.s32 s30, s5;
	s3 =	sadd.s32 $0xCE00, s6  }
0xe: {  	s5 =	sadd.s32 s9, s5;
	s6 =	sadd.s32 $0x16C00, s7;
	s7 =	smax.u32 s10, $0x1  }
0xf: {  	v0 =	vimm.f32 $0.0e+00;
	v1 =	vimm.f32 $1.000000000e+00;
	s9 =	simm.s32 $0x2780;
	s10 =	simm.s32 $0x80;
	s4 =	sadd.s32 s31, s4  }
.LBB2_1:
0x10: {  	[tilespmem:s2], [sflag:$0x1] =	stream.linear.gather [hbm4b:s3+s2], $0x2710, $0x38;
	[tilespmem:$0x9F80] =	vst v63  }
0x11: {  	s18 =	simm.s32 $0x40;
	s19 =	simm.s32 $0x0  }
.LBB2_2:
0x12: {  	p0 =	sne.s32 s18, $0x9FC0;
	[tilespmem:s19+$0x2780] =	vst v0;
	s19 =	smov.u32 s18;
	s18 =	sadd.s32 $0x40, s18  }
.Ltmp0:
0x13: {  	(pc) =	sbr.rel @p0 .LBB2_2-.Ltmp0, $2  }
0x14: {  	_ =	sdelay $0x2  }
0x15: {  	s19 =	sshra.s32 s19, $0x2  }
0x16: {  	[tilespmem:s19+$0x2780] =	vst v0  }
0x17: {  	_ =	swait.ge [sflag:s8], $0x2710  }
0x18: {  	[sflag:s8] =	ssyncset.done $0x0  }
0x19: {  	s19 =	simm.s32 $0x0;
	s18 =	simm.s32 $0x40;
	[sflag:s8] =	ssyncadd.s32 $0xFFFFD8F0  }
.LBB2_4:
0x1a: {  	p0 =	sne.s32 s18, $0x9C00;
	v2 =	vld [tilespmem:s19+$0x0];
	_ =	sdelay $0x3  }
.Ltmp1:
0x1b: {  	(pc) =	sbr.rel @p0 .LBB2_4-.Ltmp1, $2  }
0x1c: {  	_ =	sdelay $0x2  }
0x1d: {  	s19 =	sshra.s32 s18, $0x2;
	s18 =	sadd.s32 $0x40, s18;
	[tilespmem:v2+s9+$0x0] =	vst.idx.add.f32.msk $0xffff, v1  }
0x1e: {  	v2 =	vld [tilespmem:s19+$0x0];
	_ =	sdelay $0x7  }
0x1f: {  	s18 =	simm.s32 $0x2780;
	[tilespmem:v2+s9+$0x0] =	vst.idx.add.f32.msk $0xffff, v1  }
0x20: {  	[spmem:s4] =	stream.strided.scatter [tilespmem:s18], [sflag:$0x2], $0x2800, s11, s10, $0x38;
	[tilespmem:$0x9F80] =	vst v63  }
0x21: {  	_ =	swait.ge [sflag:s12], $0x2800  }
0x22: {  	[sflag:s12] =	ssyncset.done $0x0  }
0x23: {  	[sflag:s12] =	ssyncadd.s32 $0xFFFFD800  }
0x24: {  	[bflag:$0x0] =	sbarrier.arrive $0xFFFF  }
0x25: {  	[tilespmem:s15], [sflag:$0x2] =	stream.strided.gather [spmem:s5], $0x2800, s14, s13, $0x38;
	[tilespmem:$0x9F80] =	vst v63  }
0x26: {  	s30 =	simm.s32 $0x0;
	_ =	swait.ge [sflag:s12], $0x2800  }
0x27: {  	s20 =	sand.u32 $0x70, s30;
	s19 =	sand.u32 $0x1C00, s30;
	[sflag:s12] =	ssyncset.done $0x0  }
0x28: {  	s19 =	sor.u32 s20, s19;
	[sflag:s12] =	ssyncadd.s32 $0xFFFFD800  }
0x29: {  	v2 =	vld [tilespmem:s19+$0x4F80];
	_ =	sdelay $0x1  }
0x2a: {  	v3 =	vld [tilespmem:s19+$0x5000];
	_ =	sdelay $0x1  }
0x2b: {  	v4 =	vld [tilespmem:s19+$0x5080]  }
0x2c: {  	v2 =	vadd.f32 $0.0e+00, v2  }
0x2d: {  	v5 =	vld [tilespmem:s19+$0x5100]  }
0x2e: {  	v2 =	vadd.f32 v3, v2  }
0x2f: {  	v3 =	vld [tilespmem:s19+$0x5180]  }
0x30: {  	v2 =	vadd.f32 v4, v2  }
0x31: {  	v56 =	vld [tilespmem:s19+$0x5200]  }
0x32: {  	v2 =	vadd.f32 v5, v2  }
0x33: {  	v57 =	vld [tilespmem:s19+$0x5280]  }
0x34: {  	v2 =	vadd.f32 v3, v2  }
0x35: {  	v3 =	vld [tilespmem:s19+$0x5300]  }
0x36: {  	v2 =	vadd.f32 v56, v2  }
0x37: {  	v58 =	vld [tilespmem:s19+$0x6380]  }
0x38: {  	v2 =	vadd.f32 v57, v2  }
0x39: {  	v59 =	vld [tilespmem:s19+$0x6400]  }
0x3a: {  	v2 =	vadd.f32 v3, v2  }
0x3b: {  	v3 =	vld [tilespmem:s19+$0x6480]  }
0x3c: {  	v2 =	vadd.f32 v58, v2  }
0x3d: {  	v60 =	vld [tilespmem:s19+$0x6500]  }
0x3e: {  	v2 =	vadd.f32 v59, v2  }
0x3f: {  	v61 =	vld [tilespmem:s19+$0x6580]  }
0x40: {  	v2 =	vadd.f32 v3, v2  }
0x41: {  	v3 =	vld [tilespmem:s19+$0x6600]  }
0x42: {  	v2 =	vadd.f32 v60, v2  }
0x43: {  	v62 =	vld [tilespmem:s19+$0x6680]  }
0x44: {  	v2 =	vadd.f32 v61, v2  }
0x45: {  	v63 =	vld [tilespmem:s19+$0x6700]  }
0x46: {  	v2 =	vadd.f32 v3, v2;
	_ =	sdelay $0x1  }
0x47: {  	v2 =	vadd.f32 v62, v2;
	_ =	sdelay $0x1  }
0x48: {  	s31 =	simm.s32 $0x10;
	s19 =	simm.s32 $0x80;
	v2 =	vadd.f32 v63, v2  }
0x49: {  	s21 =	sand.u32 $0x70, s31;
	s20 =	simm.s32 $0x20;
	s22 =	sand.u32 $0x1C00, s19  }
.LBB2_6:
0x4a: {  	p0 =	sne.s32 s20, $0x270;
	s21 =	sor.u32 s21, s22;
	[tilespmem:s18+$0x0] =	vst v2  }
0x4b: {  	v2 =	vld [tilespmem:s21+$0x4F80];
	_ =	sdelay $0x1  }
0x4c: {  	v3 =	vld [tilespmem:s21+$0x5000];
	_ =	sdelay $0x1  }
0x4d: {  	v4 =	vld [tilespmem:s21+$0x5080]  }
0x4e: {  	v2 =	vadd.f32 $0.0e+00, v2  }
0x4f: {  	v5 =	vld [tilespmem:s21+$0x5100]  }
0x50: {  	v2 =	vadd.f32 v3, v2  }
0x51: {  	v3 =	vld [tilespmem:s21+$0x5180]  }
0x52: {  	v2 =	vadd.f32 v4, v2  }
0x53: {  	v4 =	vld [tilespmem:s21+$0x5200]  }
0x54: {  	v2 =	vadd.f32 v5, v2  }
0x55: {  	v5 =	vld [tilespmem:s21+$0x5280]  }
0x56: {  	v2 =	vadd.f32 v3, v2  }
0x57: {  	v3 =	vld [tilespmem:s21+$0x5300]  }
0x58: {  	v2 =	vadd.f32 v4, v2  }
0x59: {  	v4 =	vld [tilespmem:s21+$0x6380]  }
0x5a: {  	v2 =	vadd.f32 v5, v2  }
0x5b: {  	v5 =	vld [tilespmem:s21+$0x6400]  }
0x5c: {  	v2 =	vadd.f32 v3, v2  }
0x5d: {  	v3 =	vld [tilespmem:s21+$0x6480]  }
0x5e: {  	v2 =	vadd.f32 v4, v2  }
0x5f: {  	v4 =	vld [tilespmem:s21+$0x6500]  }
0x60: {  	v2 =	vadd.f32 v5, v2  }
0x61: {  	v5 =	vld [tilespmem:s21+$0x6580]  }
0x62: {  	v2 =	vadd.f32 v3, v2  }
0x63: {  	v3 =	vld [tilespmem:s21+$0x6600]  }
0x64: {  	v2 =	vadd.f32 v4, v2  }
0x65: {  	v4 =	vld [tilespmem:s21+$0x6680]  }
0x66: {  	v2 =	vadd.f32 v5, v2  }
0x67: {  	v5 =	vld [tilespmem:s21+$0x6700]  }
0x68: {  	v2 =	vadd.f32 v3, v2  }
.Ltmp2:
0x69: {  	(pc) =	sbr.rel @p0 .LBB2_6-.Ltmp2, $3  }
0x6a: {  	v2 =	vadd.f32 v4, v2;
	_ =	sdelay $0x1  }
0x6b: {  	s19 =	sadd.s32 $0x80, s19;
	s18 =	sadd.s32 $0x10, s18;
	v2 =	vadd.f32 v5, v2  }
0x6c: {  	s22 =	sand.u32 $0x1C00, s19;
	s21 =	sand.u32 $0x70, s20;
	s20 =	sadd.s32 $0x10, s20  }
0x6d: {  	s19 =	sor.u32 s21, s22;
	[tilespmem:s18+$0x0] =	vst v2  }
0x6e: {  	v2 =	vld [tilespmem:s19+$0x4F80];
	_ =	sdelay $0x1  }
0x6f: {  	v3 =	vld [tilespmem:s19+$0x5000];
	_ =	sdelay $0x1  }
0x70: {  	v4 =	vld [tilespmem:s19+$0x5080]  }
0x71: {  	v2 =	vadd.f32 $0.0e+00, v2  }
0x72: {  	v5 =	vld [tilespmem:s19+$0x5100]  }
0x73: {  	v2 =	vadd.f32 v3, v2  }
0x74: {  	v3 =	vld [tilespmem:s19+$0x5180]  }
0x75: {  	v2 =	vadd.f32 v4, v2  }
0x76: {  	v56 =	vld [tilespmem:s19+$0x5200]  }
0x77: {  	v2 =	vadd.f32 v5, v2  }
0x78: {  	v57 =	vld [tilespmem:s19+$0x5280]  }
0x79: {  	v2 =	vadd.f32 v3, v2  }
0x7a: {  	v3 =	vld [tilespmem:s19+$0x5300]  }
0x7b: {  	v2 =	vadd.f32 v56, v2  }
0x7c: {  	v58 =	vld [tilespmem:s19+$0x6380]  }
0x7d: {  	v2 =	vadd.f32 v57, v2  }
0x7e: {  	v59 =	vld [tilespmem:s19+$0x6400]  }
0x7f: {  	v2 =	vadd.f32 v3, v2  }
0x80: {  	v3 =	vld [tilespmem:s19+$0x6480]  }
0x81: {  	v2 =	vadd.f32 v58, v2  }
0x82: {  	v60 =	vld [tilespmem:s19+$0x6500]  }
0x83: {  	v2 =	vadd.f32 v59, v2  }
0x84: {  	v61 =	vld [tilespmem:s19+$0x6580]  }
0x85: {  	v2 =	vadd.f32 v3, v2  }
0x86: {  	v3 =	vld [tilespmem:s19+$0x6600]  }
0x87: {  	v2 =	vadd.f32 v60, v2  }
0x88: {  	v62 =	vld [tilespmem:s19+$0x6680]  }
0x89: {  	v2 =	vadd.f32 v61, v2  }
0x8a: {  	v63 =	vld [tilespmem:s19+$0x6700]  }
0x8b: {  	v2 =	vadd.f32 v3, v2;
	_ =	sdelay $0x1  }
0x8c: {  	v2 =	vadd.f32 v62, v2;
	_ =	sdelay $0x1  }
0x8d: {  	s17 =	sadd.s32 $0x1, s17;
	v2 =	vadd.f32 v63, v2  }
0x8e: {  	s31 =	sadd.s32 $0x10, s18;
	p0 =	sne.s32 s17, s7  }
.Ltmp3:
0x8f: {  	[tilespmem:s31+$0x0] =	vst v2;
	(pc) =	sbr.rel @p0 .LBB2_1-.Ltmp3, $4  }
0x90: {  	[hbm4b:s6+s10] =	stream.strided.scatter [tilespmem:s9], [sflag:$0x2], $0x280, s16, s10, $0x38;
	[tilespmem:$0x9F80] =	vst v63  }
0x91: {  	_ =	swait.ge [sflag:s12], $0x280  }
0x92: {  	[sflag:s12] =	ssyncset.done $0x0  }
0x93: {  	[sflag:s12] =	ssyncadd.s32 $0xFFFFFD80  }
0x94: {  	_ =	sfence.sel $0x180000  }
0x95: {  	[bflag:$0x0] =	sbarrier.arrive $0xFFFF  }
0x96: {  	p0 =	sne.s32 s0, $0x0;
	_ =	strace $0x90000047  }
0x97: {  	s0 =	sadd.s32 @!p0 $0x100000, s1;
	[bflag:$0x2] =	sbarrier.arrive $0xFFFF  }
0x98: {  	[sflag:s0] =	ssyncadd.tile.s32 @!p0 $0x1;
	_ =	shalt  }
.Lfunc_end2:
_tile_overlayer_lowered:
.L_overlay_start_2:
0x99: {  	(tag) =	ssettag $0x2  }
0x9a: {  	s0 =	rddreg [dreg:$0x0];
	s2 =	stileid.u32  }
0x9b: {  	s1 =	rddreg [dreg:$0x1];
	p0 =	sne.s32 s2, $0x0  }
0x9c: {  	s3 =	rddreg [dreg:$0x2];
	[bflag:$0x3] =	sbarrier.arrive $0xFFFF;
	s2 =	simm.s32 @!p0 $0x1C02  }
0x9d: {  	[timem:s3], [sflag:s2] =	dma.local @!p0 [hbm:s0], s1  }
0x9e: {  	s0 =	simm.s32 @!p0 $0x2  }
0x9f: {  	_ =	swait.ge @!p0 [sflag:s0], s1  }
0xa0: {  	s1 =	ssub.s32 @!p0 $0x0, s1;
	[sflag:s0] =	ssyncset.done @!p0 $0x0  }
0xa1: {  	[sflag:s0] =	ssyncadd.s32 @!p0 s1  }
0xa2: {  	[bflag:$0x3] =	sbarrier.arrive $0xFFFF  }
0xa3: {  	_ =	shalt  }

// kernel: kernel.13.cloned.1.call-start
scs
__scs_entry_jumppad:
0x0: {  	(pc) =	sbr.rel $0x88, $3  }
0x1: {  	(tag) =	ssettag $0x0;
	lr =	simm.s32 $0x1  }
0x2: {  	[smem:$0x3F99] =	sst lr;
	_ =	strace $0xD0000000  }
0x3: {  	_ = 	snop  }
0x4: {  	_ = 	snop  }
0x5: {  	_ = 	snop  }
0x6: {  	_ = 	snop  }
0x7: {  	_ = 	snop  }
__scs_overlays_trampoline_lowered:
0x8: {  	[smem:$0x3FA8] =	sst s0  }
0x9: {  	[smem:$0x3FA9] =	sst s1  }
0xa: {  	[smem:$0x3FAA] =	sst s2  }
0xb: {  	[smem:$0x3FAB] =	sst s3  }
0xc: {  	[smem:$0x3FAC] =	sst s4  }
0xd: {  	[smem:$0x3FAD] =	sst s5  }
0xe: {  	[smem:$0x3FAE] =	sst s6  }
0xf: {  	[smem:$0x3FAF] =	sst s7  }
0x10: {  	[smem:$0x3FB0] =	sst s8  }
0x11: {  	[smem:$0x3FB1] =	sst s9;
	s0 =	simm.s32 @!p0 $0x0  }
0x12: {  	s1 =	sld [smem:$0x3F97];
	s0 =	simm.s32 @p0 $0x1  }
0x13: {  	[smem:$0x3FB2] =	sst s0;
	s0 =	simm.s32 @!p1 $0x0  }
0x14: {  	s2 =	sld [smem:$0x3F96];
	s0 =	simm.s32 @p1 $0x1  }
0x15: {  	[smem:$0x3FB3] =	sst s0;
	s0 =	simm.s32 @!p2 $0x0  }
0x16: {  	s3 =	sld [smem:$0x3FDB];
	s0 =	simm.s32 @p2 $0x1  }
0x17: {  	s4 =	simm.s32 $0x1BF5;
	[smem:$0x3FB5] =	sst s0  }
0x18: {  	s0 =	sld [smem:$0x3F98];
	_ =	swait.ge [sflag:s4], $0x0  }
0x19: {  	s7 =	sld [smem:$0x3F99]  }
0x1a: {  	s8 =	sadd.s32 $0xFFFFE003, lr  }
0x1b: {  	s9 =	sadd.s32 $0xFFFFFEF7, lr;
	s5 =	simm.s32 $0xFFFFFFFF;
	p2 =	slt.u32 s8, $0xFFFFF086  }
0x1c: {  	p1 =	slt.u32 s9, $0xF7A;
	s5 =	simm.s32 @!p2 $0x0  }
0x1d: {  	s5 =	simm.s32 @p1 $0x1;
	p0 =	seq.s32 s7, s2  }
0x1e: {  	s7 =	smul.u32 @!p0 $0xF7A, s2;
	p2 =	seq.s32 @!p0 s5, $0x0  }
0x1f: {  	s9 =	smul.u32 $0xF7A, s1;
	s8 =	simm.s32 @!p0 $0x1BF5;
	p2 =	por !p2, p0  }
0x20: {  	[sflag:s8] =	ssyncset.s32 @!p0 $0xFFFFF086;
	s6 =	sadd.s32 @!p0 s3, s7;
	s7 =	simm.s32 @!p0 $0x108  }
0x21: {  	s3 =	sadd.s32 s3, s9;
	s6 =	sadd.s32 @!p0 $0x88, s6;
	s7 =	simm.s32 @p2 $0x1082  }
0x22: {  	[simem:s7], [sflag:s8] =	dma.local @!p0 [hbm:s6], $0xF7A  }
0x23: {  	s9 =	sor.u32 $0xD0000000, s2;
	s6 =	simm.s32 $0x108;
	_ =	swait.ge @!p0 [sflag:s8], $0x0  }
0x24: {  	s3 =	sadd.s32 $0x88, s3;
	s6 =	simm.s32 @!p1 $0x1082;
	[sflag:s4] =	ssyncset.s32 $0xFFFFF086  }
0x25: {  	[simem:s6], [sflag:s4] =	dma.local [hbm:s3], $0xF7A  }
0x26: {  	[smem:$0x3F99] =	sst s1;
	(tag) =	ssettag s2;
	_ =	strace s9  }
0x27: {  	s1 =	sld [smem:$0x3FA9]  }
0x28: {  	s2 =	sld [smem:$0x3FAA]  }
0x29: {  	s4 =	sld [smem:$0x3FAC]  }
0x2a: {  	p0 =	seq.s32 s5, $0x0;
	s5 =	sld [smem:$0x3FAD]  }
0x2b: {  	s6 =	sld [smem:$0x3FAE]  }
0x2c: {  	s7 =	sld [smem:$0x3FAF]  }
0x2d: {  	s3 =	simm.s32 $0x108;
	s8 =	sld [smem:$0x3FB0]  }
0x2e: {  	s3 =	simm.s32 @!p0 $0x1082;
	s9 =	sld [smem:$0x3FB1]  }
0x2f: {  	lr =	sadd.s32 s0, s3;
	s0 =	sld [smem:$0x3FA8]  }
0x30: {  	s3 =	sld [smem:$0x3FAB]  }
0x31: {  	[smem:$0x3FB4] =	sst s10  }
0x32: {  	s10 =	sld [smem:$0x3FB2];
	_ =	sdelay $0x3  }
0x33: {  	p0 =	seq.s32 s10, $0x1;
	s10 =	sld [smem:$0x3FB4];
	_ =	sdelay $0x3  }
0x34: {  	[smem:$0x3FB4] =	sst s10  }
0x35: {  	s10 =	sld [smem:$0x3FB3];
	_ =	sdelay $0x3  }
0x36: {  	p1 =	seq.s32 s10, $0x1;
	s10 =	sld [smem:$0x3FB4];
	_ =	sdelay $0x3  }
0x37: {  	[smem:$0x3FB4] =	sst s10  }
0x38: {  	s10 =	sld [smem:$0x3FB5]  }
0x39: {  	_ = 	snop;
	(pc) =	sbr.ind lr, $3  }
0x3a: {  	_ = 	snop  }
0x3b: {  	_ = 	snop  }
0x3c: {  	p2 =	seq.s32 s10, $0x1;
	s10 =	sld [smem:$0x3FB4]  }
0x3d: {  	_ =	shalt  }
0x3e: {  	_ =	shalt  }
0x3f: {  	_ =	shalt  }
0x40: {  	_ =	shalt  }
0x41: {  	_ =	shalt  }
0x42: {  	_ =	shalt  }
0x43: {  	_ =	shalt  }
0x44: {  	_ =	shalt  }
0x45: {  	_ =	shalt  }
0x46: {  	_ =	shalt  }
0x47: {  	_ =	shalt  }
0x48: {  	_ =	shalt  }
0x49: {  	_ =	shalt  }
0x4a: {  	_ =	shalt  }
0x4b: {  	_ =	shalt  }
0x4c: {  	_ =	shalt  }
0x4d: {  	_ =	shalt  }
0x4e: {  	_ =	shalt  }
0x4f: {  	_ =	shalt  }
0x50: {  	_ =	shalt  }
0x51: {  	_ =	shalt  }
0x52: {  	_ =	shalt  }
0x53: {  	_ =	shalt  }
0x54: {  	_ =	shalt  }
0x55: {  	_ =	shalt  }
0x56: {  	_ =	shalt  }
0x57: {  	_ =	shalt  }
0x58: {  	_ =	shalt  }
0x59: {  	_ =	shalt  }
0x5a: {  	_ =	shalt  }
0x5b: {  	_ =	shalt  }
0x5c: {  	_ =	shalt  }
0x5d: {  	_ =	shalt  }
0x5e: {  	_ =	shalt  }
0x5f: {  	_ =	shalt  }
0x60: {  	_ =	shalt  }
0x61: {  	_ =	shalt  }
0x62: {  	_ =	shalt  }
0x63: {  	_ =	shalt  }
0x64: {  	_ =	shalt  }
0x65: {  	_ =	shalt  }
0x66: {  	_ =	shalt  }
0x67: {  	_ =	shalt  }
0x68: {  	_ =	shalt  }
0x69: {  	_ =	shalt  }
0x6a: {  	_ =	shalt  }
0x6b: {  	_ =	shalt  }
0x6c: {  	_ =	shalt  }
0x6d: {  	_ =	shalt  }
0x6e: {  	_ =	shalt  }
0x6f: {  	_ =	shalt  }
0x70: {  	_ =	shalt  }
0x71: {  	_ =	shalt  }
0x72: {  	_ =	shalt  }
0x73: {  	_ =	shalt  }
0x74: {  	_ =	shalt  }
0x75: {  	_ =	shalt  }
0x76: {  	_ =	shalt  }
0x77: {  	_ =	shalt  }
0x78: {  	_ =	shalt  }
0x79: {  	_ =	shalt  }
0x7a: {  	_ =	shalt  }
0x7b: {  	_ =	shalt  }
0x7c: {  	_ =	shalt  }
0x7d: {  	_ =	shalt  }
0x7e: {  	_ =	shalt  }
0x7f: {  	_ =	shalt  }
0x80: {  	_ =	shalt  }
0x81: {  	_ =	shalt  }
0x82: {  	_ =	shalt  }
0x83: {  	_ =	shalt  }
0x84: {  	_ =	shalt  }
0x85: {  	_ =	shalt  }
0x86: {  	_ =	shalt  }
0x87: {  	_ =	shalt  }
.Lfunc_end0:
.L_simem_size_0:
called_computation.1_lowered:
.L_overlay_start_0:
0x88: {  	s2 =	sld [smem:$0x3FD9]  }
0x89: {  	s3 =	sld [smem:$0x3FFE];
	_ =	sdelay $0x1  }
0x8a: {  	s1 =	srdreg.scid  }
0x8b: {  	s0 =	sand.u32 $0x1, s1  }
0x8c: {  	s16 =	sshll.u32 s0, $0xA;
	s2 =	sadd.s32 s3, s2  }
0x8d: {  	s2 =	sadd.s32 s2, s16  }
0x8e: {  	[smem:$0x3FC0] =	sst s2  }
0x8f: {  	_ = 	snop  }
0x90: {  	(tm) =	ssettm $0x1  }
0x91: {  	s17 =	sld [smem:$0x3FFB];
	_ =	sdelay $0x3  }
0x92: {  	_ =	strace s17  }
0x93: {  	s2 =	sld [smem:$0x3FFC];
	_ =	sdelay $0x3  }
0x94: {  	_ =	strace s2  }
0x95: {  	s2 =	sld [smem:$0x3FFD];
	_ =	sdelay $0x3  }
0x96: {  	_ =	strace s2  }
0x97: {  	_ =	strace $0x8FFFFFFF  }
0x98: {  	s18 =	sld [smem:$0x3FDB];
	_ =	sdelay $0x1  }
0x99: {  	s19 =	simm.s32 $_scs_section_size  }
0x9a: {  	s4 =	simm.s32 $_size__tile_overlayer_lowered;
	s5 =	simm.s32 $_tile_overlayer_lowered  }
0x9b: {  	s22 =	simm.s32 $0x1BFF;
	s21 =	sshll.u32 s5, $0x1;
	s2 =	sadd.s32 s19, s18  }
0x9c: {  	s6 =	simm.s32 $0x0;
	s20 =	sshll.u32 s4, $0x1;
	s4 =	sadd.s32 s21, s2  }
0x9d: {  	[timem:s6], [sflag:s22] =	dma.local [hbm:s4], s20  }
0x9e: {  	_ =	swait.ge [sflag:s22], s20  }
0x9f: {  	s3 =	ssub.s32 $0x0, s20;
	[sflag:s22] =	ssyncset.done $0x0  }
0xa0: {  	[sflag:s22] =	ssyncadd.s32 s3;
	_ =	sdelay $0x1  }
0xa1: {  	s23 =	simm.s32 $0x1B8B  }
0xa2: {  	_ =	swait.ge [sflag:s23], $0x1  }
0xa3: {  	[sflag:s23] =	ssyncset.done $0x0  }
0xa4: {  	s25 =	simm.s32 $0x1B8E;
	s24 =	sld [smem:$0x3FFE];
	[sflag:s23] =	ssyncadd.s32 $0xFFFFFFFF  }
0xa5: {  	s26 =	simm.s32 $execute0_lowered;
	[smem:$0x3FD2] =	sst s25  }
0xa6: {  	s4 =	sshll.u32 s26, $0x1;
	_ =	strace $0x80000049;
	[dreg:$0x1] =	wrdreg $0xFFFFFFFF  }
0xa7: {  	s28 =	simm.s32 $_size_execute0_lowered;
	s2 =	sadd.s32 s2, s4;
	[dreg:$0x0] =	wrdreg $0x0  }
0xa8: {  	s4 =	sshll.u32 s28, $0x1;
	[dreg:$0x2] =	wrdreg s2  }
0xa9: {  	[dreg:$0x3] =	wrdreg s4  }
0xaa: {  	[dreg:$0x4] =	wrdreg $0xC0  }
0xab: {  	_ =	task [dreg:s6], $0x5FFFF  }
0xac: {  	[dreg:$0x1] =	wrdreg $0xFFFFFFFF  }
0xad: {  	[dreg:$0x0] =	wrdreg $0x60  }
0xae: {  	[dreg:$0x2] =	wrdreg s24  }
0xaf: {  	[dreg:$0x3] =	wrdreg $0xB8800  }
0xb0: {  	[dreg:$0x4] =	wrdreg $0x9  }
0xb1: {  	_ =	task.clear_ibuf [dreg:s6], $0x5FFFF;
	_ =	strace $0x90000049  }
0xb2: {  	s29 =	simm.s32 $0x9;
	_ =	strace $0x8000004B  }
0xb3: {  	_ =	swait.ge [sflag:s29], $0x1  }
0xb4: {  	[sflag:s29] =	ssyncadd.s32 $0xFFFFFFFF  }
0xb5: {  	_ =	strace $0x9000004B  }
0xb6: {  	_ =	sfence  }
0xb7: {  	s30 =	sld [smem:$0x0];
	_ =	sdelay $0x2  }
0xb8: {  	s31 =	sshll.u32 s1, $0xD;
	s1 =	sshrl.u32 s1, $0x2  }
0xb9: {  	s3 =	sand.u32 $0x4000, s31;
	s1 =	sadd.s32 s1, s30  }
0xba: {  	s0 =	sor.u32 s3, s0;
	s1 =	sshll.u32 s1, $0x11  }
0xbb: {  	s0 =	sor.u32 s1, s0  }
0xbc: {  	s0 =	sadd.s32 $0x8F2B, s0  }
0xbd: {  	[sflag:s0] =	ssyncadd.remote.s32 $0x1  }
0xbe: {  	_ =	sfence.sel $0xFFFF  }
0xbf: {  	[dreg:$0x0] =	wrdreg $0xFFFFFFFF;
	(pc) =	sbr.abs _section_cstart, $3  }
0xc0: {  	[dreg:$0x1] =	wrdreg $0xFFFFFFFF  }
0xc1: {  	_ =	task.clear_ibuf [dreg:s6], $0x2FFFF;
	_ =	strace $0x9FFFFFFF  }
0xc2: {  	(tm) =	ssettm $0x7FFFFFFF  }
0xc3: {  	_ =	shalt  }
tec
execute0_lowered:
.L_overlay_start_1:
0x0: {  	(tag) =	ssettag $0x1  }
0x1: {  	s0 =	srdreg.scid;
	s13 =	stileid.u32  }
0x2: {  	s1 =	rddreg [dreg:$0x0];
	s6 =	smul.u32 $0x14000, s13  }
0x3: {  	s2 =	rddreg [dreg:$0x1];
	s0 =	sand.u32 $0x1, s0;
	s22 =	smul.u32 $0x2710, s13  }
0x4: {  	s7 =	sadd.s32 $0xCE00, s1;
	s8 =	sadd.s32 $0x8EC00, s1;
	s5 =	smul.u32 $0x140000, s0  }
0x5: {  	s3 =	sshll.u32 s0, $0x4;
	s9 =	ssub.s32 $0x2, s0;
	s0 =	smul.u32 $0x27100, s0  }
0x6: {  	s4 =	sor.u32 s13, s3;
	s3 =	simm.s32 $0x0;
	s10 =	sshrl.u32 s9, $0x1  }
0x7: {  	s16 =	sor.u32 $0x2800, s6;
	s18 =	sadd.s32 $0x7800, s6;
	s19 =	sadd.s32 $0xA000, s6  }
0x8: {  	s20 =	sadd.s32 $0xC800, s6;
	s4 =	smul.u32 $0x2710, s4;
	[smem:$0x7FF] =	sst s3  }
0x9: {  	s11 =	sadd.s32 s6, s5;
	s9 =	ssub.s32 s9, s10;
	s25 =	sadd.s32 s5, s16  }
0xa: {  	s15 =	sadd.s32 s5, s19;
	s21 =	sadd.s32 s5, s20;
	s0 =	sadd.s32 s22, s0  }
0xb: {  	s19 =	sadd.s32 s19, s2;
	s22 =	sadd.s32 s20, s2;
	s20 =	simm.s32 $0x7  }
0xc: {  	_ =	strace $0x8000004A;
	s24 =	sshrl.u32 s11, $0x3;
	s26 =	sshrl.u32 s25, $0x3  }
0xd: {  	s11 =	sadd.s32 $0x5000, s6;
	s17 =	sshrl.u32 s15, $0x3;
	[dreg:$0xf] =	wrdreg s19  }
0xe: {  	s15 =	sadd.s32 $0x66C00, s1;
	[dreg:$0x10] =	wrdreg s22;
	s19 =	simm.s32 $0x6  }
0xf: {  	s4 =	sshrl.u32 s4, $0x3;
	s10 =	sadd.s32 s8, s24;
	s12 =	sadd.s32 s5, s11  }
0x10: {  	s24 =	sadd.s32 $0x140, s0;
	s0 =	sadd.s32 $0xF0, s0;
	[dreg:$0x3] =	wrdreg s10  }
0x11: {  	s10 =	sadd.s32 s8, s26;
	s25 =	sshrl.u32 s24, $0x3;
	s26 =	smul.u32 $0x50000, s13  }
0x12: {  	s0 =	sshrl.u32 s0, $0x3;
	[dreg:$0x4] =	wrdreg s10;
	s10 =	sshrl.u32 s12, $0x3  }
0x13: {  	s12 =	sadd.s32 s5, s18;
	s13 =	sadd.s32 s0, s7;
	s18 =	sadd.s32 s18, s2  }
0x14: {  	s10 =	sadd.s32 s8, s10;
	s14 =	sshrl.u32 s12, $0x3;
	s12 =	sadd.s32 s25, s7  }
0x15: {  	[dreg:$0xe] =	wrdreg s18;
	s25 =	smax.u32 s9, $0x1;
	s9 =	simm.s32 $0x3  }
0x16: {  	s18 =	simm.s32 $0x5;
	[dreg:$0x5] =	wrdreg s10;
	s10 =	sadd.s32 s8, s14  }
0x17: {  	s14 =	sadd.s32 s7, s4;
	s7 =	sadd.s32 s4, s1;
	[dreg:$0x13] =	wrdreg s25  }
0x18: {  	s4 =	simm.s32 $0x2;
	[dreg:$0x6] =	wrdreg s10;
	s10 =	sadd.s32 s8, s17  }
0x19: {  	s0 =	sadd.s32 $0x3000, s7;
	s31 =	sadd.s32 $0xA, s14;
	s1 =	sadd.s32 $0x14, s14  }
0x1a: {  	s7 =	simm.s32 $0x50;
	[dreg:$0x7] =	wrdreg s10;
	s10 =	sshrl.u32 s21, $0x3  }
0x1b: {  	s21 =	sadd.s32 $0xF000, s6;
	s6 =	sadd.s32 $0x11800, s6;
	[dreg:$0xb] =	wrdreg s0  }
0x1c: {  	s0 =	simm.s32 $0x7880;
	s10 =	sadd.s32 s8, s10;
	s23 =	sadd.s32 s5, s21  }
0x1d: {  	s5 =	sadd.s32 s5, s6;
	s24 =	sadd.s32 s6, s2;
	[dreg:$0x8] =	wrdreg s10  }
0x1e: {  	s10 =	sshrl.u32 s23, $0x3;
	s23 =	sadd.s32 s21, s2;
	[dreg:$0x12] =	wrdreg s24  }
0x1f: {  	s5 =	sshrl.u32 s5, $0x3;
	s10 =	sadd.s32 s8, s10;
	[dreg:$0x11] =	wrdreg s23  }
0x20: {  	s6 =	simm.s32 $0x2780;
	s5 =	sadd.s32 s8, s5;
	[dreg:$0x9] =	wrdreg s10  }
0x21: {  	s21 =	simm.s32 $0x0;
	s8 =	sshrl.u32 s26, $0x2;
	[dreg:$0xa] =	wrdreg s5  }
0x22: {  	s17 =	sadd.s32 s8, s2;
	s10 =	sadd.s32 s16, s2;
	s16 =	sadd.s32 s11, s2  }
0x23: {  	s5 =	simm.s32 $0x1;
	s8 =	simm.s32 $0x2880;
	[dreg:$0xc] =	wrdreg s10  }
0x24: {  	s11 =	simm.s32 $0x5080;
	[dreg:$0xd] =	wrdreg s16;
	s26 =	sadd.s32 $0x4000, s17  }
0x25: {  	s28 =	sadd.s32 $0x8000, s17;
	s29 =	sadd.s32 $0xC000, s17;
	s30 =	sadd.s32 $0x10000, s17  }
0x26: {  	v0 =	vimm.f32 $0.0e+00;
	s10 =	simm.s32 $0x2800;
	s16 =	simm.s32 $0x4;
	[dreg:$0x14] =	wrdreg s26  }
.LBB2_1:
0x27: {  	s22 =	rddreg [dreg:$0xb]  }
0x28: {  	[tilespmem:s3], [sflag:$0x1] =	stream.linear.gather [hbm4b:s22+s3], $0x2710, $0x38;
	[tilespmem:$0x1F880] =	vst v63  }
0x29: {  	s23 =	simm.s32 $0x200;
	s22 =	simm.s32 $0x0  }
.LBB2_2:
0x2a: {  	p0 =	sne.s32 s23, $0xFE00;
	[tilespmem:s22+$0x78F0] =	vst v0  }
0x2b: {  	[tilespmem:s22+$0x7880] =	vst v0  }
0x2c: {  	[tilespmem:s22+$0x7890] =	vst v0  }
.Ltmp0:
0x2d: {  	[tilespmem:s22+$0x78A0] =	vst v0;
	(pc) =	sbr.rel @p0 .LBB2_2-.Ltmp0, $4  }
0x2e: {  	[tilespmem:s22+$0x78B0] =	vst v0  }
0x2f: {  	[tilespmem:s22+$0x78C0] =	vst v0  }
0x30: {  	[tilespmem:s22+$0x78D0] =	vst v0  }
0x31: {  	[tilespmem:s22+$0x78E0] =	vst v0;
	s22 =	sshra.s32 s23, $0x2;
	s23 =	sadd.s32 $0x200, s23  }
0x32: {  	[tilespmem:s22+$0x78F0] =	vst v0  }
0x33: {  	[tilespmem:s22+$0x7880] =	vst v0  }
0x34: {  	[tilespmem:s22+$0x7890] =	vst v0  }
0x35: {  	[tilespmem:s22+$0x78A0] =	vst v0  }
0x36: {  	[tilespmem:s22+$0x78B0] =	vst v0  }
0x37: {  	[tilespmem:s22+$0x78C0] =	vst v0  }
0x38: {  	[tilespmem:s22+$0x78D0] =	vst v0  }
0x39: {  	[tilespmem:s22+$0x78E0] =	vst v0  }
0x3a: {  	[spmem:s17] =	stream.linear.scatter [tilespmem:s0], [sflag:$0x2], $0x4000, $0x38;
	[tilespmem:$0x1F880] =	vst v63  }
0x3b: {  	s25 =	rddreg [dreg:$0x14]  }
0x3c: {  	[spmem:s25] =	stream.linear.scatter [tilespmem:s0], [sflag:$0x2], $0x4000, $0x38;
	[tilespmem:$0x1F880] =	vst v63  }
0x3d: {  	_ = 	snop  }
0x3e: {  	[spmem:s28] =	stream.linear.scatter [tilespmem:s0], [sflag:$0x2], $0x4000, $0x38;
	[tilespmem:$0x1F880] =	vst v63  }
0x3f: {  	_ = 	snop  }
0x40: {  	[spmem:s29] =	stream.linear.scatter [tilespmem:s0], [sflag:$0x2], $0x4000, $0x38;
	[tilespmem:$0x1F880] =	vst v63  }
0x41: {  	_ = 	snop  }
0x42: {  	[spmem:s30] =	stream.linear.scatter [tilespmem:s0], [sflag:$0x2], $0x4000, $0x38;
	[tilespmem:$0x1F880] =	vst v63  }
0x43: {  	_ =	swait.ge [sflag:s4], $0x4000  }
0x44: {  	[sflag:s4] =	ssyncset.done $0x0  }
0x45: {  	[sflag:s4] =	ssyncadd.s32 $0xFFFFC000  }
0x46: {  	_ =	swait.ge [sflag:s4], $0x4000  }
0x47: {  	[sflag:s4] =	ssyncset.done $0x0  }
0x48: {  	[sflag:s4] =	ssyncadd.s32 $0xFFFFC000  }
0x49: {  	_ =	swait.ge [sflag:s4], $0x4000  }
0x4a: {  	[sflag:s4] =	ssyncset.done $0x0  }
0x4b: {  	[sflag:s4] =	ssyncadd.s32 $0xFFFFC000  }
0x4c: {  	_ =	swait.ge [sflag:s4], $0x4000  }
0x4d: {  	[sflag:s4] =	ssyncset.done $0x0  }
0x4e: {  	[sflag:s4] =	ssyncadd.s32 $0xFFFFC000  }
0x4f: {  	_ =	swait.ge [sflag:s4], $0x4000  }
0x50: {  	[sflag:s4] =	ssyncset.done $0x0  }
0x51: {  	[sflag:s4] =	ssyncadd.s32 $0xFFFFC000  }
0x52: {  	_ =	swait.ge [sflag:s5], $0x2710  }
0x53: {  	[sflag:s5] =	ssyncset.done $0x0  }
0x54: {  	[sflag:s5] =	ssyncadd.s32 $0xFFFFD8F0  }
0x55: {  	s26 =	simm.s32 $0x0;
	[bflag:$0x0] =	sbarrier.arrive $0xFFFF  }
0x56: {  	[tilespmem:s6], [sflag:$0x3] =	stream.linear.gather [hbm4b:s14+s26], $0x50, $0x38;
	[tilespmem:$0x1F880] =	vst v63  }
0x57: {  	_ = 	snop  }
0x58: {  	[tilespmem:s8], [sflag:$0x3] =	stream.indirect.gather [hbm4b:s15+s7], $0x80, s26, s7, $0xb8;
	[tilespmem:$0x1F880] =	vst v63  }
0x59: {  	_ =	swait.ge [sflag:s9], $0x50  }
0x5a: {  	[sflag:s9] =	ssyncset.done $0x0  }
0x5b: {  	[sflag:s9] =	ssyncadd.s32 $0xFFFFFFB0  }
0x5c: {  	_ =	swait.ge [sflag:s9], $0x2800  }
0x5d: {  	[sflag:s9] =	ssyncset.done $0x0  }
0x5e: {  	[sflag:s9] =	ssyncadd.s32 $0xFFFFD800  }
0x5f: {  	[spmem:s2] =	stream.indirect.scatter.add.f32 [tilespmem:s8], [sflag:$0x5], $0x80, s6, s7, $0xb8;
	[tilespmem:$0x1F880] =	vst v63  }
0x60: {  	_ = 	snop  }
0x61: {  	[tilespmem:s10], [sflag:$0x4] =	stream.linear.gather [hbm4b:s31+s26], $0x50, $0x38;
	[tilespmem:$0x1F880] =	vst v63  }
0x62: {  	_ = 	snop  }
0x63: {  	[tilespmem:s11], [sflag:$0x4] =	stream.indirect.gather [hbm4b:s15+s7], $0x80, s7, s7, $0xb8;
	[tilespmem:$0x1F880] =	vst v63  }
0x64: {  	_ =	swait.ge [sflag:s16], $0x50  }
0x65: {  	[sflag:s16] =	ssyncset.done $0x0  }
0x66: {  	[sflag:s16] =	ssyncadd.s32 $0xFFFFFFB0  }
0x67: {  	_ =	swait.ge [sflag:s16], $0x2800  }
0x68: {  	[sflag:s16] =	ssyncset.done $0x0  }
0x69: {  	[sflag:s16] =	ssyncadd.s32 $0xFFFFD800  }
0x6a: {  	[spmem:s2] =	stream.indirect.scatter.add.f32 [tilespmem:s11], [sflag:$0x6], $0x80, s10, s7, $0xb8;
	[tilespmem:$0x1F880] =	vst v63  }
0x6b: {  	_ =	swait.ge [sflag:s18], $0x2800  }
0x6c: {  	[sflag:s18] =	ssyncset.done $0x0  }
0x6d: {  	[sflag:s18] =	ssyncadd.s32 $0xFFFFD800  }
0x6e: {  	[tilespmem:s6], [sflag:$0x3] =	stream.linear.gather [hbm4b:s1+s26], $0x50, $0x38;
	[tilespmem:$0x1F880] =	vst v63  }
0x6f: {  	s23 =	simm.s32 $0xA0  }
0x70: {  	[tilespmem:s8], [sflag:$0x3] =	stream.indirect.gather [hbm4b:s15+s7], $0x80, s23, s7, $0xb8;
	[tilespmem:$0x1F880] =	vst v63  }
0x71: {  	_ =	swait.ge [sflag:s9], $0x50  }
0x72: {  	[sflag:s9] =	ssyncset.done $0x0  }
0x73: {  	[sflag:s9] =	ssyncadd.s32 $0xFFFFFFB0  }
0x74: {  	_ =	swait.ge [sflag:s9], $0x2800  }
0x75: {  	[sflag:s9] =	ssyncset.done $0x0  }
0x76: {  	[sflag:s9] =	ssyncadd.s32 $0xFFFFD800  }
0x77: {  	[spmem:s2] =	stream.indirect.scatter.add.f32 [tilespmem:s8], [sflag:$0x5], $0x80, s6, s7, $0xb8;
	[tilespmem:$0x1F880] =	vst v63  }
0x78: {  	_ =	swait.ge [sflag:s19], $0x2800  }
0x79: {  	[sflag:s19] =	ssyncset.done $0x0  }
0x7a: {  	s24 =	sadd.s32 $0x0, s13;
	[sflag:s19] =	ssyncadd.s32 $0xFFFFD800  }
0x7b: {  	[tilespmem:s10], [sflag:$0x4] =	stream.linear.gather [hbm4b:s24+s3], $0x50, $0x38;
	[tilespmem:$0x1F880] =	vst v63  }
0x7c: {  	s25 =	simm.s32 $0xF0  }
0x7d: {  	[tilespmem:s11], [sflag:$0x4] =	stream.indirect.gather [hbm4b:s15+s7], $0x80, s25, s7, $0xb8;
	[tilespmem:$0x1F880] =	vst v63  }
0x7e: {  	_ =	swait.ge [sflag:s16], $0x50  }
0x7f: {  	[sflag:s16] =	ssyncset.done $0x0  }
0x80: {  	[sflag:s16] =	ssyncadd.s32 $0xFFFFFFB0  }
0x81: {  	_ =	swait.ge [sflag:s16], $0x2800  }
0x82: {  	[sflag:s16] =	ssyncset.done $0x0  }
0x83: {  	[sflag:s16] =	ssyncadd.s32 $0xFFFFD800  }
0x84: {  	[spmem:s2] =	stream.indirect.scatter.add.f32 [tilespmem:s11], [sflag:$0x6], $0x80, s10, s7, $0xb8;
	[tilespmem:$0x1F880] =	vst v63  }
0x85: {  	_ =	swait.ge [sflag:s18], $0x2800  }
0x86: {  	s22 =	simm.s32 $0x140;
	s26 =	sadd.s32 $0x0, s12;
	[sflag:s18] =	ssyncset.done $0x0  }
0x87: {  	s23 =	simm.s32 $0x14;
	s24 =	simm.s32 $0x1E0;
	[sflag:s18] =	ssyncadd.s32 $0xFFFFD800  }
0x88: {  	[tilespmem:s6], [sflag:$0x3] =	stream.linear.gather [hbm4b:s26+s3], $0x50, $0x38;
	[tilespmem:$0x1F880] =	vst v63  }
.LBB2_4:
0x89: {  	[tilespmem:s8], [sflag:$0x3] =	stream.indirect.gather [hbm4b:s15+s7], $0x80, s22, s7, $0xb8;
	[tilespmem:$0x1F880] =	vst v63  }
0x8a: {  	s25 =	smov.u32 s23;
	s22 =	smov.u32 s24  }
0x8b: {  	p0 =	sne.s32 s23, $0x4B0;
	s23 =	sadd.s32 $0x14, s23;
	_ =	swait.ge [sflag:s9], $0x50  }
0x8c: {  	[sflag:s9] =	ssyncset.done $0x0  }
0x8d: {  	[sflag:s9] =	ssyncadd.s32 $0xFFFFFFB0  }
0x8e: {  	_ =	swait.ge [sflag:s9], $0x2800  }
0x8f: {  	[sflag:s9] =	ssyncset.done $0x0  }
0x90: {  	[sflag:s9] =	ssyncadd.s32 $0xFFFFD800  }
0x91: {  	[spmem:s2] =	stream.indirect.scatter.add.f32 [tilespmem:s8], [sflag:$0x5], $0x80, s6, s7, $0xb8;
	[tilespmem:$0x1F880] =	vst v63  }
0x92: {  	_ =	swait.ge [sflag:s19], $0x2800  }
0x93: {  	[sflag:s19] =	ssyncset.done $0x0  }
0x94: {  	s26 =	sadd.s32 s25, s13;
	[sflag:s19] =	ssyncadd.s32 $0xFFFFD800  }
0x95: {  	[tilespmem:s10], [sflag:$0x4] =	stream.linear.gather [hbm4b:s26+s3], $0x50, $0x38;
	[tilespmem:$0x1F880] =	vst v63  }
0x96: {  	s26 =	sadd.s32 $0xFFFFFFB0, s24  }
0x97: {  	[tilespmem:s11], [sflag:$0x4] =	stream.indirect.gather [hbm4b:s15+s7], $0x80, s26, s7, $0xb8;
	[tilespmem:$0x1F880] =	vst v63  }
0x98: {  	_ =	swait.ge [sflag:s16], $0x50  }
0x99: {  	[sflag:s16] =	ssyncset.done $0x0  }
0x9a: {  	[sflag:s16] =	ssyncadd.s32 $0xFFFFFFB0  }
0x9b: {  	_ =	swait.ge [sflag:s16], $0x2800  }
0x9c: {  	[sflag:s16] =	ssyncset.done $0x0  }
0x9d: {  	[sflag:s16] =	ssyncadd.s32 $0xFFFFD800  }
0x9e: {  	[spmem:s2] =	stream.indirect.scatter.add.f32 [tilespmem:s11], [sflag:$0x6], $0x80, s10, s7, $0xb8;
	[tilespmem:$0x1F880] =	vst v63  }
.Ltmp1:
0x9f: {  	_ =	swait.ge [sflag:s18], $0x2800;
	(pc) =	sbr.rel @p0 .LBB2_4-.Ltmp1, $4  }
0xa0: {  	[sflag:s18] =	ssyncset.done $0x0  }
0xa1: {  	s25 =	sadd.s32 s25, s12;
	[sflag:s18] =	ssyncadd.s32 $0xFFFFD800  }
0xa2: {  	[tilespmem:s6], [sflag:$0x3] =	stream.linear.gather [hbm4b:s25+s3], $0x50, $0x38;
	[tilespmem:$0x1F880] =	vst v63  }
0xa3: {  	s24 =	sadd.s32 $0xA0, s24  }
0xa4: {  	[tilespmem:s8], [sflag:$0x3] =	stream.indirect.gather [hbm4b:s15+s7], $0x80, s22, s7, $0xb8;
	[tilespmem:$0x1F880] =	vst v63  }
0xa5: {  	_ =	swait.ge [sflag:s9], $0x50  }
0xa6: {  	[sflag:s9] =	ssyncset.done $0x0  }
0xa7: {  	[sflag:s9] =	ssyncadd.s32 $0xFFFFFFB0  }
0xa8: {  	_ =	swait.ge [sflag:s9], $0x2800  }
0xa9: {  	[sflag:s9] =	ssyncset.done $0x0  }
0xaa: {  	[sflag:s9] =	ssyncadd.s32 $0xFFFFD800  }
0xab: {  	[spmem:s2] =	stream.indirect.scatter.add.f32 [tilespmem:s8], [sflag:$0x5], $0x80, s6, s7, $0xb8;
	[tilespmem:$0x1F880] =	vst v63  }
0xac: {  	_ =	swait.ge [sflag:s19], $0x2800  }
0xad: {  	[sflag:s19] =	ssyncset.done $0x0  }
0xae: {  	[sflag:s19] =	ssyncadd.s32 $0xFFFFD800  }
0xaf: {  	_ =	swait.ge [sflag:s18], $0x2800  }
0xb0: {  	[sflag:s18] =	ssyncset.done $0x0  }
0xb1: {  	[sflag:s18] =	ssyncadd.s32 $0xFFFFD800  }
0xb2: {  	[bflag:$0x0] =	sbarrier.arrive $0xFFFF  }
0xb3: {  	[tilespmem:s8], [sflag:$0x7] =	stream.linear.gather [spmem:s17], $0x2800, $0x38;
	[tilespmem:$0x1F880] =	vst v63  }
0xb4: {  	_ =	swait.ge [sflag:s20], $0x2800  }
0xb5: {  	[sflag:s20] =	ssyncset.done $0x0  }
0xb6: {  	s23 =	rddreg [dreg:$0x3];
	[sflag:s20] =	ssyncadd.s32 $0xFFFFD800  }
0xb7: {  	[hbm4b:s23+s3] =	stream.linear.scatter [tilespmem:s8], [sflag:$0x3], $0x2800, $0x38;
	[tilespmem:$0x1F880] =	vst v63  }
0xb8: {  	s24 =	rddreg [dreg:$0xc]  }
0xb9: {  	[tilespmem:s11], [sflag:$0x7] =	stream.linear.gather [spmem:s24], $0x2800, $0x38;
	[tilespmem:$0x1F880] =	vst v63  }
0xba: {  	_ =	swait.ge [sflag:s20], $0x2800  }
0xbb: {  	[sflag:s20] =	ssyncset.done $0x0  }
0xbc: {  	s25 =	rddreg [dreg:$0x4];
	[sflag:s20] =	ssyncadd.s32 $0xFFFFD800  }
0xbd: {  	[hbm4b:s25+s3] =	stream.linear.scatter [tilespmem:s11], [sflag:$0x4], $0x2800, $0x38;
	[tilespmem:$0x1F880] =	vst v63  }
0xbe: {  	_ =	swait.ge [sflag:s9], $0x2800  }
0xbf: {  	[sflag:s9] =	ssyncset.done $0x0  }
0xc0: {  	s26 =	rddreg [dreg:$0xd];
	[sflag:s9] =	ssyncadd.s32 $0xFFFFD800  }
0xc1: {  	[tilespmem:s8], [sflag:$0x7] =	stream.linear.gather [spmem:s26], $0x2800, $0x38;
	[tilespmem:$0x1F880] =	vst v63  }
0xc2: {  	_ =	swait.ge [sflag:s20], $0x2800  }
0xc3: {  	[sflag:s20] =	ssyncset.done $0x0  }
0xc4: {  	s23 =	rddreg [dreg:$0x5];
	[sflag:s20] =	ssyncadd.s32 $0xFFFFD800  }
0xc5: {  	[hbm4b:s23+s3] =	stream.linear.scatter [tilespmem:s8], [sflag:$0x3], $0x2800, $0x38;
	[tilespmem:$0x1F880] =	vst v63  }
0xc6: {  	_ =	swait.ge [sflag:s16], $0x2800  }
0xc7: {  	[sflag:s16] =	ssyncset.done $0x0  }
0xc8: {  	s24 =	rddreg [dreg:$0xe];
	[sflag:s16] =	ssyncadd.s32 $0xFFFFD800  }
0xc9: {  	[tilespmem:s11], [sflag:$0x7] =	stream.linear.gather [spmem:s24], $0x2800, $0x38;
	[tilespmem:$0x1F880] =	vst v63  }
0xca: {  	_ =	swait.ge [sflag:s20], $0x2800  }
0xcb: {  	[sflag:s20] =	ssyncset.done $0x0  }
0xcc: {  	s25 =	rddreg [dreg:$0x6];
	[sflag:s20] =	ssyncadd.s32 $0xFFFFD800  }
0xcd: {  	[hbm4b:s25+s3] =	stream.linear.scatter [tilespmem:s11], [sflag:$0x4], $0x2800, $0x38;
	[tilespmem:$0x1F880] =	vst v63  }
0xce: {  	_ =	swait.ge [sflag:s9], $0x2800  }
0xcf: {  	[sflag:s9] =	ssyncset.done $0x0  }
0xd0: {  	s26 =	rddreg [dreg:$0xf];
	[sflag:s9] =	ssyncadd.s32 $0xFFFFD800  }
0xd1: {  	[tilespmem:s8], [sflag:$0x7] =	stream.linear.gather [spmem:s26], $0x2800, $0x38;
	[tilespmem:$0x1F880] =	vst v63  }
0xd2: {  	_ =	swait.ge [sflag:s20], $0x2800  }
0xd3: {  	[sflag:s20] =	ssyncset.done $0x0  }
0xd4: {  	s23 =	rddreg [dreg:$0x7];
	[sflag:s20] =	ssyncadd.s32 $0xFFFFD800  }
0xd5: {  	[hbm4b:s23+s3] =	stream.linear.scatter [tilespmem:s8], [sflag:$0x3], $0x2800, $0x38;
	[tilespmem:$0x1F880] =	vst v63  }
0xd6: {  	_ =	swait.ge [sflag:s16], $0x2800  }
0xd7: {  	[sflag:s16] =	ssyncset.done $0x0  }
0xd8: {  	s24 =	rddreg [dreg:$0x10];
	[sflag:s16] =	ssyncadd.s32 $0xFFFFD800  }
0xd9: {  	[tilespmem:s11], [sflag:$0x7] =	stream.linear.gather [spmem:s24], $0x2800, $0x38;
	[tilespmem:$0x1F880] =	vst v63  }
0xda: {  	_ =	swait.ge [sflag:s20], $0x2800  }
0xdb: {  	[sflag:s20] =	ssyncset.done $0x0  }
0xdc: {  	s25 =	rddreg [dreg:$0x8];
	[sflag:s20] =	ssyncadd.s32 $0xFFFFD800  }
0xdd: {  	[hbm4b:s25+s3] =	stream.linear.scatter [tilespmem:s11], [sflag:$0x4], $0x2800, $0x38;
	[tilespmem:$0x1F880] =	vst v63  }
0xde: {  	_ =	swait.ge [sflag:s9], $0x2800  }
0xdf: {  	[sflag:s9] =	ssyncset.done $0x0  }
0xe0: {  	s26 =	rddreg [dreg:$0x11];
	[sflag:s9] =	ssyncadd.s32 $0xFFFFD800  }
0xe1: {  	[tilespmem:s8], [sflag:$0x7] =	stream.linear.gather [spmem:s26], $0x2800, $0x38;
	[tilespmem:$0x1F880] =	vst v63  }
0xe2: {  	_ =	swait.ge [sflag:s20], $0x2800  }
0xe3: {  	[sflag:s20] =	ssyncset.done $0x0  }
0xe4: {  	s23 =	rddreg [dreg:$0x9];
	[sflag:s20] =	ssyncadd.s32 $0xFFFFD800  }
0xe5: {  	[hbm4b:s23+s3] =	stream.linear.scatter [tilespmem:s8], [sflag:$0x3], $0x2800, $0x38;
	[tilespmem:$0x1F880] =	vst v63  }
0xe6: {  	_ =	swait.ge [sflag:s16], $0x2800  }
0xe7: {  	[sflag:s16] =	ssyncset.done $0x0  }
0xe8: {  	s24 =	rddreg [dreg:$0x12];
	[sflag:s16] =	ssyncadd.s32 $0xFFFFD800  }
0xe9: {  	[tilespmem:s11], [sflag:$0x7] =	stream.linear.gather [spmem:s24], $0x2800, $0x38;
	[tilespmem:$0x1F880] =	vst v63  }
0xea: {  	_ =	swait.ge [sflag:s20], $0x2800  }
0xeb: {  	[sflag:s20] =	ssyncset.done $0x0  }
0xec: {  	s25 =	rddreg [dreg:$0xa];
	[sflag:s20] =	ssyncadd.s32 $0xFFFFD800  }
0xed: {  	[hbm4b:s25+s3] =	stream.linear.scatter [tilespmem:s11], [sflag:$0x4], $0x2800, $0x38;
	[tilespmem:$0x1F880] =	vst v63  }
0xee: {  	_ =	swait.ge [sflag:s9], $0x2800  }
0xef: {  	[sflag:s9] =	ssyncset.done $0x0  }
0xf0: {  	[sflag:s9] =	ssyncadd.s32 $0xFFFFD800  }
0xf1: {  	_ =	swait.ge [sflag:s16], $0x2800  }
0xf2: {  	s21 =	sadd.s32 $0x1, s21;
	s26 =	rddreg [dreg:$0x13]  }
0xf3: {  	p0 =	sne.s32 s21, s26  }
.Ltmp2:
0xf4: {  	_ = 	snop;
	(pc) =	sbr.rel @p0 .LBB2_1-.Ltmp2, $3  }
0xf5: {  	_ =	sdelay $0x1  }
0xf6: {  	[sflag:s16] =	ssyncset.done $0x0  }
0xf7: {  	[sflag:s16] =	ssyncadd.s32 $0xFFFFD800  }
0xf8: {  	_ =	sfence.sel $0x180000  }
0xf9: {  	[bflag:$0x0] =	sbarrier.arrive $0xFFFF  }
0xfa: {  	_ =	strace $0x9000004A  }
0xfb: {  	s0 =	stileid.u32;
	[bflag:$0x2] =	sbarrier.arrive $0xFFFF  }
0xfc: {  	p0 =	sne.s32 s0, $0x0;
	s0 =	rddreg [dreg:$0x2]  }
0xfd: {  	s0 =	sadd.s32 @!p0 $0x100000, s0  }
0xfe: {  	[sflag:s0] =	ssyncadd.tile.s32 @!p0 $0x1;
	_ =	shalt  }
.Lfunc_end2:
_tile_overlayer_lowered:
.L_overlay_start_2:
0xff: {  	(tag) =	ssettag $0x2  }
0x100: {  	s0 =	rddreg [dreg:$0x0];
	s2 =	stileid.u32  }
0x101: {  	s1 =	rddreg [dreg:$0x1];
	p0 =	sne.s32 s2, $0x0  }
0x102: {  	s3 =	rddreg [dreg:$0x2];
	[bflag:$0x3] =	sbarrier.arrive $0xFFFF;
	s2 =	simm.s32 @!p0 $0x1C07  }
0x103: {  	[timem:s3], [sflag:s2] =	dma.local @!p0 [hbm:s0], s1  }
0x104: {  	s0 =	simm.s32 @!p0 $0x7  }
0x105: {  	_ =	swait.ge @!p0 [sflag:s0], s1  }
0x106: {  	s1 =	ssub.s32 @!p0 $0x0, s1;
	[sflag:s0] =	ssyncset.done @!p0 $0x0  }
0x107: {  	[sflag:s0] =	ssyncadd.s32 @!p0 s1  }
0x108: {  	[bflag:$0x3] =	sbarrier.arrive $0xFFFF  }
0x109: {  	_ =	shalt  }

// kernel: kernel.16.cloned.1.call-start
scs
__scs_entry_jumppad:
0x0: {  	(pc) =	sbr.rel $0x88, $3  }
0x1: {  	(tag) =	ssettag $0x0;
	lr =	simm.s32 $0x1  }
0x2: {  	[smem:$0x3F99] =	sst lr;
	_ =	strace $0xD0000000  }
0x3: {  	_ = 	snop  }
0x4: {  	_ = 	snop  }
0x5: {  	_ = 	snop  }
0x6: {  	_ = 	snop  }
0x7: {  	_ = 	snop  }
__scs_overlays_trampoline_lowered:
0x8: {  	[smem:$0x3FA8] =	sst s0  }
0x9: {  	[smem:$0x3FA9] =	sst s1  }
0xa: {  	[smem:$0x3FAA] =	sst s2  }
0xb: {  	[smem:$0x3FAB] =	sst s3  }
0xc: {  	[smem:$0x3FAC] =	sst s4  }
0xd: {  	[smem:$0x3FAD] =	sst s5  }
0xe: {  	[smem:$0x3FAE] =	sst s6  }
0xf: {  	[smem:$0x3FAF] =	sst s7  }
0x10: {  	[smem:$0x3FB0] =	sst s8  }
0x11: {  	[smem:$0x3FB1] =	sst s9;
	s0 =	simm.s32 @!p0 $0x0  }
0x12: {  	s1 =	sld [smem:$0x3F97];
	s0 =	simm.s32 @p0 $0x1  }
0x13: {  	[smem:$0x3FB2] =	sst s0;
	s0 =	simm.s32 @!p1 $0x0  }
0x14: {  	s2 =	sld [smem:$0x3F96];
	s0 =	simm.s32 @p1 $0x1  }
0x15: {  	[smem:$0x3FB3] =	sst s0;
	s0 =	simm.s32 @!p2 $0x0  }
0x16: {  	s3 =	sld [smem:$0x3FDB];
	s0 =	simm.s32 @p2 $0x1  }
0x17: {  	s4 =	simm.s32 $0x1BF5;
	[smem:$0x3FB5] =	sst s0  }
0x18: {  	s0 =	sld [smem:$0x3F98];
	_ =	swait.ge [sflag:s4], $0x0  }
0x19: {  	s7 =	sld [smem:$0x3F99]  }
0x1a: {  	s8 =	sadd.s32 $0xFFFFE003, lr  }
0x1b: {  	s9 =	sadd.s32 $0xFFFFFEF7, lr;
	s5 =	simm.s32 $0xFFFFFFFF;
	p2 =	slt.u32 s8, $0xFFFFF086  }
0x1c: {  	p1 =	slt.u32 s9, $0xF7A;
	s5 =	simm.s32 @!p2 $0x0  }
0x1d: {  	s5 =	simm.s32 @p1 $0x1;
	p0 =	seq.s32 s7, s2  }
0x1e: {  	s7 =	smul.u32 @!p0 $0xF7A, s2;
	p2 =	seq.s32 @!p0 s5, $0x0  }
0x1f: {  	s9 =	smul.u32 $0xF7A, s1;
	s8 =	simm.s32 @!p0 $0x1BF5;
	p2 =	por !p2, p0  }
0x20: {  	[sflag:s8] =	ssyncset.s32 @!p0 $0xFFFFF086;
	s6 =	sadd.s32 @!p0 s3, s7;
	s7 =	simm.s32 @!p0 $0x108  }
0x21: {  	s3 =	sadd.s32 s3, s9;
	s6 =	sadd.s32 @!p0 $0x88, s6;
	s7 =	simm.s32 @p2 $0x1082  }
0x22: {  	[simem:s7], [sflag:s8] =	dma.local @!p0 [hbm:s6], $0xF7A  }
0x23: {  	s9 =	sor.u32 $0xD0000000, s2;
	s6 =	simm.s32 $0x108;
	_ =	swait.ge @!p0 [sflag:s8], $0x0  }
0x24: {  	s3 =	sadd.s32 $0x88, s3;
	s6 =	simm.s32 @!p1 $0x1082;
	[sflag:s4] =	ssyncset.s32 $0xFFFFF086  }
0x25: {  	[simem:s6], [sflag:s4] =	dma.local [hbm:s3], $0xF7A  }
0x26: {  	[smem:$0x3F99] =	sst s1;
	(tag) =	ssettag s2;
	_ =	strace s9  }
0x27: {  	s1 =	sld [smem:$0x3FA9]  }
0x28: {  	s2 =	sld [smem:$0x3FAA]  }
0x29: {  	s4 =	sld [smem:$0x3FAC]  }
0x2a: {  	p0 =	seq.s32 s5, $0x0;
	s5 =	sld [smem:$0x3FAD]  }
0x2b: {  	s6 =	sld [smem:$0x3FAE]  }
0x2c: {  	s7 =	sld [smem:$0x3FAF]  }
0x2d: {  	s3 =	simm.s32 $0x108;
	s8 =	sld [smem:$0x3FB0]  }
0x2e: {  	s3 =	simm.s32 @!p0 $0x1082;
	s9 =	sld [smem:$0x3FB1]  }
0x2f: {  	lr =	sadd.s32 s0, s3;
	s0 =	sld [smem:$0x3FA8]  }
0x30: {  	s3 =	sld [smem:$0x3FAB]  }
0x31: {  	[smem:$0x3FB4] =	sst s10  }
0x32: {  	s10 =	sld [smem:$0x3FB2];
	_ =	sdelay $0x3  }
0x33: {  	p0 =	seq.s32 s10, $0x1;
	s10 =	sld [smem:$0x3FB4];
	_ =	sdelay $0x3  }
0x34: {  	[smem:$0x3FB4] =	sst s10  }
0x35: {  	s10 =	sld [smem:$0x3FB3];
	_ =	sdelay $0x3  }
0x36: {  	p1 =	seq.s32 s10, $0x1;
	s10 =	sld [smem:$0x3FB4];
	_ =	sdelay $0x3  }
0x37: {  	[smem:$0x3FB4] =	sst s10  }
0x38: {  	s10 =	sld [smem:$0x3FB5]  }
0x39: {  	_ = 	snop;
	(pc) =	sbr.ind lr, $3  }
0x3a: {  	_ = 	snop  }
0x3b: {  	_ = 	snop  }
0x3c: {  	p2 =	seq.s32 s10, $0x1;
	s10 =	sld [smem:$0x3FB4]  }
0x3d: {  	_ =	shalt  }
0x3e: {  	_ =	shalt  }
0x3f: {  	_ =	shalt  }
0x40: {  	_ =	shalt  }
0x41: {  	_ =	shalt  }
0x42: {  	_ =	shalt  }
0x43: {  	_ =	shalt  }
0x44: {  	_ =	shalt  }
0x45: {  	_ =	shalt  }
0x46: {  	_ =	shalt  }
0x47: {  	_ =	shalt  }
0x48: {  	_ =	shalt  }
0x49: {  	_ =	shalt  }
0x4a: {  	_ =	shalt  }
0x4b: {  	_ =	shalt  }
0x4c: {  	_ =	shalt  }
0x4d: {  	_ =	shalt  }
0x4e: {  	_ =	shalt  }
0x4f: {  	_ =	shalt  }
0x50: {  	_ =	shalt  }
0x51: {  	_ =	shalt  }
0x52: {  	_ =	shalt  }
0x53: {  	_ =	shalt  }
0x54: {  	_ =	shalt  }
0x55: {  	_ =	shalt  }
0x56: {  	_ =	shalt  }
0x57: {  	_ =	shalt  }
0x58: {  	_ =	shalt  }
0x59: {  	_ =	shalt  }
0x5a: {  	_ =	shalt  }
0x5b: {  	_ =	shalt  }
0x5c: {  	_ =	shalt  }
0x5d: {  	_ =	shalt  }
0x5e: {  	_ =	shalt  }
0x5f: {  	_ =	shalt  }
0x60: {  	_ =	shalt  }
0x61: {  	_ =	shalt  }
0x62: {  	_ =	shalt  }
0x63: {  	_ =	shalt  }
0x64: {  	_ =	shalt  }
0x65: {  	_ =	shalt  }
0x66: {  	_ =	shalt  }
0x67: {  	_ =	shalt  }
0x68: {  	_ =	shalt  }
0x69: {  	_ =	shalt  }
0x6a: {  	_ =	shalt  }
0x6b: {  	_ =	shalt  }
0x6c: {  	_ =	shalt  }
0x6d: {  	_ =	shalt  }
0x6e: {  	_ =	shalt  }
0x6f: {  	_ =	shalt  }
0x70: {  	_ =	shalt  }
0x71: {  	_ =	shalt  }
0x72: {  	_ =	shalt  }
0x73: {  	_ =	shalt  }
0x74: {  	_ =	shalt  }
0x75: {  	_ =	shalt  }
0x76: {  	_ =	shalt  }
0x77: {  	_ =	shalt  }
0x78: {  	_ =	shalt  }
0x79: {  	_ =	shalt  }
0x7a: {  	_ =	shalt  }
0x7b: {  	_ =	shalt  }
0x7c: {  	_ =	shalt  }
0x7d: {  	_ =	shalt  }
0x7e: {  	_ =	shalt  }
0x7f: {  	_ =	shalt  }
0x80: {  	_ =	shalt  }
0x81: {  	_ =	shalt  }
0x82: {  	_ =	shalt  }
0x83: {  	_ =	shalt  }
0x84: {  	_ =	shalt  }
0x85: {  	_ =	shalt  }
0x86: {  	_ =	shalt  }
0x87: {  	_ =	shalt  }
.Lfunc_end0:
.L_simem_size_0:
called_computation.2_lowered:
.L_overlay_start_0:
0x88: {  	s2 =	sld [smem:$0x3FD9]  }
0x89: {  	s3 =	sld [smem:$0x3FFE];
	_ =	sdelay $0x1  }
0x8a: {  	s1 =	srdreg.scid  }
0x8b: {  	s0 =	sand.u32 $0x1, s1  }
0x8c: {  	s16 =	sshll.u32 s0, $0xA;
	s2 =	sadd.s32 s3, s2  }
0x8d: {  	s2 =	sadd.s32 s2, s16  }
0x8e: {  	[smem:$0x3FC0] =	sst s2  }
0x8f: {  	_ = 	snop  }
0x90: {  	(tm) =	ssettm $0x1  }
0x91: {  	s17 =	sld [smem:$0x3FFB];
	_ =	sdelay $0x3  }
0x92: {  	_ =	strace s17  }
0x93: {  	s2 =	sld [smem:$0x3FFC];
	_ =	sdelay $0x3  }
0x94: {  	_ =	strace s2  }
0x95: {  	s2 =	sld [smem:$0x3FFD];
	_ =	sdelay $0x3  }
0x96: {  	_ =	strace s2  }
0x97: {  	_ =	strace $0x8FFFFFFF  }
0x98: {  	s18 =	sld [smem:$0x3FDB];
	_ =	sdelay $0x1  }
0x99: {  	s19 =	simm.s32 $_scs_section_size  }
0x9a: {  	s4 =	simm.s32 $_size__tile_overlayer_lowered;
	s5 =	simm.s32 $_tile_overlayer_lowered  }
0x9b: {  	s22 =	simm.s32 $0x1BFF;
	s21 =	sshll.u32 s5, $0x1;
	s2 =	sadd.s32 s19, s18  }
0x9c: {  	s6 =	simm.s32 $0x0;
	s20 =	sshll.u32 s4, $0x1;
	s4 =	sadd.s32 s21, s2  }
0x9d: {  	[timem:s6], [sflag:s22] =	dma.local [hbm:s4], s20  }
0x9e: {  	_ =	swait.ge [sflag:s22], s20  }
0x9f: {  	s3 =	ssub.s32 $0x0, s20;
	[sflag:s22] =	ssyncset.done $0x0  }
0xa0: {  	[sflag:s22] =	ssyncadd.s32 s3;
	_ =	sdelay $0x1  }
0xa1: {  	s23 =	simm.s32 $0x1B8B  }
0xa2: {  	_ =	swait.ge [sflag:s23], $0x1  }
0xa3: {  	[sflag:s23] =	ssyncset.done $0x0  }
0xa4: {  	s25 =	simm.s32 $0x1B8E;
	s24 =	sld [smem:$0x3FFE];
	[sflag:s23] =	ssyncadd.s32 $0xFFFFFFFF  }
0xa5: {  	s26 =	simm.s32 $execute0_lowered;
	[smem:$0x3FD2] =	sst s25  }
0xa6: {  	s4 =	sshll.u32 s26, $0x1;
	_ =	strace $0x8000004C;
	[dreg:$0x1] =	wrdreg $0xFFFFFFFF  }
0xa7: {  	s28 =	simm.s32 $_size_execute0_lowered;
	s2 =	sadd.s32 s2, s4;
	[dreg:$0x0] =	wrdreg $0x0  }
0xa8: {  	s4 =	sshll.u32 s28, $0x1;
	[dreg:$0x2] =	wrdreg s2  }
0xa9: {  	[dreg:$0x3] =	wrdreg s4  }
0xaa: {  	[dreg:$0x4] =	wrdreg $0xC0  }
0xab: {  	_ =	task [dreg:s6], $0x5FFFF  }
0xac: {  	[dreg:$0x1] =	wrdreg $0xFFFFFFFF  }
0xad: {  	[dreg:$0x0] =	wrdreg $0x60  }
0xae: {  	[dreg:$0x2] =	wrdreg s24  }
0xaf: {  	[dreg:$0x3] =	wrdreg $0xB8800  }
0xb0: {  	[dreg:$0x4] =	wrdreg $0x9  }
0xb1: {  	_ =	task.clear_ibuf [dreg:s6], $0x5FFFF;
	_ =	strace $0x9000004C  }
0xb2: {  	s29 =	simm.s32 $0x9;
	_ =	strace $0x8000004E  }
0xb3: {  	_ =	swait.ge [sflag:s29], $0x1  }
0xb4: {  	[sflag:s29] =	ssyncadd.s32 $0xFFFFFFFF  }
0xb5: {  	_ =	strace $0x9000004E  }
0xb6: {  	_ =	sfence  }
0xb7: {  	s30 =	sld [smem:$0x0];
	_ =	sdelay $0x2  }
0xb8: {  	s31 =	sshll.u32 s1, $0xD;
	s1 =	sshrl.u32 s1, $0x2  }
0xb9: {  	s3 =	sand.u32 $0x4000, s31;
	s1 =	sadd.s32 s1, s30  }
0xba: {  	s0 =	sor.u32 s3, s0;
	s1 =	sshll.u32 s1, $0x11  }
0xbb: {  	s0 =	sor.u32 s1, s0  }
0xbc: {  	s0 =	sadd.s32 $0x8F2B, s0  }
0xbd: {  	[sflag:s0] =	ssyncadd.remote.s32 $0x1  }
0xbe: {  	_ =	sfence.sel $0xFFFF  }
0xbf: {  	[dreg:$0x0] =	wrdreg $0xFFFFFFFF;
	(pc) =	sbr.abs _section_cstart, $3  }
0xc0: {  	[dreg:$0x1] =	wrdreg $0xFFFFFFFF  }
0xc1: {  	_ =	task.clear_ibuf [dreg:s6], $0x2FFFF;
	_ =	strace $0x9FFFFFFF  }
0xc2: {  	(tm) =	ssettm $0x7FFFFFFF  }
0xc3: {  	_ =	shalt  }
tec
execute0_lowered:
.L_overlay_start_1:
0x0: {  	(tag) =	ssettag $0x1  }
0x1: {  	s0 =	srdreg.scid;
	s13 =	stileid.u32  }
0x2: {  	s1 =	rddreg [dreg:$0x0];
	s6 =	smul.u32 $0x14000, s13  }
0x3: {  	s2 =	rddreg [dreg:$0x1];
	s0 =	sand.u32 $0x1, s0;
	s22 =	smul.u32 $0x2710, s13  }
0x4: {  	s7 =	sadd.s32 $0xCE00, s1;
	s8 =	sadd.s32 $0x8EC00, s1;
	s5 =	smul.u32 $0x140000, s0  }
0x5: {  	s3 =	sshll.u32 s0, $0x4;
	s9 =	ssub.s32 $0x2, s0;
	s0 =	smul.u32 $0x27100, s0  }
0x6: {  	s4 =	sor.u32 s13, s3;
	s3 =	simm.s32 $0x0;
	s10 =	sshrl.u32 s9, $0x1  }
0x7: {  	s16 =	sor.u32 $0x2800, s6;
	s18 =	sadd.s32 $0x7800, s6;
	s19 =	sadd.s32 $0xA000, s6  }
0x8: {  	s20 =	sadd.s32 $0xC800, s6;
	s4 =	smul.u32 $0x2710, s4;
	[smem:$0x7FF] =	sst s3  }
0x9: {  	s11 =	sadd.s32 s6, s5;
	s9 =	ssub.s32 s9, s10;
	s25 =	sadd.s32 s5, s16  }
0xa: {  	s15 =	sadd.s32 s5, s19;
	s21 =	sadd.s32 s5, s20;
	s0 =	sadd.s32 s22, s0  }
0xb: {  	s19 =	sadd.s32 s19, s2;
	s22 =	sadd.s32 s20, s2;
	s20 =	simm.s32 $0x7  }
0xc: {  	_ =	strace $0x8000004D;
	s24 =	sshrl.u32 s11, $0x3;
	s26 =	sshrl.u32 s25, $0x3  }
0xd: {  	s11 =	sadd.s32 $0x5000, s6;
	s17 =	sshrl.u32 s15, $0x3;
	[dreg:$0xf] =	wrdreg s19  }
0xe: {  	s15 =	sadd.s32 $0x66C00, s1;
	[dreg:$0x10] =	wrdreg s22;
	s19 =	simm.s32 $0x6  }
0xf: {  	s4 =	sshrl.u32 s4, $0x3;
	s10 =	sadd.s32 s8, s24;
	s12 =	sadd.s32 s5, s11  }
0x10: {  	s24 =	sadd.s32 $0x140, s0;
	s0 =	sadd.s32 $0xF0, s0;
	[dreg:$0x3] =	wrdreg s10  }
0x11: {  	s10 =	sadd.s32 s8, s26;
	s25 =	sshrl.u32 s24, $0x3;
	s26 =	smul.u32 $0x50000, s13  }
0x12: {  	s0 =	sshrl.u32 s0, $0x3;
	[dreg:$0x4] =	wrdreg s10;
	s10 =	sshrl.u32 s12, $0x3  }
0x13: {  	s12 =	sadd.s32 s5, s18;
	s13 =	sadd.s32 s0, s7;
	s18 =	sadd.s32 s18, s2  }
0x14: {  	s10 =	sadd.s32 s8, s10;
	s14 =	sshrl.u32 s12, $0x3;
	s12 =	sadd.s32 s25, s7  }
0x15: {  	[dreg:$0xe] =	wrdreg s18;
	s25 =	smax.u32 s9, $0x1;
	s9 =	simm.s32 $0x3  }
0x16: {  	s18 =	simm.s32 $0x5;
	[dreg:$0x5] =	wrdreg s10;
	s10 =	sadd.s32 s8, s14  }
0x17: {  	s14 =	sadd.s32 s7, s4;
	s7 =	sadd.s32 s4, s1;
	[dreg:$0x13] =	wrdreg s25  }
0x18: {  	s4 =	simm.s32 $0x2;
	[dreg:$0x6] =	wrdreg s10;
	s10 =	sadd.s32 s8, s17  }
0x19: {  	s0 =	sadd.s32 $0x3000, s7;
	s31 =	sadd.s32 $0xA, s14;
	s1 =	sadd.s32 $0x14, s14  }
0x1a: {  	s7 =	simm.s32 $0x50;
	[dreg:$0x7] =	wrdreg s10;
	s10 =	sshrl.u32 s21, $0x3  }
0x1b: {  	s21 =	sadd.s32 $0xF000, s6;
	s6 =	sadd.s32 $0x11800, s6;
	[dreg:$0xb] =	wrdreg s0  }
0x1c: {  	s0 =	simm.s32 $0x7880;
	s10 =	sadd.s32 s8, s10;
	s23 =	sadd.s32 s5, s21  }
0x1d: {  	s5 =	sadd.s32 s5, s6;
	s24 =	sadd.s32 s6, s2;
	[dreg:$0x8] =	wrdreg s10  }
0x1e: {  	s10 =	sshrl.u32 s23, $0x3;
	s23 =	sadd.s32 s21, s2;
	[dreg:$0x12] =	wrdreg s24  }
0x1f: {  	s5 =	sshrl.u32 s5, $0x3;
	s10 =	sadd.s32 s8, s10;
	[dreg:$0x11] =	wrdreg s23  }
0x20: {  	s6 =	simm.s32 $0x2780;
	s5 =	sadd.s32 s8, s5;
	[dreg:$0x9] =	wrdreg s10  }
0x21: {  	s21 =	simm.s32 $0x0;
	s8 =	sshrl.u32 s26, $0x2;
	[dreg:$0xa] =	wrdreg s5  }
0x22: {  	s17 =	sadd.s32 s8, s2;
	s10 =	sadd.s32 s16, s2;
	s16 =	sadd.s32 s11, s2  }
0x23: {  	s5 =	simm.s32 $0x1;
	s8 =	simm.s32 $0x2880;
	[dreg:$0xc] =	wrdreg s10  }
0x24: {  	s11 =	simm.s32 $0x5080;
	[dreg:$0xd] =	wrdreg s16;
	s26 =	sadd.s32 $0x4000, s17  }
0x25: {  	s28 =	sadd.s32 $0x8000, s17;
	s29 =	sadd.s32 $0xC000, s17;
	s30 =	sadd.s32 $0x10000, s17  }
0x26: {  	v0 =	vimm.f32 $0.0e+00;
	s10 =	simm.s32 $0x2800;
	s16 =	simm.s32 $0x4;
	[dreg:$0x14] =	wrdreg s26  }
.LBB2_1:
0x27: {  	s22 =	rddreg [dreg:$0xb]  }
0x28: {  	[tilespmem:s3], [sflag:$0x1] =	stream.linear.gather [hbm4b:s22+s3], $0x2710, $0x38;
	[tilespmem:$0x1F880] =	vst v63  }
0x29: {  	s23 =	simm.s32 $0x200;
	s22 =	simm.s32 $0x0  }
.LBB2_2:
0x2a: {  	p0 =	sne.s32 s23, $0xFE00;
	[tilespmem:s22+$0x78F0] =	vst v0  }
0x2b: {  	[tilespmem:s22+$0x7880] =	vst v0  }
0x2c: {  	[tilespmem:s22+$0x7890] =	vst v0  }
.Ltmp0:
0x2d: {  	[tilespmem:s22+$0x78A0] =	vst v0;
	(pc) =	sbr.rel @p0 .LBB2_2-.Ltmp0, $4  }
0x2e: {  	[tilespmem:s22+$0x78B0] =	vst v0  }
0x2f: {  	[tilespmem:s22+$0x78C0] =	vst v0  }
0x30: {  	[tilespmem:s22+$0x78D0] =	vst v0  }
0x31: {  	[tilespmem:s22+$0x78E0] =	vst v0;
	s22 =	sshra.s32 s23, $0x2;
	s23 =	sadd.s32 $0x200, s23  }
0x32: {  	[tilespmem:s22+$0x78F0] =	vst v0  }
0x33: {  	[tilespmem:s22+$0x7880] =	vst v0  }
0x34: {  	[tilespmem:s22+$0x7890] =	vst v0  }
0x35: {  	[tilespmem:s22+$0x78A0] =	vst v0  }
0x36: {  	[tilespmem:s22+$0x78B0] =	vst v0  }
0x37: {  	[tilespmem:s22+$0x78C0] =	vst v0  }
0x38: {  	[tilespmem:s22+$0x78D0] =	vst v0  }
0x39: {  	[tilespmem:s22+$0x78E0] =	vst v0  }
0x3a: {  	[spmem:s17] =	stream.linear.scatter [tilespmem:s0], [sflag:$0x2], $0x4000, $0x38;
	[tilespmem:$0x1F880] =	vst v63  }
0x3b: {  	s25 =	rddreg [dreg:$0x14]  }
0x3c: {  	[spmem:s25] =	stream.linear.scatter [tilespmem:s0], [sflag:$0x2], $0x4000, $0x38;
	[tilespmem:$0x1F880] =	vst v63  }
0x3d: {  	_ = 	snop  }
0x3e: {  	[spmem:s28] =	stream.linear.scatter [tilespmem:s0], [sflag:$0x2], $0x4000, $0x38;
	[tilespmem:$0x1F880] =	vst v63  }
0x3f: {  	_ = 	snop  }
0x40: {  	[spmem:s29] =	stream.linear.scatter [tilespmem:s0], [sflag:$0x2], $0x4000, $0x38;
	[tilespmem:$0x1F880] =	vst v63  }
0x41: {  	_ = 	snop  }
0x42: {  	[spmem:s30] =	stream.linear.scatter [tilespmem:s0], [sflag:$0x2], $0x4000, $0x38;
	[tilespmem:$0x1F880] =	vst v63  }
0x43: {  	_ =	swait.ge [sflag:s4], $0x4000  }
0x44: {  	[sflag:s4] =	ssyncset.done $0x0  }
0x45: {  	[sflag:s4] =	ssyncadd.s32 $0xFFFFC000  }
0x46: {  	_ =	swait.ge [sflag:s4], $0x4000  }
0x47: {  	[sflag:s4] =	ssyncset.done $0x0  }
0x48: {  	[sflag:s4] =	ssyncadd.s32 $0xFFFFC000  }
0x49: {  	_ =	swait.ge [sflag:s4], $0x4000  }
0x4a: {  	[sflag:s4] =	ssyncset.done $0x0  }
0x4b: {  	[sflag:s4] =	ssyncadd.s32 $0xFFFFC000  }
0x4c: {  	_ =	swait.ge [sflag:s4], $0x4000  }
0x4d: {  	[sflag:s4] =	ssyncset.done $0x0  }
0x4e: {  	[sflag:s4] =	ssyncadd.s32 $0xFFFFC000  }
0x4f: {  	_ =	swait.ge [sflag:s4], $0x4000  }
0x50: {  	[sflag:s4] =	ssyncset.done $0x0  }
0x51: {  	[sflag:s4] =	ssyncadd.s32 $0xFFFFC000  }
0x52: {  	_ =	swait.ge [sflag:s5], $0x2710  }
0x53: {  	[sflag:s5] =	ssyncset.done $0x0  }
0x54: {  	[sflag:s5] =	ssyncadd.s32 $0xFFFFD8F0  }
0x55: {  	s26 =	simm.s32 $0x0;
	[bflag:$0x0] =	sbarrier.arrive $0xFFFF  }
0x56: {  	[tilespmem:s6], [sflag:$0x3] =	stream.linear.gather [hbm4b:s14+s26], $0x50, $0x38;
	[tilespmem:$0x1F880] =	vst v63  }
0x57: {  	_ = 	snop  }
0x58: {  	[tilespmem:s8], [sflag:$0x3] =	stream.indirect.gather [hbm4b:s15+s7], $0x80, s26, s7, $0xb8;
	[tilespmem:$0x1F880] =	vst v63  }
0x59: {  	_ =	swait.ge [sflag:s9], $0x50  }
0x5a: {  	[sflag:s9] =	ssyncset.done $0x0  }
0x5b: {  	[sflag:s9] =	ssyncadd.s32 $0xFFFFFFB0  }
0x5c: {  	_ =	swait.ge [sflag:s9], $0x2800  }
0x5d: {  	[sflag:s9] =	ssyncset.done $0x0  }
0x5e: {  	[sflag:s9] =	ssyncadd.s32 $0xFFFFD800  }
0x5f: {  	[spmem:s2] =	stream.indirect.scatter.add.f32 [tilespmem:s8], [sflag:$0x5], $0x80, s6, s7, $0xb8;
	[tilespmem:$0x1F880] =	vst v63  }
0x60: {  	_ = 	snop  }
0x61: {  	[tilespmem:s10], [sflag:$0x4] =	stream.linear.gather [hbm4b:s31+s26], $0x50, $0x38;
	[tilespmem:$0x1F880] =	vst v63  }
0x62: {  	_ = 	snop  }
0x63: {  	[tilespmem:s11], [sflag:$0x4] =	stream.indirect.gather [hbm4b:s15+s7], $0x80, s7, s7, $0xb8;
	[tilespmem:$0x1F880] =	vst v63  }
0x64: {  	_ =	swait.ge [sflag:s16], $0x50  }
0x65: {  	[sflag:s16] =	ssyncset.done $0x0  }
0x66: {  	[sflag:s16] =	ssyncadd.s32 $0xFFFFFFB0  }
0x67: {  	_ =	swait.ge [sflag:s16], $0x2800  }
0x68: {  	[sflag:s16] =	ssyncset.done $0x0  }
0x69: {  	[sflag:s16] =	ssyncadd.s32 $0xFFFFD800  }
0x6a: {  	[spmem:s2] =	stream.indirect.scatter.add.f32 [tilespmem:s11], [sflag:$0x6], $0x80, s10, s7, $0xb8;
	[tilespmem:$0x1F880] =	vst v63  }
0x6b: {  	_ =	swait.ge [sflag:s18], $0x2800  }
0x6c: {  	[sflag:s18] =	ssyncset.done $0x0  }
0x6d: {  	[sflag:s18] =	ssyncadd.s32 $0xFFFFD800  }
0x6e: {  	[tilespmem:s6], [sflag:$0x3] =	stream.linear.gather [hbm4b:s1+s26], $0x50, $0x38;
	[tilespmem:$0x1F880] =	vst v63  }
0x6f: {  	s23 =	simm.s32 $0xA0  }
0x70: {  	[tilespmem:s8], [sflag:$0x3] =	stream.indirect.gather [hbm4b:s15+s7], $0x80, s23, s7, $0xb8;
	[tilespmem:$0x1F880] =	vst v63  }
0x71: {  	_ =	swait.ge [sflag:s9], $0x50  }
0x72: {  	[sflag:s9] =	ssyncset.done $0x0  }
0x73: {  	[sflag:s9] =	ssyncadd.s32 $0xFFFFFFB0  }
0x74: {  	_ =	swait.ge [sflag:s9], $0x2800  }
0x75: {  	[sflag:s9] =	ssyncset.done $0x0  }
0x76: {  	[sflag:s9] =	ssyncadd.s32 $0xFFFFD800  }
0x77: {  	[spmem:s2] =	stream.indirect.scatter.add.f32 [tilespmem:s8], [sflag:$0x5], $0x80, s6, s7, $0xb8;
	[tilespmem:$0x1F880] =	vst v63  }
0x78: {  	_ =	swait.ge [sflag:s19], $0x2800  }
0x79: {  	[sflag:s19] =	ssyncset.done $0x0  }
0x7a: {  	s24 =	sadd.s32 $0x0, s13;
	[sflag:s19] =	ssyncadd.s32 $0xFFFFD800  }
0x7b: {  	[tilespmem:s10], [sflag:$0x4] =	stream.linear.gather [hbm4b:s24+s3], $0x50, $0x38;
	[tilespmem:$0x1F880] =	vst v63  }
0x7c: {  	s25 =	simm.s32 $0xF0  }
0x7d: {  	[tilespmem:s11], [sflag:$0x4] =	stream.indirect.gather [hbm4b:s15+s7], $0x80, s25, s7, $0xb8;
	[tilespmem:$0x1F880] =	vst v63  }
0x7e: {  	_ =	swait.ge [sflag:s16], $0x50  }
0x7f: {  	[sflag:s16] =	ssyncset.done $0x0  }
0x80: {  	[sflag:s16] =	ssyncadd.s32 $0xFFFFFFB0  }
0x81: {  	_ =	swait.ge [sflag:s16], $0x2800  }
0x82: {  	[sflag:s16] =	ssyncset.done $0x0  }
0x83: {  	[sflag:s16] =	ssyncadd.s32 $0xFFFFD800  }
0x84: {  	[spmem:s2] =	stream.indirect.scatter.add.f32 [tilespmem:s11], [sflag:$0x6], $0x80, s10, s7, $0xb8;
	[tilespmem:$0x1F880] =	vst v63  }
0x85: {  	_ =	swait.ge [sflag:s18], $0x2800  }
0x86: {  	s22 =	simm.s32 $0x140;
	s26 =	sadd.s32 $0x0, s12;
	[sflag:s18] =	ssyncset.done $0x0  }
0x87: {  	s23 =	simm.s32 $0x14;
	s24 =	simm.s32 $0x1E0;
	[sflag:s18] =	ssyncadd.s32 $0xFFFFD800  }
0x88: {  	[tilespmem:s6], [sflag:$0x3] =	stream.linear.gather [hbm4b:s26+s3], $0x50, $0x38;
	[tilespmem:$0x1F880] =	vst v63  }
.LBB2_4:
0x89: {  	[tilespmem:s8], [sflag:$0x3] =	stream.indirect.gather [hbm4b:s15+s7], $0x80, s22, s7, $0xb8;
	[tilespmem:$0x1F880] =	vst v63  }
0x8a: {  	s25 =	smov.u32 s23;
	s22 =	smov.u32 s24  }
0x8b: {  	p0 =	sne.s32 s23, $0x4B0;
	s23 =	sadd.s32 $0x14, s23;
	_ =	swait.ge [sflag:s9], $0x50  }
0x8c: {  	[sflag:s9] =	ssyncset.done $0x0  }
0x8d: {  	[sflag:s9] =	ssyncadd.s32 $0xFFFFFFB0  }
0x8e: {  	_ =	swait.ge [sflag:s9], $0x2800  }
0x8f: {  	[sflag:s9] =	ssyncset.done $0x0  }
0x90: {  	[sflag:s9] =	ssyncadd.s32 $0xFFFFD800  }
0x91: {  	[spmem:s2] =	stream.indirect.scatter.add.f32 [tilespmem:s8], [sflag:$0x5], $0x80, s6, s7, $0xb8;
	[tilespmem:$0x1F880] =	vst v63  }
0x92: {  	_ =	swait.ge [sflag:s19], $0x2800  }
0x93: {  	[sflag:s19] =	ssyncset.done $0x0  }
0x94: {  	s26 =	sadd.s32 s25, s13;
	[sflag:s19] =	ssyncadd.s32 $0xFFFFD800  }
0x95: {  	[tilespmem:s10], [sflag:$0x4] =	stream.linear.gather [hbm4b:s26+s3], $0x50, $0x38;
	[tilespmem:$0x1F880] =	vst v63  }
0x96: {  	s26 =	sadd.s32 $0xFFFFFFB0, s24  }
0x97: {  	[tilespmem:s11], [sflag:$0x4] =	stream.indirect.gather [hbm4b:s15+s7], $0x80, s26, s7, $0xb8;
	[tilespmem:$0x1F880] =	vst v63  }
0x98: {  	_ =	swait.ge [sflag:s16], $0x50  }
0x99: {  	[sflag:s16] =	ssyncset.done $0x0  }
0x9a: {  	[sflag:s16] =	ssyncadd.s32 $0xFFFFFFB0  }
0x9b: {  	_ =	swait.ge [sflag:s16], $0x2800  }
0x9c: {  	[sflag:s16] =	ssyncset.done $0x0  }
0x9d: {  	[sflag:s16] =	ssyncadd.s32 $0xFFFFD800  }
0x9e: {  	[spmem:s2] =	stream.indirect.scatter.add.f32 [tilespmem:s11], [sflag:$0x6], $0x80, s10, s7, $0xb8;
	[tilespmem:$0x1F880] =	vst v63  }
.Ltmp1:
0x9f: {  	_ =	swait.ge [sflag:s18], $0x2800;
	(pc) =	sbr.rel @p0 .LBB2_4-.Ltmp1, $4  }
0xa0: {  	[sflag:s18] =	ssyncset.done $0x0  }
0xa1: {  	s25 =	sadd.s32 s25, s12;
	[sflag:s18] =	ssyncadd.s32 $0xFFFFD800  }
0xa2: {  	[tilespmem:s6], [sflag:$0x3] =	stream.linear.gather [hbm4b:s25+s3], $0x50, $0x38;
	[tilespmem:$0x1F880] =	vst v63  }
0xa3: {  	s24 =	sadd.s32 $0xA0, s24  }
0xa4: {  	[tilespmem:s8], [sflag:$0x3] =	stream.indirect.gather [hbm4b:s15+s7], $0x80, s22, s7, $0xb8;
	[tilespmem:$0x1F880] =	vst v63  }
0xa5: {  	_ =	swait.ge [sflag:s9], $0x50  }
0xa6: {  	[sflag:s9] =	ssyncset.done $0x0  }
0xa7: {  	[sflag:s9] =	ssyncadd.s32 $0xFFFFFFB0  }
0xa8: {  	_ =	swait.ge [sflag:s9], $0x2800  }
0xa9: {  	[sflag:s9] =	ssyncset.done $0x0  }
0xaa: {  	[sflag:s9] =	ssyncadd.s32 $0xFFFFD800  }
0xab: {  	[spmem:s2] =	stream.indirect.scatter.add.f32 [tilespmem:s8], [sflag:$0x5], $0x80, s6, s7, $0xb8;
	[tilespmem:$0x1F880] =	vst v63  }
0xac: {  	_ =	swait.ge [sflag:s19], $0x2800  }
0xad: {  	[sflag:s19] =	ssyncset.done $0x0  }
0xae: {  	[sflag:s19] =	ssyncadd.s32 $0xFFFFD800  }
0xaf: {  	_ =	swait.ge [sflag:s18], $0x2800  }
0xb0: {  	[sflag:s18] =	ssyncset.done $0x0  }
0xb1: {  	[sflag:s18] =	ssyncadd.s32 $0xFFFFD800  }
0xb2: {  	[bflag:$0x0] =	sbarrier.arrive $0xFFFF  }
0xb3: {  	[tilespmem:s8], [sflag:$0x7] =	stream.linear.gather [spmem:s17], $0x2800, $0x38;
	[tilespmem:$0x1F880] =	vst v63  }
0xb4: {  	_ =	swait.ge [sflag:s20], $0x2800  }
0xb5: {  	[sflag:s20] =	ssyncset.done $0x0  }
0xb6: {  	s23 =	rddreg [dreg:$0x3];
	[sflag:s20] =	ssyncadd.s32 $0xFFFFD800  }
0xb7: {  	[hbm4b:s23+s3] =	stream.linear.scatter [tilespmem:s8], [sflag:$0x3], $0x2800, $0x38;
	[tilespmem:$0x1F880] =	vst v63  }
0xb8: {  	s24 =	rddreg [dreg:$0xc]  }
0xb9: {  	[tilespmem:s11], [sflag:$0x7] =	stream.linear.gather [spmem:s24], $0x2800, $0x38;
	[tilespmem:$0x1F880] =	vst v63  }
0xba: {  	_ =	swait.ge [sflag:s20], $0x2800  }
0xbb: {  	[sflag:s20] =	ssyncset.done $0x0  }
0xbc: {  	s25 =	rddreg [dreg:$0x4];
	[sflag:s20] =	ssyncadd.s32 $0xFFFFD800  }
0xbd: {  	[hbm4b:s25+s3] =	stream.linear.scatter [tilespmem:s11], [sflag:$0x4], $0x2800, $0x38;
	[tilespmem:$0x1F880] =	vst v63  }
0xbe: {  	_ =	swait.ge [sflag:s9], $0x2800  }
0xbf: {  	[sflag:s9] =	ssyncset.done $0x0  }
0xc0: {  	s26 =	rddreg [dreg:$0xd];
	[sflag:s9] =	ssyncadd.s32 $0xFFFFD800  }
0xc1: {  	[tilespmem:s8], [sflag:$0x7] =	stream.linear.gather [spmem:s26], $0x2800, $0x38;
	[tilespmem:$0x1F880] =	vst v63  }
0xc2: {  	_ =	swait.ge [sflag:s20], $0x2800  }
0xc3: {  	[sflag:s20] =	ssyncset.done $0x0  }
0xc4: {  	s23 =	rddreg [dreg:$0x5];
	[sflag:s20] =	ssyncadd.s32 $0xFFFFD800  }
0xc5: {  	[hbm4b:s23+s3] =	stream.linear.scatter [tilespmem:s8], [sflag:$0x3], $0x2800, $0x38;
	[tilespmem:$0x1F880] =	vst v63  }
0xc6: {  	_ =	swait.ge [sflag:s16], $0x2800  }
0xc7: {  	[sflag:s16] =	ssyncset.done $0x0  }
0xc8: {  	s24 =	rddreg [dreg:$0xe];
	[sflag:s16] =	ssyncadd.s32 $0xFFFFD800  }
0xc9: {  	[tilespmem:s11], [sflag:$0x7] =	stream.linear.gather [spmem:s24], $0x2800, $0x38;
	[tilespmem:$0x1F880] =	vst v63  }
0xca: {  	_ =	swait.ge [sflag:s20], $0x2800  }
0xcb: {  	[sflag:s20] =	ssyncset.done $0x0  }
0xcc: {  	s25 =	rddreg [dreg:$0x6];
	[sflag:s20] =	ssyncadd.s32 $0xFFFFD800  }
0xcd: {  	[hbm4b:s25+s3] =	stream.linear.scatter [tilespmem:s11], [sflag:$0x4], $0x2800, $0x38;
	[tilespmem:$0x1F880] =	vst v63  }
0xce: {  	_ =	swait.ge [sflag:s9], $0x2800  }
0xcf: {  	[sflag:s9] =	ssyncset.done $0x0  }
0xd0: {  	s26 =	rddreg [dreg:$0xf];
	[sflag:s9] =	ssyncadd.s32 $0xFFFFD800  }
0xd1: {  	[tilespmem:s8], [sflag:$0x7] =	stream.linear.gather [spmem:s26], $0x2800, $0x38;
	[tilespmem:$0x1F880] =	vst v63  }
0xd2: {  	_ =	swait.ge [sflag:s20], $0x2800  }
0xd3: {  	[sflag:s20] =	ssyncset.done $0x0  }
0xd4: {  	s23 =	rddreg [dreg:$0x7];
	[sflag:s20] =	ssyncadd.s32 $0xFFFFD800  }
0xd5: {  	[hbm4b:s23+s3] =	stream.linear.scatter [tilespmem:s8], [sflag:$0x3], $0x2800, $0x38;
	[tilespmem:$0x1F880] =	vst v63  }
0xd6: {  	_ =	swait.ge [sflag:s16], $0x2800  }
0xd7: {  	[sflag:s16] =	ssyncset.done $0x0  }
0xd8: {  	s24 =	rddreg [dreg:$0x10];
	[sflag:s16] =	ssyncadd.s32 $0xFFFFD800  }
0xd9: {  	[tilespmem:s11], [sflag:$0x7] =	stream.linear.gather [spmem:s24], $0x2800, $0x38;
	[tilespmem:$0x1F880] =	vst v63  }
0xda: {  	_ =	swait.ge [sflag:s20], $0x2800  }
0xdb: {  	[sflag:s20] =	ssyncset.done $0x0  }
0xdc: {  	s25 =	rddreg [dreg:$0x8];
	[sflag:s20] =	ssyncadd.s32 $0xFFFFD800  }
0xdd: {  	[hbm4b:s25+s3] =	stream.linear.scatter [tilespmem:s11], [sflag:$0x4], $0x2800, $0x38;
	[tilespmem:$0x1F880] =	vst v63  }
0xde: {  	_ =	swait.ge [sflag:s9], $0x2800  }
0xdf: {  	[sflag:s9] =	ssyncset.done $0x0  }
0xe0: {  	s26 =	rddreg [dreg:$0x11];
	[sflag:s9] =	ssyncadd.s32 $0xFFFFD800  }
0xe1: {  	[tilespmem:s8], [sflag:$0x7] =	stream.linear.gather [spmem:s26], $0x2800, $0x38;
	[tilespmem:$0x1F880] =	vst v63  }
0xe2: {  	_ =	swait.ge [sflag:s20], $0x2800  }
0xe3: {  	[sflag:s20] =	ssyncset.done $0x0  }
0xe4: {  	s23 =	rddreg [dreg:$0x9];
	[sflag:s20] =	ssyncadd.s32 $0xFFFFD800  }
0xe5: {  	[hbm4b:s23+s3] =	stream.linear.scatter [tilespmem:s8], [sflag:$0x3], $0x2800, $0x38;
	[tilespmem:$0x1F880] =	vst v63  }
0xe6: {  	_ =	swait.ge [sflag:s16], $0x2800  }
0xe7: {  	[sflag:s16] =	ssyncset.done $0x0  }
0xe8: {  	s24 =	rddreg [dreg:$0x12];
	[sflag:s16] =	ssyncadd.s32 $0xFFFFD800  }
0xe9: {  	[tilespmem:s11], [sflag:$0x7] =	stream.linear.gather [spmem:s24], $0x2800, $0x38;
	[tilespmem:$0x1F880] =	vst v63  }
0xea: {  	_ =	swait.ge [sflag:s20], $0x2800  }
0xeb: {  	[sflag:s20] =	ssyncset.done $0x0  }
0xec: {  	s25 =	rddreg [dreg:$0xa];
	[sflag:s20] =	ssyncadd.s32 $0xFFFFD800  }
0xed: {  	[hbm4b:s25+s3] =	stream.linear.scatter [tilespmem:s11], [sflag:$0x4], $0x2800, $0x38;
	[tilespmem:$0x1F880] =	vst v63  }
0xee: {  	_ =	swait.ge [sflag:s9], $0x2800  }
0xef: {  	[sflag:s9] =	ssyncset.done $0x0  }
0xf0: {  	[sflag:s9] =	ssyncadd.s32 $0xFFFFD800  }
0xf1: {  	_ =	swait.ge [sflag:s16], $0x2800  }
0xf2: {  	s21 =	sadd.s32 $0x1, s21;
	s26 =	rddreg [dreg:$0x13]  }
0xf3: {  	p0 =	sne.s32 s21, s26  }
.Ltmp2:
0xf4: {  	_ = 	snop;
	(pc) =	sbr.rel @p0 .LBB2_1-.Ltmp2, $3  }
0xf5: {  	_ =	sdelay $0x1  }
0xf6: {  	[sflag:s16] =	ssyncset.done $0x0  }
0xf7: {  	[sflag:s16] =	ssyncadd.s32 $0xFFFFD800  }
0xf8: {  	_ =	sfence.sel $0x180000  }
0xf9: {  	[bflag:$0x0] =	sbarrier.arrive $0xFFFF  }
0xfa: {  	_ =	strace $0x9000004D  }
0xfb: {  	s0 =	stileid.u32;
	[bflag:$0x2] =	sbarrier.arrive $0xFFFF  }
0xfc: {  	p0 =	sne.s32 s0, $0x0;
	s0 =	rddreg [dreg:$0x2]  }
0xfd: {  	s0 =	sadd.s32 @!p0 $0x100000, s0  }
0xfe: {  	[sflag:s0] =	ssyncadd.tile.s32 @!p0 $0x1;
	_ =	shalt  }
.Lfunc_end2:
_tile_overlayer_lowered:
.L_overlay_start_2:
0xff: {  	(tag) =	ssettag $0x2  }
0x100: {  	s0 =	rddreg [dreg:$0x0];
	s2 =	stileid.u32  }
0x101: {  	s1 =	rddreg [dreg:$0x1];
	p0 =	sne.s32 s2, $0x0  }
0x102: {  	s3 =	rddreg [dreg:$0x2];
	[bflag:$0x3] =	sbarrier.arrive $0xFFFF;
	s2 =	simm.s32 @!p0 $0x1C07  }
0x103: {  	[timem:s3], [sflag:s2] =	dma.local @!p0 [hbm:s0], s1  }
0x104: {  	s0 =	simm.s32 @!p0 $0x7  }
0x105: {  	_ =	swait.ge @!p0 [sflag:s0], s1  }
0x106: {  	s1 =	ssub.s32 @!p0 $0x0, s1;
	[sflag:s0] =	ssyncset.done @!p0 $0x0  }
0x107: {  	[sflag:s0] =	ssyncadd.s32 @!p0 s1  }
0x108: {  	[bflag:$0x3] =	sbarrier.arrive $0xFFFF  }
0x109: {  	_ =	shalt  }

// kernel: kernel.19.cloned.1.call-start
scs
__scs_entry_jumppad:
0x0: {  	(pc) =	sbr.rel $0x88, $3  }
0x1: {  	(tag) =	ssettag $0x0;
	lr =	simm.s32 $0x1  }
0x2: {  	[smem:$0x3F99] =	sst lr;
	_ =	strace $0xD0000000  }
0x3: {  	_ = 	snop  }
0x4: {  	_ = 	snop  }
0x5: {  	_ = 	snop  }
0x6: {  	_ = 	snop  }
0x7: {  	_ = 	snop  }
__scs_overlays_trampoline_lowered:
0x8: {  	[smem:$0x3FA8] =	sst s0  }
0x9: {  	[smem:$0x3FA9] =	sst s1  }
0xa: {  	[smem:$0x3FAA] =	sst s2  }
0xb: {  	[smem:$0x3FAB] =	sst s3  }
0xc: {  	[smem:$0x3FAC] =	sst s4  }
0xd: {  	[smem:$0x3FAD] =	sst s5  }
0xe: {  	[smem:$0x3FAE] =	sst s6  }
0xf: {  	[smem:$0x3FAF] =	sst s7  }
0x10: {  	[smem:$0x3FB0] =	sst s8  }
0x11: {  	[smem:$0x3FB1] =	sst s9;
	s0 =	simm.s32 @!p0 $0x0  }
0x12: {  	s1 =	sld [smem:$0x3F97];
	s0 =	simm.s32 @p0 $0x1  }
0x13: {  	[smem:$0x3FB2] =	sst s0;
	s0 =	simm.s32 @!p1 $0x0  }
0x14: {  	s2 =	sld [smem:$0x3F96];
	s0 =	simm.s32 @p1 $0x1  }
0x15: {  	[smem:$0x3FB3] =	sst s0;
	s0 =	simm.s32 @!p2 $0x0  }
0x16: {  	s3 =	sld [smem:$0x3FDB];
	s0 =	simm.s32 @p2 $0x1  }
0x17: {  	s4 =	simm.s32 $0x1BF5;
	[smem:$0x3FB5] =	sst s0  }
0x18: {  	s0 =	sld [smem:$0x3F98];
	_ =	swait.ge [sflag:s4], $0x0  }
0x19: {  	s7 =	sld [smem:$0x3F99]  }
0x1a: {  	s8 =	sadd.s32 $0xFFFFE003, lr  }
0x1b: {  	s9 =	sadd.s32 $0xFFFFFEF7, lr;
	s5 =	simm.s32 $0xFFFFFFFF;
	p2 =	slt.u32 s8, $0xFFFFF086  }
0x1c: {  	p1 =	slt.u32 s9, $0xF7A;
	s5 =	simm.s32 @!p2 $0x0  }
0x1d: {  	s5 =	simm.s32 @p1 $0x1;
	p0 =	seq.s32 s7, s2  }
0x1e: {  	s7 =	smul.u32 @!p0 $0xF7A, s2;
	p2 =	seq.s32 @!p0 s5, $0x0  }
0x1f: {  	s9 =	smul.u32 $0xF7A, s1;
	s8 =	simm.s32 @!p0 $0x1BF5;
	p2 =	por !p2, p0  }
0x20: {  	[sflag:s8] =	ssyncset.s32 @!p0 $0xFFFFF086;
	s6 =	sadd.s32 @!p0 s3, s7;
	s7 =	simm.s32 @!p0 $0x108  }
0x21: {  	s3 =	sadd.s32 s3, s9;
	s6 =	sadd.s32 @!p0 $0x88, s6;
	s7 =	simm.s32 @p2 $0x1082  }
0x22: {  	[simem:s7], [sflag:s8] =	dma.local @!p0 [hbm:s6], $0xF7A  }
0x23: {  	s9 =	sor.u32 $0xD0000000, s2;
	s6 =	simm.s32 $0x108;
	_ =	swait.ge @!p0 [sflag:s8], $0x0  }
0x24: {  	s3 =	sadd.s32 $0x88, s3;
	s6 =	simm.s32 @!p1 $0x1082;
	[sflag:s4] =	ssyncset.s32 $0xFFFFF086  }
0x25: {  	[simem:s6], [sflag:s4] =	dma.local [hbm:s3], $0xF7A  }
0x26: {  	[smem:$0x3F99] =	sst s1;
	(tag) =	ssettag s2;
	_ =	strace s9  }
0x27: {  	s1 =	sld [smem:$0x3FA9]  }
0x28: {  	s2 =	sld [smem:$0x3FAA]  }
0x29: {  	s4 =	sld [smem:$0x3FAC]  }
0x2a: {  	p0 =	seq.s32 s5, $0x0;
	s5 =	sld [smem:$0x3FAD]  }
0x2b: {  	s6 =	sld [smem:$0x3FAE]  }
0x2c: {  	s7 =	sld [smem:$0x3FAF]  }
0x2d: {  	s3 =	simm.s32 $0x108;
	s8 =	sld [smem:$0x3FB0]  }
0x2e: {  	s3 =	simm.s32 @!p0 $0x1082;
	s9 =	sld [smem:$0x3FB1]  }
0x2f: {  	lr =	sadd.s32 s0, s3;
	s0 =	sld [smem:$0x3FA8]  }
0x30: {  	s3 =	sld [smem:$0x3FAB]  }
0x31: {  	[smem:$0x3FB4] =	sst s10  }
0x32: {  	s10 =	sld [smem:$0x3FB2];
	_ =	sdelay $0x3  }
0x33: {  	p0 =	seq.s32 s10, $0x1;
	s10 =	sld [smem:$0x3FB4];
	_ =	sdelay $0x3  }
0x34: {  	[smem:$0x3FB4] =	sst s10  }
0x35: {  	s10 =	sld [smem:$0x3FB3];
	_ =	sdelay $0x3  }
0x36: {  	p1 =	seq.s32 s10, $0x1;
	s10 =	sld [smem:$0x3FB4];
	_ =	sdelay $0x3  }
0x37: {  	[smem:$0x3FB4] =	sst s10  }
0x38: {  	s10 =	sld [smem:$0x3FB5]  }
0x39: {  	_ = 	snop;
	(pc) =	sbr.ind lr, $3  }
0x3a: {  	_ = 	snop  }
0x3b: {  	_ = 	snop  }
0x3c: {  	p2 =	seq.s32 s10, $0x1;
	s10 =	sld [smem:$0x3FB4]  }
0x3d: {  	_ =	shalt  }
0x3e: {  	_ =	shalt  }
0x3f: {  	_ =	shalt  }
0x40: {  	_ =	shalt  }
0x41: {  	_ =	shalt  }
0x42: {  	_ =	shalt  }
0x43: {  	_ =	shalt  }
0x44: {  	_ =	shalt  }
0x45: {  	_ =	shalt  }
0x46: {  	_ =	shalt  }
0x47: {  	_ =	shalt  }
0x48: {  	_ =	shalt  }
0x49: {  	_ =	shalt  }
0x4a: {  	_ =	shalt  }
0x4b: {  	_ =	shalt  }
0x4c: {  	_ =	shalt  }
0x4d: {  	_ =	shalt  }
0x4e: {  	_ =	shalt  }
0x4f: {  	_ =	shalt  }
0x50: {  	_ =	shalt  }
0x51: {  	_ =	shalt  }
0x52: {  	_ =	shalt  }
0x53: {  	_ =	shalt  }
0x54: {  	_ =	shalt  }
0x55: {  	_ =	shalt  }
0x56: {  	_ =	shalt  }
0x57: {  	_ =	shalt  }
0x58: {  	_ =	shalt  }
0x59: {  	_ =	shalt  }
0x5a: {  	_ =	shalt  }
0x5b: {  	_ =	shalt  }
0x5c: {  	_ =	shalt  }
0x5d: {  	_ =	shalt  }
0x5e: {  	_ =	shalt  }
0x5f: {  	_ =	shalt  }
0x60: {  	_ =	shalt  }
0x61: {  	_ =	shalt  }
0x62: {  	_ =	shalt  }
0x63: {  	_ =	shalt  }
0x64: {  	_ =	shalt  }
0x65: {  	_ =	shalt  }
0x66: {  	_ =	shalt  }
0x67: {  	_ =	shalt  }
0x68: {  	_ =	shalt  }
0x69: {  	_ =	shalt  }
0x6a: {  	_ =	shalt  }
0x6b: {  	_ =	shalt  }
0x6c: {  	_ =	shalt  }
0x6d: {  	_ =	shalt  }
0x6e: {  	_ =	shalt  }
0x6f: {  	_ =	shalt  }
0x70: {  	_ =	shalt  }
0x71: {  	_ =	shalt  }
0x72: {  	_ =	shalt  }
0x73: {  	_ =	shalt  }
0x74: {  	_ =	shalt  }
0x75: {  	_ =	shalt  }
0x76: {  	_ =	shalt  }
0x77: {  	_ =	shalt  }
0x78: {  	_ =	shalt  }
0x79: {  	_ =	shalt  }
0x7a: {  	_ =	shalt  }
0x7b: {  	_ =	shalt  }
0x7c: {  	_ =	shalt  }
0x7d: {  	_ =	shalt  }
0x7e: {  	_ =	shalt  }
0x7f: {  	_ =	shalt  }
0x80: {  	_ =	shalt  }
0x81: {  	_ =	shalt  }
0x82: {  	_ =	shalt  }
0x83: {  	_ =	shalt  }
0x84: {  	_ =	shalt  }
0x85: {  	_ =	shalt  }
0x86: {  	_ =	shalt  }
0x87: {  	_ =	shalt  }
.Lfunc_end0:
.L_simem_size_0:
called_computation.3_lowered:
.L_overlay_start_0:
0x88: {  	s2 =	sld [smem:$0x3FD9]  }
0x89: {  	s3 =	sld [smem:$0x3FFE];
	_ =	sdelay $0x1  }
0x8a: {  	s1 =	srdreg.scid  }
0x8b: {  	s0 =	sand.u32 $0x1, s1  }
0x8c: {  	s16 =	sshll.u32 s0, $0xA;
	s2 =	sadd.s32 s3, s2  }
0x8d: {  	s2 =	sadd.s32 s2, s16  }
0x8e: {  	[smem:$0x3FC0] =	sst s2  }
0x8f: {  	_ = 	snop  }
0x90: {  	(tm) =	ssettm $0x1  }
0x91: {  	s17 =	sld [smem:$0x3FFB];
	_ =	sdelay $0x3  }
0x92: {  	_ =	strace s17  }
0x93: {  	s2 =	sld [smem:$0x3FFC];
	_ =	sdelay $0x3  }
0x94: {  	_ =	strace s2  }
0x95: {  	s2 =	sld [smem:$0x3FFD];
	_ =	sdelay $0x3  }
0x96: {  	_ =	strace s2  }
0x97: {  	_ =	strace $0x8FFFFFFF  }
0x98: {  	s18 =	sld [smem:$0x3FDB];
	_ =	sdelay $0x1  }
0x99: {  	s19 =	simm.s32 $_scs_section_size  }
0x9a: {  	s4 =	simm.s32 $_size__tile_overlayer_lowered;
	s5 =	simm.s32 $_tile_overlayer_lowered  }
0x9b: {  	s22 =	simm.s32 $0x1BFF;
	s21 =	sshll.u32 s5, $0x1;
	s2 =	sadd.s32 s19, s18  }
0x9c: {  	s6 =	simm.s32 $0x0;
	s20 =	sshll.u32 s4, $0x1;
	s4 =	sadd.s32 s21, s2  }
0x9d: {  	[timem:s6], [sflag:s22] =	dma.local [hbm:s4], s20  }
0x9e: {  	_ =	swait.ge [sflag:s22], s20  }
0x9f: {  	s3 =	ssub.s32 $0x0, s20;
	[sflag:s22] =	ssyncset.done $0x0  }
0xa0: {  	[sflag:s22] =	ssyncadd.s32 s3;
	_ =	sdelay $0x1  }
0xa1: {  	s23 =	simm.s32 $0x1B8B  }
0xa2: {  	_ =	swait.ge [sflag:s23], $0x1  }
0xa3: {  	[sflag:s23] =	ssyncset.done $0x0  }
0xa4: {  	s25 =	simm.s32 $0x1B8E;
	s24 =	sld [smem:$0x3FFE];
	[sflag:s23] =	ssyncadd.s32 $0xFFFFFFFF  }
0xa5: {  	s26 =	simm.s32 $execute0_lowered;
	[smem:$0x3FD2] =	sst s25  }
0xa6: {  	s4 =	sshll.u32 s26, $0x1;
	_ =	strace $0x8000004F;
	[dreg:$0x1] =	wrdreg $0xFFFFFFFF  }
0xa7: {  	s28 =	simm.s32 $_size_execute0_lowered;
	s2 =	sadd.s32 s2, s4;
	[dreg:$0x0] =	wrdreg $0x0  }
0xa8: {  	s4 =	sshll.u32 s28, $0x1;
	[dreg:$0x2] =	wrdreg s2  }
0xa9: {  	[dreg:$0x3] =	wrdreg s4  }
0xaa: {  	[dreg:$0x4] =	wrdreg $0xC0  }
0xab: {  	_ =	task [dreg:s6], $0x5FFFF  }
0xac: {  	[dreg:$0x1] =	wrdreg $0xFFFFFFFF  }
0xad: {  	[dreg:$0x0] =	wrdreg $0x60  }
0xae: {  	[dreg:$0x2] =	wrdreg s24  }
0xaf: {  	[dreg:$0x3] =	wrdreg $0xB8800  }
0xb0: {  	[dreg:$0x4] =	wrdreg $0x9  }
0xb1: {  	_ =	task.clear_ibuf [dreg:s6], $0x5FFFF;
	_ =	strace $0x9000004F  }
0xb2: {  	s29 =	simm.s32 $0x9;
	_ =	strace $0x80000051  }
0xb3: {  	_ =	swait.ge [sflag:s29], $0x1  }
0xb4: {  	[sflag:s29] =	ssyncadd.s32 $0xFFFFFFFF  }
0xb5: {  	_ =	strace $0x90000051  }
0xb6: {  	_ =	sfence  }
0xb7: {  	s30 =	sld [smem:$0x0];
	_ =	sdelay $0x2  }
0xb8: {  	s31 =	sshll.u32 s1, $0xD;
	s1 =	sshrl.u32 s1, $0x2  }
0xb9: {  	s3 =	sand.u32 $0x4000, s31;
	s1 =	sadd.s32 s1, s30  }
0xba: {  	s0 =	sor.u32 s3, s0;
	s1 =	sshll.u32 s1, $0x11  }
0xbb: {  	s0 =	sor.u32 s1, s0  }
0xbc: {  	s0 =	sadd.s32 $0x8F2B, s0  }
0xbd: {  	[sflag:s0] =	ssyncadd.remote.s32 $0x1  }
0xbe: {  	_ =	sfence.sel $0xFFFF  }
0xbf: {  	[dreg:$0x0] =	wrdreg $0xFFFFFFFF;
	(pc) =	sbr.abs _section_cstart, $3  }
0xc0: {  	[dreg:$0x1] =	wrdreg $0xFFFFFFFF  }
0xc1: {  	_ =	task.clear_ibuf [dreg:s6], $0x2FFFF;
	_ =	strace $0x9FFFFFFF  }
0xc2: {  	(tm) =	ssettm $0x7FFFFFFF  }
0xc3: {  	_ =	shalt  }
tec
execute0_lowered:
.L_overlay_start_1:
0x0: {  	(tag) =	ssettag $0x1  }
0x1: {  	s0 =	srdreg.scid;
	s13 =	stileid.u32  }
0x2: {  	s1 =	rddreg [dreg:$0x0];
	s6 =	smul.u32 $0x14000, s13  }
0x3: {  	s2 =	rddreg [dreg:$0x1];
	s0 =	sand.u32 $0x1, s0;
	s22 =	smul.u32 $0x2710, s13  }
0x4: {  	s7 =	sadd.s32 $0xCE00, s1;
	s8 =	sadd.s32 $0x8EC00, s1;
	s5 =	smul.u32 $0x140000, s0  }
0x5: {  	s3 =	sshll.u32 s0, $0x4;
	s9 =	ssub.s32 $0x2, s0;
	s0 =	smul.u32 $0x27100, s0  }
0x6: {  	s4 =	sor.u32 s13, s3;
	s3 =	simm.s32 $0x0;
	s10 =	sshrl.u32 s9, $0x1  }
0x7: {  	s16 =	sor.u32 $0x2800, s6;
	s18 =	sadd.s32 $0x7800, s6;
	s19 =	sadd.s32 $0xA000, s6  }
0x8: {  	s20 =	sadd.s32 $0xC800, s6;
	s4 =	smul.u32 $0x2710, s4;
	[smem:$0x7FF] =	sst s3  }
0x9: {  	s11 =	sadd.s32 s6, s5;
	s9 =	ssub.s32 s9, s10;
	s25 =	sadd.s32 s5, s16  }
0xa: {  	s15 =	sadd.s32 s5, s19;
	s21 =	sadd.s32 s5, s20;
	s0 =	sadd.s32 s22, s0  }
0xb: {  	s19 =	sadd.s32 s19, s2;
	s22 =	sadd.s32 s20, s2;
	s20 =	simm.s32 $0x7  }
0xc: {  	_ =	strace $0x80000050;
	s24 =	sshrl.u32 s11, $0x3;
	s26 =	sshrl.u32 s25, $0x3  }
0xd: {  	s11 =	sadd.s32 $0x5000, s6;
	s17 =	sshrl.u32 s15, $0x3;
	[dreg:$0xf] =	wrdreg s19  }
0xe: {  	s15 =	sadd.s32 $0x66C00, s1;
	[dreg:$0x10] =	wrdreg s22;
	s19 =	simm.s32 $0x6  }
0xf: {  	s4 =	sshrl.u32 s4, $0x3;
	s10 =	sadd.s32 s8, s24;
	s12 =	sadd.s32 s5, s11  }
0x10: {  	s24 =	sadd.s32 $0x140, s0;
	s0 =	sadd.s32 $0xF0, s0;
	[dreg:$0x3] =	wrdreg s10  }
0x11: {  	s10 =	sadd.s32 s8, s26;
	s25 =	sshrl.u32 s24, $0x3;
	s26 =	smul.u32 $0x50000, s13  }
0x12: {  	s0 =	sshrl.u32 s0, $0x3;
	[dreg:$0x4] =	wrdreg s10;
	s10 =	sshrl.u32 s12, $0x3  }
0x13: {  	s12 =	sadd.s32 s5, s18;
	s13 =	sadd.s32 s0, s7;
	s18 =	sadd.s32 s18, s2  }
0x14: {  	s10 =	sadd.s32 s8, s10;
	s14 =	sshrl.u32 s12, $0x3;
	s12 =	sadd.s32 s25, s7  }
0x15: {  	[dreg:$0xe] =	wrdreg s18;
	s25 =	smax.u32 s9, $0x1;
	s9 =	simm.s32 $0x3  }
0x16: {  	s18 =	simm.s32 $0x5;
	[dreg:$0x5] =	wrdreg s10;
	s10 =	sadd.s32 s8, s14  }
0x17: {  	s14 =	sadd.s32 s7, s4;
	s7 =	sadd.s32 s4, s1;
	[dreg:$0x13] =	wrdreg s25  }
0x18: {  	s4 =	simm.s32 $0x2;
	[dreg:$0x6] =	wrdreg s10;
	s10 =	sadd.s32 s8, s17  }
0x19: {  	s0 =	sadd.s32 $0x3000, s7;
	s31 =	sadd.s32 $0xA, s14;
	s1 =	sadd.s32 $0x14, s14  }
0x1a: {  	s7 =	simm.s32 $0x50;
	[dreg:$0x7] =	wrdreg s10;
	s10 =	sshrl.u32 s21, $0x3  }
0x1b: {  	s21 =	sadd.s32 $0xF000, s6;
	s6 =	sadd.s32 $0x11800, s6;
	[dreg:$0xb] =	wrdreg s0  }
0x1c: {  	s0 =	simm.s32 $0x7880;
	s10 =	sadd.s32 s8, s10;
	s23 =	sadd.s32 s5, s21  }
0x1d: {  	s5 =	sadd.s32 s5, s6;
	s24 =	sadd.s32 s6, s2;
	[dreg:$0x8] =	wrdreg s10  }
0x1e: {  	s10 =	sshrl.u32 s23, $0x3;
	s23 =	sadd.s32 s21, s2;
	[dreg:$0x12] =	wrdreg s24  }
0x1f: {  	s5 =	sshrl.u32 s5, $0x3;
	s10 =	sadd.s32 s8, s10;
	[dreg:$0x11] =	wrdreg s23  }
0x20: {  	s6 =	simm.s32 $0x2780;
	s5 =	sadd.s32 s8, s5;
	[dreg:$0x9] =	wrdreg s10  }
0x21: {  	s21 =	simm.s32 $0x0;
	s8 =	sshrl.u32 s26, $0x2;
	[dreg:$0xa] =	wrdreg s5  }
0x22: {  	s17 =	sadd.s32 s8, s2;
	s10 =	sadd.s32 s16, s2;
	s16 =	sadd.s32 s11, s2  }
0x23: {  	s5 =	simm.s32 $0x1;
	s8 =	simm.s32 $0x2880;
	[dreg:$0xc] =	wrdreg s10  }
0x24: {  	s11 =	simm.s32 $0x5080;
	[dreg:$0xd] =	wrdreg s16;
	s26 =	sadd.s32 $0x4000, s17  }
0x25: {  	s28 =	sadd.s32 $0x8000, s17;
	s29 =	sadd.s32 $0xC000, s17;
	s30 =	sadd.s32 $0x10000, s17  }
0x26: {  	v0 =	vimm.f32 $0.0e+00;
	s10 =	simm.s32 $0x2800;
	s16 =	simm.s32 $0x4;
	[dreg:$0x14] =	wrdreg s26  }
.LBB2_1:
0x27: {  	s22 =	rddreg [dreg:$0xb]  }
0x28: {  	[tilespmem:s3], [sflag:$0x1] =	stream.linear.gather [hbm4b:s22+s3], $0x2710, $0x38;
	[tilespmem:$0x1F880] =	vst v63  }
0x29: {  	s23 =	simm.s32 $0x200;
	s22 =	simm.s32 $0x0  }
.LBB2_2:
0x2a: {  	p0 =	sne.s32 s23, $0xFE00;
	[tilespmem:s22+$0x78F0] =	vst v0  }
0x2b: {  	[tilespmem:s22+$0x7880] =	vst v0  }
0x2c: {  	[tilespmem:s22+$0x7890] =	vst v0  }
.Ltmp0:
0x2d: {  	[tilespmem:s22+$0x78A0] =	vst v0;
	(pc) =	sbr.rel @p0 .LBB2_2-.Ltmp0, $4  }
0x2e: {  	[tilespmem:s22+$0x78B0] =	vst v0  }
0x2f: {  	[tilespmem:s22+$0x78C0] =	vst v0  }
0x30: {  	[tilespmem:s22+$0x78D0] =	vst v0  }
0x31: {  	[tilespmem:s22+$0x78E0] =	vst v0;
	s22 =	sshra.s32 s23, $0x2;
	s23 =	sadd.s32 $0x200, s23  }
0x32: {  	[tilespmem:s22+$0x78F0] =	vst v0  }
0x33: {  	[tilespmem:s22+$0x7880] =	vst v0  }
0x34: {  	[tilespmem:s22+$0x7890] =	vst v0  }
0x35: {  	[tilespmem:s22+$0x78A0] =	vst v0  }
0x36: {  	[tilespmem:s22+$0x78B0] =	vst v0  }
0x37: {  	[tilespmem:s22+$0x78C0] =	vst v0  }
0x38: {  	[tilespmem:s22+$0x78D0] =	vst v0  }
0x39: {  	[tilespmem:s22+$0x78E0] =	vst v0  }
0x3a: {  	[spmem:s17] =	stream.linear.scatter [tilespmem:s0], [sflag:$0x2], $0x4000, $0x38;
	[tilespmem:$0x1F880] =	vst v63  }
0x3b: {  	s25 =	rddreg [dreg:$0x14]  }
0x3c: {  	[spmem:s25] =	stream.linear.scatter [tilespmem:s0], [sflag:$0x2], $0x4000, $0x38;
	[tilespmem:$0x1F880] =	vst v63  }
0x3d: {  	_ = 	snop  }
0x3e: {  	[spmem:s28] =	stream.linear.scatter [tilespmem:s0], [sflag:$0x2], $0x4000, $0x38;
	[tilespmem:$0x1F880] =	vst v63  }
0x3f: {  	_ = 	snop  }
0x40: {  	[spmem:s29] =	stream.linear.scatter [tilespmem:s0], [sflag:$0x2], $0x4000, $0x38;
	[tilespmem:$0x1F880] =	vst v63  }
0x41: {  	_ = 	snop  }
0x42: {  	[spmem:s30] =	stream.linear.scatter [tilespmem:s0], [sflag:$0x2], $0x4000, $0x38;
	[tilespmem:$0x1F880] =	vst v63  }
0x43: {  	_ =	swait.ge [sflag:s4], $0x4000  }
0x44: {  	[sflag:s4] =	ssyncset.done $0x0  }
0x45: {  	[sflag:s4] =	ssyncadd.s32 $0xFFFFC000  }
0x46: {  	_ =	swait.ge [sflag:s4], $0x4000  }
0x47: {  	[sflag:s4] =	ssyncset.done $0x0  }
0x48: {  	[sflag:s4] =	ssyncadd.s32 $0xFFFFC000  }
0x49: {  	_ =	swait.ge [sflag:s4], $0x4000  }
0x4a: {  	[sflag:s4] =	ssyncset.done $0x0  }
0x4b: {  	[sflag:s4] =	ssyncadd.s32 $0xFFFFC000  }
0x4c: {  	_ =	swait.ge [sflag:s4], $0x4000  }
0x4d: {  	[sflag:s4] =	ssyncset.done $0x0  }
0x4e: {  	[sflag:s4] =	ssyncadd.s32 $0xFFFFC000  }
0x4f: {  	_ =	swait.ge [sflag:s4], $0x4000  }
0x50: {  	[sflag:s4] =	ssyncset.done $0x0  }
0x51: {  	[sflag:s4] =	ssyncadd.s32 $0xFFFFC000  }
0x52: {  	_ =	swait.ge [sflag:s5], $0x2710  }
0x53: {  	[sflag:s5] =	ssyncset.done $0x0  }
0x54: {  	[sflag:s5] =	ssyncadd.s32 $0xFFFFD8F0  }
0x55: {  	s26 =	simm.s32 $0x0;
	[bflag:$0x0] =	sbarrier.arrive $0xFFFF  }
0x56: {  	[tilespmem:s6], [sflag:$0x3] =	stream.linear.gather [hbm4b:s14+s26], $0x50, $0x38;
	[tilespmem:$0x1F880] =	vst v63  }
0x57: {  	_ = 	snop  }
0x58: {  	[tilespmem:s8], [sflag:$0x3] =	stream.indirect.gather [hbm4b:s15+s7], $0x80, s26, s7, $0xb8;
	[tilespmem:$0x1F880] =	vst v63  }
0x59: {  	_ =	swait.ge [sflag:s9], $0x50  }
0x5a: {  	[sflag:s9] =	ssyncset.done $0x0  }
0x5b: {  	[sflag:s9] =	ssyncadd.s32 $0xFFFFFFB0  }
0x5c: {  	_ =	swait.ge [sflag:s9], $0x2800  }
0x5d: {  	[sflag:s9] =	ssyncset.done $0x0  }
0x5e: {  	[sflag:s9] =	ssyncadd.s32 $0xFFFFD800  }
0x5f: {  	[spmem:s2] =	stream.indirect.scatter.add.f32 [tilespmem:s8], [sflag:$0x5], $0x80, s6, s7, $0xb8;
	[tilespmem:$0x1F880] =	vst v63  }
0x60: {  	_ = 	snop  }
0x61: {  	[tilespmem:s10], [sflag:$0x4] =	stream.linear.gather [hbm4b:s31+s26], $0x50, $0x38;
	[tilespmem:$0x1F880] =	vst v63  }
0x62: {  	_ = 	snop  }
0x63: {  	[tilespmem:s11], [sflag:$0x4] =	stream.indirect.gather [hbm4b:s15+s7], $0x80, s7, s7, $0xb8;
	[tilespmem:$0x1F880] =	vst v63  }
0x64: {  	_ =	swait.ge [sflag:s16], $0x50  }
0x65: {  	[sflag:s16] =	ssyncset.done $0x0  }
0x66: {  	[sflag:s16] =	ssyncadd.s32 $0xFFFFFFB0  }
0x67: {  	_ =	swait.ge [sflag:s16], $0x2800  }
0x68: {  	[sflag:s16] =	ssyncset.done $0x0  }
0x69: {  	[sflag:s16] =	ssyncadd.s32 $0xFFFFD800  }
0x6a: {  	[spmem:s2] =	stream.indirect.scatter.add.f32 [tilespmem:s11], [sflag:$0x6], $0x80, s10, s7, $0xb8;
	[tilespmem:$0x1F880] =	vst v63  }
0x6b: {  	_ =	swait.ge [sflag:s18], $0x2800  }
0x6c: {  	[sflag:s18] =	ssyncset.done $0x0  }
0x6d: {  	[sflag:s18] =	ssyncadd.s32 $0xFFFFD800  }
0x6e: {  	[tilespmem:s6], [sflag:$0x3] =	stream.linear.gather [hbm4b:s1+s26], $0x50, $0x38;
	[tilespmem:$0x1F880] =	vst v63  }
0x6f: {  	s23 =	simm.s32 $0xA0  }
0x70: {  	[tilespmem:s8], [sflag:$0x3] =	stream.indirect.gather [hbm4b:s15+s7], $0x80, s23, s7, $0xb8;
	[tilespmem:$0x1F880] =	vst v63  }
0x71: {  	_ =	swait.ge [sflag:s9], $0x50  }
0x72: {  	[sflag:s9] =	ssyncset.done $0x0  }
0x73: {  	[sflag:s9] =	ssyncadd.s32 $0xFFFFFFB0  }
0x74: {  	_ =	swait.ge [sflag:s9], $0x2800  }
0x75: {  	[sflag:s9] =	ssyncset.done $0x0  }
0x76: {  	[sflag:s9] =	ssyncadd.s32 $0xFFFFD800  }
0x77: {  	[spmem:s2] =	stream.indirect.scatter.add.f32 [tilespmem:s8], [sflag:$0x5], $0x80, s6, s7, $0xb8;
	[tilespmem:$0x1F880] =	vst v63  }
0x78: {  	_ =	swait.ge [sflag:s19], $0x2800  }
0x79: {  	[sflag:s19] =	ssyncset.done $0x0  }
0x7a: {  	s24 =	sadd.s32 $0x0, s13;
	[sflag:s19] =	ssyncadd.s32 $0xFFFFD800  }
0x7b: {  	[tilespmem:s10], [sflag:$0x4] =	stream.linear.gather [hbm4b:s24+s3], $0x50, $0x38;
	[tilespmem:$0x1F880] =	vst v63  }
0x7c: {  	s25 =	simm.s32 $0xF0  }
0x7d: {  	[tilespmem:s11], [sflag:$0x4] =	stream.indirect.gather [hbm4b:s15+s7], $0x80, s25, s7, $0xb8;
	[tilespmem:$0x1F880] =	vst v63  }
0x7e: {  	_ =	swait.ge [sflag:s16], $0x50  }
0x7f: {  	[sflag:s16] =	ssyncset.done $0x0  }
0x80: {  	[sflag:s16] =	ssyncadd.s32 $0xFFFFFFB0  }
0x81: {  	_ =	swait.ge [sflag:s16], $0x2800  }
0x82: {  	[sflag:s16] =	ssyncset.done $0x0  }
0x83: {  	[sflag:s16] =	ssyncadd.s32 $0xFFFFD800  }
0x84: {  	[spmem:s2] =	stream.indirect.scatter.add.f32 [tilespmem:s11], [sflag:$0x6], $0x80, s10, s7, $0xb8;
	[tilespmem:$0x1F880] =	vst v63  }
0x85: {  	_ =	swait.ge [sflag:s18], $0x2800  }
0x86: {  	s22 =	simm.s32 $0x140;
	s26 =	sadd.s32 $0x0, s12;
	[sflag:s18] =	ssyncset.done $0x0  }
0x87: {  	s23 =	simm.s32 $0x14;
	s24 =	simm.s32 $0x1E0;
	[sflag:s18] =	ssyncadd.s32 $0xFFFFD800  }
0x88: {  	[tilespmem:s6], [sflag:$0x3] =	stream.linear.gather [hbm4b:s26+s3], $0x50, $0x38;
	[tilespmem:$0x1F880] =	vst v63  }
.LBB2_4:
0x89: {  	[tilespmem:s8], [sflag:$0x3] =	stream.indirect.gather [hbm4b:s15+s7], $0x80, s22, s7, $0xb8;
	[tilespmem:$0x1F880] =	vst v63  }
0x8a: {  	s25 =	smov.u32 s23;
	s22 =	smov.u32 s24  }
0x8b: {  	p0 =	sne.s32 s23, $0x4B0;
	s23 =	sadd.s32 $0x14, s23;
	_ =	swait.ge [sflag:s9], $0x50  }
0x8c: {  	[sflag:s9] =	ssyncset.done $0x0  }
0x8d: {  	[sflag:s9] =	ssyncadd.s32 $0xFFFFFFB0  }
0x8e: {  	_ =	swait.ge [sflag:s9], $0x2800  }
0x8f: {  	[sflag:s9] =	ssyncset.done $0x0  }
0x90: {  	[sflag:s9] =	ssyncadd.s32 $0xFFFFD800  }
0x91: {  	[spmem:s2] =	stream.indirect.scatter.add.f32 [tilespmem:s8], [sflag:$0x5], $0x80, s6, s7, $0xb8;
	[tilespmem:$0x1F880] =	vst v63  }
0x92: {  	_ =	swait.ge [sflag:s19], $0x2800  }
0x93: {  	[sflag:s19] =	ssyncset.done $0x0  }
0x94: {  	s26 =	sadd.s32 s25, s13;
	[sflag:s19] =	ssyncadd.s32 $0xFFFFD800  }
0x95: {  	[tilespmem:s10], [sflag:$0x4] =	stream.linear.gather [hbm4b:s26+s3], $0x50, $0x38;
	[tilespmem:$0x1F880] =	vst v63  }
0x96: {  	s26 =	sadd.s32 $0xFFFFFFB0, s24  }
0x97: {  	[tilespmem:s11], [sflag:$0x4] =	stream.indirect.gather [hbm4b:s15+s7], $0x80, s26, s7, $0xb8;
	[tilespmem:$0x1F880] =	vst v63  }
0x98: {  	_ =	swait.ge [sflag:s16], $0x50  }
0x99: {  	[sflag:s16] =	ssyncset.done $0x0  }
0x9a: {  	[sflag:s16] =	ssyncadd.s32 $0xFFFFFFB0  }
0x9b: {  	_ =	swait.ge [sflag:s16], $0x2800  }
0x9c: {  	[sflag:s16] =	ssyncset.done $0x0  }
0x9d: {  	[sflag:s16] =	ssyncadd.s32 $0xFFFFD800  }
0x9e: {  	[spmem:s2] =	stream.indirect.scatter.add.f32 [tilespmem:s11], [sflag:$0x6], $0x80, s10, s7, $0xb8;
	[tilespmem:$0x1F880] =	vst v63  }
.Ltmp1:
0x9f: {  	_ =	swait.ge [sflag:s18], $0x2800;
	(pc) =	sbr.rel @p0 .LBB2_4-.Ltmp1, $4  }
0xa0: {  	[sflag:s18] =	ssyncset.done $0x0  }
0xa1: {  	s25 =	sadd.s32 s25, s12;
	[sflag:s18] =	ssyncadd.s32 $0xFFFFD800  }
0xa2: {  	[tilespmem:s6], [sflag:$0x3] =	stream.linear.gather [hbm4b:s25+s3], $0x50, $0x38;
	[tilespmem:$0x1F880] =	vst v63  }
0xa3: {  	s24 =	sadd.s32 $0xA0, s24  }
0xa4: {  	[tilespmem:s8], [sflag:$0x3] =	stream.indirect.gather [hbm4b:s15+s7], $0x80, s22, s7, $0xb8;
	[tilespmem:$0x1F880] =	vst v63  }
0xa5: {  	_ =	swait.ge [sflag:s9], $0x50  }
0xa6: {  	[sflag:s9] =	ssyncset.done $0x0  }
0xa7: {  	[sflag:s9] =	ssyncadd.s32 $0xFFFFFFB0  }
0xa8: {  	_ =	swait.ge [sflag:s9], $0x2800  }
0xa9: {  	[sflag:s9] =	ssyncset.done $0x0  }
0xaa: {  	[sflag:s9] =	ssyncadd.s32 $0xFFFFD800  }
0xab: {  	[spmem:s2] =	stream.indirect.scatter.add.f32 [tilespmem:s8], [sflag:$0x5], $0x80, s6, s7, $0xb8;
	[tilespmem:$0x1F880] =	vst v63  }
0xac: {  	_ =	swait.ge [sflag:s19], $0x2800  }
0xad: {  	[sflag:s19] =	ssyncset.done $0x0  }
0xae: {  	[sflag:s19] =	ssyncadd.s32 $0xFFFFD800  }
0xaf: {  	_ =	swait.ge [sflag:s18], $0x2800  }
0xb0: {  	[sflag:s18] =	ssyncset.done $0x0  }
0xb1: {  	[sflag:s18] =	ssyncadd.s32 $0xFFFFD800  }
0xb2: {  	[bflag:$0x0] =	sbarrier.arrive $0xFFFF  }
0xb3: {  	[tilespmem:s8], [sflag:$0x7] =	stream.linear.gather [spmem:s17], $0x2800, $0x38;
	[tilespmem:$0x1F880] =	vst v63  }
0xb4: {  	_ =	swait.ge [sflag:s20], $0x2800  }
0xb5: {  	[sflag:s20] =	ssyncset.done $0x0  }
0xb6: {  	s23 =	rddreg [dreg:$0x3];
	[sflag:s20] =	ssyncadd.s32 $0xFFFFD800  }
0xb7: {  	[hbm4b:s23+s3] =	stream.linear.scatter [tilespmem:s8], [sflag:$0x3], $0x2800, $0x38;
	[tilespmem:$0x1F880] =	vst v63  }
0xb8: {  	s24 =	rddreg [dreg:$0xc]  }
0xb9: {  	[tilespmem:s11], [sflag:$0x7] =	stream.linear.gather [spmem:s24], $0x2800, $0x38;
	[tilespmem:$0x1F880] =	vst v63  }
0xba: {  	_ =	swait.ge [sflag:s20], $0x2800  }
0xbb: {  	[sflag:s20] =	ssyncset.done $0x0  }
0xbc: {  	s25 =	rddreg [dreg:$0x4];
	[sflag:s20] =	ssyncadd.s32 $0xFFFFD800  }
0xbd: {  	[hbm4b:s25+s3] =	stream.linear.scatter [tilespmem:s11], [sflag:$0x4], $0x2800, $0x38;
	[tilespmem:$0x1F880] =	vst v63  }
0xbe: {  	_ =	swait.ge [sflag:s9], $0x2800  }
0xbf: {  	[sflag:s9] =	ssyncset.done $0x0  }
0xc0: {  	s26 =	rddreg [dreg:$0xd];
	[sflag:s9] =	ssyncadd.s32 $0xFFFFD800  }
0xc1: {  	[tilespmem:s8], [sflag:$0x7] =	stream.linear.gather [spmem:s26], $0x2800, $0x38;
	[tilespmem:$0x1F880] =	vst v63  }
0xc2: {  	_ =	swait.ge [sflag:s20], $0x2800  }
0xc3: {  	[sflag:s20] =	ssyncset.done $0x0  }
0xc4: {  	s23 =	rddreg [dreg:$0x5];
	[sflag:s20] =	ssyncadd.s32 $0xFFFFD800  }
0xc5: {  	[hbm4b:s23+s3] =	stream.linear.scatter [tilespmem:s8], [sflag:$0x3], $0x2800, $0x38;
	[tilespmem:$0x1F880] =	vst v63  }
0xc6: {  	_ =	swait.ge [sflag:s16], $0x2800  }
0xc7: {  	[sflag:s16] =	ssyncset.done $0x0  }
0xc8: {  	s24 =	rddreg [dreg:$0xe];
	[sflag:s16] =	ssyncadd.s32 $0xFFFFD800  }
0xc9: {  	[tilespmem:s11], [sflag:$0x7] =	stream.linear.gather [spmem:s24], $0x2800, $0x38;
	[tilespmem:$0x1F880] =	vst v63  }
0xca: {  	_ =	swait.ge [sflag:s20], $0x2800  }
0xcb: {  	[sflag:s20] =	ssyncset.done $0x0  }
0xcc: {  	s25 =	rddreg [dreg:$0x6];
	[sflag:s20] =	ssyncadd.s32 $0xFFFFD800  }
0xcd: {  	[hbm4b:s25+s3] =	stream.linear.scatter [tilespmem:s11], [sflag:$0x4], $0x2800, $0x38;
	[tilespmem:$0x1F880] =	vst v63  }
0xce: {  	_ =	swait.ge [sflag:s9], $0x2800  }
0xcf: {  	[sflag:s9] =	ssyncset.done $0x0  }
0xd0: {  	s26 =	rddreg [dreg:$0xf];
	[sflag:s9] =	ssyncadd.s32 $0xFFFFD800  }
0xd1: {  	[tilespmem:s8], [sflag:$0x7] =	stream.linear.gather [spmem:s26], $0x2800, $0x38;
	[tilespmem:$0x1F880] =	vst v63  }
0xd2: {  	_ =	swait.ge [sflag:s20], $0x2800  }
0xd3: {  	[sflag:s20] =	ssyncset.done $0x0  }
0xd4: {  	s23 =	rddreg [dreg:$0x7];
	[sflag:s20] =	ssyncadd.s32 $0xFFFFD800  }
0xd5: {  	[hbm4b:s23+s3] =	stream.linear.scatter [tilespmem:s8], [sflag:$0x3], $0x2800, $0x38;
	[tilespmem:$0x1F880] =	vst v63  }
0xd6: {  	_ =	swait.ge [sflag:s16], $0x2800  }
0xd7: {  	[sflag:s16] =	ssyncset.done $0x0  }
0xd8: {  	s24 =	rddreg [dreg:$0x10];
	[sflag:s16] =	ssyncadd.s32 $0xFFFFD800  }
0xd9: {  	[tilespmem:s11], [sflag:$0x7] =	stream.linear.gather [spmem:s24], $0x2800, $0x38;
	[tilespmem:$0x1F880] =	vst v63  }
0xda: {  	_ =	swait.ge [sflag:s20], $0x2800  }
0xdb: {  	[sflag:s20] =	ssyncset.done $0x0  }
0xdc: {  	s25 =	rddreg [dreg:$0x8];
	[sflag:s20] =	ssyncadd.s32 $0xFFFFD800  }
0xdd: {  	[hbm4b:s25+s3] =	stream.linear.scatter [tilespmem:s11], [sflag:$0x4], $0x2800, $0x38;
	[tilespmem:$0x1F880] =	vst v63  }
0xde: {  	_ =	swait.ge [sflag:s9], $0x2800  }
0xdf: {  	[sflag:s9] =	ssyncset.done $0x0  }
0xe0: {  	s26 =	rddreg [dreg:$0x11];
	[sflag:s9] =	ssyncadd.s32 $0xFFFFD800  }
0xe1: {  	[tilespmem:s8], [sflag:$0x7] =	stream.linear.gather [spmem:s26], $0x2800, $0x38;
	[tilespmem:$0x1F880] =	vst v63  }
0xe2: {  	_ =	swait.ge [sflag:s20], $0x2800  }
0xe3: {  	[sflag:s20] =	ssyncset.done $0x0  }
0xe4: {  	s23 =	rddreg [dreg:$0x9];
	[sflag:s20] =	ssyncadd.s32 $0xFFFFD800  }
0xe5: {  	[hbm4b:s23+s3] =	stream.linear.scatter [tilespmem:s8], [sflag:$0x3], $0x2800, $0x38;
	[tilespmem:$0x1F880] =	vst v63  }
0xe6: {  	_ =	swait.ge [sflag:s16], $0x2800  }
0xe7: {  	[sflag:s16] =	ssyncset.done $0x0  }
0xe8: {  	s24 =	rddreg [dreg:$0x12];
	[sflag:s16] =	ssyncadd.s32 $0xFFFFD800  }
0xe9: {  	[tilespmem:s11], [sflag:$0x7] =	stream.linear.gather [spmem:s24], $0x2800, $0x38;
	[tilespmem:$0x1F880] =	vst v63  }
0xea: {  	_ =	swait.ge [sflag:s20], $0x2800  }
0xeb: {  	[sflag:s20] =	ssyncset.done $0x0  }
0xec: {  	s25 =	rddreg [dreg:$0xa];
	[sflag:s20] =	ssyncadd.s32 $0xFFFFD800  }
0xed: {  	[hbm4b:s25+s3] =	stream.linear.scatter [tilespmem:s11], [sflag:$0x4], $0x2800, $0x38;
	[tilespmem:$0x1F880] =	vst v63  }
0xee: {  	_ =	swait.ge [sflag:s9], $0x2800  }
0xef: {  	[sflag:s9] =	ssyncset.done $0x0  }
0xf0: {  	[sflag:s9] =	ssyncadd.s32 $0xFFFFD800  }
0xf1: {  	_ =	swait.ge [sflag:s16], $0x2800  }
0xf2: {  	s21 =	sadd.s32 $0x1, s21;
	s26 =	rddreg [dreg:$0x13]  }
0xf3: {  	p0 =	sne.s32 s21, s26  }
.Ltmp2:
0xf4: {  	_ = 	snop;
	(pc) =	sbr.rel @p0 .LBB2_1-.Ltmp2, $3  }
0xf5: {  	_ =	sdelay $0x1  }
0xf6: {  	[sflag:s16] =	ssyncset.done $0x0  }
0xf7: {  	[sflag:s16] =	ssyncadd.s32 $0xFFFFD800  }
0xf8: {  	_ =	sfence.sel $0x180000  }
0xf9: {  	[bflag:$0x0] =	sbarrier.arrive $0xFFFF  }
0xfa: {  	_ =	strace $0x90000050  }
0xfb: {  	s0 =	stileid.u32;
	[bflag:$0x2] =	sbarrier.arrive $0xFFFF  }
0xfc: {  	p0 =	sne.s32 s0, $0x0;
	s0 =	rddreg [dreg:$0x2]  }
0xfd: {  	s0 =	sadd.s32 @!p0 $0x100000, s0  }
0xfe: {  	[sflag:s0] =	ssyncadd.tile.s32 @!p0 $0x1;
	_ =	shalt  }
.Lfunc_end2:
_tile_overlayer_lowered:
.L_overlay_start_2:
0xff: {  	(tag) =	ssettag $0x2  }
0x100: {  	s0 =	rddreg [dreg:$0x0];
	s2 =	stileid.u32  }
0x101: {  	s1 =	rddreg [dreg:$0x1];
	p0 =	sne.s32 s2, $0x0  }
0x102: {  	s3 =	rddreg [dreg:$0x2];
	[bflag:$0x3] =	sbarrier.arrive $0xFFFF;
	s2 =	simm.s32 @!p0 $0x1C07  }
0x103: {  	[timem:s3], [sflag:s2] =	dma.local @!p0 [hbm:s0], s1  }
0x104: {  	s0 =	simm.s32 @!p0 $0x7  }
0x105: {  	_ =	swait.ge @!p0 [sflag:s0], s1  }
0x106: {  	s1 =	ssub.s32 @!p0 $0x0, s1;
	[sflag:s0] =	ssyncset.done @!p0 $0x0  }
0x107: {  	[sflag:s0] =	ssyncadd.s32 @!p0 s1  }
0x108: {  	[bflag:$0x3] =	sbarrier.arrive $0xFFFF  }
0x109: {  	_ =	shalt  }

</sc_bundles>
